<compile_context>
chip_gen: v7x
topology: tpu7x:2x2x1
jax: 0.10.2.dev20260603
libtpu: 0.0.44.dev20260713+nightly
codegen_flags: <defaults>
</compile_context>

<pallas_src>
import functools

import jax
import jax.numpy as jnp
from jax import lax
from jax.experimental import pallas as pl
from jax.experimental.pallas import tpu as pltpu
from jax.experimental.pallas import tpu_sc as plsc

BATCH = 16384
FIELDS = 26
OUT_DIM = 32

_NC = 2
_NS = 16
_NW = _NC * _NS
_BW = BATCH // _NW

_mesh = plsc.VectorSubcoreMesh(core_axis_name="c", subcore_axis_name="s")


@functools.partial(
    pl.kernel,
    mesh=_mesh,
    out_type=jax.ShapeDtypeStruct((BATCH, FIELDS, OUT_DIM), jnp.float32),
    scratch_types=[
        pltpu.VMEM((FIELDS, _BW), jnp.int32),
        pltpu.VMEM((2, _BW, OUT_DIM), jnp.float32),
        pltpu.SemaphoreType.DMA((2,)),
        pltpu.SemaphoreType.DMA((2,)),
    ],
    compiler_params=pltpu.CompilerParams(use_tc_tiling_on_sc=False),
)
def _gather_kernel(idx_hbm, table_hbm, out_hbm, idx_v, rows_v, gsem, osem):
    wid = lax.axis_index("s") * _NC + lax.axis_index("c")
    b0 = wid * _BW

    pltpu.sync_copy(idx_hbm.at[:, pl.ds(b0, _BW)], idx_v)

    def gat(f, b):
        return pltpu.make_async_copy(
            table_hbm.at[idx_v.at[f]], rows_v.at[b], gsem.at[b])

    def outc(f, b):
        return pltpu.make_async_copy(
            rows_v.at[b], out_hbm.at[pl.ds(b0, _BW), f, :], osem.at[b])

    gat(0, 0).start()
    for f in range(FIELDS):
        b = f & 1
        gat(f, b).wait()
        if f + 1 < FIELDS:
            if f >= 1:
                outc(f - 1, 1 - b).wait()
            gat(f + 1, 1 - b).start()
        outc(f, b).start()
    outc(FIELDS - 2, FIELDS & 1).wait()
    outc(FIELDS - 1, (FIELDS - 1) & 1).wait()


def kernel(input, table):
    return _gather_kernel(input.T, table)

# --- scband reference (transcript-rebuilt; emitter-appended) ---
"""Pipeline reference for scband-type-embedder-73254962200627 (READ-ONLY COPY).

The authoritative reference and input builder live on the scoring server;
editing this copy changes nothing except your own understanding.
"""

import jax, jax.numpy as jnp
import numpy as np

CLASS_NUM = 1000000
OUT_DIM = 32
BATCH = 16384
FIELDS = 26

def setup_inputs(seed: int = 0) -> dict:
    key = jax.random.key(seed)
    k_idx, k_w = jax.random.split(key)
    input_ids = jax.random.randint(k_idx, (BATCH, FIELDS), 0, CLASS_NUM, dtype=jnp.int64 if jax.config.jax_enable_x64 else jnp.int32)
    table = jax.random.normal(k_w, (CLASS_NUM, OUT_DIM), dtype=jnp.float32)
    return {"input": input_ids, "table": table}

def reference(input, table):
    # nn.Embedding(class_num, out_dim)(input) -> table[input]
    return jnp.take(table, input, axis=0)

if __name__ == "__main__":
    import jax
    _d = setup_inputs()
    print(jax.jit(kernel)(*tuple(_d.values())))

</pallas_src>

<mosaic_0001>
#map = affine_map<(d0, d1) -> (0, 0)>
#map1 = affine_map<(d0, d1) -> (0, 0, 0)>
module attributes {stable_mosaic.version = 14 : i64} {
  func.func @_gather_kernel(%arg0: i32, %arg1: i32, %arg2: memref<26x16384xi32, #tpu.memory_space<hbm>>, %arg3: memref<1000000x32xf32, #tpu.memory_space<hbm>>, %arg4: memref<16384x26x32xf32, #tpu.memory_space<hbm>>, %arg5: memref<26x512xi32, #tpu.memory_space<vmem>>, %arg6: memref<2x512x32xf32, #tpu.memory_space<vmem>>, %arg7: memref<2x!tpu.dma_semaphore, #tpu.memory_space<semaphore_mem>>, %arg8: memref<2x!tpu.dma_semaphore, #tpu.memory_space<semaphore_mem>>) attributes {dimension_semantics = [#tpu.dimension_semantics<core_parallel>, #tpu.dimension_semantics<subcore_parallel>], iteration_bounds = array<i64: 2, 16>, scalar_prefetch = 0 : i64, scratch_operands = 4 : i64, tpu.core_type = #tpu.core_type<sc_vector_subcore>, window_params = [{transform_indices = #map}, {transform_indices = #map}, {transform_indices = #map1}]} {
    %mul3A = arith.constant 2 : i32
    %mul3A_0 = arith.muli %arg1, %mul3A : i32
    %add3A = arith.addi %mul3A_0, %arg0 : i32
    %mul3A_1 = arith.constant 512 : i32
    %mul3A_2 = arith.muli %add3A, %mul3A_1 : i32
    "tpu.region"() ({
      %run_scoped3A = tpu.sem_alloc : memref<!tpu.dma_semaphore, #tpu.memory_space<semaphore_mem>>
      %dma_start3A_1769 = arith.constant 0 : i32
      %dma_start3A_1770 = tpu.memref_slice %arg2[%dma_start3A_1769, %mul3A_2] : memref<26x16384xi32, #tpu.memory_space<hbm>> -> memref<26x512xi32, #tpu.memory_space<hbm>>
      %dma_start3A_1771 = arith.constant 0 : i32
      %dma_start3A_1772 = tpu.memref_slice %arg2[%dma_start3A_1771, %mul3A_2] : memref<26x16384xi32, #tpu.memory_space<hbm>> -> memref<26x512xi32, #tpu.memory_space<hbm>>
      tpu.enqueue_dma source(%dma_start3A_1772 : memref<26x512xi32, #tpu.memory_space<hbm>>) target(%arg5 : memref<26x512xi32, #tpu.memory_space<vmem>>) target_semaphore(%run_scoped3A : memref<!tpu.dma_semaphore, #tpu.memory_space<semaphore_mem>>)
      %dma_wait3A_1773 = arith.constant 0 : i32
      %dma_wait3A_1774 = tpu.memref_slice %arg2[%dma_wait3A_1773, %mul3A_2] : memref<26x16384xi32, #tpu.memory_space<hbm>> -> memref<26x512xi32, #tpu.memory_space<hbm>>
      %dma_wait3A_1775 = arith.constant 0 : i32
      %dma_wait3A_1776 = tpu.memref_slice %arg2[%dma_wait3A_1775, %mul3A_2] : memref<26x16384xi32, #tpu.memory_space<hbm>> -> memref<26x512xi32, #tpu.memory_space<hbm>>
      tpu.wait_dma2 semaphore(%run_scoped3A : memref<!tpu.dma_semaphore, #tpu.memory_space<semaphore_mem>>) src(%dma_wait3A_1776 : memref<26x512xi32, #tpu.memory_space<hbm>>) dst(%arg5 : memref<26x512xi32, #tpu.memory_space<vmem>>)
      tpu.yield
    }) : () -> ()
    %dma_start3A = arith.constant 0 : i32
    %dma_start3A_3 = arith.constant 0 : i32
    %dma_start3A_4 = arith.constant 0 : i32
    %dma_start3A_5 = arith.constant 0 : i32
    %dma_start3A_6 = arith.constant 0 : i32
    %dma_start3A_7 = tpu.memref_slice %arg6[%dma_start3A_3, %dma_start3A_5, %dma_start3A_6] : memref<2x512x32xf32, #tpu.memory_space<vmem>> -> memref<1x512x32xf32, #tpu.memory_space<vmem>>
    %dma_start3A_8 = tpu.memref_squeeze %dma_start3A_7 : memref<1x512x32xf32, #tpu.memory_space<vmem>> -> memref<512x32xf32, #tpu.memory_space<vmem>>
    %dma_start3A_9 = arith.constant 0 : i32
    %dma_start3A_10 = tpu.memref_slice %arg5[%dma_start3A, %dma_start3A_9] : memref<26x512xi32, #tpu.memory_space<vmem>> -> memref<1x512xi32, #tpu.memory_space<vmem>>
    %dma_start3A_11 = tpu.memref_squeeze %dma_start3A_10 : memref<1x512xi32, #tpu.memory_space<vmem>> -> memref<512xi32, #tpu.memory_space<vmem>>
    %dma_start3A_12 = arith.constant 0 : i32
    %dma_start3A_13 = arith.constant 0 : i32
    %dma_start3A_14 = tpu.memref_slice %arg3[%dma_start3A_12, %dma_start3A_13] : memref<1000000x32xf32, #tpu.memory_space<hbm>> -> memref<1000000x32xf32, #tpu.memory_space<hbm>>
    %dma_start3A_15 = tpu.memref_slice %arg7[%dma_start3A_4] : memref<2x!tpu.dma_semaphore, #tpu.memory_space<semaphore_mem>> -> memref<1x!tpu.dma_semaphore, #tpu.memory_space<semaphore_mem>>
    %dma_start3A_16 = tpu.memref_squeeze %dma_start3A_15 : memref<1x!tpu.dma_semaphore, #tpu.memory_space<semaphore_mem>> -> memref<!tpu.dma_semaphore, #tpu.memory_space<semaphore_mem>>
    tpu.enqueue_indirect_dma source(%dma_start3A_14 : memref<1000000x32xf32, #tpu.memory_space<hbm>>) target(%dma_start3A_8 : memref<512x32xf32, #tpu.memory_space<vmem>>) offsets(%dma_start3A_11 : memref<512xi32, #tpu.memory_space<vmem>>) semaphore(%dma_start3A_16 : memref<!tpu.dma_semaphore, #tpu.memory_space<semaphore_mem>>)
    %dma_wait3A = arith.constant 0 : i32
    %dma_wait3A_17 = arith.constant 0 : i32
    %dma_wait3A_18 = arith.constant 0 : i32
    %dma_wait3A_19 = arith.constant 0 : i32
    %dma_wait3A_20 = arith.constant 0 : i32
    %dma_wait3A_21 = tpu.memref_slice %arg6[%dma_wait3A_17, %dma_wait3A_19, %dma_wait3A_20] : memref<2x512x32xf32, #tpu.memory_space<vmem>> -> memref<1x512x32xf32, #tpu.memory_space<vmem>>
    %dma_wait3A_22 = tpu.memref_squeeze %dma_wait3A_21 : memref<1x512x32xf32, #tpu.memory_space<vmem>> -> memref<512x32xf32, #tpu.memory_space<vmem>>
    %dma_wait3A_23 = arith.constant 0 : i32
    %dma_wait3A_24 = tpu.memref_slice %arg5[%dma_wait3A, %dma_wait3A_23] : memref<26x512xi32, #tpu.memory_space<vmem>> -> memref<1x512xi32, #tpu.memory_space<vmem>>
    %dma_wait3A_25 = tpu.memref_squeeze %dma_wait3A_24 : memref<1x512xi32, #tpu.memory_space<vmem>> -> memref<512xi32, #tpu.memory_space<vmem>>
    %dma_wait3A_26 = arith.constant 0 : i32
    %dma_wait3A_27 = arith.constant 0 : i32
    %dma_wait3A_28 = tpu.memref_slice %arg3[%dma_wait3A_26, %dma_wait3A_27] : memref<1000000x32xf32, #tpu.memory_space<hbm>> -> memref<1000000x32xf32, #tpu.memory_space<hbm>>
    %dma_wait3A_29 = tpu.memref_slice %arg7[%dma_wait3A_18] : memref<2x!tpu.dma_semaphore, #tpu.memory_space<semaphore_mem>> -> memref<1x!tpu.dma_semaphore, #tpu.memory_space<semaphore_mem>>
    %dma_wait3A_30 = tpu.memref_squeeze %dma_wait3A_29 : memref<1x!tpu.dma_semaphore, #tpu.memory_space<semaphore_mem>> -> memref<!tpu.dma_semaphore, #tpu.memory_space<semaphore_mem>>
    tpu.wait_indirect_dma semaphore(%dma_wait3A_30 : memref<!tpu.dma_semaphore, #tpu.memory_space<semaphore_mem>>) src(%dma_wait3A_28 : memref<1000000x32xf32, #tpu.memory_space<hbm>>) dst(%dma_wait3A_22 : memref<512x32xf32, #tpu.memory_space<vmem>>)
    %dma_start3A_31 = arith.constant 1 : i32
    %dma_start3A_32 = arith.constant 1 : i32
    %dma_start3A_33 = arith.constant 1 : i32
    %dma_start3A_34 = arith.constant 0 : i32
    %dma_start3A_35 = arith.constant 0 : i32
    %dma_start3A_36 = tpu.memref_slice %arg6[%dma_start3A_32, %dma_start3A_34, %dma_start3A_35] : memref<2x512x32xf32, #tpu.memory_space<vmem>> -> memref<1x512x32xf32, #tpu.memory_space<vmem>>
    %dma_start3A_37 = tpu.memref_squeeze %dma_start3A_36 : memref<1x512x32xf32, #tpu.memory_space<vmem>> -> memref<512x32xf32, #tpu.memory_space<vmem>>
    %dma_start3A_38 = arith.constant 0 : i32
    %dma_start3A_39 = tpu.memref_slice %arg5[%dma_start3A_31, %dma_start3A_38] : memref<26x512xi32, #tpu.memory_space<vmem>> -> memref<1x512xi32, #tpu.memory_space<vmem>>
    %dma_start3A_40 = tpu.memref_squeeze %dma_start3A_39 : memref<1x512xi32, #tpu.memory_space<vmem>> -> memref<512xi32, #tpu.memory_space<vmem>>
    %dma_start3A_41 = arith.constant 0 : i32
    %dma_start3A_42 = arith.constant 0 : i32
    %dma_start3A_43 = tpu.memref_slice %arg3[%dma_start3A_41, %dma_start3A_42] : memref<1000000x32xf32, #tpu.memory_space<hbm>> -> memref<1000000x32xf32, #tpu.memory_space<hbm>>
    %dma_start3A_44 = tpu.memref_slice %arg7[%dma_start3A_33] : memref<2x!tpu.dma_semaphore, #tpu.memory_space<semaphore_mem>> -> memref<1x!tpu.dma_semaphore, #tpu.memory_space<semaphore_mem>>
    %dma_start3A_45 = tpu.memref_squeeze %dma_start3A_44 : memref<1x!tpu.dma_semaphore, #tpu.memory_space<semaphore_mem>> -> memref<!tpu.dma_semaphore, #tpu.memory_space<semaphore_mem>>
    tpu.enqueue_indirect_dma source(%dma_start3A_43 : memref<1000000x32xf32, #tpu.memory_space<hbm>>) target(%dma_start3A_37 : memref<512x32xf32, #tpu.memory_space<vmem>>) offsets(%dma_start3A_40 : memref<512xi32, #tpu.memory_space<vmem>>) semaphore(%dma_start3A_45 : memref<!tpu.dma_semaphore, #tpu.memory_space<semaphore_mem>>)
    %dma_start3A_46 = arith.constant 0 : i32
    %dma_start3A_47 = arith.constant 0 : i32
    %dma_start3A_48 = arith.constant 0 : i32
    %dma_start3A_49 = arith.constant 0 : i32
    %dma_start3A_50 = arith.constant 0 : i32
    %dma_start3A_51 = tpu.memref_slice %arg6[%dma_start3A_46, %dma_start3A_49, %dma_start3A_50] : memref<2x512x32xf32, #tpu.memory_space<vmem>> -> memref<1x512x32xf32, #tpu.memory_space<vmem>>
    %dma_start3A_52 = tpu.memref_squeeze %dma_start3A_51 : memref<1x512x32xf32, #tpu.memory_space<vmem>> -> memref<512x32xf32, #tpu.memory_space<vmem>>
    %dma_start3A_53 = arith.constant 0 : i32
    %dma_start3A_54 = tpu.memref_slice %arg4[%mul3A_2, %dma_start3A_47, %dma_start3A_53] : memref<16384x26x32xf32, #tpu.memory_space<hbm>> -> memref<512x1x32xf32, #tpu.memory_space<hbm>>
    %dma_start3A_55 = tpu.memref_squeeze %dma_start3A_54 : memref<512x1x32xf32, #tpu.memory_space<hbm>> -> memref<512x32xf32, #tpu.memory_space<hbm>>
    %dma_start3A_56 = tpu.memref_slice %arg8[%dma_start3A_48] : memref<2x!tpu.dma_semaphore, #tpu.memory_space<semaphore_mem>> -> memref<1x!tpu.dma_semaphore, #tpu.memory_space<semaphore_mem>>
    %dma_start3A_57 = tpu.memref_squeeze %dma_start3A_56 : memref<1x!tpu.dma_semaphore, #tpu.memory_space<semaphore_mem>> -> memref<!tpu.dma_semaphore, #tpu.memory_space<semaphore_mem>>
    %dma_start3A_58 = arith.constant 0 : i32
    %dma_start3A_59 = tpu.memref_slice %arg4[%mul3A_2, %dma_start3A_47, %dma_start3A_58] : memref<16384x26x32xf32, #tpu.memory_space<hbm>> -> memref<512x1x32xf32, #tpu.memory_space<hbm>>
    %dma_start3A_60 = tpu.memref_squeeze %dma_start3A_59 : memref<512x1x32xf32, #tpu.memory_space<hbm>> -> memref<512x32xf32, #tpu.memory_space<hbm>>
    %dma_start3A_61 = arith.constant 0 : i32
    %dma_start3A_62 = arith.constant 0 : i32
    %dma_start3A_63 = tpu.memref_slice %arg6[%dma_start3A_46, %dma_start3A_61, %dma_start3A_62] : memref<2x512x32xf32, #tpu.memory_space<vmem>> -> memref<1x512x32xf32, #tpu.memory_space<vmem>>
    %dma_start3A_64 = tpu.memref_squeeze %dma_start3A_63 : memref<1x512x32xf32, #tpu.memory_space<vmem>> -> memref<512x32xf32, #tpu.memory_space<vmem>>
    tpu.enqueue_dma source(%dma_start3A_64 : memref<512x32xf32, #tpu.memory_space<vmem>>) target(%dma_start3A_60 : memref<512x32xf32, #tpu.memory_space<hbm>>) target_semaphore(%dma_start3A_57 : memref<!tpu.dma_semaphore, #tpu.memory_space<semaphore_mem>>)
    %dma_wait3A_65 = arith.constant 1 : i32
    %dma_wait3A_66 = arith.constant 1 : i32
    %dma_wait3A_67 = arith.constant 1 : i32
    %dma_wait3A_68 = arith.constant 0 : i32
    %dma_wait3A_69 = arith.constant 0 : i32
    %dma_wait3A_70 = tpu.memref_slice %arg6[%dma_wait3A_66, %dma_wait3A_68, %dma_wait3A_69] : memref<2x512x32xf32, #tpu.memory_space<vmem>> -> memref<1x512x32xf32, #tpu.memory_space<vmem>>
    %dma_wait3A_71 = tpu.memref_squeeze %dma_wait3A_70 : memref<1x512x32xf32, #tpu.memory_space<vmem>> -> memref<512x32xf32, #tpu.memory_space<vmem>>
    %dma_wait3A_72 = arith.constant 0 : i32
    %dma_wait3A_73 = tpu.memref_slice %arg5[%dma_wait3A_65, %dma_wait3A_72] : memref<26x512xi32, #tpu.memory_space<vmem>> -> memref<1x512xi32, #tpu.memory_space<vmem>>
    %dma_wait3A_74 = tpu.memref_squeeze %dma_wait3A_73 : memref<1x512xi32, #tpu.memory_space<vmem>> -> memref<512xi32, #tpu.memory_space<vmem>>
    %dma_wait3A_75 = arith.constant 0 : i32
    %dma_wait3A_76 = arith.constant 0 : i32
    %dma_wait3A_77 = tpu.memref_slice %arg3[%dma_wait3A_75, %dma_wait3A_76] : memref<1000000x32xf32, #tpu.memory_space<hbm>> -> memref<1000000x32xf32, #tpu.memory_space<hbm>>
    %dma_wait3A_78 = tpu.memref_slice %arg7[%dma_wait3A_67] : memref<2x!tpu.dma_semaphore, #tpu.memory_space<semaphore_mem>> -> memref<1x!tpu.dma_semaphore, #tpu.memory_space<semaphore_mem>>
    %dma_wait3A_79 = tpu.memref_squeeze %dma_wait3A_78 : memref<1x!tpu.dma_semaphore, #tpu.memory_space<semaphore_mem>> -> memref<!tpu.dma_semaphore, #tpu.memory_space<semaphore_mem>>
    tpu.wait_indirect_dma semaphore(%dma_wait3A_79 : memref<!tpu.dma_semaphore, #tpu.memory_space<semaphore_mem>>) src(%dma_wait3A_77 : memref<1000000x32xf32, #tpu.memory_space<hbm>>) dst(%dma_wait3A_71 : memref<512x32xf32, #tpu.memory_space<vmem>>)
    %dma_wait3A_80 = arith.constant 0 : i32
    %dma_wait3A_81 = arith.constant 0 : i32
    %dma_wait3A_82 = arith.constant 0 : i32
    %dma_wait3A_83 = arith.constant 0 : i32
    %dma_wait3A_84 = arith.constant 0 : i32
    %dma_wait3A_85 = tpu.memref_slice %arg6[%dma_wait3A_80, %dma_wait3A_83, %dma_wait3A_84] : memref<2x512x32xf32, #tpu.memory_space<vmem>> -> memref<1x512x32xf32, #tpu.memory_space<vmem>>
    %dma_wait3A_86 = tpu.memref_squeeze %dma_wait3A_85 : memref<1x512x32xf32, #tpu.memory_space<vmem>> -> memref<512x32xf32, #tpu.memory_space<vmem>>
    %dma_wait3A_87 = arith.constant 0 : i32
    %dma_wait3A_88 = tpu.memref_slice %arg4[%mul3A_2, %dma_wait3A_81, %dma_wait3A_87] : memref<16384x26x32xf32, #tpu.memory_space<hbm>> -> memref<512x1x32xf32, #tpu.memory_space<hbm>>
    %dma_wait3A_89 = tpu.memref_squeeze %dma_wait3A_88 : memref<512x1x32xf32, #tpu.memory_space<hbm>> -> memref<512x32xf32, #tpu.memory_space<hbm>>
    %dma_wait3A_90 = tpu.memref_slice %arg8[%dma_wait3A_82] : memref<2x!tpu.dma_semaphore, #tpu.memory_space<semaphore_mem>> -> memref<1x!tpu.dma_semaphore, #tpu.memory_space<semaphore_mem>>
    %dma_wait3A_91 = tpu.memref_squeeze %dma_wait3A_90 : memref<1x!tpu.dma_semaphore, #tpu.memory_space<semaphore_mem>> -> memref<!tpu.dma_semaphore, #tpu.memory_space<semaphore_mem>>
    %dma_wait3A_92 = arith.constant 0 : i32
    %dma_wait3A_93 = tpu.memref_slice %arg4[%mul3A_2, %dma_wait3A_81, %dma_wait3A_92] : memref<16384x26x32xf32, #tpu.memory_space<hbm>> -> memref<512x1x32xf32, #tpu.memory_space<hbm>>
    %dma_wait3A_94 = tpu.memref_squeeze %dma_wait3A_93 : memref<512x1x32xf32, #tpu.memory_space<hbm>> -> memref<512x32xf32, #tpu.memory_space<hbm>>
    %dma_wait3A_95 = arith.constant 0 : i32
    %dma_wait3A_96 = arith.constant 0 : i32
    %dma_wait3A_97 = tpu.memref_slice %arg6[%dma_wait3A_80, %dma_wait3A_95, %dma_wait3A_96] : memref<2x512x32xf32, #tpu.memory_space<vmem>> -> memref<1x512x32xf32, #tpu.memory_space<vmem>>
    %dma_wait3A_98 = tpu.memref_squeeze %dma_wait3A_97 : memref<1x512x32xf32, #tpu.memory_space<vmem>> -> memref<512x32xf32, #tpu.memory_space<vmem>>
    tpu.wait_dma2 semaphore(%dma_wait3A_91 : memref<!tpu.dma_semaphore, #tpu.memory_space<semaphore_mem>>) src(%dma_wait3A_98 : memref<512x32xf32, #tpu.memory_space<vmem>>) dst(%dma_wait3A_94 : memref<512x32xf32, #tpu.memory_space<hbm>>)
    %dma_start3A_99 = arith.constant 2 : i32
    %dma_start3A_100 = arith.constant 0 : i32
    %dma_start3A_101 = arith.constant 0 : i32
    %dma_start3A_102 = arith.constant 0 : i32
    %dma_start3A_103 = arith.constant 0 : i32
    %dma_start3A_104 = tpu.memref_slice %arg6[%dma_start3A_100, %dma_start3A_102, %dma_start3A_103] : memref<2x512x32xf32, #tpu.memory_space<vmem>> -> memref<1x512x32xf32, #tpu.memory_space<vmem>>
    %dma_start3A_105 = tpu.memref_squeeze %dma_start3A_104 : memref<1x512x32xf32, #tpu.memory_space<vmem>> -> memref<512x32xf32, #tpu.memory_space<vmem>>
    %dma_start3A_106 = arith.constant 0 : i32
    %dma_start3A_107 = tpu.memref_slice %arg5[%dma_start3A_99, %dma_start3A_106] : memref<26x512xi32, #tpu.memory_space<vmem>> -> memref<1x512xi32, #tpu.memory_space<vmem>>
    %dma_start3A_108 = tpu.memref_squeeze %dma_start3A_107 : memref<1x512xi32, #tpu.memory_space<vmem>> -> memref<512xi32, #tpu.memory_space<vmem>>
    %dma_start3A_109 = arith.constant 0 : i32
    %dma_start3A_110 = arith.constant 0 : i32
    %dma_start3A_111 = tpu.memref_slice %arg3[%dma_start3A_109, %dma_start3A_110] : memref<1000000x32xf32, #tpu.memory_space<hbm>> -> memref<1000000x32xf32, #tpu.memory_space<hbm>>
    %dma_start3A_112 = tpu.memref_slice %arg7[%dma_start3A_101] : memref<2x!tpu.dma_semaphore, #tpu.memory_space<semaphore_mem>> -> memref<1x!tpu.dma_semaphore, #tpu.memory_space<semaphore_mem>>
    %dma_start3A_113 = tpu.memref_squeeze %dma_start3A_112 : memref<1x!tpu.dma_semaphore, #tpu.memory_space<semaphore_mem>> -> memref<!tpu.dma_semaphore, #tpu.memory_space<semaphore_mem>>
    tpu.enqueue_indirect_dma source(%dma_start3A_111 : memref<1000000x32xf32, #tpu.memory_space<hbm>>) target(%dma_start3A_105 : memref<512x32xf32, #tpu.memory_space<vmem>>) offsets(%dma_start3A_108 : memref<512xi32, #tpu.memory_space<vmem>>) semaphore(%dma_start3A_113 : memref<!tpu.dma_semaphore, #tpu.memory_space<semaphore_mem>>)
    %dma_start3A_114 = arith.constant 1 : i32
    %dma_start3A_115 = arith.constant 1 : i32
    %dma_start3A_116 = arith.constant 1 : i32
    %dma_start3A_117 = arith.constant 0 : i32
    %dma_start3A_118 = arith.constant 0 : i32
    %dma_start3A_119 = tpu.memref_slice %arg6[%dma_start3A_114, %dma_start3A_117, %dma_start3A_118] : memref<2x512x32xf32, #tpu.memory_space<vmem>> -> memref<1x512x32xf32, #tpu.memory_space<vmem>>
    %dma_start3A_120 = tpu.memref_squeeze %dma_start3A_119 : memref<1x512x32xf32, #tpu.memory_space<vmem>> -> memref<512x32xf32, #tpu.memory_space<vmem>>
    %dma_start3A_121 = arith.constant 0 : i32
    %dma_start3A_122 = tpu.memref_slice %arg4[%mul3A_2, %dma_start3A_115, %dma_start3A_121] : memref<16384x26x32xf32, #tpu.memory_space<hbm>> -> memref<512x1x32xf32, #tpu.memory_space<hbm>>
    %dma_start3A_123 = tpu.memref_squeeze %dma_start3A_122 : memref<512x1x32xf32, #tpu.memory_space<hbm>> -> memref<512x32xf32, #tpu.memory_space<hbm>>
    %dma_start3A_124 = tpu.memref_slice %arg8[%dma_start3A_116] : memref<2x!tpu.dma_semaphore, #tpu.memory_space<semaphore_mem>> -> memref<1x!tpu.dma_semaphore, #tpu.memory_space<semaphore_mem>>
    %dma_start3A_125 = tpu.memref_squeeze %dma_start3A_124 : memref<1x!tpu.dma_semaphore, #tpu.memory_space<semaphore_mem>> -> memref<!tpu.dma_semaphore, #tpu.memory_space<semaphore_mem>>
    %dma_start3A_126 = arith.constant 0 : i32
    %dma_start3A_127 = tpu.memref_slice %arg4[%mul3A_2, %dma_start3A_115, %dma_start3A_126] : memref<16384x26x32xf32, #tpu.memory_space<hbm>> -> memref<512x1x32xf32, #tpu.memory_space<hbm>>
    %dma_start3A_128 = tpu.memref_squeeze %dma_start3A_127 : memref<512x1x32xf32, #tpu.memory_space<hbm>> -> memref<512x32xf32, #tpu.memory_space<hbm>>
    %dma_start3A_129 = arith.constant 0 : i32
    %dma_start3A_130 = arith.constant 0 : i32
    %dma_start3A_131 = tpu.memref_slice %arg6[%dma_start3A_114, %dma_start3A_129, %dma_start3A_130] : memref<2x512x32xf32, #tpu.memory_space<vmem>> -> memref<1x512x32xf32, #tpu.memory_space<vmem>>
    %dma_start3A_132 = tpu.memref_squeeze %dma_start3A_131 : memref<1x512x32xf32, #tpu.memory_space<vmem>> -> memref<512x32xf32, #tpu.memory_space<vmem>>
    tpu.enqueue_dma source(%dma_start3A_132 : memref<512x32xf32, #tpu.memory_space<vmem>>) target(%dma_start3A_128 : memref<512x32xf32, #tpu.memory_space<hbm>>) target_semaphore(%dma_start3A_125 : memref<!tpu.dma_semaphore, #tpu.memory_space<semaphore_mem>>)
    %dma_wait3A_133 = arith.constant 2 : i32
    %dma_wait3A_134 = arith.constant 0 : i32
    %dma_wait3A_135 = arith.constant 0 : i32
    %dma_wait3A_136 = arith.constant 0 : i32
    %dma_wait3A_137 = arith.constant 0 : i32
    %dma_wait3A_138 = tpu.memref_slice %arg6[%dma_wait3A_134, %dma_wait3A_136, %dma_wait3A_137] : memref<2x512x32xf32, #tpu.memory_space<vmem>> -> memref<1x512x32xf32, #tpu.memory_space<vmem>>
    %dma_wait3A_139 = tpu.memref_squeeze %dma_wait3A_138 : memref<1x512x32xf32, #tpu.memory_space<vmem>> -> memref<512x32xf32, #tpu.memory_space<vmem>>
    %dma_wait3A_140 = arith.constant 0 : i32
    %dma_wait3A_141 = tpu.memref_slice %arg5[%dma_wait3A_133, %dma_wait3A_140] : memref<26x512xi32, #tpu.memory_space<vmem>> -> memref<1x512xi32, #tpu.memory_space<vmem>>
    %dma_wait3A_142 = tpu.memref_squeeze %dma_wait3A_141 : memref<1x512xi32, #tpu.memory_space<vmem>> -> memref<512xi32, #tpu.memory_space<vmem>>
    %dma_wait3A_143 = arith.constant 0 : i32
    %dma_wait3A_144 = arith.constant 0 : i32
    %dma_wait3A_145 = tpu.memref_slice %arg3[%dma_wait3A_143, %dma_wait3A_144] : memref<1000000x32xf32, #tpu.memory_space<hbm>> -> memref<1000000x32xf32, #tpu.memory_space<hbm>>
    %dma_wait3A_146 = tpu.memref_slice %arg7[%dma_wait3A_135] : memref<2x!tpu.dma_semaphore, #tpu.memory_space<semaphore_mem>> -> memref<1x!tpu.dma_semaphore, #tpu.memory_space<semaphore_mem>>
    %dma_wait3A_147 = tpu.memref_squeeze %dma_wait3A_146 : memref<1x!tpu.dma_semaphore, #tpu.memory_space<semaphore_mem>> -> memref<!tpu.dma_semaphore, #tpu.memory_space<semaphore_mem>>
    tpu.wait_indirect_dma semaphore(%dma_wait3A_147 : memref<!tpu.dma_semaphore, #tpu.memory_space<semaphore_mem>>) src(%dma_wait3A_145 : memref<1000000x32xf32, #tpu.memory_space<hbm>>) dst(%dma_wait3A_139 : memref<512x32xf32, #tpu.memory_space<vmem>>)
    %dma_wait3A_148 = arith.constant 1 : i32
    %dma_wait3A_149 = arith.constant 1 : i32
    %dma_wait3A_150 = arith.constant 1 : i32
    %dma_wait3A_151 = arith.constant 0 : i32
    %dma_wait3A_152 = arith.constant 0 : i32
    %dma_wait3A_153 = tpu.memref_slice %arg6[%dma_wait3A_148, %dma_wait3A_151, %dma_wait3A_152] : memref<2x512x32xf32, #tpu.memory_space<vmem>> -> memref<1x512x32xf32, #tpu.memory_space<vmem>>
    %dma_wait3A_154 = tpu.memref_squeeze %dma_wait3A_153 : memref<1x512x32xf32, #tpu.memory_space<vmem>> -> memref<512x32xf32, #tpu.memory_space<vmem>>
    %dma_wait3A_155 = arith.constant 0 : i32
    %dma_wait3A_156 = tpu.memref_slice %arg4[%mul3A_2, %dma_wait3A_149, %dma_wait3A_155] : memref<16384x26x32xf32, #tpu.memory_space<hbm>> -> memref<512x1x32xf32, #tpu.memory_space<hbm>>
    %dma_wait3A_157 = tpu.memref_squeeze %dma_wait3A_156 : memref<512x1x32xf32, #tpu.memory_space<hbm>> -> memref<512x32xf32, #tpu.memory_space<hbm>>
    %dma_wait3A_158 = tpu.memref_slice %arg8[%dma_wait3A_150] : memref<2x!tpu.dma_semaphore, #tpu.memory_space<semaphore_mem>> -> memref<1x!tpu.dma_semaphore, #tpu.memory_space<semaphore_mem>>
    %dma_wait3A_159 = tpu.memref_squeeze %dma_wait3A_158 : memref<1x!tpu.dma_semaphore, #tpu.memory_space<semaphore_mem>> -> memref<!tpu.dma_semaphore, #tpu.memory_space<semaphore_mem>>
    %dma_wait3A_160 = arith.constant 0 : i32
    %dma_wait3A_161 = tpu.memref_slice %arg4[%mul3A_2, %dma_wait3A_149, %dma_wait3A_160] : memref<16384x26x32xf32, #tpu.memory_space<hbm>> -> memref<512x1x32xf32, #tpu.memory_space<hbm>>
    %dma_wait3A_162 = tpu.memref_squeeze %dma_wait3A_161 : memref<512x1x32xf32, #tpu.memory_space<hbm>> -> memref<512x32xf32, #tpu.memory_space<hbm>>
    %dma_wait3A_163 = arith.constant 0 : i32
    %dma_wait3A_164 = arith.constant 0 : i32
    %dma_wait3A_165 = tpu.memref_slice %arg6[%dma_wait3A_148, %dma_wait3A_163, %dma_wait3A_164] : memref<2x512x32xf32, #tpu.memory_space<vmem>> -> memref<1x512x32xf32, #tpu.memory_space<vmem>>
    %dma_wait3A_166 = tpu.memref_squeeze %dma_wait3A_165 : memref<1x512x32xf32, #tpu.memory_space<vmem>> -> memref<512x32xf32, #tpu.memory_space<vmem>>
    tpu.wait_dma2 semaphore(%dma_wait3A_159 : memref<!tpu.dma_semaphore, #tpu.memory_space<semaphore_mem>>) src(%dma_wait3A_166 : memref<512x32xf32, #tpu.memory_space<vmem>>) dst(%dma_wait3A_162 : memref<512x32xf32, #tpu.memory_space<hbm>>)
    %dma_start3A_167 = arith.constant 3 : i32
    %dma_start3A_168 = arith.constant 1 : i32
    %dma_start3A_169 = arith.constant 1 : i32
    %dma_start3A_170 = arith.constant 0 : i32
    %dma_start3A_171 = arith.constant 0 : i32
    %dma_start3A_172 = tpu.memref_slice %arg6[%dma_start3A_168, %dma_start3A_170, %dma_start3A_171] : memref<2x512x32xf32, #tpu.memory_space<vmem>> -> memref<1x512x32xf32, #tpu.memory_space<vmem>>
    %dma_start3A_173 = tpu.memref_squeeze %dma_start3A_172 : memref<1x512x32xf32, #tpu.memory_space<vmem>> -> memref<512x32xf32, #tpu.memory_space<vmem>>
    %dma_start3A_174 = arith.constant 0 : i32
    %dma_start3A_175 = tpu.memref_slice %arg5[%dma_start3A_167, %dma_start3A_174] : memref<26x512xi32, #tpu.memory_space<vmem>> -> memref<1x512xi32, #tpu.memory_space<vmem>>
    %dma_start3A_176 = tpu.memref_squeeze %dma_start3A_175 : memref<1x512xi32, #tpu.memory_space<vmem>> -> memref<512xi32, #tpu.memory_space<vmem>>
    %dma_start3A_177 = arith.constant 0 : i32
    %dma_start3A_178 = arith.constant 0 : i32
    %dma_start3A_179 = tpu.memref_slice %arg3[%dma_start3A_177, %dma_start3A_178] : memref<1000000x32xf32, #tpu.memory_space<hbm>> -> memref<1000000x32xf32, #tpu.memory_space<hbm>>
    %dma_start3A_180 = tpu.memref_slice %arg7[%dma_start3A_169] : memref<2x!tpu.dma_semaphore, #tpu.memory_space<semaphore_mem>> -> memref<1x!tpu.dma_semaphore, #tpu.memory_space<semaphore_mem>>
    %dma_start3A_181 = tpu.memref_squeeze %dma_start3A_180 : memref<1x!tpu.dma_semaphore, #tpu.memory_space<semaphore_mem>> -> memref<!tpu.dma_semaphore, #tpu.memory_space<semaphore_mem>>
    tpu.enqueue_indirect_dma source(%dma_start3A_179 : memref<1000000x32xf32, #tpu.memory_space<hbm>>) target(%dma_start3A_173 : memref<512x32xf32, #tpu.memory_space<vmem>>) offsets(%dma_start3A_176 : memref<512xi32, #tpu.memory_space<vmem>>) semaphore(%dma_start3A_181 : memref<!tpu.dma_semaphore, #tpu.memory_space<semaphore_mem>>)
    %dma_start3A_182 = arith.constant 0 : i32
    %dma_start3A_183 = arith.constant 2 : i32
    %dma_start3A_184 = arith.constant 0 : i32
    %dma_start3A_185 = arith.constant 0 : i32
    %dma_start3A_186 = arith.constant 0 : i32
    %dma_start3A_187 = tpu.memref_slice %arg6[%dma_start3A_182, %dma_start3A_185, %dma_start3A_186] : memref<2x512x32xf32, #tpu.memory_space<vmem>> -> memref<1x512x32xf32, #tpu.memory_space<vmem>>
    %dma_start3A_188 = tpu.memref_squeeze %dma_start3A_187 : memref<1x512x32xf32, #tpu.memory_space<vmem>> -> memref<512x32xf32, #tpu.memory_space<vmem>>
    %dma_start3A_189 = arith.constant 0 : i32
    %dma_start3A_190 = tpu.memref_slice %arg4[%mul3A_2, %dma_start3A_183, %dma_start3A_189] : memref<16384x26x32xf32, #tpu.memory_space<hbm>> -> memref<512x1x32xf32, #tpu.memory_space<hbm>>
    %dma_start3A_191 = tpu.memref_squeeze %dma_start3A_190 : memref<512x1x32xf32, #tpu.memory_space<hbm>> -> memref<512x32xf32, #tpu.memory_space<hbm>>
    %dma_start3A_192 = tpu.memref_slice %arg8[%dma_start3A_184] : memref<2x!tpu.dma_semaphore, #tpu.memory_space<semaphore_mem>> -> memref<1x!tpu.dma_semaphore, #tpu.memory_space<semaphore_mem>>
    %dma_start3A_193 = tpu.memref_squeeze %dma_start3A_192 : memref<1x!tpu.dma_semaphore, #tpu.memory_space<semaphore_mem>> -> memref<!tpu.dma_semaphore, #tpu.memory_space<semaphore_mem>>
    %dma_start3A_194 = arith.constant 0 : i32
    %dma_start3A_195 = tpu.memref_slice %arg4[%mul3A_2, %dma_start3A_183, %dma_start3A_194] : memref<16384x26x32xf32, #tpu.memory_space<hbm>> -> memref<512x1x32xf32, #tpu.memory_space<hbm>>
    %dma_start3A_196 = tpu.memref_squeeze %dma_start3A_195 : memref<512x1x32xf32, #tpu.memory_space<hbm>> -> memref<512x32xf32, #tpu.memory_space<hbm>>
    %dma_start3A_197 = arith.constant 0 : i32
    %dma_start3A_198 = arith.constant 0 : i32
    %dma_start3A_199 = tpu.memref_slice %arg6[%dma_start3A_182, %dma_start3A_197, %dma_start3A_198] : memref<2x512x32xf32, #tpu.memory_space<vmem>> -> memref<1x512x32xf32, #tpu.memory_space<vmem>>
    %dma_start3A_200 = tpu.memref_squeeze %dma_start3A_199 : memref<1x512x32xf32, #tpu.memory_space<vmem>> -> memref<512x32xf32, #tpu.memory_space<vmem>>
    tpu.enqueue_dma source(%dma_start3A_200 : memref<512x32xf32, #tpu.memory_space<vmem>>) target(%dma_start3A_196 : memref<512x32xf32, #tpu.memory_space<hbm>>) target_semaphore(%dma_start3A_193 : memref<!tpu.dma_semaphore, #tpu.memory_space<semaphore_mem>>)
    %dma_wait3A_201 = arith.constant 3 : i32
    %dma_wait3A_202 = arith.constant 1 : i32
    %dma_wait3A_203 = arith.constant 1 : i32
    %dma_wait3A_204 = arith.constant 0 : i32
    %dma_wait3A_205 = arith.constant 0 : i32
    %dma_wait3A_206 = tpu.memref_slice %arg6[%dma_wait3A_202, %dma_wait3A_204, %dma_wait3A_205] : memref<2x512x32xf32, #tpu.memory_space<vmem>> -> memref<1x512x32xf32, #tpu.memory_space<vmem>>
    %dma_wait3A_207 = tpu.memref_squeeze %dma_wait3A_206 : memref<1x512x32xf32, #tpu.memory_space<vmem>> -> memref<512x32xf32, #tpu.memory_space<vmem>>
    %dma_wait3A_208 = arith.constant 0 : i32
    %dma_wait3A_209 = tpu.memref_slice %arg5[%dma_wait3A_201, %dma_wait3A_208] : memref<26x512xi32, #tpu.memory_space<vmem>> -> memref<1x512xi32, #tpu.memory_space<vmem>>
    %dma_wait3A_210 = tpu.memref_squeeze %dma_wait3A_209 : memref<1x512xi32, #tpu.memory_space<vmem>> -> memref<512xi32, #tpu.memory_space<vmem>>
    %dma_wait3A_211 = arith.constant 0 : i32
    %dma_wait3A_212 = arith.constant 0 : i32
    %dma_wait3A_213 = tpu.memref_slice %arg3[%dma_wait3A_211, %dma_wait3A_212] : memref<1000000x32xf32, #tpu.memory_space<hbm>> -> memref<1000000x32xf32, #tpu.memory_space<hbm>>
    %dma_wait3A_214 = tpu.memref_slice %arg7[%dma_wait3A_203] : memref<2x!tpu.dma_semaphore, #tpu.memory_space<semaphore_mem>> -> memref<1x!tpu.dma_semaphore, #tpu.memory_space<semaphore_mem>>
    %dma_wait3A_215 = tpu.memref_squeeze %dma_wait3A_214 : memref<1x!tpu.dma_semaphore, #tpu.memory_space<semaphore_mem>> -> memref<!tpu.dma_semaphore, #tpu.memory_space<semaphore_mem>>
    tpu.wait_indirect_dma semaphore(%dma_wait3A_215 : memref<!tpu.dma_semaphore, #tpu.memory_space<semaphore_mem>>) src(%dma_wait3A_213 : memref<1000000x32xf32, #tpu.memory_space<hbm>>) dst(%dma_wait3A_207 : memref<512x32xf32, #tpu.memory_space<vmem>>)
    %dma_wait3A_216 = arith.constant 0 : i32
    %dma_wait3A_217 = arith.constant 2 : i32
    %dma_wait3A_218 = arith.constant 0 : i32
    %dma_wait3A_219 = arith.constant 0 : i32
    %dma_wait3A_220 = arith.constant 0 : i32
    %dma_wait3A_221 = tpu.memref_slice %arg6[%dma_wait3A_216, %dma_wait3A_219, %dma_wait3A_220] : memref<2x512x32xf32, #tpu.memory_space<vmem>> -> memref<1x512x32xf32, #tpu.memory_space<vmem>>
    %dma_wait3A_222 = tpu.memref_squeeze %dma_wait3A_221 : memref<1x512x32xf32, #tpu.memory_space<vmem>> -> memref<512x32xf32, #tpu.memory_space<vmem>>
    %dma_wait3A_223 = arith.constant 0 : i32
    %dma_wait3A_224 = tpu.memref_slice %arg4[%mul3A_2, %dma_wait3A_217, %dma_wait3A_223] : memref<16384x26x32xf32, #tpu.memory_space<hbm>> -> memref<512x1x32xf32, #tpu.memory_space<hbm>>
    %dma_wait3A_225 = tpu.memref_squeeze %dma_wait3A_224 : memref<512x1x32xf32, #tpu.memory_space<hbm>> -> memref<512x32xf32, #tpu.memory_space<hbm>>
    %dma_wait3A_226 = tpu.memref_slice %arg8[%dma_wait3A_218] : memref<2x!tpu.dma_semaphore, #tpu.memory_space<semaphore_mem>> -> memref<1x!tpu.dma_semaphore, #tpu.memory_space<semaphore_mem>>
    %dma_wait3A_227 = tpu.memref_squeeze %dma_wait3A_226 : memref<1x!tpu.dma_semaphore, #tpu.memory_space<semaphore_mem>> -> memref<!tpu.dma_semaphore, #tpu.memory_space<semaphore_mem>>
    %dma_wait3A_228 = arith.constant 0 : i32
    %dma_wait3A_229 = tpu.memref_slice %arg4[%mul3A_2, %dma_wait3A_217, %dma_wait3A_228] : memref<16384x26x32xf32, #tpu.memory_space<hbm>> -> memref<512x1x32xf32, #tpu.memory_space<hbm>>
    %dma_wait3A_230 = tpu.memref_squeeze %dma_wait3A_229 : memref<512x1x32xf32, #tpu.memory_space<hbm>> -> memref<512x32xf32, #tpu.memory_space<hbm>>
    %dma_wait3A_231 = arith.constant 0 : i32
    %dma_wait3A_232 = arith.constant 0 : i32
    %dma_wait3A_233 = tpu.memref_slice %arg6[%dma_wait3A_216, %dma_wait3A_231, %dma_wait3A_232] : memref<2x512x32xf32, #tpu.memory_space<vmem>> -> memref<1x512x32xf32, #tpu.memory_space<vmem>>
    %dma_wait3A_234 = tpu.memref_squeeze %dma_wait3A_233 : memref<1x512x32xf32, #tpu.memory_space<vmem>> -> memref<512x32xf32, #tpu.memory_space<vmem>>
    tpu.wait_dma2 semaphore(%dma_wait3A_227 : memref<!tpu.dma_semaphore, #tpu.memory_space<semaphore_mem>>) src(%dma_wait3A_234 : memref<512x32xf32, #tpu.memory_space<vmem>>) dst(%dma_wait3A_230 : memref<512x32xf32, #tpu.memory_space<hbm>>)
    %dma_start3A_235 = arith.constant 4 : i32
    %dma_start3A_236 = arith.constant 0 : i32
    %dma_start3A_237 = arith.constant 0 : i32
    %dma_start3A_238 = arith.constant 0 : i32
    %dma_start3A_239 = arith.constant 0 : i32
    %dma_start3A_240 = tpu.memref_slice %arg6[%dma_start3A_236, %dma_start3A_238, %dma_start3A_239] : memref<2x512x32xf32, #tpu.memory_space<vmem>> -> memref<1x512x32xf32, #tpu.memory_space<vmem>>
    %dma_start3A_241 = tpu.memref_squeeze %dma_start3A_240 : memref<1x512x32xf32, #tpu.memory_space<vmem>> -> memref<512x32xf32, #tpu.memory_space<vmem>>
    %dma_start3A_242 = arith.constant 0 : i32
    %dma_start3A_243 = tpu.memref_slice %arg5[%dma_start3A_235, %dma_start3A_242] : memref<26x512xi32, #tpu.memory_space<vmem>> -> memref<1x512xi32, #tpu.memory_space<vmem>>
    %dma_start3A_244 = tpu.memref_squeeze %dma_start3A_243 : memref<1x512xi32, #tpu.memory_space<vmem>> -> memref<512xi32, #tpu.memory_space<vmem>>
    %dma_start3A_245 = arith.constant 0 : i32
    %dma_start3A_246 = arith.constant 0 : i32
    %dma_start3A_247 = tpu.memref_slice %arg3[%dma_start3A_245, %dma_start3A_246] : memref<1000000x32xf32, #tpu.memory_space<hbm>> -> memref<1000000x32xf32, #tpu.memory_space<hbm>>
    %dma_start3A_248 = tpu.memref_slice %arg7[%dma_start3A_237] : memref<2x!tpu.dma_semaphore, #tpu.memory_space<semaphore_mem>> -> memref<1x!tpu.dma_semaphore, #tpu.memory_space<semaphore_mem>>
    %dma_start3A_249 = tpu.memref_squeeze %dma_start3A_248 : memref<1x!tpu.dma_semaphore, #tpu.memory_space<semaphore_mem>> -> memref<!tpu.dma_semaphore, #tpu.memory_space<semaphore_mem>>
    tpu.enqueue_indirect_dma source(%dma_start3A_247 : memref<1000000x32xf32, #tpu.memory_space<hbm>>) target(%dma_start3A_241 : memref<512x32xf32, #tpu.memory_space<vmem>>) offsets(%dma_start3A_244 : memref<512xi32, #tpu.memory_space<vmem>>) semaphore(%dma_start3A_249 : memref<!tpu.dma_semaphore, #tpu.memory_space<semaphore_mem>>)
    %dma_start3A_250 = arith.constant 1 : i32
    %dma_start3A_251 = arith.constant 3 : i32
    %dma_start3A_252 = arith.constant 1 : i32
    %dma_start3A_253 = arith.constant 0 : i32
    %dma_start3A_254 = arith.constant 0 : i32
    %dma_start3A_255 = tpu.memref_slice %arg6[%dma_start3A_250, %dma_start3A_253, %dma_start3A_254] : memref<2x512x32xf32, #tpu.memory_space<vmem>> -> memref<1x512x32xf32, #tpu.memory_space<vmem>>
    %dma_start3A_256 = tpu.memref_squeeze %dma_start3A_255 : memref<1x512x32xf32, #tpu.memory_space<vmem>> -> memref<512x32xf32, #tpu.memory_space<vmem>>
    %dma_start3A_257 = arith.constant 0 : i32
    %dma_start3A_258 = tpu.memref_slice %arg4[%mul3A_2, %dma_start3A_251, %dma_start3A_257] : memref<16384x26x32xf32, #tpu.memory_space<hbm>> -> memref<512x1x32xf32, #tpu.memory_space<hbm>>
    %dma_start3A_259 = tpu.memref_squeeze %dma_start3A_258 : memref<512x1x32xf32, #tpu.memory_space<hbm>> -> memref<512x32xf32, #tpu.memory_space<hbm>>
    %dma_start3A_260 = tpu.memref_slice %arg8[%dma_start3A_252] : memref<2x!tpu.dma_semaphore, #tpu.memory_space<semaphore_mem>> -> memref<1x!tpu.dma_semaphore, #tpu.memory_space<semaphore_mem>>
    %dma_start3A_261 = tpu.memref_squeeze %dma_start3A_260 : memref<1x!tpu.dma_semaphore, #tpu.memory_space<semaphore_mem>> -> memref<!tpu.dma_semaphore, #tpu.memory_space<semaphore_mem>>
    %dma_start3A_262 = arith.constant 0 : i32
    %dma_start3A_263 = tpu.memref_slice %arg4[%mul3A_2, %dma_start3A_251, %dma_start3A_262] : memref<16384x26x32xf32, #tpu.memory_space<hbm>> -> memref<512x1x32xf32, #tpu.memory_space<hbm>>
    %dma_start3A_264 = tpu.memref_squeeze %dma_start3A_263 : memref<512x1x32xf32, #tpu.memory_space<hbm>> -> memref<512x32xf32, #tpu.memory_space<hbm>>
    %dma_start3A_265 = arith.constant 0 : i32
    %dma_start3A_266 = arith.constant 0 : i32
    %dma_start3A_267 = tpu.memref_slice %arg6[%dma_start3A_250, %dma_start3A_265, %dma_start3A_266] : memref<2x512x32xf32, #tpu.memory_space<vmem>> -> memref<1x512x32xf32, #tpu.memory_space<vmem>>
    %dma_start3A_268 = tpu.memref_squeeze %dma_start3A_267 : memref<1x512x32xf32, #tpu.memory_space<vmem>> -> memref<512x32xf32, #tpu.memory_space<vmem>>
    tpu.enqueue_dma source(%dma_start3A_268 : memref<512x32xf32, #tpu.memory_space<vmem>>) target(%dma_start3A_264 : memref<512x32xf32, #tpu.memory_space<hbm>>) target_semaphore(%dma_start3A_261 : memref<!tpu.dma_semaphore, #tpu.memory_space<semaphore_mem>>)
    %dma_wait3A_269 = arith.constant 4 : i32
    %dma_wait3A_270 = arith.constant 0 : i32
    %dma_wait3A_271 = arith.constant 0 : i32
    %dma_wait3A_272 = arith.constant 0 : i32
    %dma_wait3A_273 = arith.constant 0 : i32
    %dma_wait3A_274 = tpu.memref_slice %arg6[%dma_wait3A_270, %dma_wait3A_272, %dma_wait3A_273] : memref<2x512x32xf32, #tpu.memory_space<vmem>> -> memref<1x512x32xf32, #tpu.memory_space<vmem>>
    %dma_wait3A_275 = tpu.memref_squeeze %dma_wait3A_274 : memref<1x512x32xf32, #tpu.memory_space<vmem>> -> memref<512x32xf32, #tpu.memory_space<vmem>>
    %dma_wait3A_276 = arith.constant 0 : i32
    %dma_wait3A_277 = tpu.memref_slice %arg5[%dma_wait3A_269, %dma_wait3A_276] : memref<26x512xi32, #tpu.memory_space<vmem>> -> memref<1x512xi32, #tpu.memory_space<vmem>>
    %dma_wait3A_278 = tpu.memref_squeeze %dma_wait3A_277 : memref<1x512xi32, #tpu.memory_space<vmem>> -> memref<512xi32, #tpu.memory_space<vmem>>
    %dma_wait3A_279 = arith.constant 0 : i32
    %dma_wait3A_280 = arith.constant 0 : i32
    %dma_wait3A_281 = tpu.memref_slice %arg3[%dma_wait3A_279, %dma_wait3A_280] : memref<1000000x32xf32, #tpu.memory_space<hbm>> -> memref<1000000x32xf32, #tpu.memory_space<hbm>>
    %dma_wait3A_282 = tpu.memref_slice %arg7[%dma_wait3A_271] : memref<2x!tpu.dma_semaphore, #tpu.memory_space<semaphore_mem>> -> memref<1x!tpu.dma_semaphore, #tpu.memory_space<semaphore_mem>>
    %dma_wait3A_283 = tpu.memref_squeeze %dma_wait3A_282 : memref<1x!tpu.dma_semaphore, #tpu.memory_space<semaphore_mem>> -> memref<!tpu.dma_semaphore, #tpu.memory_space<semaphore_mem>>
    tpu.wait_indirect_dma semaphore(%dma_wait3A_283 : memref<!tpu.dma_semaphore, #tpu.memory_space<semaphore_mem>>) src(%dma_wait3A_281 : memref<1000000x32xf32, #tpu.memory_space<hbm>>) dst(%dma_wait3A_275 : memref<512x32xf32, #tpu.memory_space<vmem>>)
    %dma_wait3A_284 = arith.constant 1 : i32
    %dma_wait3A_285 = arith.constant 3 : i32
    %dma_wait3A_286 = arith.constant 1 : i32
    %dma_wait3A_287 = arith.constant 0 : i32
    %dma_wait3A_288 = arith.constant 0 : i32
    %dma_wait3A_289 = tpu.memref_slice %arg6[%dma_wait3A_284, %dma_wait3A_287, %dma_wait3A_288] : memref<2x512x32xf32, #tpu.memory_space<vmem>> -> memref<1x512x32xf32, #tpu.memory_space<vmem>>
    %dma_wait3A_290 = tpu.memref_squeeze %dma_wait3A_289 : memref<1x512x32xf32, #tpu.memory_space<vmem>> -> memref<512x32xf32, #tpu.memory_space<vmem>>
    %dma_wait3A_291 = arith.constant 0 : i32
    %dma_wait3A_292 = tpu.memref_slice %arg4[%mul3A_2, %dma_wait3A_285, %dma_wait3A_291] : memref<16384x26x32xf32, #tpu.memory_space<hbm>> -> memref<512x1x32xf32, #tpu.memory_space<hbm>>
    %dma_wait3A_293 = tpu.memref_squeeze %dma_wait3A_292 : memref<512x1x32xf32, #tpu.memory_space<hbm>> -> memref<512x32xf32, #tpu.memory_space<hbm>>
    %dma_wait3A_294 = tpu.memref_slice %arg8[%dma_wait3A_286] : memref<2x!tpu.dma_semaphore, #tpu.memory_space<semaphore_mem>> -> memref<1x!tpu.dma_semaphore, #tpu.memory_space<semaphore_mem>>
    %dma_wait3A_295 = tpu.memref_squeeze %dma_wait3A_294 : memref<1x!tpu.dma_semaphore, #tpu.memory_space<semaphore_mem>> -> memref<!tpu.dma_semaphore, #tpu.memory_space<semaphore_mem>>
    %dma_wait3A_296 = arith.constant 0 : i32
    %dma_wait3A_297 = tpu.memref_slice %arg4[%mul3A_2, %dma_wait3A_285, %dma_wait3A_296] : memref<16384x26x32xf32, #tpu.memory_space<hbm>> -> memref<512x1x32xf32, #tpu.memory_space<hbm>>
    %dma_wait3A_298 = tpu.memref_squeeze %dma_wait3A_297 : memref<512x1x32xf32, #tpu.memory_space<hbm>> -> memref<512x32xf32, #tpu.memory_space<hbm>>
    %dma_wait3A_299 = arith.constant 0 : i32
    %dma_wait3A_300 = arith.constant 0 : i32
    %dma_wait3A_301 = tpu.memref_slice %arg6[%dma_wait3A_284, %dma_wait3A_299, %dma_wait3A_300] : memref<2x512x32xf32, #tpu.memory_space<vmem>> -> memref<1x512x32xf32, #tpu.memory_space<vmem>>
    %dma_wait3A_302 = tpu.memref_squeeze %dma_wait3A_301 : memref<1x512x32xf32, #tpu.memory_space<vmem>> -> memref<512x32xf32, #tpu.memory_space<vmem>>
    tpu.wait_dma2 semaphore(%dma_wait3A_295 : memref<!tpu.dma_semaphore, #tpu.memory_space<semaphore_mem>>) src(%dma_wait3A_302 : memref<512x32xf32, #tpu.memory_space<vmem>>) dst(%dma_wait3A_298 : memref<512x32xf32, #tpu.memory_space<hbm>>)
    %dma_start3A_303 = arith.constant 5 : i32
    %dma_start3A_304 = arith.constant 1 : i32
    %dma_start3A_305 = arith.constant 1 : i32
    %dma_start3A_306 = arith.constant 0 : i32
    %dma_start3A_307 = arith.constant 0 : i32
    %dma_start3A_308 = tpu.memref_slice %arg6[%dma_start3A_304, %dma_start3A_306, %dma_start3A_307] : memref<2x512x32xf32, #tpu.memory_space<vmem>> -> memref<1x512x32xf32, #tpu.memory_space<vmem>>
    %dma_start3A_309 = tpu.memref_squeeze %dma_start3A_308 : memref<1x512x32xf32, #tpu.memory_space<vmem>> -> memref<512x32xf32, #tpu.memory_space<vmem>>
    %dma_start3A_310 = arith.constant 0 : i32
    %dma_start3A_311 = tpu.memref_slice %arg5[%dma_start3A_303, %dma_start3A_310] : memref<26x512xi32, #tpu.memory_space<vmem>> -> memref<1x512xi32, #tpu.memory_space<vmem>>
    %dma_start3A_312 = tpu.memref_squeeze %dma_start3A_311 : memref<1x512xi32, #tpu.memory_space<vmem>> -> memref<512xi32, #tpu.memory_space<vmem>>
    %dma_start3A_313 = arith.constant 0 : i32
    %dma_start3A_314 = arith.constant 0 : i32
    %dma_start3A_315 = tpu.memref_slice %arg3[%dma_start3A_313, %dma_start3A_314] : memref<1000000x32xf32, #tpu.memory_space<hbm>> -> memref<1000000x32xf32, #tpu.memory_space<hbm>>
    %dma_start3A_316 = tpu.memref_slice %arg7[%dma_start3A_305] : memref<2x!tpu.dma_semaphore, #tpu.memory_space<semaphore_mem>> -> memref<1x!tpu.dma_semaphore, #tpu.memory_space<semaphore_mem>>
    %dma_start3A_317 = tpu.memref_squeeze %dma_start3A_316 : memref<1x!tpu.dma_semaphore, #tpu.memory_space<semaphore_mem>> -> memref<!tpu.dma_semaphore, #tpu.memory_space<semaphore_mem>>
    tpu.enqueue_indirect_dma source(%dma_start3A_315 : memref<1000000x32xf32, #tpu.memory_space<hbm>>) target(%dma_start3A_309 : memref<512x32xf32, #tpu.memory_space<vmem>>) offsets(%dma_start3A_312 : memref<512xi32, #tpu.memory_space<vmem>>) semaphore(%dma_start3A_317 : memref<!tpu.dma_semaphore, #tpu.memory_space<semaphore_mem>>)
    %dma_start3A_318 = arith.constant 0 : i32
    %dma_start3A_319 = arith.constant 4 : i32
    %dma_start3A_320 = arith.constant 0 : i32
    %dma_start3A_321 = arith.constant 0 : i32
    %dma_start3A_322 = arith.constant 0 : i32
    %dma_start3A_323 = tpu.memref_slice %arg6[%dma_start3A_318, %dma_start3A_321, %dma_start3A_322] : memref<2x512x32xf32, #tpu.memory_space<vmem>> -> memref<1x512x32xf32, #tpu.memory_space<vmem>>
    %dma_start3A_324 = tpu.memref_squeeze %dma_start3A_323 : memref<1x512x32xf32, #tpu.memory_space<vmem>> -> memref<512x32xf32, #tpu.memory_space<vmem>>
    %dma_start3A_325 = arith.constant 0 : i32
    %dma_start3A_326 = tpu.memref_slice %arg4[%mul3A_2, %dma_start3A_319, %dma_start3A_325] : memref<16384x26x32xf32, #tpu.memory_space<hbm>> -> memref<512x1x32xf32, #tpu.memory_space<hbm>>
    %dma_start3A_327 = tpu.memref_squeeze %dma_start3A_326 : memref<512x1x32xf32, #tpu.memory_space<hbm>> -> memref<512x32xf32, #tpu.memory_space<hbm>>
    %dma_start3A_328 = tpu.memref_slice %arg8[%dma_start3A_320] : memref<2x!tpu.dma_semaphore, #tpu.memory_space<semaphore_mem>> -> memref<1x!tpu.dma_semaphore, #tpu.memory_space<semaphore_mem>>
    %dma_start3A_329 = tpu.memref_squeeze %dma_start3A_328 : memref<1x!tpu.dma_semaphore, #tpu.memory_space<semaphore_mem>> -> memref<!tpu.dma_semaphore, #tpu.memory_space<semaphore_mem>>
    %dma_start3A_330 = arith.constant 0 : i32
    %dma_start3A_331 = tpu.memref_slice %arg4[%mul3A_2, %dma_start3A_319, %dma_start3A_330] : memref<16384x26x32xf32, #tpu.memory_space<hbm>> -> memref<512x1x32xf32, #tpu.memory_space<hbm>>
    %dma_start3A_332 = tpu.memref_squeeze %dma_start3A_331 : memref<512x1x32xf32, #tpu.memory_space<hbm>> -> memref<512x32xf32, #tpu.memory_space<hbm>>
    %dma_start3A_333 = arith.constant 0 : i32
    %dma_start3A_334 = arith.constant 0 : i32
    %dma_start3A_335 = tpu.memref_slice %arg6[%dma_start3A_318, %dma_start3A_333, %dma_start3A_334] : memref<2x512x32xf32, #tpu.memory_space<vmem>> -> memref<1x512x32xf32, #tpu.memory_space<vmem>>
    %dma_start3A_336 = tpu.memref_squeeze %dma_start3A_335 : memref<1x512x32xf32, #tpu.memory_space<vmem>> -> memref<512x32xf32, #tpu.memory_space<vmem>>
    tpu.enqueue_dma source(%dma_start3A_336 : memref<512x32xf32, #tpu.memory_space<vmem>>) target(%dma_start3A_332 : memref<512x32xf32, #tpu.memory_space<hbm>>) target_semaphore(%dma_start3A_329 : memref<!tpu.dma_semaphore, #tpu.memory_space<semaphore_mem>>)
    %dma_wait3A_337 = arith.constant 5 : i32
    %dma_wait3A_338 = arith.constant 1 : i32
    %dma_wait3A_339 = arith.constant 1 : i32
    %dma_wait3A_340 = arith.constant 0 : i32
    %dma_wait3A_341 = arith.constant 0 : i32
    %dma_wait3A_342 = tpu.memref_slice %arg6[%dma_wait3A_338, %dma_wait3A_340, %dma_wait3A_341] : memref<2x512x32xf32, #tpu.memory_space<vmem>> -> memref<1x512x32xf32, #tpu.memory_space<vmem>>
    %dma_wait3A_343 = tpu.memref_squeeze %dma_wait3A_342 : memref<1x512x32xf32, #tpu.memory_space<vmem>> -> memref<512x32xf32, #tpu.memory_space<vmem>>
    %dma_wait3A_344 = arith.constant 0 : i32
    %dma_wait3A_345 = tpu.memref_slice %arg5[%dma_wait3A_337, %dma_wait3A_344] : memref<26x512xi32, #tpu.memory_space<vmem>> -> memref<1x512xi32, #tpu.memory_space<vmem>>
    %dma_wait3A_346 = tpu.memref_squeeze %dma_wait3A_345 : memref<1x512xi32, #tpu.memory_space<vmem>> -> memref<512xi32, #tpu.memory_space<vmem>>
    %dma_wait3A_347 = arith.constant 0 : i32
    %dma_wait3A_348 = arith.constant 0 : i32
    %dma_wait3A_349 = tpu.memref_slice %arg3[%dma_wait3A_347, %dma_wait3A_348] : memref<1000000x32xf32, #tpu.memory_space<hbm>> -> memref<1000000x32xf32, #tpu.memory_space<hbm>>
    %dma_wait3A_350 = tpu.memref_slice %arg7[%dma_wait3A_339] : memref<2x!tpu.dma_semaphore, #tpu.memory_space<semaphore_mem>> -> memref<1x!tpu.dma_semaphore, #tpu.memory_space<semaphore_mem>>
    %dma_wait3A_351 = tpu.memref_squeeze %dma_wait3A_350 : memref<1x!tpu.dma_semaphore, #tpu.memory_space<semaphore_mem>> -> memref<!tpu.dma_semaphore, #tpu.memory_space<semaphore_mem>>
    tpu.wait_indirect_dma semaphore(%dma_wait3A_351 : memref<!tpu.dma_semaphore, #tpu.memory_space<semaphore_mem>>) src(%dma_wait3A_349 : memref<1000000x32xf32, #tpu.memory_space<hbm>>) dst(%dma_wait3A_343 : memref<512x32xf32, #tpu.memory_space<vmem>>)
    %dma_wait3A_352 = arith.constant 0 : i32
    %dma_wait3A_353 = arith.constant 4 : i32
    %dma_wait3A_354 = arith.constant 0 : i32
    %dma_wait3A_355 = arith.constant 0 : i32
    %dma_wait3A_356 = arith.constant 0 : i32
    %dma_wait3A_357 = tpu.memref_slice %arg6[%dma_wait3A_352, %dma_wait3A_355, %dma_wait3A_356] : memref<2x512x32xf32, #tpu.memory_space<vmem>> -> memref<1x512x32xf32, #tpu.memory_space<vmem>>
    %dma_wait3A_358 = tpu.memref_squeeze %dma_wait3A_357 : memref<1x512x32xf32, #tpu.memory_space<vmem>> -> memref<512x32xf32, #tpu.memory_space<vmem>>
    %dma_wait3A_359 = arith.constant 0 : i32
    %dma_wait3A_360 = tpu.memref_slice %arg4[%mul3A_2, %dma_wait3A_353, %dma_wait3A_359] : memref<16384x26x32xf32, #tpu.memory_space<hbm>> -> memref<512x1x32xf32, #tpu.memory_space<hbm>>
    %dma_wait3A_361 = tpu.memref_squeeze %dma_wait3A_360 : memref<512x1x32xf32, #tpu.memory_space<hbm>> -> memref<512x32xf32, #tpu.memory_space<hbm>>
    %dma_wait3A_362 = tpu.memref_slice %arg8[%dma_wait3A_354] : memref<2x!tpu.dma_semaphore, #tpu.memory_space<semaphore_mem>> -> memref<1x!tpu.dma_semaphore, #tpu.memory_space<semaphore_mem>>
    %dma_wait3A_363 = tpu.memref_squeeze %dma_wait3A_362 : memref<1x!tpu.dma_semaphore, #tpu.memory_space<semaphore_mem>> -> memref<!tpu.dma_semaphore, #tpu.memory_space<semaphore_mem>>
    %dma_wait3A_364 = arith.constant 0 : i32
    %dma_wait3A_365 = tpu.memref_slice %arg4[%mul3A_2, %dma_wait3A_353, %dma_wait3A_364] : memref<16384x26x32xf32, #tpu.memory_space<hbm>> -> memref<512x1x32xf32, #tpu.memory_space<hbm>>
    %dma_wait3A_366 = tpu.memref_squeeze %dma_wait3A_365 : memref<512x1x32xf32, #tpu.memory_space<hbm>> -> memref<512x32xf32, #tpu.memory_space<hbm>>
    %dma_wait3A_367 = arith.constant 0 : i32
    %dma_wait3A_368 = arith.constant 0 : i32
    %dma_wait3A_369 = tpu.memref_slice %arg6[%dma_wait3A_352, %dma_wait3A_367, %dma_wait3A_368] : memref<2x512x32xf32, #tpu.memory_space<vmem>> -> memref<1x512x32xf32, #tpu.memory_space<vmem>>
    %dma_wait3A_370 = tpu.memref_squeeze %dma_wait3A_369 : memref<1x512x32xf32, #tpu.memory_space<vmem>> -> memref<512x32xf32, #tpu.memory_space<vmem>>
    tpu.wait_dma2 semaphore(%dma_wait3A_363 : memref<!tpu.dma_semaphore, #tpu.memory_space<semaphore_mem>>) src(%dma_wait3A_370 : memref<512x32xf32, #tpu.memory_space<vmem>>) dst(%dma_wait3A_366 : memref<512x32xf32, #tpu.memory_space<hbm>>)
    %dma_start3A_371 = arith.constant 6 : i32
    %dma_start3A_372 = arith.constant 0 : i32
    %dma_start3A_373 = arith.constant 0 : i32
    %dma_start3A_374 = arith.constant 0 : i32
    %dma_start3A_375 = arith.constant 0 : i32
    %dma_start3A_376 = tpu.memref_slice %arg6[%dma_start3A_372, %dma_start3A_374, %dma_start3A_375] : memref<2x512x32xf32, #tpu.memory_space<vmem>> -> memref<1x512x32xf32, #tpu.memory_space<vmem>>
    %dma_start3A_377 = tpu.memref_squeeze %dma_start3A_376 : memref<1x512x32xf32, #tpu.memory_space<vmem>> -> memref<512x32xf32, #tpu.memory_space<vmem>>
    %dma_start3A_378 = arith.constant 0 : i32
    %dma_start3A_379 = tpu.memref_slice %arg5[%dma_start3A_371, %dma_start3A_378] : memref<26x512xi32, #tpu.memory_space<vmem>> -> memref<1x512xi32, #tpu.memory_space<vmem>>
    %dma_start3A_380 = tpu.memref_squeeze %dma_start3A_379 : memref<1x512xi32, #tpu.memory_space<vmem>> -> memref<512xi32, #tpu.memory_space<vmem>>
    %dma_start3A_381 = arith.constant 0 : i32
    %dma_start3A_382 = arith.constant 0 : i32
    %dma_start3A_383 = tpu.memref_slice %arg3[%dma_start3A_381, %dma_start3A_382] : memref<1000000x32xf32, #tpu.memory_space<hbm>> -> memref<1000000x32xf32, #tpu.memory_space<hbm>>
    %dma_start3A_384 = tpu.memref_slice %arg7[%dma_start3A_373] : memref<2x!tpu.dma_semaphore, #tpu.memory_space<semaphore_mem>> -> memref<1x!tpu.dma_semaphore, #tpu.memory_space<semaphore_mem>>
    %dma_start3A_385 = tpu.memref_squeeze %dma_start3A_384 : memref<1x!tpu.dma_semaphore, #tpu.memory_space<semaphore_mem>> -> memref<!tpu.dma_semaphore, #tpu.memory_space<semaphore_mem>>
    tpu.enqueue_indirect_dma source(%dma_start3A_383 : memref<1000000x32xf32, #tpu.memory_space<hbm>>) target(%dma_start3A_377 : memref<512x32xf32, #tpu.memory_space<vmem>>) offsets(%dma_start3A_380 : memref<512xi32, #tpu.memory_space<vmem>>) semaphore(%dma_start3A_385 : memref<!tpu.dma_semaphore, #tpu.memory_space<semaphore_mem>>)
    %dma_start3A_386 = arith.constant 1 : i32
    %dma_start3A_387 = arith.constant 5 : i32
    %dma_start3A_388 = arith.constant 1 : i32
    %dma_start3A_389 = arith.constant 0 : i32
    %dma_start3A_390 = arith.constant 0 : i32
    %dma_start3A_391 = tpu.memref_slice %arg6[%dma_start3A_386, %dma_start3A_389, %dma_start3A_390] : memref<2x512x32xf32, #tpu.memory_space<vmem>> -> memref<1x512x32xf32, #tpu.memory_space<vmem>>
    %dma_start3A_392 = tpu.memref_squeeze %dma_start3A_391 : memref<1x512x32xf32, #tpu.memory_space<vmem>> -> memref<512x32xf32, #tpu.memory_space<vmem>>
    %dma_start3A_393 = arith.constant 0 : i32
    %dma_start3A_394 = tpu.memref_slice %arg4[%mul3A_2, %dma_start3A_387, %dma_start3A_393] : memref<16384x26x32xf32, #tpu.memory_space<hbm>> -> memref<512x1x32xf32, #tpu.memory_space<hbm>>
    %dma_start3A_395 = tpu.memref_squeeze %dma_start3A_394 : memref<512x1x32xf32, #tpu.memory_space<hbm>> -> memref<512x32xf32, #tpu.memory_space<hbm>>
    %dma_start3A_396 = tpu.memref_slice %arg8[%dma_start3A_388] : memref<2x!tpu.dma_semaphore, #tpu.memory_space<semaphore_mem>> -> memref<1x!tpu.dma_semaphore, #tpu.memory_space<semaphore_mem>>
    %dma_start3A_397 = tpu.memref_squeeze %dma_start3A_396 : memref<1x!tpu.dma_semaphore, #tpu.memory_space<semaphore_mem>> -> memref<!tpu.dma_semaphore, #tpu.memory_space<semaphore_mem>>
    %dma_start3A_398 = arith.constant 0 : i32
    %dma_start3A_399 = tpu.memref_slice %arg4[%mul3A_2, %dma_start3A_387, %dma_start3A_398] : memref<16384x26x32xf32, #tpu.memory_space<hbm>> -> memref<512x1x32xf32, #tpu.memory_space<hbm>>
    %dma_start3A_400 = tpu.memref_squeeze %dma_start3A_399 : memref<512x1x32xf32, #tpu.memory_space<hbm>> -> memref<512x32xf32, #tpu.memory_space<hbm>>
    %dma_start3A_401 = arith.constant 0 : i32
    %dma_start3A_402 = arith.constant 0 : i32
    %dma_start3A_403 = tpu.memref_slice %arg6[%dma_start3A_386, %dma_start3A_401, %dma_start3A_402] : memref<2x512x32xf32, #tpu.memory_space<vmem>> -> memref<1x512x32xf32, #tpu.memory_space<vmem>>
    %dma_start3A_404 = tpu.memref_squeeze %dma_start3A_403 : memref<1x512x32xf32, #tpu.memory_space<vmem>> -> memref<512x32xf32, #tpu.memory_space<vmem>>
    tpu.enqueue_dma source(%dma_start3A_404 : memref<512x32xf32, #tpu.memory_space<vmem>>) target(%dma_start3A_400 : memref<512x32xf32, #tpu.memory_space<hbm>>) target_semaphore(%dma_start3A_397 : memref<!tpu.dma_semaphore, #tpu.memory_space<semaphore_mem>>)
    %dma_wait3A_405 = arith.constant 6 : i32
    %dma_wait3A_406 = arith.constant 0 : i32
    %dma_wait3A_407 = arith.constant 0 : i32
    %dma_wait3A_408 = arith.constant 0 : i32
    %dma_wait3A_409 = arith.constant 0 : i32
    %dma_wait3A_410 = tpu.memref_slice %arg6[%dma_wait3A_406, %dma_wait3A_408, %dma_wait3A_409] : memref<2x512x32xf32, #tpu.memory_space<vmem>> -> memref<1x512x32xf32, #tpu.memory_space<vmem>>
    %dma_wait3A_411 = tpu.memref_squeeze %dma_wait3A_410 : memref<1x512x32xf32, #tpu.memory_space<vmem>> -> memref<512x32xf32, #tpu.memory_space<vmem>>
    %dma_wait3A_412 = arith.constant 0 : i32
    %dma_wait3A_413 = tpu.memref_slice %arg5[%dma_wait3A_405, %dma_wait3A_412] : memref<26x512xi32, #tpu.memory_space<vmem>> -> memref<1x512xi32, #tpu.memory_space<vmem>>
    %dma_wait3A_414 = tpu.memref_squeeze %dma_wait3A_413 : memref<1x512xi32, #tpu.memory_space<vmem>> -> memref<512xi32, #tpu.memory_space<vmem>>
    %dma_wait3A_415 = arith.constant 0 : i32
    %dma_wait3A_416 = arith.constant 0 : i32
    %dma_wait3A_417 = tpu.memref_slice %arg3[%dma_wait3A_415, %dma_wait3A_416] : memref<1000000x32xf32, #tpu.memory_space<hbm>> -> memref<1000000x32xf32, #tpu.memory_space<hbm>>
    %dma_wait3A_418 = tpu.memref_slice %arg7[%dma_wait3A_407] : memref<2x!tpu.dma_semaphore, #tpu.memory_space<semaphore_mem>> -> memref<1x!tpu.dma_semaphore, #tpu.memory_space<semaphore_mem>>
    %dma_wait3A_419 = tpu.memref_squeeze %dma_wait3A_418 : memref<1x!tpu.dma_semaphore, #tpu.memory_space<semaphore_mem>> -> memref<!tpu.dma_semaphore, #tpu.memory_space<semaphore_mem>>
    tpu.wait_indirect_dma semaphore(%dma_wait3A_419 : memref<!tpu.dma_semaphore, #tpu.memory_space<semaphore_mem>>) src(%dma_wait3A_417 : memref<1000000x32xf32, #tpu.memory_space<hbm>>) dst(%dma_wait3A_411 : memref<512x32xf32, #tpu.memory_space<vmem>>)
    %dma_wait3A_420 = arith.constant 1 : i32
    %dma_wait3A_421 = arith.constant 5 : i32
    %dma_wait3A_422 = arith.constant 1 : i32
    %dma_wait3A_423 = arith.constant 0 : i32
    %dma_wait3A_424 = arith.constant 0 : i32
    %dma_wait3A_425 = tpu.memref_slice %arg6[%dma_wait3A_420, %dma_wait3A_423, %dma_wait3A_424] : memref<2x512x32xf32, #tpu.memory_space<vmem>> -> memref<1x512x32xf32, #tpu.memory_space<vmem>>
    %dma_wait3A_426 = tpu.memref_squeeze %dma_wait3A_425 : memref<1x512x32xf32, #tpu.memory_space<vmem>> -> memref<512x32xf32, #tpu.memory_space<vmem>>
    %dma_wait3A_427 = arith.constant 0 : i32
    %dma_wait3A_428 = tpu.memref_slice %arg4[%mul3A_2, %dma_wait3A_421, %dma_wait3A_427] : memref<16384x26x32xf32, #tpu.memory_space<hbm>> -> memref<512x1x32xf32, #tpu.memory_space<hbm>>
    %dma_wait3A_429 = tpu.memref_squeeze %dma_wait3A_428 : memref<512x1x32xf32, #tpu.memory_space<hbm>> -> memref<512x32xf32, #tpu.memory_space<hbm>>
    %dma_wait3A_430 = tpu.memref_slice %arg8[%dma_wait3A_422] : memref<2x!tpu.dma_semaphore, #tpu.memory_space<semaphore_mem>> -> memref<1x!tpu.dma_semaphore, #tpu.memory_space<semaphore_mem>>
    %dma_wait3A_431 = tpu.memref_squeeze %dma_wait3A_430 : memref<1x!tpu.dma_semaphore, #tpu.memory_space<semaphore_mem>> -> memref<!tpu.dma_semaphore, #tpu.memory_space<semaphore_mem>>
    %dma_wait3A_432 = arith.constant 0 : i32
    %dma_wait3A_433 = tpu.memref_slice %arg4[%mul3A_2, %dma_wait3A_421, %dma_wait3A_432] : memref<16384x26x32xf32, #tpu.memory_space<hbm>> -> memref<512x1x32xf32, #tpu.memory_space<hbm>>
    %dma_wait3A_434 = tpu.memref_squeeze %dma_wait3A_433 : memref<512x1x32xf32, #tpu.memory_space<hbm>> -> memref<512x32xf32, #tpu.memory_space<hbm>>
    %dma_wait3A_435 = arith.constant 0 : i32
    %dma_wait3A_436 = arith.constant 0 : i32
    %dma_wait3A_437 = tpu.memref_slice %arg6[%dma_wait3A_420, %dma_wait3A_435, %dma_wait3A_436] : memref<2x512x32xf32, #tpu.memory_space<vmem>> -> memref<1x512x32xf32, #tpu.memory_space<vmem>>
    %dma_wait3A_438 = tpu.memref_squeeze %dma_wait3A_437 : memref<1x512x32xf32, #tpu.memory_space<vmem>> -> memref<512x32xf32, #tpu.memory_space<vmem>>
    tpu.wait_dma2 semaphore(%dma_wait3A_431 : memref<!tpu.dma_semaphore, #tpu.memory_space<semaphore_mem>>) src(%dma_wait3A_438 : memref<512x32xf32, #tpu.memory_space<vmem>>) dst(%dma_wait3A_434 : memref<512x32xf32, #tpu.memory_space<hbm>>)
    %dma_start3A_439 = arith.constant 7 : i32
    %dma_start3A_440 = arith.constant 1 : i32
    %dma_start3A_441 = arith.constant 1 : i32
    %dma_start3A_442 = arith.constant 0 : i32
    %dma_start3A_443 = arith.constant 0 : i32
    %dma_start3A_444 = tpu.memref_slice %arg6[%dma_start3A_440, %dma_start3A_442, %dma_start3A_443] : memref<2x512x32xf32, #tpu.memory_space<vmem>> -> memref<1x512x32xf32, #tpu.memory_space<vmem>>
    %dma_start3A_445 = tpu.memref_squeeze %dma_start3A_444 : memref<1x512x32xf32, #tpu.memory_space<vmem>> -> memref<512x32xf32, #tpu.memory_space<vmem>>
    %dma_start3A_446 = arith.constant 0 : i32
    %dma_start3A_447 = tpu.memref_slice %arg5[%dma_start3A_439, %dma_start3A_446] : memref<26x512xi32, #tpu.memory_space<vmem>> -> memref<1x512xi32, #tpu.memory_space<vmem>>
    %dma_start3A_448 = tpu.memref_squeeze %dma_start3A_447 : memref<1x512xi32, #tpu.memory_space<vmem>> -> memref<512xi32, #tpu.memory_space<vmem>>
    %dma_start3A_449 = arith.constant 0 : i32
    %dma_start3A_450 = arith.constant 0 : i32
    %dma_start3A_451 = tpu.memref_slice %arg3[%dma_start3A_449, %dma_start3A_450] : memref<1000000x32xf32, #tpu.memory_space<hbm>> -> memref<1000000x32xf32, #tpu.memory_space<hbm>>
    %dma_start3A_452 = tpu.memref_slice %arg7[%dma_start3A_441] : memref<2x!tpu.dma_semaphore, #tpu.memory_space<semaphore_mem>> -> memref<1x!tpu.dma_semaphore, #tpu.memory_space<semaphore_mem>>
    %dma_start3A_453 = tpu.memref_squeeze %dma_start3A_452 : memref<1x!tpu.dma_semaphore, #tpu.memory_space<semaphore_mem>> -> memref<!tpu.dma_semaphore, #tpu.memory_space<semaphore_mem>>
    tpu.enqueue_indirect_dma source(%dma_start3A_451 : memref<1000000x32xf32, #tpu.memory_space<hbm>>) target(%dma_start3A_445 : memref<512x32xf32, #tpu.memory_space<vmem>>) offsets(%dma_start3A_448 : memref<512xi32, #tpu.memory_space<vmem>>) semaphore(%dma_start3A_453 : memref<!tpu.dma_semaphore, #tpu.memory_space<semaphore_mem>>)
    %dma_start3A_454 = arith.constant 0 : i32
    %dma_start3A_455 = arith.constant 6 : i32
    %dma_start3A_456 = arith.constant 0 : i32
    %dma_start3A_457 = arith.constant 0 : i32
    %dma_start3A_458 = arith.constant 0 : i32
    %dma_start3A_459 = tpu.memref_slice %arg6[%dma_start3A_454, %dma_start3A_457, %dma_start3A_458] : memref<2x512x32xf32, #tpu.memory_space<vmem>> -> memref<1x512x32xf32, #tpu.memory_space<vmem>>
    %dma_start3A_460 = tpu.memref_squeeze %dma_start3A_459 : memref<1x512x32xf32, #tpu.memory_space<vmem>> -> memref<512x32xf32, #tpu.memory_space<vmem>>
    %dma_start3A_461 = arith.constant 0 : i32
    %dma_start3A_462 = tpu.memref_slice %arg4[%mul3A_2, %dma_start3A_455, %dma_start3A_461] : memref<16384x26x32xf32, #tpu.memory_space<hbm>> -> memref<512x1x32xf32, #tpu.memory_space<hbm>>
    %dma_start3A_463 = tpu.memref_squeeze %dma_start3A_462 : memref<512x1x32xf32, #tpu.memory_space<hbm>> -> memref<512x32xf32, #tpu.memory_space<hbm>>
    %dma_start3A_464 = tpu.memref_slice %arg8[%dma_start3A_456] : memref<2x!tpu.dma_semaphore, #tpu.memory_space<semaphore_mem>> -> memref<1x!tpu.dma_semaphore, #tpu.memory_space<semaphore_mem>>
    %dma_start3A_465 = tpu.memref_squeeze %dma_start3A_464 : memref<1x!tpu.dma_semaphore, #tpu.memory_space<semaphore_mem>> -> memref<!tpu.dma_semaphore, #tpu.memory_space<semaphore_mem>>
    %dma_start3A_466 = arith.constant 0 : i32
    %dma_start3A_467 = tpu.memref_slice %arg4[%mul3A_2, %dma_start3A_455, %dma_start3A_466] : memref<16384x26x32xf32, #tpu.memory_space<hbm>> -> memref<512x1x32xf32, #tpu.memory_space<hbm>>
    %dma_start3A_468 = tpu.memref_squeeze %dma_start3A_467 : memref<512x1x32xf32, #tpu.memory_space<hbm>> -> memref<512x32xf32, #tpu.memory_space<hbm>>
    %dma_start3A_469 = arith.constant 0 : i32
    %dma_start3A_470 = arith.constant 0 : i32
    %dma_start3A_471 = tpu.memref_slice %arg6[%dma_start3A_454, %dma_start3A_469, %dma_start3A_470] : memref<2x512x32xf32, #tpu.memory_space<vmem>> -> memref<1x512x32xf32, #tpu.memory_space<vmem>>
    %dma_start3A_472 = tpu.memref_squeeze %dma_start3A_471 : memref<1x512x32xf32, #tpu.memory_space<vmem>> -> memref<512x32xf32, #tpu.memory_space<vmem>>
    tpu.enqueue_dma source(%dma_start3A_472 : memref<512x32xf32, #tpu.memory_space<vmem>>) target(%dma_start3A_468 : memref<512x32xf32, #tpu.memory_space<hbm>>) target_semaphore(%dma_start3A_465 : memref<!tpu.dma_semaphore, #tpu.memory_space<semaphore_mem>>)
    %dma_wait3A_473 = arith.constant 7 : i32
    %dma_wait3A_474 = arith.constant 1 : i32
    %dma_wait3A_475 = arith.constant 1 : i32
    %dma_wait3A_476 = arith.constant 0 : i32
    %dma_wait3A_477 = arith.constant 0 : i32
    %dma_wait3A_478 = tpu.memref_slice %arg6[%dma_wait3A_474, %dma_wait3A_476, %dma_wait3A_477] : memref<2x512x32xf32, #tpu.memory_space<vmem>> -> memref<1x512x32xf32, #tpu.memory_space<vmem>>
    %dma_wait3A_479 = tpu.memref_squeeze %dma_wait3A_478 : memref<1x512x32xf32, #tpu.memory_space<vmem>> -> memref<512x32xf32, #tpu.memory_space<vmem>>
    %dma_wait3A_480 = arith.constant 0 : i32
    %dma_wait3A_481 = tpu.memref_slice %arg5[%dma_wait3A_473, %dma_wait3A_480] : memref<26x512xi32, #tpu.memory_space<vmem>> -> memref<1x512xi32, #tpu.memory_space<vmem>>
    %dma_wait3A_482 = tpu.memref_squeeze %dma_wait3A_481 : memref<1x512xi32, #tpu.memory_space<vmem>> -> memref<512xi32, #tpu.memory_space<vmem>>
    %dma_wait3A_483 = arith.constant 0 : i32
    %dma_wait3A_484 = arith.constant 0 : i32
    %dma_wait3A_485 = tpu.memref_slice %arg3[%dma_wait3A_483, %dma_wait3A_484] : memref<1000000x32xf32, #tpu.memory_space<hbm>> -> memref<1000000x32xf32, #tpu.memory_space<hbm>>
    %dma_wait3A_486 = tpu.memref_slice %arg7[%dma_wait3A_475] : memref<2x!tpu.dma_semaphore, #tpu.memory_space<semaphore_mem>> -> memref<1x!tpu.dma_semaphore, #tpu.memory_space<semaphore_mem>>
    %dma_wait3A_487 = tpu.memref_squeeze %dma_wait3A_486 : memref<1x!tpu.dma_semaphore, #tpu.memory_space<semaphore_mem>> -> memref<!tpu.dma_semaphore, #tpu.memory_space<semaphore_mem>>
    tpu.wait_indirect_dma semaphore(%dma_wait3A_487 : memref<!tpu.dma_semaphore, #tpu.memory_space<semaphore_mem>>) src(%dma_wait3A_485 : memref<1000000x32xf32, #tpu.memory_space<hbm>>) dst(%dma_wait3A_479 : memref<512x32xf32, #tpu.memory_space<vmem>>)
    %dma_wait3A_488 = arith.constant 0 : i32
    %dma_wait3A_489 = arith.constant 6 : i32
    %dma_wait3A_490 = arith.constant 0 : i32
    %dma_wait3A_491 = arith.constant 0 : i32
    %dma_wait3A_492 = arith.constant 0 : i32
    %dma_wait3A_493 = tpu.memref_slice %arg6[%dma_wait3A_488, %dma_wait3A_491, %dma_wait3A_492] : memref<2x512x32xf32, #tpu.memory_space<vmem>> -> memref<1x512x32xf32, #tpu.memory_space<vmem>>
    %dma_wait3A_494 = tpu.memref_squeeze %dma_wait3A_493 : memref<1x512x32xf32, #tpu.memory_space<vmem>> -> memref<512x32xf32, #tpu.memory_space<vmem>>
    %dma_wait3A_495 = arith.constant 0 : i32
    %dma_wait3A_496 = tpu.memref_slice %arg4[%mul3A_2, %dma_wait3A_489, %dma_wait3A_495] : memref<16384x26x32xf32, #tpu.memory_space<hbm>> -> memref<512x1x32xf32, #tpu.memory_space<hbm>>
    %dma_wait3A_497 = tpu.memref_squeeze %dma_wait3A_496 : memref<512x1x32xf32, #tpu.memory_space<hbm>> -> memref<512x32xf32, #tpu.memory_space<hbm>>
    %dma_wait3A_498 = tpu.memref_slice %arg8[%dma_wait3A_490] : memref<2x!tpu.dma_semaphore, #tpu.memory_space<semaphore_mem>> -> memref<1x!tpu.dma_semaphore, #tpu.memory_space<semaphore_mem>>
    %dma_wait3A_499 = tpu.memref_squeeze %dma_wait3A_498 : memref<1x!tpu.dma_semaphore, #tpu.memory_space<semaphore_mem>> -> memref<!tpu.dma_semaphore, #tpu.memory_space<semaphore_mem>>
    %dma_wait3A_500 = arith.constant 0 : i32
    %dma_wait3A_501 = tpu.memref_slice %arg4[%mul3A_2, %dma_wait3A_489, %dma_wait3A_500] : memref<16384x26x32xf32, #tpu.memory_space<hbm>> -> memref<512x1x32xf32, #tpu.memory_space<hbm>>
    %dma_wait3A_502 = tpu.memref_squeeze %dma_wait3A_501 : memref<512x1x32xf32, #tpu.memory_space<hbm>> -> memref<512x32xf32, #tpu.memory_space<hbm>>
    %dma_wait3A_503 = arith.constant 0 : i32
    %dma_wait3A_504 = arith.constant 0 : i32
    %dma_wait3A_505 = tpu.memref_slice %arg6[%dma_wait3A_488, %dma_wait3A_503, %dma_wait3A_504] : memref<2x512x32xf32, #tpu.memory_space<vmem>> -> memref<1x512x32xf32, #tpu.memory_space<vmem>>
    %dma_wait3A_506 = tpu.memref_squeeze %dma_wait3A_505 : memref<1x512x32xf32, #tpu.memory_space<vmem>> -> memref<512x32xf32, #tpu.memory_space<vmem>>
    tpu.wait_dma2 semaphore(%dma_wait3A_499 : memref<!tpu.dma_semaphore, #tpu.memory_space<semaphore_mem>>) src(%dma_wait3A_506 : memref<512x32xf32, #tpu.memory_space<vmem>>) dst(%dma_wait3A_502 : memref<512x32xf32, #tpu.memory_space<hbm>>)
    %dma_start3A_507 = arith.constant 8 : i32
    %dma_start3A_508 = arith.constant 0 : i32
    %dma_start3A_509 = arith.constant 0 : i32
    %dma_start3A_510 = arith.constant 0 : i32
    %dma_start3A_511 = arith.constant 0 : i32
    %dma_start3A_512 = tpu.memref_slice %arg6[%dma_start3A_508, %dma_start3A_510, %dma_start3A_511] : memref<2x512x32xf32, #tpu.memory_space<vmem>> -> memref<1x512x32xf32, #tpu.memory_space<vmem>>
    %dma_start3A_513 = tpu.memref_squeeze %dma_start3A_512 : memref<1x512x32xf32, #tpu.memory_space<vmem>> -> memref<512x32xf32, #tpu.memory_space<vmem>>
    %dma_start3A_514 = arith.constant 0 : i32
    %dma_start3A_515 = tpu.memref_slice %arg5[%dma_start3A_507, %dma_start3A_514] : memref<26x512xi32, #tpu.memory_space<vmem>> -> memref<1x512xi32, #tpu.memory_space<vmem>>
    %dma_start3A_516 = tpu.memref_squeeze %dma_start3A_515 : memref<1x512xi32, #tpu.memory_space<vmem>> -> memref<512xi32, #tpu.memory_space<vmem>>
    %dma_start3A_517 = arith.constant 0 : i32
    %dma_start3A_518 = arith.constant 0 : i32
    %dma_start3A_519 = tpu.memref_slice %arg3[%dma_start3A_517, %dma_start3A_518] : memref<1000000x32xf32, #tpu.memory_space<hbm>> -> memref<1000000x32xf32, #tpu.memory_space<hbm>>
    %dma_start3A_520 = tpu.memref_slice %arg7[%dma_start3A_509] : memref<2x!tpu.dma_semaphore, #tpu.memory_space<semaphore_mem>> -> memref<1x!tpu.dma_semaphore, #tpu.memory_space<semaphore_mem>>
    %dma_start3A_521 = tpu.memref_squeeze %dma_start3A_520 : memref<1x!tpu.dma_semaphore, #tpu.memory_space<semaphore_mem>> -> memref<!tpu.dma_semaphore, #tpu.memory_space<semaphore_mem>>
    tpu.enqueue_indirect_dma source(%dma_start3A_519 : memref<1000000x32xf32, #tpu.memory_space<hbm>>) target(%dma_start3A_513 : memref<512x32xf32, #tpu.memory_space<vmem>>) offsets(%dma_start3A_516 : memref<512xi32, #tpu.memory_space<vmem>>) semaphore(%dma_start3A_521 : memref<!tpu.dma_semaphore, #tpu.memory_space<semaphore_mem>>)
    %dma_start3A_522 = arith.constant 1 : i32
    %dma_start3A_523 = arith.constant 7 : i32
    %dma_start3A_524 = arith.constant 1 : i32
    %dma_start3A_525 = arith.constant 0 : i32
    %dma_start3A_526 = arith.constant 0 : i32
    %dma_start3A_527 = tpu.memref_slice %arg6[%dma_start3A_522, %dma_start3A_525, %dma_start3A_526] : memref<2x512x32xf32, #tpu.memory_space<vmem>> -> memref<1x512x32xf32, #tpu.memory_space<vmem>>
    %dma_start3A_528 = tpu.memref_squeeze %dma_start3A_527 : memref<1x512x32xf32, #tpu.memory_space<vmem>> -> memref<512x32xf32, #tpu.memory_space<vmem>>
    %dma_start3A_529 = arith.constant 0 : i32
    %dma_start3A_530 = tpu.memref_slice %arg4[%mul3A_2, %dma_start3A_523, %dma_start3A_529] : memref<16384x26x32xf32, #tpu.memory_space<hbm>> -> memref<512x1x32xf32, #tpu.memory_space<hbm>>
    %dma_start3A_531 = tpu.memref_squeeze %dma_start3A_530 : memref<512x1x32xf32, #tpu.memory_space<hbm>> -> memref<512x32xf32, #tpu.memory_space<hbm>>
    %dma_start3A_532 = tpu.memref_slice %arg8[%dma_start3A_524] : memref<2x!tpu.dma_semaphore, #tpu.memory_space<semaphore_mem>> -> memref<1x!tpu.dma_semaphore, #tpu.memory_space<semaphore_mem>>
    %dma_start3A_533 = tpu.memref_squeeze %dma_start3A_532 : memref<1x!tpu.dma_semaphore, #tpu.memory_space<semaphore_mem>> -> memref<!tpu.dma_semaphore, #tpu.memory_space<semaphore_mem>>
    %dma_start3A_534 = arith.constant 0 : i32
    %dma_start3A_535 = tpu.memref_slice %arg4[%mul3A_2, %dma_start3A_523, %dma_start3A_534] : memref<16384x26x32xf32, #tpu.memory_space<hbm>> -> memref<512x1x32xf32, #tpu.memory_space<hbm>>
    %dma_start3A_536 = tpu.memref_squeeze %dma_start3A_535 : memref<512x1x32xf32, #tpu.memory_space<hbm>> -> memref<512x32xf32, #tpu.memory_space<hbm>>
    %dma_start3A_537 = arith.constant 0 : i32
    %dma_start3A_538 = arith.constant 0 : i32
    %dma_start3A_539 = tpu.memref_slice %arg6[%dma_start3A_522, %dma_start3A_537, %dma_start3A_538] : memref<2x512x32xf32, #tpu.memory_space<vmem>> -> memref<1x512x32xf32, #tpu.memory_space<vmem>>
    %dma_start3A_540 = tpu.memref_squeeze %dma_start3A_539 : memref<1x512x32xf32, #tpu.memory_space<vmem>> -> memref<512x32xf32, #tpu.memory_space<vmem>>
    tpu.enqueue_dma source(%dma_start3A_540 : memref<512x32xf32, #tpu.memory_space<vmem>>) target(%dma_start3A_536 : memref<512x32xf32, #tpu.memory_space<hbm>>) target_semaphore(%dma_start3A_533 : memref<!tpu.dma_semaphore, #tpu.memory_space<semaphore_mem>>)
    %dma_wait3A_541 = arith.constant 8 : i32
    %dma_wait3A_542 = arith.constant 0 : i32
    %dma_wait3A_543 = arith.constant 0 : i32
    %dma_wait3A_544 = arith.constant 0 : i32
    %dma_wait3A_545 = arith.constant 0 : i32
    %dma_wait3A_546 = tpu.memref_slice %arg6[%dma_wait3A_542, %dma_wait3A_544, %dma_wait3A_545] : memref<2x512x32xf32, #tpu.memory_space<vmem>> -> memref<1x512x32xf32, #tpu.memory_space<vmem>>
    %dma_wait3A_547 = tpu.memref_squeeze %dma_wait3A_546 : memref<1x512x32xf32, #tpu.memory_space<vmem>> -> memref<512x32xf32, #tpu.memory_space<vmem>>
    %dma_wait3A_548 = arith.constant 0 : i32
    %dma_wait3A_549 = tpu.memref_slice %arg5[%dma_wait3A_541, %dma_wait3A_548] : memref<26x512xi32, #tpu.memory_space<vmem>> -> memref<1x512xi32, #tpu.memory_space<vmem>>
    %dma_wait3A_550 = tpu.memref_squeeze %dma_wait3A_549 : memref<1x512xi32, #tpu.memory_space<vmem>> -> memref<512xi32, #tpu.memory_space<vmem>>
    %dma_wait3A_551 = arith.constant 0 : i32
    %dma_wait3A_552 = arith.constant 0 : i32
    %dma_wait3A_553 = tpu.memref_slice %arg3[%dma_wait3A_551, %dma_wait3A_552] : memref<1000000x32xf32, #tpu.memory_space<hbm>> -> memref<1000000x32xf32, #tpu.memory_space<hbm>>
    %dma_wait3A_554 = tpu.memref_slice %arg7[%dma_wait3A_543] : memref<2x!tpu.dma_semaphore, #tpu.memory_space<semaphore_mem>> -> memref<1x!tpu.dma_semaphore, #tpu.memory_space<semaphore_mem>>
    %dma_wait3A_555 = tpu.memref_squeeze %dma_wait3A_554 : memref<1x!tpu.dma_semaphore, #tpu.memory_space<semaphore_mem>> -> memref<!tpu.dma_semaphore, #tpu.memory_space<semaphore_mem>>
    tpu.wait_indirect_dma semaphore(%dma_wait3A_555 : memref<!tpu.dma_semaphore, #tpu.memory_space<semaphore_mem>>) src(%dma_wait3A_553 : memref<1000000x32xf32, #tpu.memory_space<hbm>>) dst(%dma_wait3A_547 : memref<512x32xf32, #tpu.memory_space<vmem>>)
    %dma_wait3A_556 = arith.constant 1 : i32
    %dma_wait3A_557 = arith.constant 7 : i32
    %dma_wait3A_558 = arith.constant 1 : i32
    %dma_wait3A_559 = arith.constant 0 : i32
    %dma_wait3A_560 = arith.constant 0 : i32
    %dma_wait3A_561 = tpu.memref_slice %arg6[%dma_wait3A_556, %dma_wait3A_559, %dma_wait3A_560] : memref<2x512x32xf32, #tpu.memory_space<vmem>> -> memref<1x512x32xf32, #tpu.memory_space<vmem>>
    %dma_wait3A_562 = tpu.memref_squeeze %dma_wait3A_561 : memref<1x512x32xf32, #tpu.memory_space<vmem>> -> memref<512x32xf32, #tpu.memory_space<vmem>>
    %dma_wait3A_563 = arith.constant 0 : i32
    %dma_wait3A_564 = tpu.memref_slice %arg4[%mul3A_2, %dma_wait3A_557, %dma_wait3A_563] : memref<16384x26x32xf32, #tpu.memory_space<hbm>> -> memref<512x1x32xf32, #tpu.memory_space<hbm>>
    %dma_wait3A_565 = tpu.memref_squeeze %dma_wait3A_564 : memref<512x1x32xf32, #tpu.memory_space<hbm>> -> memref<512x32xf32, #tpu.memory_space<hbm>>
    %dma_wait3A_566 = tpu.memref_slice %arg8[%dma_wait3A_558] : memref<2x!tpu.dma_semaphore, #tpu.memory_space<semaphore_mem>> -> memref<1x!tpu.dma_semaphore, #tpu.memory_space<semaphore_mem>>
    %dma_wait3A_567 = tpu.memref_squeeze %dma_wait3A_566 : memref<1x!tpu.dma_semaphore, #tpu.memory_space<semaphore_mem>> -> memref<!tpu.dma_semaphore, #tpu.memory_space<semaphore_mem>>
    %dma_wait3A_568 = arith.constant 0 : i32
    %dma_wait3A_569 = tpu.memref_slice %arg4[%mul3A_2, %dma_wait3A_557, %dma_wait3A_568] : memref<16384x26x32xf32, #tpu.memory_space<hbm>> -> memref<512x1x32xf32, #tpu.memory_space<hbm>>
    %dma_wait3A_570 = tpu.memref_squeeze %dma_wait3A_569 : memref<512x1x32xf32, #tpu.memory_space<hbm>> -> memref<512x32xf32, #tpu.memory_space<hbm>>
    %dma_wait3A_571 = arith.constant 0 : i32
    %dma_wait3A_572 = arith.constant 0 : i32
    %dma_wait3A_573 = tpu.memref_slice %arg6[%dma_wait3A_556, %dma_wait3A_571, %dma_wait3A_572] : memref<2x512x32xf32, #tpu.memory_space<vmem>> -> memref<1x512x32xf32, #tpu.memory_space<vmem>>
    %dma_wait3A_574 = tpu.memref_squeeze %dma_wait3A_573 : memref<1x512x32xf32, #tpu.memory_space<vmem>> -> memref<512x32xf32, #tpu.memory_space<vmem>>
    tpu.wait_dma2 semaphore(%dma_wait3A_567 : memref<!tpu.dma_semaphore, #tpu.memory_space<semaphore_mem>>) src(%dma_wait3A_574 : memref<512x32xf32, #tpu.memory_space<vmem>>) dst(%dma_wait3A_570 : memref<512x32xf32, #tpu.memory_space<hbm>>)
    %dma_start3A_575 = arith.constant 9 : i32
    %dma_start3A_576 = arith.constant 1 : i32
    %dma_start3A_577 = arith.constant 1 : i32
    %dma_start3A_578 = arith.constant 0 : i32
    %dma_start3A_579 = arith.constant 0 : i32
    %dma_start3A_580 = tpu.memref_slice %arg6[%dma_start3A_576, %dma_start3A_578, %dma_start3A_579] : memref<2x512x32xf32, #tpu.memory_space<vmem>> -> memref<1x512x32xf32, #tpu.memory_space<vmem>>
    %dma_start3A_581 = tpu.memref_squeeze %dma_start3A_580 : memref<1x512x32xf32, #tpu.memory_space<vmem>> -> memref<512x32xf32, #tpu.memory_space<vmem>>
    %dma_start3A_582 = arith.constant 0 : i32
    %dma_start3A_583 = tpu.memref_slice %arg5[%dma_start3A_575, %dma_start3A_582] : memref<26x512xi32, #tpu.memory_space<vmem>> -> memref<1x512xi32, #tpu.memory_space<vmem>>
    %dma_start3A_584 = tpu.memref_squeeze %dma_start3A_583 : memref<1x512xi32, #tpu.memory_space<vmem>> -> memref<512xi32, #tpu.memory_space<vmem>>
    %dma_start3A_585 = arith.constant 0 : i32
    %dma_start3A_586 = arith.constant 0 : i32
    %dma_start3A_587 = tpu.memref_slice %arg3[%dma_start3A_585, %dma_start3A_586] : memref<1000000x32xf32, #tpu.memory_space<hbm>> -> memref<1000000x32xf32, #tpu.memory_space<hbm>>
    %dma_start3A_588 = tpu.memref_slice %arg7[%dma_start3A_577] : memref<2x!tpu.dma_semaphore, #tpu.memory_space<semaphore_mem>> -> memref<1x!tpu.dma_semaphore, #tpu.memory_space<semaphore_mem>>
    %dma_start3A_589 = tpu.memref_squeeze %dma_start3A_588 : memref<1x!tpu.dma_semaphore, #tpu.memory_space<semaphore_mem>> -> memref<!tpu.dma_semaphore, #tpu.memory_space<semaphore_mem>>
    tpu.enqueue_indirect_dma source(%dma_start3A_587 : memref<1000000x32xf32, #tpu.memory_space<hbm>>) target(%dma_start3A_581 : memref<512x32xf32, #tpu.memory_space<vmem>>) offsets(%dma_start3A_584 : memref<512xi32, #tpu.memory_space<vmem>>) semaphore(%dma_start3A_589 : memref<!tpu.dma_semaphore, #tpu.memory_space<semaphore_mem>>)
    %dma_start3A_590 = arith.constant 0 : i32
    %dma_start3A_591 = arith.constant 8 : i32
    %dma_start3A_592 = arith.constant 0 : i32
    %dma_start3A_593 = arith.constant 0 : i32
    %dma_start3A_594 = arith.constant 0 : i32
    %dma_start3A_595 = tpu.memref_slice %arg6[%dma_start3A_590, %dma_start3A_593, %dma_start3A_594] : memref<2x512x32xf32, #tpu.memory_space<vmem>> -> memref<1x512x32xf32, #tpu.memory_space<vmem>>
    %dma_start3A_596 = tpu.memref_squeeze %dma_start3A_595 : memref<1x512x32xf32, #tpu.memory_space<vmem>> -> memref<512x32xf32, #tpu.memory_space<vmem>>
    %dma_start3A_597 = arith.constant 0 : i32
    %dma_start3A_598 = tpu.memref_slice %arg4[%mul3A_2, %dma_start3A_591, %dma_start3A_597] : memref<16384x26x32xf32, #tpu.memory_space<hbm>> -> memref<512x1x32xf32, #tpu.memory_space<hbm>>
    %dma_start3A_599 = tpu.memref_squeeze %dma_start3A_598 : memref<512x1x32xf32, #tpu.memory_space<hbm>> -> memref<512x32xf32, #tpu.memory_space<hbm>>
    %dma_start3A_600 = tpu.memref_slice %arg8[%dma_start3A_592] : memref<2x!tpu.dma_semaphore, #tpu.memory_space<semaphore_mem>> -> memref<1x!tpu.dma_semaphore, #tpu.memory_space<semaphore_mem>>
    %dma_start3A_601 = tpu.memref_squeeze %dma_start3A_600 : memref<1x!tpu.dma_semaphore, #tpu.memory_space<semaphore_mem>> -> memref<!tpu.dma_semaphore, #tpu.memory_space<semaphore_mem>>
    %dma_start3A_602 = arith.constant 0 : i32
    %dma_start3A_603 = tpu.memref_slice %arg4[%mul3A_2, %dma_start3A_591, %dma_start3A_602] : memref<16384x26x32xf32, #tpu.memory_space<hbm>> -> memref<512x1x32xf32, #tpu.memory_space<hbm>>
    %dma_start3A_604 = tpu.memref_squeeze %dma_start3A_603 : memref<512x1x32xf32, #tpu.memory_space<hbm>> -> memref<512x32xf32, #tpu.memory_space<hbm>>
    %dma_start3A_605 = arith.constant 0 : i32
    %dma_start3A_606 = arith.constant 0 : i32
    %dma_start3A_607 = tpu.memref_slice %arg6[%dma_start3A_590, %dma_start3A_605, %dma_start3A_606] : memref<2x512x32xf32, #tpu.memory_space<vmem>> -> memref<1x512x32xf32, #tpu.memory_space<vmem>>
    %dma_start3A_608 = tpu.memref_squeeze %dma_start3A_607 : memref<1x512x32xf32, #tpu.memory_space<vmem>> -> memref<512x32xf32, #tpu.memory_space<vmem>>
    tpu.enqueue_dma source(%dma_start3A_608 : memref<512x32xf32, #tpu.memory_space<vmem>>) target(%dma_start3A_604 : memref<512x32xf32, #tpu.memory_space<hbm>>) target_semaphore(%dma_start3A_601 : memref<!tpu.dma_semaphore, #tpu.memory_space<semaphore_mem>>)
    %dma_wait3A_609 = arith.constant 9 : i32
    %dma_wait3A_610 = arith.constant 1 : i32
    %dma_wait3A_611 = arith.constant 1 : i32
    %dma_wait3A_612 = arith.constant 0 : i32
    %dma_wait3A_613 = arith.constant 0 : i32
    %dma_wait3A_614 = tpu.memref_slice %arg6[%dma_wait3A_610, %dma_wait3A_612, %dma_wait3A_613] : memref<2x512x32xf32, #tpu.memory_space<vmem>> -> memref<1x512x32xf32, #tpu.memory_space<vmem>>
    %dma_wait3A_615 = tpu.memref_squeeze %dma_wait3A_614 : memref<1x512x32xf32, #tpu.memory_space<vmem>> -> memref<512x32xf32, #tpu.memory_space<vmem>>
    %dma_wait3A_616 = arith.constant 0 : i32
    %dma_wait3A_617 = tpu.memref_slice %arg5[%dma_wait3A_609, %dma_wait3A_616] : memref<26x512xi32, #tpu.memory_space<vmem>> -> memref<1x512xi32, #tpu.memory_space<vmem>>
    %dma_wait3A_618 = tpu.memref_squeeze %dma_wait3A_617 : memref<1x512xi32, #tpu.memory_space<vmem>> -> memref<512xi32, #tpu.memory_space<vmem>>
    %dma_wait3A_619 = arith.constant 0 : i32
    %dma_wait3A_620 = arith.constant 0 : i32
    %dma_wait3A_621 = tpu.memref_slice %arg3[%dma_wait3A_619, %dma_wait3A_620] : memref<1000000x32xf32, #tpu.memory_space<hbm>> -> memref<1000000x32xf32, #tpu.memory_space<hbm>>
    %dma_wait3A_622 = tpu.memref_slice %arg7[%dma_wait3A_611] : memref<2x!tpu.dma_semaphore, #tpu.memory_space<semaphore_mem>> -> memref<1x!tpu.dma_semaphore, #tpu.memory_space<semaphore_mem>>
    %dma_wait3A_623 = tpu.memref_squeeze %dma_wait3A_622 : memref<1x!tpu.dma_semaphore, #tpu.memory_space<semaphore_mem>> -> memref<!tpu.dma_semaphore, #tpu.memory_space<semaphore_mem>>
    tpu.wait_indirect_dma semaphore(%dma_wait3A_623 : memref<!tpu.dma_semaphore, #tpu.memory_space<semaphore_mem>>) src(%dma_wait3A_621 : memref<1000000x32xf32, #tpu.memory_space<hbm>>) dst(%dma_wait3A_615 : memref<512x32xf32, #tpu.memory_space<vmem>>)
    %dma_wait3A_624 = arith.constant 0 : i32
    %dma_wait3A_625 = arith.constant 8 : i32
    %dma_wait3A_626 = arith.constant 0 : i32
    %dma_wait3A_627 = arith.constant 0 : i32
    %dma_wait3A_628 = arith.constant 0 : i32
    %dma_wait3A_629 = tpu.memref_slice %arg6[%dma_wait3A_624, %dma_wait3A_627, %dma_wait3A_628] : memref<2x512x32xf32, #tpu.memory_space<vmem>> -> memref<1x512x32xf32, #tpu.memory_space<vmem>>
    %dma_wait3A_630 = tpu.memref_squeeze %dma_wait3A_629 : memref<1x512x32xf32, #tpu.memory_space<vmem>> -> memref<512x32xf32, #tpu.memory_space<vmem>>
    %dma_wait3A_631 = arith.constant 0 : i32
    %dma_wait3A_632 = tpu.memref_slice %arg4[%mul3A_2, %dma_wait3A_625, %dma_wait3A_631] : memref<16384x26x32xf32, #tpu.memory_space<hbm>> -> memref<512x1x32xf32, #tpu.memory_space<hbm>>
    %dma_wait3A_633 = tpu.memref_squeeze %dma_wait3A_632 : memref<512x1x32xf32, #tpu.memory_space<hbm>> -> memref<512x32xf32, #tpu.memory_space<hbm>>
    %dma_wait3A_634 = tpu.memref_slice %arg8[%dma_wait3A_626] : memref<2x!tpu.dma_semaphore, #tpu.memory_space<semaphore_mem>> -> memref<1x!tpu.dma_semaphore, #tpu.memory_space<semaphore_mem>>
    %dma_wait3A_635 = tpu.memref_squeeze %dma_wait3A_634 : memref<1x!tpu.dma_semaphore, #tpu.memory_space<semaphore_mem>> -> memref<!tpu.dma_semaphore, #tpu.memory_space<semaphore_mem>>
    %dma_wait3A_636 = arith.constant 0 : i32
    %dma_wait3A_637 = tpu.memref_slice %arg4[%mul3A_2, %dma_wait3A_625, %dma_wait3A_636] : memref<16384x26x32xf32, #tpu.memory_space<hbm>> -> memref<512x1x32xf32, #tpu.memory_space<hbm>>
    %dma_wait3A_638 = tpu.memref_squeeze %dma_wait3A_637 : memref<512x1x32xf32, #tpu.memory_space<hbm>> -> memref<512x32xf32, #tpu.memory_space<hbm>>
    %dma_wait3A_639 = arith.constant 0 : i32
    %dma_wait3A_640 = arith.constant 0 : i32
    %dma_wait3A_641 = tpu.memref_slice %arg6[%dma_wait3A_624, %dma_wait3A_639, %dma_wait3A_640] : memref<2x512x32xf32, #tpu.memory_space<vmem>> -> memref<1x512x32xf32, #tpu.memory_space<vmem>>
    %dma_wait3A_642 = tpu.memref_squeeze %dma_wait3A_641 : memref<1x512x32xf32, #tpu.memory_space<vmem>> -> memref<512x32xf32, #tpu.memory_space<vmem>>
    tpu.wait_dma2 semaphore(%dma_wait3A_635 : memref<!tpu.dma_semaphore, #tpu.memory_space<semaphore_mem>>) src(%dma_wait3A_642 : memref<512x32xf32, #tpu.memory_space<vmem>>) dst(%dma_wait3A_638 : memref<512x32xf32, #tpu.memory_space<hbm>>)
    %dma_start3A_643 = arith.constant 10 : i32
    %dma_start3A_644 = arith.constant 0 : i32
    %dma_start3A_645 = arith.constant 0 : i32
    %dma_start3A_646 = arith.constant 0 : i32
    %dma_start3A_647 = arith.constant 0 : i32
    %dma_start3A_648 = tpu.memref_slice %arg6[%dma_start3A_644, %dma_start3A_646, %dma_start3A_647] : memref<2x512x32xf32, #tpu.memory_space<vmem>> -> memref<1x512x32xf32, #tpu.memory_space<vmem>>
    %dma_start3A_649 = tpu.memref_squeeze %dma_start3A_648 : memref<1x512x32xf32, #tpu.memory_space<vmem>> -> memref<512x32xf32, #tpu.memory_space<vmem>>
    %dma_start3A_650 = arith.constant 0 : i32
    %dma_start3A_651 = tpu.memref_slice %arg5[%dma_start3A_643, %dma_start3A_650] : memref<26x512xi32, #tpu.memory_space<vmem>> -> memref<1x512xi32, #tpu.memory_space<vmem>>
    %dma_start3A_652 = tpu.memref_squeeze %dma_start3A_651 : memref<1x512xi32, #tpu.memory_space<vmem>> -> memref<512xi32, #tpu.memory_space<vmem>>
    %dma_start3A_653 = arith.constant 0 : i32
    %dma_start3A_654 = arith.constant 0 : i32
    %dma_start3A_655 = tpu.memref_slice %arg3[%dma_start3A_653, %dma_start3A_654] : memref<1000000x32xf32, #tpu.memory_space<hbm>> -> memref<1000000x32xf32, #tpu.memory_space<hbm>>
    %dma_start3A_656 = tpu.memref_slice %arg7[%dma_start3A_645] : memref<2x!tpu.dma_semaphore, #tpu.memory_space<semaphore_mem>> -> memref<1x!tpu.dma_semaphore, #tpu.memory_space<semaphore_mem>>
    %dma_start3A_657 = tpu.memref_squeeze %dma_start3A_656 : memref<1x!tpu.dma_semaphore, #tpu.memory_space<semaphore_mem>> -> memref<!tpu.dma_semaphore, #tpu.memory_space<semaphore_mem>>
    tpu.enqueue_indirect_dma source(%dma_start3A_655 : memref<1000000x32xf32, #tpu.memory_space<hbm>>) target(%dma_start3A_649 : memref<512x32xf32, #tpu.memory_space<vmem>>) offsets(%dma_start3A_652 : memref<512xi32, #tpu.memory_space<vmem>>) semaphore(%dma_start3A_657 : memref<!tpu.dma_semaphore, #tpu.memory_space<semaphore_mem>>)
    %dma_start3A_658 = arith.constant 1 : i32
    %dma_start3A_659 = arith.constant 9 : i32
    %dma_start3A_660 = arith.constant 1 : i32
    %dma_start3A_661 = arith.constant 0 : i32
    %dma_start3A_662 = arith.constant 0 : i32
    %dma_start3A_663 = tpu.memref_slice %arg6[%dma_start3A_658, %dma_start3A_661, %dma_start3A_662] : memref<2x512x32xf32, #tpu.memory_space<vmem>> -> memref<1x512x32xf32, #tpu.memory_space<vmem>>
    %dma_start3A_664 = tpu.memref_squeeze %dma_start3A_663 : memref<1x512x32xf32, #tpu.memory_space<vmem>> -> memref<512x32xf32, #tpu.memory_space<vmem>>
    %dma_start3A_665 = arith.constant 0 : i32
    %dma_start3A_666 = tpu.memref_slice %arg4[%mul3A_2, %dma_start3A_659, %dma_start3A_665] : memref<16384x26x32xf32, #tpu.memory_space<hbm>> -> memref<512x1x32xf32, #tpu.memory_space<hbm>>
    %dma_start3A_667 = tpu.memref_squeeze %dma_start3A_666 : memref<512x1x32xf32, #tpu.memory_space<hbm>> -> memref<512x32xf32, #tpu.memory_space<hbm>>
    %dma_start3A_668 = tpu.memref_slice %arg8[%dma_start3A_660] : memref<2x!tpu.dma_semaphore, #tpu.memory_space<semaphore_mem>> -> memref<1x!tpu.dma_semaphore, #tpu.memory_space<semaphore_mem>>
    %dma_start3A_669 = tpu.memref_squeeze %dma_start3A_668 : memref<1x!tpu.dma_semaphore, #tpu.memory_space<semaphore_mem>> -> memref<!tpu.dma_semaphore, #tpu.memory_space<semaphore_mem>>
    %dma_start3A_670 = arith.constant 0 : i32
    %dma_start3A_671 = tpu.memref_slice %arg4[%mul3A_2, %dma_start3A_659, %dma_start3A_670] : memref<16384x26x32xf32, #tpu.memory_space<hbm>> -> memref<512x1x32xf32, #tpu.memory_space<hbm>>
    %dma_start3A_672 = tpu.memref_squeeze %dma_start3A_671 : memref<512x1x32xf32, #tpu.memory_space<hbm>> -> memref<512x32xf32, #tpu.memory_space<hbm>>
    %dma_start3A_673 = arith.constant 0 : i32
    %dma_start3A_674 = arith.constant 0 : i32
    %dma_start3A_675 = tpu.memref_slice %arg6[%dma_start3A_658, %dma_start3A_673, %dma_start3A_674] : memref<2x512x32xf32, #tpu.memory_space<vmem>> -> memref<1x512x32xf32, #tpu.memory_space<vmem>>
    %dma_start3A_676 = tpu.memref_squeeze %dma_start3A_675 : memref<1x512x32xf32, #tpu.memory_space<vmem>> -> memref<512x32xf32, #tpu.memory_space<vmem>>
    tpu.enqueue_dma source(%dma_start3A_676 : memref<512x32xf32, #tpu.memory_space<vmem>>) target(%dma_start3A_672 : memref<512x32xf32, #tpu.memory_space<hbm>>) target_semaphore(%dma_start3A_669 : memref<!tpu.dma_semaphore, #tpu.memory_space<semaphore_mem>>)
    %dma_wait3A_677 = arith.constant 10 : i32
    %dma_wait3A_678 = arith.constant 0 : i32
    %dma_wait3A_679 = arith.constant 0 : i32
    %dma_wait3A_680 = arith.constant 0 : i32
    %dma_wait3A_681 = arith.constant 0 : i32
    %dma_wait3A_682 = tpu.memref_slice %arg6[%dma_wait3A_678, %dma_wait3A_680, %dma_wait3A_681] : memref<2x512x32xf32, #tpu.memory_space<vmem>> -> memref<1x512x32xf32, #tpu.memory_space<vmem>>
    %dma_wait3A_683 = tpu.memref_squeeze %dma_wait3A_682 : memref<1x512x32xf32, #tpu.memory_space<vmem>> -> memref<512x32xf32, #tpu.memory_space<vmem>>
    %dma_wait3A_684 = arith.constant 0 : i32
    %dma_wait3A_685 = tpu.memref_slice %arg5[%dma_wait3A_677, %dma_wait3A_684] : memref<26x512xi32, #tpu.memory_space<vmem>> -> memref<1x512xi32, #tpu.memory_space<vmem>>
    %dma_wait3A_686 = tpu.memref_squeeze %dma_wait3A_685 : memref<1x512xi32, #tpu.memory_space<vmem>> -> memref<512xi32, #tpu.memory_space<vmem>>
    %dma_wait3A_687 = arith.constant 0 : i32
    %dma_wait3A_688 = arith.constant 0 : i32
    %dma_wait3A_689 = tpu.memref_slice %arg3[%dma_wait3A_687, %dma_wait3A_688] : memref<1000000x32xf32, #tpu.memory_space<hbm>> -> memref<1000000x32xf32, #tpu.memory_space<hbm>>
    %dma_wait3A_690 = tpu.memref_slice %arg7[%dma_wait3A_679] : memref<2x!tpu.dma_semaphore, #tpu.memory_space<semaphore_mem>> -> memref<1x!tpu.dma_semaphore, #tpu.memory_space<semaphore_mem>>
    %dma_wait3A_691 = tpu.memref_squeeze %dma_wait3A_690 : memref<1x!tpu.dma_semaphore, #tpu.memory_space<semaphore_mem>> -> memref<!tpu.dma_semaphore, #tpu.memory_space<semaphore_mem>>
    tpu.wait_indirect_dma semaphore(%dma_wait3A_691 : memref<!tpu.dma_semaphore, #tpu.memory_space<semaphore_mem>>) src(%dma_wait3A_689 : memref<1000000x32xf32, #tpu.memory_space<hbm>>) dst(%dma_wait3A_683 : memref<512x32xf32, #tpu.memory_space<vmem>>)
    %dma_wait3A_692 = arith.constant 1 : i32
    %dma_wait3A_693 = arith.constant 9 : i32
    %dma_wait3A_694 = arith.constant 1 : i32
    %dma_wait3A_695 = arith.constant 0 : i32
    %dma_wait3A_696 = arith.constant 0 : i32
    %dma_wait3A_697 = tpu.memref_slice %arg6[%dma_wait3A_692, %dma_wait3A_695, %dma_wait3A_696] : memref<2x512x32xf32, #tpu.memory_space<vmem>> -> memref<1x512x32xf32, #tpu.memory_space<vmem>>
    %dma_wait3A_698 = tpu.memref_squeeze %dma_wait3A_697 : memref<1x512x32xf32, #tpu.memory_space<vmem>> -> memref<512x32xf32, #tpu.memory_space<vmem>>
    %dma_wait3A_699 = arith.constant 0 : i32
    %dma_wait3A_700 = tpu.memref_slice %arg4[%mul3A_2, %dma_wait3A_693, %dma_wait3A_699] : memref<16384x26x32xf32, #tpu.memory_space<hbm>> -> memref<512x1x32xf32, #tpu.memory_space<hbm>>
    %dma_wait3A_701 = tpu.memref_squeeze %dma_wait3A_700 : memref<512x1x32xf32, #tpu.memory_space<hbm>> -> memref<512x32xf32, #tpu.memory_space<hbm>>
    %dma_wait3A_702 = tpu.memref_slice %arg8[%dma_wait3A_694] : memref<2x!tpu.dma_semaphore, #tpu.memory_space<semaphore_mem>> -> memref<1x!tpu.dma_semaphore, #tpu.memory_space<semaphore_mem>>
    %dma_wait3A_703 = tpu.memref_squeeze %dma_wait3A_702 : memref<1x!tpu.dma_semaphore, #tpu.memory_space<semaphore_mem>> -> memref<!tpu.dma_semaphore, #tpu.memory_space<semaphore_mem>>
    %dma_wait3A_704 = arith.constant 0 : i32
    %dma_wait3A_705 = tpu.memref_slice %arg4[%mul3A_2, %dma_wait3A_693, %dma_wait3A_704] : memref<16384x26x32xf32, #tpu.memory_space<hbm>> -> memref<512x1x32xf32, #tpu.memory_space<hbm>>
    %dma_wait3A_706 = tpu.memref_squeeze %dma_wait3A_705 : memref<512x1x32xf32, #tpu.memory_space<hbm>> -> memref<512x32xf32, #tpu.memory_space<hbm>>
    %dma_wait3A_707 = arith.constant 0 : i32
    %dma_wait3A_708 = arith.constant 0 : i32
    %dma_wait3A_709 = tpu.memref_slice %arg6[%dma_wait3A_692, %dma_wait3A_707, %dma_wait3A_708] : memref<2x512x32xf32, #tpu.memory_space<vmem>> -> memref<1x512x32xf32, #tpu.memory_space<vmem>>
    %dma_wait3A_710 = tpu.memref_squeeze %dma_wait3A_709 : memref<1x512x32xf32, #tpu.memory_space<vmem>> -> memref<512x32xf32, #tpu.memory_space<vmem>>
    tpu.wait_dma2 semaphore(%dma_wait3A_703 : memref<!tpu.dma_semaphore, #tpu.memory_space<semaphore_mem>>) src(%dma_wait3A_710 : memref<512x32xf32, #tpu.memory_space<vmem>>) dst(%dma_wait3A_706 : memref<512x32xf32, #tpu.memory_space<hbm>>)
    %dma_start3A_711 = arith.constant 11 : i32
    %dma_start3A_712 = arith.constant 1 : i32
    %dma_start3A_713 = arith.constant 1 : i32
    %dma_start3A_714 = arith.constant 0 : i32
    %dma_start3A_715 = arith.constant 0 : i32
    %dma_start3A_716 = tpu.memref_slice %arg6[%dma_start3A_712, %dma_start3A_714, %dma_start3A_715] : memref<2x512x32xf32, #tpu.memory_space<vmem>> -> memref<1x512x32xf32, #tpu.memory_space<vmem>>
    %dma_start3A_717 = tpu.memref_squeeze %dma_start3A_716 : memref<1x512x32xf32, #tpu.memory_space<vmem>> -> memref<512x32xf32, #tpu.memory_space<vmem>>
    %dma_start3A_718 = arith.constant 0 : i32
    %dma_start3A_719 = tpu.memref_slice %arg5[%dma_start3A_711, %dma_start3A_718] : memref<26x512xi32, #tpu.memory_space<vmem>> -> memref<1x512xi32, #tpu.memory_space<vmem>>
    %dma_start3A_720 = tpu.memref_squeeze %dma_start3A_719 : memref<1x512xi32, #tpu.memory_space<vmem>> -> memref<512xi32, #tpu.memory_space<vmem>>
    %dma_start3A_721 = arith.constant 0 : i32
    %dma_start3A_722 = arith.constant 0 : i32
    %dma_start3A_723 = tpu.memref_slice %arg3[%dma_start3A_721, %dma_start3A_722] : memref<1000000x32xf32, #tpu.memory_space<hbm>> -> memref<1000000x32xf32, #tpu.memory_space<hbm>>
    %dma_start3A_724 = tpu.memref_slice %arg7[%dma_start3A_713] : memref<2x!tpu.dma_semaphore, #tpu.memory_space<semaphore_mem>> -> memref<1x!tpu.dma_semaphore, #tpu.memory_space<semaphore_mem>>
    %dma_start3A_725 = tpu.memref_squeeze %dma_start3A_724 : memref<1x!tpu.dma_semaphore, #tpu.memory_space<semaphore_mem>> -> memref<!tpu.dma_semaphore, #tpu.memory_space<semaphore_mem>>
    tpu.enqueue_indirect_dma source(%dma_start3A_723 : memref<1000000x32xf32, #tpu.memory_space<hbm>>) target(%dma_start3A_717 : memref<512x32xf32, #tpu.memory_space<vmem>>) offsets(%dma_start3A_720 : memref<512xi32, #tpu.memory_space<vmem>>) semaphore(%dma_start3A_725 : memref<!tpu.dma_semaphore, #tpu.memory_space<semaphore_mem>>)
    %dma_start3A_726 = arith.constant 0 : i32
    %dma_start3A_727 = arith.constant 10 : i32
    %dma_start3A_728 = arith.constant 0 : i32
    %dma_start3A_729 = arith.constant 0 : i32
    %dma_start3A_730 = arith.constant 0 : i32
    %dma_start3A_731 = tpu.memref_slice %arg6[%dma_start3A_726, %dma_start3A_729, %dma_start3A_730] : memref<2x512x32xf32, #tpu.memory_space<vmem>> -> memref<1x512x32xf32, #tpu.memory_space<vmem>>
    %dma_start3A_732 = tpu.memref_squeeze %dma_start3A_731 : memref<1x512x32xf32, #tpu.memory_space<vmem>> -> memref<512x32xf32, #tpu.memory_space<vmem>>
    %dma_start3A_733 = arith.constant 0 : i32
    %dma_start3A_734 = tpu.memref_slice %arg4[%mul3A_2, %dma_start3A_727, %dma_start3A_733] : memref<16384x26x32xf32, #tpu.memory_space<hbm>> -> memref<512x1x32xf32, #tpu.memory_space<hbm>>
    %dma_start3A_735 = tpu.memref_squeeze %dma_start3A_734 : memref<512x1x32xf32, #tpu.memory_space<hbm>> -> memref<512x32xf32, #tpu.memory_space<hbm>>
    %dma_start3A_736 = tpu.memref_slice %arg8[%dma_start3A_728] : memref<2x!tpu.dma_semaphore, #tpu.memory_space<semaphore_mem>> -> memref<1x!tpu.dma_semaphore, #tpu.memory_space<semaphore_mem>>
    %dma_start3A_737 = tpu.memref_squeeze %dma_start3A_736 : memref<1x!tpu.dma_semaphore, #tpu.memory_space<semaphore_mem>> -> memref<!tpu.dma_semaphore, #tpu.memory_space<semaphore_mem>>
    %dma_start3A_738 = arith.constant 0 : i32
    %dma_start3A_739 = tpu.memref_slice %arg4[%mul3A_2, %dma_start3A_727, %dma_start3A_738] : memref<16384x26x32xf32, #tpu.memory_space<hbm>> -> memref<512x1x32xf32, #tpu.memory_space<hbm>>
    %dma_start3A_740 = tpu.memref_squeeze %dma_start3A_739 : memref<512x1x32xf32, #tpu.memory_space<hbm>> -> memref<512x32xf32, #tpu.memory_space<hbm>>
    %dma_start3A_741 = arith.constant 0 : i32
    %dma_start3A_742 = arith.constant 0 : i32
    %dma_start3A_743 = tpu.memref_slice %arg6[%dma_start3A_726, %dma_start3A_741, %dma_start3A_742] : memref<2x512x32xf32, #tpu.memory_space<vmem>> -> memref<1x512x32xf32, #tpu.memory_space<vmem>>
    %dma_start3A_744 = tpu.memref_squeeze %dma_start3A_743 : memref<1x512x32xf32, #tpu.memory_space<vmem>> -> memref<512x32xf32, #tpu.memory_space<vmem>>
    tpu.enqueue_dma source(%dma_start3A_744 : memref<512x32xf32, #tpu.memory_space<vmem>>) target(%dma_start3A_740 : memref<512x32xf32, #tpu.memory_space<hbm>>) target_semaphore(%dma_start3A_737 : memref<!tpu.dma_semaphore, #tpu.memory_space<semaphore_mem>>)
    %dma_wait3A_745 = arith.constant 11 : i32
    %dma_wait3A_746 = arith.constant 1 : i32
    %dma_wait3A_747 = arith.constant 1 : i32
    %dma_wait3A_748 = arith.constant 0 : i32
    %dma_wait3A_749 = arith.constant 0 : i32
    %dma_wait3A_750 = tpu.memref_slice %arg6[%dma_wait3A_746, %dma_wait3A_748, %dma_wait3A_749] : memref<2x512x32xf32, #tpu.memory_space<vmem>> -> memref<1x512x32xf32, #tpu.memory_space<vmem>>
    %dma_wait3A_751 = tpu.memref_squeeze %dma_wait3A_750 : memref<1x512x32xf32, #tpu.memory_space<vmem>> -> memref<512x32xf32, #tpu.memory_space<vmem>>
    %dma_wait3A_752 = arith.constant 0 : i32
    %dma_wait3A_753 = tpu.memref_slice %arg5[%dma_wait3A_745, %dma_wait3A_752] : memref<26x512xi32, #tpu.memory_space<vmem>> -> memref<1x512xi32, #tpu.memory_space<vmem>>
    %dma_wait3A_754 = tpu.memref_squeeze %dma_wait3A_753 : memref<1x512xi32, #tpu.memory_space<vmem>> -> memref<512xi32, #tpu.memory_space<vmem>>
    %dma_wait3A_755 = arith.constant 0 : i32
    %dma_wait3A_756 = arith.constant 0 : i32
    %dma_wait3A_757 = tpu.memref_slice %arg3[%dma_wait3A_755, %dma_wait3A_756] : memref<1000000x32xf32, #tpu.memory_space<hbm>> -> memref<1000000x32xf32, #tpu.memory_space<hbm>>
    %dma_wait3A_758 = tpu.memref_slice %arg7[%dma_wait3A_747] : memref<2x!tpu.dma_semaphore, #tpu.memory_space<semaphore_mem>> -> memref<1x!tpu.dma_semaphore, #tpu.memory_space<semaphore_mem>>
    %dma_wait3A_759 = tpu.memref_squeeze %dma_wait3A_758 : memref<1x!tpu.dma_semaphore, #tpu.memory_space<semaphore_mem>> -> memref<!tpu.dma_semaphore, #tpu.memory_space<semaphore_mem>>
    tpu.wait_indirect_dma semaphore(%dma_wait3A_759 : memref<!tpu.dma_semaphore, #tpu.memory_space<semaphore_mem>>) src(%dma_wait3A_757 : memref<1000000x32xf32, #tpu.memory_space<hbm>>) dst(%dma_wait3A_751 : memref<512x32xf32, #tpu.memory_space<vmem>>)
    %dma_wait3A_760 = arith.constant 0 : i32
    %dma_wait3A_761 = arith.constant 10 : i32
    %dma_wait3A_762 = arith.constant 0 : i32
    %dma_wait3A_763 = arith.constant 0 : i32
    %dma_wait3A_764 = arith.constant 0 : i32
    %dma_wait3A_765 = tpu.memref_slice %arg6[%dma_wait3A_760, %dma_wait3A_763, %dma_wait3A_764] : memref<2x512x32xf32, #tpu.memory_space<vmem>> -> memref<1x512x32xf32, #tpu.memory_space<vmem>>
    %dma_wait3A_766 = tpu.memref_squeeze %dma_wait3A_765 : memref<1x512x32xf32, #tpu.memory_space<vmem>> -> memref<512x32xf32, #tpu.memory_space<vmem>>
    %dma_wait3A_767 = arith.constant 0 : i32
    %dma_wait3A_768 = tpu.memref_slice %arg4[%mul3A_2, %dma_wait3A_761, %dma_wait3A_767] : memref<16384x26x32xf32, #tpu.memory_space<hbm>> -> memref<512x1x32xf32, #tpu.memory_space<hbm>>
    %dma_wait3A_769 = tpu.memref_squeeze %dma_wait3A_768 : memref<512x1x32xf32, #tpu.memory_space<hbm>> -> memref<512x32xf32, #tpu.memory_space<hbm>>
    %dma_wait3A_770 = tpu.memref_slice %arg8[%dma_wait3A_762] : memref<2x!tpu.dma_semaphore, #tpu.memory_space<semaphore_mem>> -> memref<1x!tpu.dma_semaphore, #tpu.memory_space<semaphore_mem>>
    %dma_wait3A_771 = tpu.memref_squeeze %dma_wait3A_770 : memref<1x!tpu.dma_semaphore, #tpu.memory_space<semaphore_mem>> -> memref<!tpu.dma_semaphore, #tpu.memory_space<semaphore_mem>>
    %dma_wait3A_772 = arith.constant 0 : i32
    %dma_wait3A_773 = tpu.memref_slice %arg4[%mul3A_2, %dma_wait3A_761, %dma_wait3A_772] : memref<16384x26x32xf32, #tpu.memory_space<hbm>> -> memref<512x1x32xf32, #tpu.memory_space<hbm>>
    %dma_wait3A_774 = tpu.memref_squeeze %dma_wait3A_773 : memref<512x1x32xf32, #tpu.memory_space<hbm>> -> memref<512x32xf32, #tpu.memory_space<hbm>>
    %dma_wait3A_775 = arith.constant 0 : i32
    %dma_wait3A_776 = arith.constant 0 : i32
    %dma_wait3A_777 = tpu.memref_slice %arg6[%dma_wait3A_760, %dma_wait3A_775, %dma_wait3A_776] : memref<2x512x32xf32, #tpu.memory_space<vmem>> -> memref<1x512x32xf32, #tpu.memory_space<vmem>>
    %dma_wait3A_778 = tpu.memref_squeeze %dma_wait3A_777 : memref<1x512x32xf32, #tpu.memory_space<vmem>> -> memref<512x32xf32, #tpu.memory_space<vmem>>
    tpu.wait_dma2 semaphore(%dma_wait3A_771 : memref<!tpu.dma_semaphore, #tpu.memory_space<semaphore_mem>>) src(%dma_wait3A_778 : memref<512x32xf32, #tpu.memory_space<vmem>>) dst(%dma_wait3A_774 : memref<512x32xf32, #tpu.memory_space<hbm>>)
    %dma_start3A_779 = arith.constant 12 : i32
    %dma_start3A_780 = arith.constant 0 : i32
    %dma_start3A_781 = arith.constant 0 : i32
    %dma_start3A_782 = arith.constant 0 : i32
    %dma_start3A_783 = arith.constant 0 : i32
    %dma_start3A_784 = tpu.memref_slice %arg6[%dma_start3A_780, %dma_start3A_782, %dma_start3A_783] : memref<2x512x32xf32, #tpu.memory_space<vmem>> -> memref<1x512x32xf32, #tpu.memory_space<vmem>>
    %dma_start3A_785 = tpu.memref_squeeze %dma_start3A_784 : memref<1x512x32xf32, #tpu.memory_space<vmem>> -> memref<512x32xf32, #tpu.memory_space<vmem>>
    %dma_start3A_786 = arith.constant 0 : i32
    %dma_start3A_787 = tpu.memref_slice %arg5[%dma_start3A_779, %dma_start3A_786] : memref<26x512xi32, #tpu.memory_space<vmem>> -> memref<1x512xi32, #tpu.memory_space<vmem>>
    %dma_start3A_788 = tpu.memref_squeeze %dma_start3A_787 : memref<1x512xi32, #tpu.memory_space<vmem>> -> memref<512xi32, #tpu.memory_space<vmem>>
    %dma_start3A_789 = arith.constant 0 : i32
    %dma_start3A_790 = arith.constant 0 : i32
    %dma_start3A_791 = tpu.memref_slice %arg3[%dma_start3A_789, %dma_start3A_790] : memref<1000000x32xf32, #tpu.memory_space<hbm>> -> memref<1000000x32xf32, #tpu.memory_space<hbm>>
    %dma_start3A_792 = tpu.memref_slice %arg7[%dma_start3A_781] : memref<2x!tpu.dma_semaphore, #tpu.memory_space<semaphore_mem>> -> memref<1x!tpu.dma_semaphore, #tpu.memory_space<semaphore_mem>>
    %dma_start3A_793 = tpu.memref_squeeze %dma_start3A_792 : memref<1x!tpu.dma_semaphore, #tpu.memory_space<semaphore_mem>> -> memref<!tpu.dma_semaphore, #tpu.memory_space<semaphore_mem>>
    tpu.enqueue_indirect_dma source(%dma_start3A_791 : memref<1000000x32xf32, #tpu.memory_space<hbm>>) target(%dma_start3A_785 : memref<512x32xf32, #tpu.memory_space<vmem>>) offsets(%dma_start3A_788 : memref<512xi32, #tpu.memory_space<vmem>>) semaphore(%dma_start3A_793 : memref<!tpu.dma_semaphore, #tpu.memory_space<semaphore_mem>>)
    %dma_start3A_794 = arith.constant 1 : i32
    %dma_start3A_795 = arith.constant 11 : i32
    %dma_start3A_796 = arith.constant 1 : i32
    %dma_start3A_797 = arith.constant 0 : i32
    %dma_start3A_798 = arith.constant 0 : i32
    %dma_start3A_799 = tpu.memref_slice %arg6[%dma_start3A_794, %dma_start3A_797, %dma_start3A_798] : memref<2x512x32xf32, #tpu.memory_space<vmem>> -> memref<1x512x32xf32, #tpu.memory_space<vmem>>
    %dma_start3A_800 = tpu.memref_squeeze %dma_start3A_799 : memref<1x512x32xf32, #tpu.memory_space<vmem>> -> memref<512x32xf32, #tpu.memory_space<vmem>>
    %dma_start3A_801 = arith.constant 0 : i32
    %dma_start3A_802 = tpu.memref_slice %arg4[%mul3A_2, %dma_start3A_795, %dma_start3A_801] : memref<16384x26x32xf32, #tpu.memory_space<hbm>> -> memref<512x1x32xf32, #tpu.memory_space<hbm>>
    %dma_start3A_803 = tpu.memref_squeeze %dma_start3A_802 : memref<512x1x32xf32, #tpu.memory_space<hbm>> -> memref<512x32xf32, #tpu.memory_space<hbm>>
    %dma_start3A_804 = tpu.memref_slice %arg8[%dma_start3A_796] : memref<2x!tpu.dma_semaphore, #tpu.memory_space<semaphore_mem>> -> memref<1x!tpu.dma_semaphore, #tpu.memory_space<semaphore_mem>>
    %dma_start3A_805 = tpu.memref_squeeze %dma_start3A_804 : memref<1x!tpu.dma_semaphore, #tpu.memory_space<semaphore_mem>> -> memref<!tpu.dma_semaphore, #tpu.memory_space<semaphore_mem>>
    %dma_start3A_806 = arith.constant 0 : i32
    %dma_start3A_807 = tpu.memref_slice %arg4[%mul3A_2, %dma_start3A_795, %dma_start3A_806] : memref<16384x26x32xf32, #tpu.memory_space<hbm>> -> memref<512x1x32xf32, #tpu.memory_space<hbm>>
    %dma_start3A_808 = tpu.memref_squeeze %dma_start3A_807 : memref<512x1x32xf32, #tpu.memory_space<hbm>> -> memref<512x32xf32, #tpu.memory_space<hbm>>
    %dma_start3A_809 = arith.constant 0 : i32
    %dma_start3A_810 = arith.constant 0 : i32
    %dma_start3A_811 = tpu.memref_slice %arg6[%dma_start3A_794, %dma_start3A_809, %dma_start3A_810] : memref<2x512x32xf32, #tpu.memory_space<vmem>> -> memref<1x512x32xf32, #tpu.memory_space<vmem>>
    %dma_start3A_812 = tpu.memref_squeeze %dma_start3A_811 : memref<1x512x32xf32, #tpu.memory_space<vmem>> -> memref<512x32xf32, #tpu.memory_space<vmem>>
    tpu.enqueue_dma source(%dma_start3A_812 : memref<512x32xf32, #tpu.memory_space<vmem>>) target(%dma_start3A_808 : memref<512x32xf32, #tpu.memory_space<hbm>>) target_semaphore(%dma_start3A_805 : memref<!tpu.dma_semaphore, #tpu.memory_space<semaphore_mem>>)
    %dma_wait3A_813 = arith.constant 12 : i32
    %dma_wait3A_814 = arith.constant 0 : i32
    %dma_wait3A_815 = arith.constant 0 : i32
    %dma_wait3A_816 = arith.constant 0 : i32
    %dma_wait3A_817 = arith.constant 0 : i32
    %dma_wait3A_818 = tpu.memref_slice %arg6[%dma_wait3A_814, %dma_wait3A_816, %dma_wait3A_817] : memref<2x512x32xf32, #tpu.memory_space<vmem>> -> memref<1x512x32xf32, #tpu.memory_space<vmem>>
    %dma_wait3A_819 = tpu.memref_squeeze %dma_wait3A_818 : memref<1x512x32xf32, #tpu.memory_space<vmem>> -> memref<512x32xf32, #tpu.memory_space<vmem>>
    %dma_wait3A_820 = arith.constant 0 : i32
    %dma_wait3A_821 = tpu.memref_slice %arg5[%dma_wait3A_813, %dma_wait3A_820] : memref<26x512xi32, #tpu.memory_space<vmem>> -> memref<1x512xi32, #tpu.memory_space<vmem>>
    %dma_wait3A_822 = tpu.memref_squeeze %dma_wait3A_821 : memref<1x512xi32, #tpu.memory_space<vmem>> -> memref<512xi32, #tpu.memory_space<vmem>>
    %dma_wait3A_823 = arith.constant 0 : i32
    %dma_wait3A_824 = arith.constant 0 : i32
    %dma_wait3A_825 = tpu.memref_slice %arg3[%dma_wait3A_823, %dma_wait3A_824] : memref<1000000x32xf32, #tpu.memory_space<hbm>> -> memref<1000000x32xf32, #tpu.memory_space<hbm>>
    %dma_wait3A_826 = tpu.memref_slice %arg7[%dma_wait3A_815] : memref<2x!tpu.dma_semaphore, #tpu.memory_space<semaphore_mem>> -> memref<1x!tpu.dma_semaphore, #tpu.memory_space<semaphore_mem>>
    %dma_wait3A_827 = tpu.memref_squeeze %dma_wait3A_826 : memref<1x!tpu.dma_semaphore, #tpu.memory_space<semaphore_mem>> -> memref<!tpu.dma_semaphore, #tpu.memory_space<semaphore_mem>>
    tpu.wait_indirect_dma semaphore(%dma_wait3A_827 : memref<!tpu.dma_semaphore, #tpu.memory_space<semaphore_mem>>) src(%dma_wait3A_825 : memref<1000000x32xf32, #tpu.memory_space<hbm>>) dst(%dma_wait3A_819 : memref<512x32xf32, #tpu.memory_space<vmem>>)
    %dma_wait3A_828 = arith.constant 1 : i32
    %dma_wait3A_829 = arith.constant 11 : i32
    %dma_wait3A_830 = arith.constant 1 : i32
    %dma_wait3A_831 = arith.constant 0 : i32
    %dma_wait3A_832 = arith.constant 0 : i32
    %dma_wait3A_833 = tpu.memref_slice %arg6[%dma_wait3A_828, %dma_wait3A_831, %dma_wait3A_832] : memref<2x512x32xf32, #tpu.memory_space<vmem>> -> memref<1x512x32xf32, #tpu.memory_space<vmem>>
    %dma_wait3A_834 = tpu.memref_squeeze %dma_wait3A_833 : memref<1x512x32xf32, #tpu.memory_space<vmem>> -> memref<512x32xf32, #tpu.memory_space<vmem>>
    %dma_wait3A_835 = arith.constant 0 : i32
    %dma_wait3A_836 = tpu.memref_slice %arg4[%mul3A_2, %dma_wait3A_829, %dma_wait3A_835] : memref<16384x26x32xf32, #tpu.memory_space<hbm>> -> memref<512x1x32xf32, #tpu.memory_space<hbm>>
    %dma_wait3A_837 = tpu.memref_squeeze %dma_wait3A_836 : memref<512x1x32xf32, #tpu.memory_space<hbm>> -> memref<512x32xf32, #tpu.memory_space<hbm>>
    %dma_wait3A_838 = tpu.memref_slice %arg8[%dma_wait3A_830] : memref<2x!tpu.dma_semaphore, #tpu.memory_space<semaphore_mem>> -> memref<1x!tpu.dma_semaphore, #tpu.memory_space<semaphore_mem>>
    %dma_wait3A_839 = tpu.memref_squeeze %dma_wait3A_838 : memref<1x!tpu.dma_semaphore, #tpu.memory_space<semaphore_mem>> -> memref<!tpu.dma_semaphore, #tpu.memory_space<semaphore_mem>>
    %dma_wait3A_840 = arith.constant 0 : i32
    %dma_wait3A_841 = tpu.memref_slice %arg4[%mul3A_2, %dma_wait3A_829, %dma_wait3A_840] : memref<16384x26x32xf32, #tpu.memory_space<hbm>> -> memref<512x1x32xf32, #tpu.memory_space<hbm>>
    %dma_wait3A_842 = tpu.memref_squeeze %dma_wait3A_841 : memref<512x1x32xf32, #tpu.memory_space<hbm>> -> memref<512x32xf32, #tpu.memory_space<hbm>>
    %dma_wait3A_843 = arith.constant 0 : i32
    %dma_wait3A_844 = arith.constant 0 : i32
    %dma_wait3A_845 = tpu.memref_slice %arg6[%dma_wait3A_828, %dma_wait3A_843, %dma_wait3A_844] : memref<2x512x32xf32, #tpu.memory_space<vmem>> -> memref<1x512x32xf32, #tpu.memory_space<vmem>>
    %dma_wait3A_846 = tpu.memref_squeeze %dma_wait3A_845 : memref<1x512x32xf32, #tpu.memory_space<vmem>> -> memref<512x32xf32, #tpu.memory_space<vmem>>
    tpu.wait_dma2 semaphore(%dma_wait3A_839 : memref<!tpu.dma_semaphore, #tpu.memory_space<semaphore_mem>>) src(%dma_wait3A_846 : memref<512x32xf32, #tpu.memory_space<vmem>>) dst(%dma_wait3A_842 : memref<512x32xf32, #tpu.memory_space<hbm>>)
    %dma_start3A_847 = arith.constant 13 : i32
    %dma_start3A_848 = arith.constant 1 : i32
    %dma_start3A_849 = arith.constant 1 : i32
    %dma_start3A_850 = arith.constant 0 : i32
    %dma_start3A_851 = arith.constant 0 : i32
    %dma_start3A_852 = tpu.memref_slice %arg6[%dma_start3A_848, %dma_start3A_850, %dma_start3A_851] : memref<2x512x32xf32, #tpu.memory_space<vmem>> -> memref<1x512x32xf32, #tpu.memory_space<vmem>>
    %dma_start3A_853 = tpu.memref_squeeze %dma_start3A_852 : memref<1x512x32xf32, #tpu.memory_space<vmem>> -> memref<512x32xf32, #tpu.memory_space<vmem>>
    %dma_start3A_854 = arith.constant 0 : i32
    %dma_start3A_855 = tpu.memref_slice %arg5[%dma_start3A_847, %dma_start3A_854] : memref<26x512xi32, #tpu.memory_space<vmem>> -> memref<1x512xi32, #tpu.memory_space<vmem>>
    %dma_start3A_856 = tpu.memref_squeeze %dma_start3A_855 : memref<1x512xi32, #tpu.memory_space<vmem>> -> memref<512xi32, #tpu.memory_space<vmem>>
    %dma_start3A_857 = arith.constant 0 : i32
    %dma_start3A_858 = arith.constant 0 : i32
    %dma_start3A_859 = tpu.memref_slice %arg3[%dma_start3A_857, %dma_start3A_858] : memref<1000000x32xf32, #tpu.memory_space<hbm>> -> memref<1000000x32xf32, #tpu.memory_space<hbm>>
    %dma_start3A_860 = tpu.memref_slice %arg7[%dma_start3A_849] : memref<2x!tpu.dma_semaphore, #tpu.memory_space<semaphore_mem>> -> memref<1x!tpu.dma_semaphore, #tpu.memory_space<semaphore_mem>>
    %dma_start3A_861 = tpu.memref_squeeze %dma_start3A_860 : memref<1x!tpu.dma_semaphore, #tpu.memory_space<semaphore_mem>> -> memref<!tpu.dma_semaphore, #tpu.memory_space<semaphore_mem>>
    tpu.enqueue_indirect_dma source(%dma_start3A_859 : memref<1000000x32xf32, #tpu.memory_space<hbm>>) target(%dma_start3A_853 : memref<512x32xf32, #tpu.memory_space<vmem>>) offsets(%dma_start3A_856 : memref<512xi32, #tpu.memory_space<vmem>>) semaphore(%dma_start3A_861 : memref<!tpu.dma_semaphore, #tpu.memory_space<semaphore_mem>>)
    %dma_start3A_862 = arith.constant 0 : i32
    %dma_start3A_863 = arith.constant 12 : i32
    %dma_start3A_864 = arith.constant 0 : i32
    %dma_start3A_865 = arith.constant 0 : i32
    %dma_start3A_866 = arith.constant 0 : i32
    %dma_start3A_867 = tpu.memref_slice %arg6[%dma_start3A_862, %dma_start3A_865, %dma_start3A_866] : memref<2x512x32xf32, #tpu.memory_space<vmem>> -> memref<1x512x32xf32, #tpu.memory_space<vmem>>
    %dma_start3A_868 = tpu.memref_squeeze %dma_start3A_867 : memref<1x512x32xf32, #tpu.memory_space<vmem>> -> memref<512x32xf32, #tpu.memory_space<vmem>>
    %dma_start3A_869 = arith.constant 0 : i32
    %dma_start3A_870 = tpu.memref_slice %arg4[%mul3A_2, %dma_start3A_863, %dma_start3A_869] : memref<16384x26x32xf32, #tpu.memory_space<hbm>> -> memref<512x1x32xf32, #tpu.memory_space<hbm>>
    %dma_start3A_871 = tpu.memref_squeeze %dma_start3A_870 : memref<512x1x32xf32, #tpu.memory_space<hbm>> -> memref<512x32xf32, #tpu.memory_space<hbm>>
    %dma_start3A_872 = tpu.memref_slice %arg8[%dma_start3A_864] : memref<2x!tpu.dma_semaphore, #tpu.memory_space<semaphore_mem>> -> memref<1x!tpu.dma_semaphore, #tpu.memory_space<semaphore_mem>>
    %dma_start3A_873 = tpu.memref_squeeze %dma_start3A_872 : memref<1x!tpu.dma_semaphore, #tpu.memory_space<semaphore_mem>> -> memref<!tpu.dma_semaphore, #tpu.memory_space<semaphore_mem>>
    %dma_start3A_874 = arith.constant 0 : i32
    %dma_start3A_875 = tpu.memref_slice %arg4[%mul3A_2, %dma_start3A_863, %dma_start3A_874] : memref<16384x26x32xf32, #tpu.memory_space<hbm>> -> memref<512x1x32xf32, #tpu.memory_space<hbm>>
    %dma_start3A_876 = tpu.memref_squeeze %dma_start3A_875 : memref<512x1x32xf32, #tpu.memory_space<hbm>> -> memref<512x32xf32, #tpu.memory_space<hbm>>
    %dma_start3A_877 = arith.constant 0 : i32
    %dma_start3A_878 = arith.constant 0 : i32
    %dma_start3A_879 = tpu.memref_slice %arg6[%dma_start3A_862, %dma_start3A_877, %dma_start3A_878] : memref<2x512x32xf32, #tpu.memory_space<vmem>> -> memref<1x512x32xf32, #tpu.memory_space<vmem>>
    %dma_start3A_880 = tpu.memref_squeeze %dma_start3A_879 : memref<1x512x32xf32, #tpu.memory_space<vmem>> -> memref<512x32xf32, #tpu.memory_space<vmem>>
    tpu.enqueue_dma source(%dma_start3A_880 : memref<512x32xf32, #tpu.memory_space<vmem>>) target(%dma_start3A_876 : memref<512x32xf32, #tpu.memory_space<hbm>>) target_semaphore(%dma_start3A_873 : memref<!tpu.dma_semaphore, #tpu.memory_space<semaphore_mem>>)
    %dma_wait3A_881 = arith.constant 13 : i32
    %dma_wait3A_882 = arith.constant 1 : i32
    %dma_wait3A_883 = arith.constant 1 : i32
    %dma_wait3A_884 = arith.constant 0 : i32
    %dma_wait3A_885 = arith.constant 0 : i32
    %dma_wait3A_886 = tpu.memref_slice %arg6[%dma_wait3A_882, %dma_wait3A_884, %dma_wait3A_885] : memref<2x512x32xf32, #tpu.memory_space<vmem>> -> memref<1x512x32xf32, #tpu.memory_space<vmem>>
    %dma_wait3A_887 = tpu.memref_squeeze %dma_wait3A_886 : memref<1x512x32xf32, #tpu.memory_space<vmem>> -> memref<512x32xf32, #tpu.memory_space<vmem>>
    %dma_wait3A_888 = arith.constant 0 : i32
    %dma_wait3A_889 = tpu.memref_slice %arg5[%dma_wait3A_881, %dma_wait3A_888] : memref<26x512xi32, #tpu.memory_space<vmem>> -> memref<1x512xi32, #tpu.memory_space<vmem>>
    %dma_wait3A_890 = tpu.memref_squeeze %dma_wait3A_889 : memref<1x512xi32, #tpu.memory_space<vmem>> -> memref<512xi32, #tpu.memory_space<vmem>>
    %dma_wait3A_891 = arith.constant 0 : i32
    %dma_wait3A_892 = arith.constant 0 : i32
    %dma_wait3A_893 = tpu.memref_slice %arg3[%dma_wait3A_891, %dma_wait3A_892] : memref<1000000x32xf32, #tpu.memory_space<hbm>> -> memref<1000000x32xf32, #tpu.memory_space<hbm>>
    %dma_wait3A_894 = tpu.memref_slice %arg7[%dma_wait3A_883] : memref<2x!tpu.dma_semaphore, #tpu.memory_space<semaphore_mem>> -> memref<1x!tpu.dma_semaphore, #tpu.memory_space<semaphore_mem>>
    %dma_wait3A_895 = tpu.memref_squeeze %dma_wait3A_894 : memref<1x!tpu.dma_semaphore, #tpu.memory_space<semaphore_mem>> -> memref<!tpu.dma_semaphore, #tpu.memory_space<semaphore_mem>>
    tpu.wait_indirect_dma semaphore(%dma_wait3A_895 : memref<!tpu.dma_semaphore, #tpu.memory_space<semaphore_mem>>) src(%dma_wait3A_893 : memref<1000000x32xf32, #tpu.memory_space<hbm>>) dst(%dma_wait3A_887 : memref<512x32xf32, #tpu.memory_space<vmem>>)
    %dma_wait3A_896 = arith.constant 0 : i32
    %dma_wait3A_897 = arith.constant 12 : i32
    %dma_wait3A_898 = arith.constant 0 : i32
    %dma_wait3A_899 = arith.constant 0 : i32
    %dma_wait3A_900 = arith.constant 0 : i32
    %dma_wait3A_901 = tpu.memref_slice %arg6[%dma_wait3A_896, %dma_wait3A_899, %dma_wait3A_900] : memref<2x512x32xf32, #tpu.memory_space<vmem>> -> memref<1x512x32xf32, #tpu.memory_space<vmem>>
    %dma_wait3A_902 = tpu.memref_squeeze %dma_wait3A_901 : memref<1x512x32xf32, #tpu.memory_space<vmem>> -> memref<512x32xf32, #tpu.memory_space<vmem>>
    %dma_wait3A_903 = arith.constant 0 : i32
    %dma_wait3A_904 = tpu.memref_slice %arg4[%mul3A_2, %dma_wait3A_897, %dma_wait3A_903] : memref<16384x26x32xf32, #tpu.memory_space<hbm>> -> memref<512x1x32xf32, #tpu.memory_space<hbm>>
    %dma_wait3A_905 = tpu.memref_squeeze %dma_wait3A_904 : memref<512x1x32xf32, #tpu.memory_space<hbm>> -> memref<512x32xf32, #tpu.memory_space<hbm>>
    %dma_wait3A_906 = tpu.memref_slice %arg8[%dma_wait3A_898] : memref<2x!tpu.dma_semaphore, #tpu.memory_space<semaphore_mem>> -> memref<1x!tpu.dma_semaphore, #tpu.memory_space<semaphore_mem>>
    %dma_wait3A_907 = tpu.memref_squeeze %dma_wait3A_906 : memref<1x!tpu.dma_semaphore, #tpu.memory_space<semaphore_mem>> -> memref<!tpu.dma_semaphore, #tpu.memory_space<semaphore_mem>>
    %dma_wait3A_908 = arith.constant 0 : i32
    %dma_wait3A_909 = tpu.memref_slice %arg4[%mul3A_2, %dma_wait3A_897, %dma_wait3A_908] : memref<16384x26x32xf32, #tpu.memory_space<hbm>> -> memref<512x1x32xf32, #tpu.memory_space<hbm>>
    %dma_wait3A_910 = tpu.memref_squeeze %dma_wait3A_909 : memref<512x1x32xf32, #tpu.memory_space<hbm>> -> memref<512x32xf32, #tpu.memory_space<hbm>>
    %dma_wait3A_911 = arith.constant 0 : i32
    %dma_wait3A_912 = arith.constant 0 : i32
    %dma_wait3A_913 = tpu.memref_slice %arg6[%dma_wait3A_896, %dma_wait3A_911, %dma_wait3A_912] : memref<2x512x32xf32, #tpu.memory_space<vmem>> -> memref<1x512x32xf32, #tpu.memory_space<vmem>>
    %dma_wait3A_914 = tpu.memref_squeeze %dma_wait3A_913 : memref<1x512x32xf32, #tpu.memory_space<vmem>> -> memref<512x32xf32, #tpu.memory_space<vmem>>
    tpu.wait_dma2 semaphore(%dma_wait3A_907 : memref<!tpu.dma_semaphore, #tpu.memory_space<semaphore_mem>>) src(%dma_wait3A_914 : memref<512x32xf32, #tpu.memory_space<vmem>>) dst(%dma_wait3A_910 : memref<512x32xf32, #tpu.memory_space<hbm>>)
    %dma_start3A_915 = arith.constant 14 : i32
    %dma_start3A_916 = arith.constant 0 : i32
    %dma_start3A_917 = arith.constant 0 : i32
    %dma_start3A_918 = arith.constant 0 : i32
    %dma_start3A_919 = arith.constant 0 : i32
    %dma_start3A_920 = tpu.memref_slice %arg6[%dma_start3A_916, %dma_start3A_918, %dma_start3A_919] : memref<2x512x32xf32, #tpu.memory_space<vmem>> -> memref<1x512x32xf32, #tpu.memory_space<vmem>>
    %dma_start3A_921 = tpu.memref_squeeze %dma_start3A_920 : memref<1x512x32xf32, #tpu.memory_space<vmem>> -> memref<512x32xf32, #tpu.memory_space<vmem>>
    %dma_start3A_922 = arith.constant 0 : i32
    %dma_start3A_923 = tpu.memref_slice %arg5[%dma_start3A_915, %dma_start3A_922] : memref<26x512xi32, #tpu.memory_space<vmem>> -> memref<1x512xi32, #tpu.memory_space<vmem>>
    %dma_start3A_924 = tpu.memref_squeeze %dma_start3A_923 : memref<1x512xi32, #tpu.memory_space<vmem>> -> memref<512xi32, #tpu.memory_space<vmem>>
    %dma_start3A_925 = arith.constant 0 : i32
    %dma_start3A_926 = arith.constant 0 : i32
    %dma_start3A_927 = tpu.memref_slice %arg3[%dma_start3A_925, %dma_start3A_926] : memref<1000000x32xf32, #tpu.memory_space<hbm>> -> memref<1000000x32xf32, #tpu.memory_space<hbm>>
    %dma_start3A_928 = tpu.memref_slice %arg7[%dma_start3A_917] : memref<2x!tpu.dma_semaphore, #tpu.memory_space<semaphore_mem>> -> memref<1x!tpu.dma_semaphore, #tpu.memory_space<semaphore_mem>>
    %dma_start3A_929 = tpu.memref_squeeze %dma_start3A_928 : memref<1x!tpu.dma_semaphore, #tpu.memory_space<semaphore_mem>> -> memref<!tpu.dma_semaphore, #tpu.memory_space<semaphore_mem>>
    tpu.enqueue_indirect_dma source(%dma_start3A_927 : memref<1000000x32xf32, #tpu.memory_space<hbm>>) target(%dma_start3A_921 : memref<512x32xf32, #tpu.memory_space<vmem>>) offsets(%dma_start3A_924 : memref<512xi32, #tpu.memory_space<vmem>>) semaphore(%dma_start3A_929 : memref<!tpu.dma_semaphore, #tpu.memory_space<semaphore_mem>>)
    %dma_start3A_930 = arith.constant 1 : i32
    %dma_start3A_931 = arith.constant 13 : i32
    %dma_start3A_932 = arith.constant 1 : i32
    %dma_start3A_933 = arith.constant 0 : i32
    %dma_start3A_934 = arith.constant 0 : i32
    %dma_start3A_935 = tpu.memref_slice %arg6[%dma_start3A_930, %dma_start3A_933, %dma_start3A_934] : memref<2x512x32xf32, #tpu.memory_space<vmem>> -> memref<1x512x32xf32, #tpu.memory_space<vmem>>
    %dma_start3A_936 = tpu.memref_squeeze %dma_start3A_935 : memref<1x512x32xf32, #tpu.memory_space<vmem>> -> memref<512x32xf32, #tpu.memory_space<vmem>>
    %dma_start3A_937 = arith.constant 0 : i32
    %dma_start3A_938 = tpu.memref_slice %arg4[%mul3A_2, %dma_start3A_931, %dma_start3A_937] : memref<16384x26x32xf32, #tpu.memory_space<hbm>> -> memref<512x1x32xf32, #tpu.memory_space<hbm>>
    %dma_start3A_939 = tpu.memref_squeeze %dma_start3A_938 : memref<512x1x32xf32, #tpu.memory_space<hbm>> -> memref<512x32xf32, #tpu.memory_space<hbm>>
    %dma_start3A_940 = tpu.memref_slice %arg8[%dma_start3A_932] : memref<2x!tpu.dma_semaphore, #tpu.memory_space<semaphore_mem>> -> memref<1x!tpu.dma_semaphore, #tpu.memory_space<semaphore_mem>>
    %dma_start3A_941 = tpu.memref_squeeze %dma_start3A_940 : memref<1x!tpu.dma_semaphore, #tpu.memory_space<semaphore_mem>> -> memref<!tpu.dma_semaphore, #tpu.memory_space<semaphore_mem>>
    %dma_start3A_942 = arith.constant 0 : i32
    %dma_start3A_943 = tpu.memref_slice %arg4[%mul3A_2, %dma_start3A_931, %dma_start3A_942] : memref<16384x26x32xf32, #tpu.memory_space<hbm>> -> memref<512x1x32xf32, #tpu.memory_space<hbm>>
    %dma_start3A_944 = tpu.memref_squeeze %dma_start3A_943 : memref<512x1x32xf32, #tpu.memory_space<hbm>> -> memref<512x32xf32, #tpu.memory_space<hbm>>
    %dma_start3A_945 = arith.constant 0 : i32
    %dma_start3A_946 = arith.constant 0 : i32
    %dma_start3A_947 = tpu.memref_slice %arg6[%dma_start3A_930, %dma_start3A_945, %dma_start3A_946] : memref<2x512x32xf32, #tpu.memory_space<vmem>> -> memref<1x512x32xf32, #tpu.memory_space<vmem>>
    %dma_start3A_948 = tpu.memref_squeeze %dma_start3A_947 : memref<1x512x32xf32, #tpu.memory_space<vmem>> -> memref<512x32xf32, #tpu.memory_space<vmem>>
    tpu.enqueue_dma source(%dma_start3A_948 : memref<512x32xf32, #tpu.memory_space<vmem>>) target(%dma_start3A_944 : memref<512x32xf32, #tpu.memory_space<hbm>>) target_semaphore(%dma_start3A_941 : memref<!tpu.dma_semaphore, #tpu.memory_space<semaphore_mem>>)
    %dma_wait3A_949 = arith.constant 14 : i32
    %dma_wait3A_950 = arith.constant 0 : i32
    %dma_wait3A_951 = arith.constant 0 : i32
    %dma_wait3A_952 = arith.constant 0 : i32
    %dma_wait3A_953 = arith.constant 0 : i32
    %dma_wait3A_954 = tpu.memref_slice %arg6[%dma_wait3A_950, %dma_wait3A_952, %dma_wait3A_953] : memref<2x512x32xf32, #tpu.memory_space<vmem>> -> memref<1x512x32xf32, #tpu.memory_space<vmem>>
    %dma_wait3A_955 = tpu.memref_squeeze %dma_wait3A_954 : memref<1x512x32xf32, #tpu.memory_space<vmem>> -> memref<512x32xf32, #tpu.memory_space<vmem>>
    %dma_wait3A_956 = arith.constant 0 : i32
    %dma_wait3A_957 = tpu.memref_slice %arg5[%dma_wait3A_949, %dma_wait3A_956] : memref<26x512xi32, #tpu.memory_space<vmem>> -> memref<1x512xi32, #tpu.memory_space<vmem>>
    %dma_wait3A_958 = tpu.memref_squeeze %dma_wait3A_957 : memref<1x512xi32, #tpu.memory_space<vmem>> -> memref<512xi32, #tpu.memory_space<vmem>>
    %dma_wait3A_959 = arith.constant 0 : i32
    %dma_wait3A_960 = arith.constant 0 : i32
    %dma_wait3A_961 = tpu.memref_slice %arg3[%dma_wait3A_959, %dma_wait3A_960] : memref<1000000x32xf32, #tpu.memory_space<hbm>> -> memref<1000000x32xf32, #tpu.memory_space<hbm>>
    %dma_wait3A_962 = tpu.memref_slice %arg7[%dma_wait3A_951] : memref<2x!tpu.dma_semaphore, #tpu.memory_space<semaphore_mem>> -> memref<1x!tpu.dma_semaphore, #tpu.memory_space<semaphore_mem>>
    %dma_wait3A_963 = tpu.memref_squeeze %dma_wait3A_962 : memref<1x!tpu.dma_semaphore, #tpu.memory_space<semaphore_mem>> -> memref<!tpu.dma_semaphore, #tpu.memory_space<semaphore_mem>>
    tpu.wait_indirect_dma semaphore(%dma_wait3A_963 : memref<!tpu.dma_semaphore, #tpu.memory_space<semaphore_mem>>) src(%dma_wait3A_961 : memref<1000000x32xf32, #tpu.memory_space<hbm>>) dst(%dma_wait3A_955 : memref<512x32xf32, #tpu.memory_space<vmem>>)
    %dma_wait3A_964 = arith.constant 1 : i32
    %dma_wait3A_965 = arith.constant 13 : i32
    %dma_wait3A_966 = arith.constant 1 : i32
    %dma_wait3A_967 = arith.constant 0 : i32
    %dma_wait3A_968 = arith.constant 0 : i32
    %dma_wait3A_969 = tpu.memref_slice %arg6[%dma_wait3A_964, %dma_wait3A_967, %dma_wait3A_968] : memref<2x512x32xf32, #tpu.memory_space<vmem>> -> memref<1x512x32xf32, #tpu.memory_space<vmem>>
    %dma_wait3A_970 = tpu.memref_squeeze %dma_wait3A_969 : memref<1x512x32xf32, #tpu.memory_space<vmem>> -> memref<512x32xf32, #tpu.memory_space<vmem>>
    %dma_wait3A_971 = arith.constant 0 : i32
    %dma_wait3A_972 = tpu.memref_slice %arg4[%mul3A_2, %dma_wait3A_965, %dma_wait3A_971] : memref<16384x26x32xf32, #tpu.memory_space<hbm>> -> memref<512x1x32xf32, #tpu.memory_space<hbm>>
    %dma_wait3A_973 = tpu.memref_squeeze %dma_wait3A_972 : memref<512x1x32xf32, #tpu.memory_space<hbm>> -> memref<512x32xf32, #tpu.memory_space<hbm>>
    %dma_wait3A_974 = tpu.memref_slice %arg8[%dma_wait3A_966] : memref<2x!tpu.dma_semaphore, #tpu.memory_space<semaphore_mem>> -> memref<1x!tpu.dma_semaphore, #tpu.memory_space<semaphore_mem>>
    %dma_wait3A_975 = tpu.memref_squeeze %dma_wait3A_974 : memref<1x!tpu.dma_semaphore, #tpu.memory_space<semaphore_mem>> -> memref<!tpu.dma_semaphore, #tpu.memory_space<semaphore_mem>>
    %dma_wait3A_976 = arith.constant 0 : i32
    %dma_wait3A_977 = tpu.memref_slice %arg4[%mul3A_2, %dma_wait3A_965, %dma_wait3A_976] : memref<16384x26x32xf32, #tpu.memory_space<hbm>> -> memref<512x1x32xf32, #tpu.memory_space<hbm>>
    %dma_wait3A_978 = tpu.memref_squeeze %dma_wait3A_977 : memref<512x1x32xf32, #tpu.memory_space<hbm>> -> memref<512x32xf32, #tpu.memory_space<hbm>>
    %dma_wait3A_979 = arith.constant 0 : i32
    %dma_wait3A_980 = arith.constant 0 : i32
    %dma_wait3A_981 = tpu.memref_slice %arg6[%dma_wait3A_964, %dma_wait3A_979, %dma_wait3A_980] : memref<2x512x32xf32, #tpu.memory_space<vmem>> -> memref<1x512x32xf32, #tpu.memory_space<vmem>>
    %dma_wait3A_982 = tpu.memref_squeeze %dma_wait3A_981 : memref<1x512x32xf32, #tpu.memory_space<vmem>> -> memref<512x32xf32, #tpu.memory_space<vmem>>
    tpu.wait_dma2 semaphore(%dma_wait3A_975 : memref<!tpu.dma_semaphore, #tpu.memory_space<semaphore_mem>>) src(%dma_wait3A_982 : memref<512x32xf32, #tpu.memory_space<vmem>>) dst(%dma_wait3A_978 : memref<512x32xf32, #tpu.memory_space<hbm>>)
    %dma_start3A_983 = arith.constant 15 : i32
    %dma_start3A_984 = arith.constant 1 : i32
    %dma_start3A_985 = arith.constant 1 : i32
    %dma_start3A_986 = arith.constant 0 : i32
    %dma_start3A_987 = arith.constant 0 : i32
    %dma_start3A_988 = tpu.memref_slice %arg6[%dma_start3A_984, %dma_start3A_986, %dma_start3A_987] : memref<2x512x32xf32, #tpu.memory_space<vmem>> -> memref<1x512x32xf32, #tpu.memory_space<vmem>>
    %dma_start3A_989 = tpu.memref_squeeze %dma_start3A_988 : memref<1x512x32xf32, #tpu.memory_space<vmem>> -> memref<512x32xf32, #tpu.memory_space<vmem>>
    %dma_start3A_990 = arith.constant 0 : i32
    %dma_start3A_991 = tpu.memref_slice %arg5[%dma_start3A_983, %dma_start3A_990] : memref<26x512xi32, #tpu.memory_space<vmem>> -> memref<1x512xi32, #tpu.memory_space<vmem>>
    %dma_start3A_992 = tpu.memref_squeeze %dma_start3A_991 : memref<1x512xi32, #tpu.memory_space<vmem>> -> memref<512xi32, #tpu.memory_space<vmem>>
    %dma_start3A_993 = arith.constant 0 : i32
    %dma_start3A_994 = arith.constant 0 : i32
    %dma_start3A_995 = tpu.memref_slice %arg3[%dma_start3A_993, %dma_start3A_994] : memref<1000000x32xf32, #tpu.memory_space<hbm>> -> memref<1000000x32xf32, #tpu.memory_space<hbm>>
    %dma_start3A_996 = tpu.memref_slice %arg7[%dma_start3A_985] : memref<2x!tpu.dma_semaphore, #tpu.memory_space<semaphore_mem>> -> memref<1x!tpu.dma_semaphore, #tpu.memory_space<semaphore_mem>>
    %dma_start3A_997 = tpu.memref_squeeze %dma_start3A_996 : memref<1x!tpu.dma_semaphore, #tpu.memory_space<semaphore_mem>> -> memref<!tpu.dma_semaphore, #tpu.memory_space<semaphore_mem>>
    tpu.enqueue_indirect_dma source(%dma_start3A_995 : memref<1000000x32xf32, #tpu.memory_space<hbm>>) target(%dma_start3A_989 : memref<512x32xf32, #tpu.memory_space<vmem>>) offsets(%dma_start3A_992 : memref<512xi32, #tpu.memory_space<vmem>>) semaphore(%dma_start3A_997 : memref<!tpu.dma_semaphore, #tpu.memory_space<semaphore_mem>>)
    %dma_start3A_998 = arith.constant 0 : i32
    %dma_start3A_999 = arith.constant 14 : i32
    %dma_start3A_1000 = arith.constant 0 : i32
    %dma_start3A_1001 = arith.constant 0 : i32
    %dma_start3A_1002 = arith.constant 0 : i32
    %dma_start3A_1003 = tpu.memref_slice %arg6[%dma_start3A_998, %dma_start3A_1001, %dma_start3A_1002] : memref<2x512x32xf32, #tpu.memory_space<vmem>> -> memref<1x512x32xf32, #tpu.memory_space<vmem>>
    %dma_start3A_1004 = tpu.memref_squeeze %dma_start3A_1003 : memref<1x512x32xf32, #tpu.memory_space<vmem>> -> memref<512x32xf32, #tpu.memory_space<vmem>>
    %dma_start3A_1005 = arith.constant 0 : i32
    %dma_start3A_1006 = tpu.memref_slice %arg4[%mul3A_2, %dma_start3A_999, %dma_start3A_1005] : memref<16384x26x32xf32, #tpu.memory_space<hbm>> -> memref<512x1x32xf32, #tpu.memory_space<hbm>>
    %dma_start3A_1007 = tpu.memref_squeeze %dma_start3A_1006 : memref<512x1x32xf32, #tpu.memory_space<hbm>> -> memref<512x32xf32, #tpu.memory_space<hbm>>
    %dma_start3A_1008 = tpu.memref_slice %arg8[%dma_start3A_1000] : memref<2x!tpu.dma_semaphore, #tpu.memory_space<semaphore_mem>> -> memref<1x!tpu.dma_semaphore, #tpu.memory_space<semaphore_mem>>
    %dma_start3A_1009 = tpu.memref_squeeze %dma_start3A_1008 : memref<1x!tpu.dma_semaphore, #tpu.memory_space<semaphore_mem>> -> memref<!tpu.dma_semaphore, #tpu.memory_space<semaphore_mem>>
    %dma_start3A_1010 = arith.constant 0 : i32
    %dma_start3A_1011 = tpu.memref_slice %arg4[%mul3A_2, %dma_start3A_999, %dma_start3A_1010] : memref<16384x26x32xf32, #tpu.memory_space<hbm>> -> memref<512x1x32xf32, #tpu.memory_space<hbm>>
    %dma_start3A_1012 = tpu.memref_squeeze %dma_start3A_1011 : memref<512x1x32xf32, #tpu.memory_space<hbm>> -> memref<512x32xf32, #tpu.memory_space<hbm>>
    %dma_start3A_1013 = arith.constant 0 : i32
    %dma_start3A_1014 = arith.constant 0 : i32
    %dma_start3A_1015 = tpu.memref_slice %arg6[%dma_start3A_998, %dma_start3A_1013, %dma_start3A_1014] : memref<2x512x32xf32, #tpu.memory_space<vmem>> -> memref<1x512x32xf32, #tpu.memory_space<vmem>>
    %dma_start3A_1016 = tpu.memref_squeeze %dma_start3A_1015 : memref<1x512x32xf32, #tpu.memory_space<vmem>> -> memref<512x32xf32, #tpu.memory_space<vmem>>
    tpu.enqueue_dma source(%dma_start3A_1016 : memref<512x32xf32, #tpu.memory_space<vmem>>) target(%dma_start3A_1012 : memref<512x32xf32, #tpu.memory_space<hbm>>) target_semaphore(%dma_start3A_1009 : memref<!tpu.dma_semaphore, #tpu.memory_space<semaphore_mem>>)
    %dma_wait3A_1017 = arith.constant 15 : i32
    %dma_wait3A_1018 = arith.constant 1 : i32
    %dma_wait3A_1019 = arith.constant 1 : i32
    %dma_wait3A_1020 = arith.constant 0 : i32
    %dma_wait3A_1021 = arith.constant 0 : i32
    %dma_wait3A_1022 = tpu.memref_slice %arg6[%dma_wait3A_1018, %dma_wait3A_1020, %dma_wait3A_1021] : memref<2x512x32xf32, #tpu.memory_space<vmem>> -> memref<1x512x32xf32, #tpu.memory_space<vmem>>
    %dma_wait3A_1023 = tpu.memref_squeeze %dma_wait3A_1022 : memref<1x512x32xf32, #tpu.memory_space<vmem>> -> memref<512x32xf32, #tpu.memory_space<vmem>>
    %dma_wait3A_1024 = arith.constant 0 : i32
    %dma_wait3A_1025 = tpu.memref_slice %arg5[%dma_wait3A_1017, %dma_wait3A_1024] : memref<26x512xi32, #tpu.memory_space<vmem>> -> memref<1x512xi32, #tpu.memory_space<vmem>>
    %dma_wait3A_1026 = tpu.memref_squeeze %dma_wait3A_1025 : memref<1x512xi32, #tpu.memory_space<vmem>> -> memref<512xi32, #tpu.memory_space<vmem>>
    %dma_wait3A_1027 = arith.constant 0 : i32
    %dma_wait3A_1028 = arith.constant 0 : i32
    %dma_wait3A_1029 = tpu.memref_slice %arg3[%dma_wait3A_1027, %dma_wait3A_1028] : memref<1000000x32xf32, #tpu.memory_space<hbm>> -> memref<1000000x32xf32, #tpu.memory_space<hbm>>
    %dma_wait3A_1030 = tpu.memref_slice %arg7[%dma_wait3A_1019] : memref<2x!tpu.dma_semaphore, #tpu.memory_space<semaphore_mem>> -> memref<1x!tpu.dma_semaphore, #tpu.memory_space<semaphore_mem>>
    %dma_wait3A_1031 = tpu.memref_squeeze %dma_wait3A_1030 : memref<1x!tpu.dma_semaphore, #tpu.memory_space<semaphore_mem>> -> memref<!tpu.dma_semaphore, #tpu.memory_space<semaphore_mem>>
    tpu.wait_indirect_dma semaphore(%dma_wait3A_1031 : memref<!tpu.dma_semaphore, #tpu.memory_space<semaphore_mem>>) src(%dma_wait3A_1029 : memref<1000000x32xf32, #tpu.memory_space<hbm>>) dst(%dma_wait3A_1023 : memref<512x32xf32, #tpu.memory_space<vmem>>)
    %dma_wait3A_1032 = arith.constant 0 : i32
    %dma_wait3A_1033 = arith.constant 14 : i32
    %dma_wait3A_1034 = arith.constant 0 : i32
    %dma_wait3A_1035 = arith.constant 0 : i32
    %dma_wait3A_1036 = arith.constant 0 : i32
    %dma_wait3A_1037 = tpu.memref_slice %arg6[%dma_wait3A_1032, %dma_wait3A_1035, %dma_wait3A_1036] : memref<2x512x32xf32, #tpu.memory_space<vmem>> -> memref<1x512x32xf32, #tpu.memory_space<vmem>>
    %dma_wait3A_1038 = tpu.memref_squeeze %dma_wait3A_1037 : memref<1x512x32xf32, #tpu.memory_space<vmem>> -> memref<512x32xf32, #tpu.memory_space<vmem>>
    %dma_wait3A_1039 = arith.constant 0 : i32
    %dma_wait3A_1040 = tpu.memref_slice %arg4[%mul3A_2, %dma_wait3A_1033, %dma_wait3A_1039] : memref<16384x26x32xf32, #tpu.memory_space<hbm>> -> memref<512x1x32xf32, #tpu.memory_space<hbm>>
    %dma_wait3A_1041 = tpu.memref_squeeze %dma_wait3A_1040 : memref<512x1x32xf32, #tpu.memory_space<hbm>> -> memref<512x32xf32, #tpu.memory_space<hbm>>
    %dma_wait3A_1042 = tpu.memref_slice %arg8[%dma_wait3A_1034] : memref<2x!tpu.dma_semaphore, #tpu.memory_space<semaphore_mem>> -> memref<1x!tpu.dma_semaphore, #tpu.memory_space<semaphore_mem>>
    %dma_wait3A_1043 = tpu.memref_squeeze %dma_wait3A_1042 : memref<1x!tpu.dma_semaphore, #tpu.memory_space<semaphore_mem>> -> memref<!tpu.dma_semaphore, #tpu.memory_space<semaphore_mem>>
    %dma_wait3A_1044 = arith.constant 0 : i32
    %dma_wait3A_1045 = tpu.memref_slice %arg4[%mul3A_2, %dma_wait3A_1033, %dma_wait3A_1044] : memref<16384x26x32xf32, #tpu.memory_space<hbm>> -> memref<512x1x32xf32, #tpu.memory_space<hbm>>
    %dma_wait3A_1046 = tpu.memref_squeeze %dma_wait3A_1045 : memref<512x1x32xf32, #tpu.memory_space<hbm>> -> memref<512x32xf32, #tpu.memory_space<hbm>>
    %dma_wait3A_1047 = arith.constant 0 : i32
    %dma_wait3A_1048 = arith.constant 0 : i32
    %dma_wait3A_1049 = tpu.memref_slice %arg6[%dma_wait3A_1032, %dma_wait3A_1047, %dma_wait3A_1048] : memref<2x512x32xf32, #tpu.memory_space<vmem>> -> memref<1x512x32xf32, #tpu.memory_space<vmem>>
    %dma_wait3A_1050 = tpu.memref_squeeze %dma_wait3A_1049 : memref<1x512x32xf32, #tpu.memory_space<vmem>> -> memref<512x32xf32, #tpu.memory_space<vmem>>
    tpu.wait_dma2 semaphore(%dma_wait3A_1043 : memref<!tpu.dma_semaphore, #tpu.memory_space<semaphore_mem>>) src(%dma_wait3A_1050 : memref<512x32xf32, #tpu.memory_space<vmem>>) dst(%dma_wait3A_1046 : memref<512x32xf32, #tpu.memory_space<hbm>>)
    %dma_start3A_1051 = arith.constant 16 : i32
    %dma_start3A_1052 = arith.constant 0 : i32
    %dma_start3A_1053 = arith.constant 0 : i32
    %dma_start3A_1054 = arith.constant 0 : i32
    %dma_start3A_1055 = arith.constant 0 : i32
    %dma_start3A_1056 = tpu.memref_slice %arg6[%dma_start3A_1052, %dma_start3A_1054, %dma_start3A_1055] : memref<2x512x32xf32, #tpu.memory_space<vmem>> -> memref<1x512x32xf32, #tpu.memory_space<vmem>>
    %dma_start3A_1057 = tpu.memref_squeeze %dma_start3A_1056 : memref<1x512x32xf32, #tpu.memory_space<vmem>> -> memref<512x32xf32, #tpu.memory_space<vmem>>
    %dma_start3A_1058 = arith.constant 0 : i32
    %dma_start3A_1059 = tpu.memref_slice %arg5[%dma_start3A_1051, %dma_start3A_1058] : memref<26x512xi32, #tpu.memory_space<vmem>> -> memref<1x512xi32, #tpu.memory_space<vmem>>
    %dma_start3A_1060 = tpu.memref_squeeze %dma_start3A_1059 : memref<1x512xi32, #tpu.memory_space<vmem>> -> memref<512xi32, #tpu.memory_space<vmem>>
    %dma_start3A_1061 = arith.constant 0 : i32
    %dma_start3A_1062 = arith.constant 0 : i32
    %dma_start3A_1063 = tpu.memref_slice %arg3[%dma_start3A_1061, %dma_start3A_1062] : memref<1000000x32xf32, #tpu.memory_space<hbm>> -> memref<1000000x32xf32, #tpu.memory_space<hbm>>
    %dma_start3A_1064 = tpu.memref_slice %arg7[%dma_start3A_1053] : memref<2x!tpu.dma_semaphore, #tpu.memory_space<semaphore_mem>> -> memref<1x!tpu.dma_semaphore, #tpu.memory_space<semaphore_mem>>
    %dma_start3A_1065 = tpu.memref_squeeze %dma_start3A_1064 : memref<1x!tpu.dma_semaphore, #tpu.memory_space<semaphore_mem>> -> memref<!tpu.dma_semaphore, #tpu.memory_space<semaphore_mem>>
    tpu.enqueue_indirect_dma source(%dma_start3A_1063 : memref<1000000x32xf32, #tpu.memory_space<hbm>>) target(%dma_start3A_1057 : memref<512x32xf32, #tpu.memory_space<vmem>>) offsets(%dma_start3A_1060 : memref<512xi32, #tpu.memory_space<vmem>>) semaphore(%dma_start3A_1065 : memref<!tpu.dma_semaphore, #tpu.memory_space<semaphore_mem>>)
    %dma_start3A_1066 = arith.constant 1 : i32
    %dma_start3A_1067 = arith.constant 15 : i32
    %dma_start3A_1068 = arith.constant 1 : i32
    %dma_start3A_1069 = arith.constant 0 : i32
    %dma_start3A_1070 = arith.constant 0 : i32
    %dma_start3A_1071 = tpu.memref_slice %arg6[%dma_start3A_1066, %dma_start3A_1069, %dma_start3A_1070] : memref<2x512x32xf32, #tpu.memory_space<vmem>> -> memref<1x512x32xf32, #tpu.memory_space<vmem>>
    %dma_start3A_1072 = tpu.memref_squeeze %dma_start3A_1071 : memref<1x512x32xf32, #tpu.memory_space<vmem>> -> memref<512x32xf32, #tpu.memory_space<vmem>>
    %dma_start3A_1073 = arith.constant 0 : i32
    %dma_start3A_1074 = tpu.memref_slice %arg4[%mul3A_2, %dma_start3A_1067, %dma_start3A_1073] : memref<16384x26x32xf32, #tpu.memory_space<hbm>> -> memref<512x1x32xf32, #tpu.memory_space<hbm>>
    %dma_start3A_1075 = tpu.memref_squeeze %dma_start3A_1074 : memref<512x1x32xf32, #tpu.memory_space<hbm>> -> memref<512x32xf32, #tpu.memory_space<hbm>>
    %dma_start3A_1076 = tpu.memref_slice %arg8[%dma_start3A_1068] : memref<2x!tpu.dma_semaphore, #tpu.memory_space<semaphore_mem>> -> memref<1x!tpu.dma_semaphore, #tpu.memory_space<semaphore_mem>>
    %dma_start3A_1077 = tpu.memref_squeeze %dma_start3A_1076 : memref<1x!tpu.dma_semaphore, #tpu.memory_space<semaphore_mem>> -> memref<!tpu.dma_semaphore, #tpu.memory_space<semaphore_mem>>
    %dma_start3A_1078 = arith.constant 0 : i32
    %dma_start3A_1079 = tpu.memref_slice %arg4[%mul3A_2, %dma_start3A_1067, %dma_start3A_1078] : memref<16384x26x32xf32, #tpu.memory_space<hbm>> -> memref<512x1x32xf32, #tpu.memory_space<hbm>>
    %dma_start3A_1080 = tpu.memref_squeeze %dma_start3A_1079 : memref<512x1x32xf32, #tpu.memory_space<hbm>> -> memref<512x32xf32, #tpu.memory_space<hbm>>
    %dma_start3A_1081 = arith.constant 0 : i32
    %dma_start3A_1082 = arith.constant 0 : i32
    %dma_start3A_1083 = tpu.memref_slice %arg6[%dma_start3A_1066, %dma_start3A_1081, %dma_start3A_1082] : memref<2x512x32xf32, #tpu.memory_space<vmem>> -> memref<1x512x32xf32, #tpu.memory_space<vmem>>
    %dma_start3A_1084 = tpu.memref_squeeze %dma_start3A_1083 : memref<1x512x32xf32, #tpu.memory_space<vmem>> -> memref<512x32xf32, #tpu.memory_space<vmem>>
    tpu.enqueue_dma source(%dma_start3A_1084 : memref<512x32xf32, #tpu.memory_space<vmem>>) target(%dma_start3A_1080 : memref<512x32xf32, #tpu.memory_space<hbm>>) target_semaphore(%dma_start3A_1077 : memref<!tpu.dma_semaphore, #tpu.memory_space<semaphore_mem>>)
    %dma_wait3A_1085 = arith.constant 16 : i32
    %dma_wait3A_1086 = arith.constant 0 : i32
    %dma_wait3A_1087 = arith.constant 0 : i32
    %dma_wait3A_1088 = arith.constant 0 : i32
    %dma_wait3A_1089 = arith.constant 0 : i32
    %dma_wait3A_1090 = tpu.memref_slice %arg6[%dma_wait3A_1086, %dma_wait3A_1088, %dma_wait3A_1089] : memref<2x512x32xf32, #tpu.memory_space<vmem>> -> memref<1x512x32xf32, #tpu.memory_space<vmem>>
    %dma_wait3A_1091 = tpu.memref_squeeze %dma_wait3A_1090 : memref<1x512x32xf32, #tpu.memory_space<vmem>> -> memref<512x32xf32, #tpu.memory_space<vmem>>
    %dma_wait3A_1092 = arith.constant 0 : i32
    %dma_wait3A_1093 = tpu.memref_slice %arg5[%dma_wait3A_1085, %dma_wait3A_1092] : memref<26x512xi32, #tpu.memory_space<vmem>> -> memref<1x512xi32, #tpu.memory_space<vmem>>
    %dma_wait3A_1094 = tpu.memref_squeeze %dma_wait3A_1093 : memref<1x512xi32, #tpu.memory_space<vmem>> -> memref<512xi32, #tpu.memory_space<vmem>>
    %dma_wait3A_1095 = arith.constant 0 : i32
    %dma_wait3A_1096 = arith.constant 0 : i32
    %dma_wait3A_1097 = tpu.memref_slice %arg3[%dma_wait3A_1095, %dma_wait3A_1096] : memref<1000000x32xf32, #tpu.memory_space<hbm>> -> memref<1000000x32xf32, #tpu.memory_space<hbm>>
    %dma_wait3A_1098 = tpu.memref_slice %arg7[%dma_wait3A_1087] : memref<2x!tpu.dma_semaphore, #tpu.memory_space<semaphore_mem>> -> memref<1x!tpu.dma_semaphore, #tpu.memory_space<semaphore_mem>>
    %dma_wait3A_1099 = tpu.memref_squeeze %dma_wait3A_1098 : memref<1x!tpu.dma_semaphore, #tpu.memory_space<semaphore_mem>> -> memref<!tpu.dma_semaphore, #tpu.memory_space<semaphore_mem>>
    tpu.wait_indirect_dma semaphore(%dma_wait3A_1099 : memref<!tpu.dma_semaphore, #tpu.memory_space<semaphore_mem>>) src(%dma_wait3A_1097 : memref<1000000x32xf32, #tpu.memory_space<hbm>>) dst(%dma_wait3A_1091 : memref<512x32xf32, #tpu.memory_space<vmem>>)
    %dma_wait3A_1100 = arith.constant 1 : i32
    %dma_wait3A_1101 = arith.constant 15 : i32
    %dma_wait3A_1102 = arith.constant 1 : i32
    %dma_wait3A_1103 = arith.constant 0 : i32
    %dma_wait3A_1104 = arith.constant 0 : i32
    %dma_wait3A_1105 = tpu.memref_slice %arg6[%dma_wait3A_1100, %dma_wait3A_1103, %dma_wait3A_1104] : memref<2x512x32xf32, #tpu.memory_space<vmem>> -> memref<1x512x32xf32, #tpu.memory_space<vmem>>
    %dma_wait3A_1106 = tpu.memref_squeeze %dma_wait3A_1105 : memref<1x512x32xf32, #tpu.memory_space<vmem>> -> memref<512x32xf32, #tpu.memory_space<vmem>>
    %dma_wait3A_1107 = arith.constant 0 : i32
    %dma_wait3A_1108 = tpu.memref_slice %arg4[%mul3A_2, %dma_wait3A_1101, %dma_wait3A_1107] : memref<16384x26x32xf32, #tpu.memory_space<hbm>> -> memref<512x1x32xf32, #tpu.memory_space<hbm>>
    %dma_wait3A_1109 = tpu.memref_squeeze %dma_wait3A_1108 : memref<512x1x32xf32, #tpu.memory_space<hbm>> -> memref<512x32xf32, #tpu.memory_space<hbm>>
    %dma_wait3A_1110 = tpu.memref_slice %arg8[%dma_wait3A_1102] : memref<2x!tpu.dma_semaphore, #tpu.memory_space<semaphore_mem>> -> memref<1x!tpu.dma_semaphore, #tpu.memory_space<semaphore_mem>>
    %dma_wait3A_1111 = tpu.memref_squeeze %dma_wait3A_1110 : memref<1x!tpu.dma_semaphore, #tpu.memory_space<semaphore_mem>> -> memref<!tpu.dma_semaphore, #tpu.memory_space<semaphore_mem>>
    %dma_wait3A_1112 = arith.constant 0 : i32
    %dma_wait3A_1113 = tpu.memref_slice %arg4[%mul3A_2, %dma_wait3A_1101, %dma_wait3A_1112] : memref<16384x26x32xf32, #tpu.memory_space<hbm>> -> memref<512x1x32xf32, #tpu.memory_space<hbm>>
    %dma_wait3A_1114 = tpu.memref_squeeze %dma_wait3A_1113 : memref<512x1x32xf32, #tpu.memory_space<hbm>> -> memref<512x32xf32, #tpu.memory_space<hbm>>
    %dma_wait3A_1115 = arith.constant 0 : i32
    %dma_wait3A_1116 = arith.constant 0 : i32
    %dma_wait3A_1117 = tpu.memref_slice %arg6[%dma_wait3A_1100, %dma_wait3A_1115, %dma_wait3A_1116] : memref<2x512x32xf32, #tpu.memory_space<vmem>> -> memref<1x512x32xf32, #tpu.memory_space<vmem>>
    %dma_wait3A_1118 = tpu.memref_squeeze %dma_wait3A_1117 : memref<1x512x32xf32, #tpu.memory_space<vmem>> -> memref<512x32xf32, #tpu.memory_space<vmem>>
    tpu.wait_dma2 semaphore(%dma_wait3A_1111 : memref<!tpu.dma_semaphore, #tpu.memory_space<semaphore_mem>>) src(%dma_wait3A_1118 : memref<512x32xf32, #tpu.memory_space<vmem>>) dst(%dma_wait3A_1114 : memref<512x32xf32, #tpu.memory_space<hbm>>)
    %dma_start3A_1119 = arith.constant 17 : i32
    %dma_start3A_1120 = arith.constant 1 : i32
    %dma_start3A_1121 = arith.constant 1 : i32
    %dma_start3A_1122 = arith.constant 0 : i32
    %dma_start3A_1123 = arith.constant 0 : i32
    %dma_start3A_1124 = tpu.memref_slice %arg6[%dma_start3A_1120, %dma_start3A_1122, %dma_start3A_1123] : memref<2x512x32xf32, #tpu.memory_space<vmem>> -> memref<1x512x32xf32, #tpu.memory_space<vmem>>
    %dma_start3A_1125 = tpu.memref_squeeze %dma_start3A_1124 : memref<1x512x32xf32, #tpu.memory_space<vmem>> -> memref<512x32xf32, #tpu.memory_space<vmem>>
    %dma_start3A_1126 = arith.constant 0 : i32
    %dma_start3A_1127 = tpu.memref_slice %arg5[%dma_start3A_1119, %dma_start3A_1126] : memref<26x512xi32, #tpu.memory_space<vmem>> -> memref<1x512xi32, #tpu.memory_space<vmem>>
    %dma_start3A_1128 = tpu.memref_squeeze %dma_start3A_1127 : memref<1x512xi32, #tpu.memory_space<vmem>> -> memref<512xi32, #tpu.memory_space<vmem>>
    %dma_start3A_1129 = arith.constant 0 : i32
    %dma_start3A_1130 = arith.constant 0 : i32
    %dma_start3A_1131 = tpu.memref_slice %arg3[%dma_start3A_1129, %dma_start3A_1130] : memref<1000000x32xf32, #tpu.memory_space<hbm>> -> memref<1000000x32xf32, #tpu.memory_space<hbm>>
    %dma_start3A_1132 = tpu.memref_slice %arg7[%dma_start3A_1121] : memref<2x!tpu.dma_semaphore, #tpu.memory_space<semaphore_mem>> -> memref<1x!tpu.dma_semaphore, #tpu.memory_space<semaphore_mem>>
    %dma_start3A_1133 = tpu.memref_squeeze %dma_start3A_1132 : memref<1x!tpu.dma_semaphore, #tpu.memory_space<semaphore_mem>> -> memref<!tpu.dma_semaphore, #tpu.memory_space<semaphore_mem>>
    tpu.enqueue_indirect_dma source(%dma_start3A_1131 : memref<1000000x32xf32, #tpu.memory_space<hbm>>) target(%dma_start3A_1125 : memref<512x32xf32, #tpu.memory_space<vmem>>) offsets(%dma_start3A_1128 : memref<512xi32, #tpu.memory_space<vmem>>) semaphore(%dma_start3A_1133 : memref<!tpu.dma_semaphore, #tpu.memory_space<semaphore_mem>>)
    %dma_start3A_1134 = arith.constant 0 : i32
    %dma_start3A_1135 = arith.constant 16 : i32
    %dma_start3A_1136 = arith.constant 0 : i32
    %dma_start3A_1137 = arith.constant 0 : i32
    %dma_start3A_1138 = arith.constant 0 : i32
    %dma_start3A_1139 = tpu.memref_slice %arg6[%dma_start3A_1134, %dma_start3A_1137, %dma_start3A_1138] : memref<2x512x32xf32, #tpu.memory_space<vmem>> -> memref<1x512x32xf32, #tpu.memory_space<vmem>>
    %dma_start3A_1140 = tpu.memref_squeeze %dma_start3A_1139 : memref<1x512x32xf32, #tpu.memory_space<vmem>> -> memref<512x32xf32, #tpu.memory_space<vmem>>
    %dma_start3A_1141 = arith.constant 0 : i32
    %dma_start3A_1142 = tpu.memref_slice %arg4[%mul3A_2, %dma_start3A_1135, %dma_start3A_1141] : memref<16384x26x32xf32, #tpu.memory_space<hbm>> -> memref<512x1x32xf32, #tpu.memory_space<hbm>>
    %dma_start3A_1143 = tpu.memref_squeeze %dma_start3A_1142 : memref<512x1x32xf32, #tpu.memory_space<hbm>> -> memref<512x32xf32, #tpu.memory_space<hbm>>
    %dma_start3A_1144 = tpu.memref_slice %arg8[%dma_start3A_1136] : memref<2x!tpu.dma_semaphore, #tpu.memory_space<semaphore_mem>> -> memref<1x!tpu.dma_semaphore, #tpu.memory_space<semaphore_mem>>
    %dma_start3A_1145 = tpu.memref_squeeze %dma_start3A_1144 : memref<1x!tpu.dma_semaphore, #tpu.memory_space<semaphore_mem>> -> memref<!tpu.dma_semaphore, #tpu.memory_space<semaphore_mem>>
    %dma_start3A_1146 = arith.constant 0 : i32
    %dma_start3A_1147 = tpu.memref_slice %arg4[%mul3A_2, %dma_start3A_1135, %dma_start3A_1146] : memref<16384x26x32xf32, #tpu.memory_space<hbm>> -> memref<512x1x32xf32, #tpu.memory_space<hbm>>
    %dma_start3A_1148 = tpu.memref_squeeze %dma_start3A_1147 : memref<512x1x32xf32, #tpu.memory_space<hbm>> -> memref<512x32xf32, #tpu.memory_space<hbm>>
    %dma_start3A_1149 = arith.constant 0 : i32
    %dma_start3A_1150 = arith.constant 0 : i32
    %dma_start3A_1151 = tpu.memref_slice %arg6[%dma_start3A_1134, %dma_start3A_1149, %dma_start3A_1150] : memref<2x512x32xf32, #tpu.memory_space<vmem>> -> memref<1x512x32xf32, #tpu.memory_space<vmem>>
    %dma_start3A_1152 = tpu.memref_squeeze %dma_start3A_1151 : memref<1x512x32xf32, #tpu.memory_space<vmem>> -> memref<512x32xf32, #tpu.memory_space<vmem>>
    tpu.enqueue_dma source(%dma_start3A_1152 : memref<512x32xf32, #tpu.memory_space<vmem>>) target(%dma_start3A_1148 : memref<512x32xf32, #tpu.memory_space<hbm>>) target_semaphore(%dma_start3A_1145 : memref<!tpu.dma_semaphore, #tpu.memory_space<semaphore_mem>>)
    %dma_wait3A_1153 = arith.constant 17 : i32
    %dma_wait3A_1154 = arith.constant 1 : i32
    %dma_wait3A_1155 = arith.constant 1 : i32
    %dma_wait3A_1156 = arith.constant 0 : i32
    %dma_wait3A_1157 = arith.constant 0 : i32
    %dma_wait3A_1158 = tpu.memref_slice %arg6[%dma_wait3A_1154, %dma_wait3A_1156, %dma_wait3A_1157] : memref<2x512x32xf32, #tpu.memory_space<vmem>> -> memref<1x512x32xf32, #tpu.memory_space<vmem>>
    %dma_wait3A_1159 = tpu.memref_squeeze %dma_wait3A_1158 : memref<1x512x32xf32, #tpu.memory_space<vmem>> -> memref<512x32xf32, #tpu.memory_space<vmem>>
    %dma_wait3A_1160 = arith.constant 0 : i32
    %dma_wait3A_1161 = tpu.memref_slice %arg5[%dma_wait3A_1153, %dma_wait3A_1160] : memref<26x512xi32, #tpu.memory_space<vmem>> -> memref<1x512xi32, #tpu.memory_space<vmem>>
    %dma_wait3A_1162 = tpu.memref_squeeze %dma_wait3A_1161 : memref<1x512xi32, #tpu.memory_space<vmem>> -> memref<512xi32, #tpu.memory_space<vmem>>
    %dma_wait3A_1163 = arith.constant 0 : i32
    %dma_wait3A_1164 = arith.constant 0 : i32
    %dma_wait3A_1165 = tpu.memref_slice %arg3[%dma_wait3A_1163, %dma_wait3A_1164] : memref<1000000x32xf32, #tpu.memory_space<hbm>> -> memref<1000000x32xf32, #tpu.memory_space<hbm>>
    %dma_wait3A_1166 = tpu.memref_slice %arg7[%dma_wait3A_1155] : memref<2x!tpu.dma_semaphore, #tpu.memory_space<semaphore_mem>> -> memref<1x!tpu.dma_semaphore, #tpu.memory_space<semaphore_mem>>
    %dma_wait3A_1167 = tpu.memref_squeeze %dma_wait3A_1166 : memref<1x!tpu.dma_semaphore, #tpu.memory_space<semaphore_mem>> -> memref<!tpu.dma_semaphore, #tpu.memory_space<semaphore_mem>>
    tpu.wait_indirect_dma semaphore(%dma_wait3A_1167 : memref<!tpu.dma_semaphore, #tpu.memory_space<semaphore_mem>>) src(%dma_wait3A_1165 : memref<1000000x32xf32, #tpu.memory_space<hbm>>) dst(%dma_wait3A_1159 : memref<512x32xf32, #tpu.memory_space<vmem>>)
    %dma_wait3A_1168 = arith.constant 0 : i32
    %dma_wait3A_1169 = arith.constant 16 : i32
    %dma_wait3A_1170 = arith.constant 0 : i32
    %dma_wait3A_1171 = arith.constant 0 : i32
    %dma_wait3A_1172 = arith.constant 0 : i32
    %dma_wait3A_1173 = tpu.memref_slice %arg6[%dma_wait3A_1168, %dma_wait3A_1171, %dma_wait3A_1172] : memref<2x512x32xf32, #tpu.memory_space<vmem>> -> memref<1x512x32xf32, #tpu.memory_space<vmem>>
    %dma_wait3A_1174 = tpu.memref_squeeze %dma_wait3A_1173 : memref<1x512x32xf32, #tpu.memory_space<vmem>> -> memref<512x32xf32, #tpu.memory_space<vmem>>
    %dma_wait3A_1175 = arith.constant 0 : i32
    %dma_wait3A_1176 = tpu.memref_slice %arg4[%mul3A_2, %dma_wait3A_1169, %dma_wait3A_1175] : memref<16384x26x32xf32, #tpu.memory_space<hbm>> -> memref<512x1x32xf32, #tpu.memory_space<hbm>>
    %dma_wait3A_1177 = tpu.memref_squeeze %dma_wait3A_1176 : memref<512x1x32xf32, #tpu.memory_space<hbm>> -> memref<512x32xf32, #tpu.memory_space<hbm>>
    %dma_wait3A_1178 = tpu.memref_slice %arg8[%dma_wait3A_1170] : memref<2x!tpu.dma_semaphore, #tpu.memory_space<semaphore_mem>> -> memref<1x!tpu.dma_semaphore, #tpu.memory_space<semaphore_mem>>
    %dma_wait3A_1179 = tpu.memref_squeeze %dma_wait3A_1178 : memref<1x!tpu.dma_semaphore, #tpu.memory_space<semaphore_mem>> -> memref<!tpu.dma_semaphore, #tpu.memory_space<semaphore_mem>>
    %dma_wait3A_1180 = arith.constant 0 : i32
    %dma_wait3A_1181 = tpu.memref_slice %arg4[%mul3A_2, %dma_wait3A_1169, %dma_wait3A_1180] : memref<16384x26x32xf32, #tpu.memory_space<hbm>> -> memref<512x1x32xf32, #tpu.memory_space<hbm>>
    %dma_wait3A_1182 = tpu.memref_squeeze %dma_wait3A_1181 : memref<512x1x32xf32, #tpu.memory_space<hbm>> -> memref<512x32xf32, #tpu.memory_space<hbm>>
    %dma_wait3A_1183 = arith.constant 0 : i32
    %dma_wait3A_1184 = arith.constant 0 : i32
    %dma_wait3A_1185 = tpu.memref_slice %arg6[%dma_wait3A_1168, %dma_wait3A_1183, %dma_wait3A_1184] : memref<2x512x32xf32, #tpu.memory_space<vmem>> -> memref<1x512x32xf32, #tpu.memory_space<vmem>>
    %dma_wait3A_1186 = tpu.memref_squeeze %dma_wait3A_1185 : memref<1x512x32xf32, #tpu.memory_space<vmem>> -> memref<512x32xf32, #tpu.memory_space<vmem>>
    tpu.wait_dma2 semaphore(%dma_wait3A_1179 : memref<!tpu.dma_semaphore, #tpu.memory_space<semaphore_mem>>) src(%dma_wait3A_1186 : memref<512x32xf32, #tpu.memory_space<vmem>>) dst(%dma_wait3A_1182 : memref<512x32xf32, #tpu.memory_space<hbm>>)
    %dma_start3A_1187 = arith.constant 18 : i32
    %dma_start3A_1188 = arith.constant 0 : i32
    %dma_start3A_1189 = arith.constant 0 : i32
    %dma_start3A_1190 = arith.constant 0 : i32
    %dma_start3A_1191 = arith.constant 0 : i32
    %dma_start3A_1192 = tpu.memref_slice %arg6[%dma_start3A_1188, %dma_start3A_1190, %dma_start3A_1191] : memref<2x512x32xf32, #tpu.memory_space<vmem>> -> memref<1x512x32xf32, #tpu.memory_space<vmem>>
    %dma_start3A_1193 = tpu.memref_squeeze %dma_start3A_1192 : memref<1x512x32xf32, #tpu.memory_space<vmem>> -> memref<512x32xf32, #tpu.memory_space<vmem>>
    %dma_start3A_1194 = arith.constant 0 : i32
    %dma_start3A_1195 = tpu.memref_slice %arg5[%dma_start3A_1187, %dma_start3A_1194] : memref<26x512xi32, #tpu.memory_space<vmem>> -> memref<1x512xi32, #tpu.memory_space<vmem>>
    %dma_start3A_1196 = tpu.memref_squeeze %dma_start3A_1195 : memref<1x512xi32, #tpu.memory_space<vmem>> -> memref<512xi32, #tpu.memory_space<vmem>>
    %dma_start3A_1197 = arith.constant 0 : i32
    %dma_start3A_1198 = arith.constant 0 : i32
    %dma_start3A_1199 = tpu.memref_slice %arg3[%dma_start3A_1197, %dma_start3A_1198] : memref<1000000x32xf32, #tpu.memory_space<hbm>> -> memref<1000000x32xf32, #tpu.memory_space<hbm>>
    %dma_start3A_1200 = tpu.memref_slice %arg7[%dma_start3A_1189] : memref<2x!tpu.dma_semaphore, #tpu.memory_space<semaphore_mem>> -> memref<1x!tpu.dma_semaphore, #tpu.memory_space<semaphore_mem>>
    %dma_start3A_1201 = tpu.memref_squeeze %dma_start3A_1200 : memref<1x!tpu.dma_semaphore, #tpu.memory_space<semaphore_mem>> -> memref<!tpu.dma_semaphore, #tpu.memory_space<semaphore_mem>>
    tpu.enqueue_indirect_dma source(%dma_start3A_1199 : memref<1000000x32xf32, #tpu.memory_space<hbm>>) target(%dma_start3A_1193 : memref<512x32xf32, #tpu.memory_space<vmem>>) offsets(%dma_start3A_1196 : memref<512xi32, #tpu.memory_space<vmem>>) semaphore(%dma_start3A_1201 : memref<!tpu.dma_semaphore, #tpu.memory_space<semaphore_mem>>)
    %dma_start3A_1202 = arith.constant 1 : i32
    %dma_start3A_1203 = arith.constant 17 : i32
    %dma_start3A_1204 = arith.constant 1 : i32
    %dma_start3A_1205 = arith.constant 0 : i32
    %dma_start3A_1206 = arith.constant 0 : i32
    %dma_start3A_1207 = tpu.memref_slice %arg6[%dma_start3A_1202, %dma_start3A_1205, %dma_start3A_1206] : memref<2x512x32xf32, #tpu.memory_space<vmem>> -> memref<1x512x32xf32, #tpu.memory_space<vmem>>
    %dma_start3A_1208 = tpu.memref_squeeze %dma_start3A_1207 : memref<1x512x32xf32, #tpu.memory_space<vmem>> -> memref<512x32xf32, #tpu.memory_space<vmem>>
    %dma_start3A_1209 = arith.constant 0 : i32
    %dma_start3A_1210 = tpu.memref_slice %arg4[%mul3A_2, %dma_start3A_1203, %dma_start3A_1209] : memref<16384x26x32xf32, #tpu.memory_space<hbm>> -> memref<512x1x32xf32, #tpu.memory_space<hbm>>
    %dma_start3A_1211 = tpu.memref_squeeze %dma_start3A_1210 : memref<512x1x32xf32, #tpu.memory_space<hbm>> -> memref<512x32xf32, #tpu.memory_space<hbm>>
    %dma_start3A_1212 = tpu.memref_slice %arg8[%dma_start3A_1204] : memref<2x!tpu.dma_semaphore, #tpu.memory_space<semaphore_mem>> -> memref<1x!tpu.dma_semaphore, #tpu.memory_space<semaphore_mem>>
    %dma_start3A_1213 = tpu.memref_squeeze %dma_start3A_1212 : memref<1x!tpu.dma_semaphore, #tpu.memory_space<semaphore_mem>> -> memref<!tpu.dma_semaphore, #tpu.memory_space<semaphore_mem>>
    %dma_start3A_1214 = arith.constant 0 : i32
    %dma_start3A_1215 = tpu.memref_slice %arg4[%mul3A_2, %dma_start3A_1203, %dma_start3A_1214] : memref<16384x26x32xf32, #tpu.memory_space<hbm>> -> memref<512x1x32xf32, #tpu.memory_space<hbm>>
    %dma_start3A_1216 = tpu.memref_squeeze %dma_start3A_1215 : memref<512x1x32xf32, #tpu.memory_space<hbm>> -> memref<512x32xf32, #tpu.memory_space<hbm>>
    %dma_start3A_1217 = arith.constant 0 : i32
    %dma_start3A_1218 = arith.constant 0 : i32
    %dma_start3A_1219 = tpu.memref_slice %arg6[%dma_start3A_1202, %dma_start3A_1217, %dma_start3A_1218] : memref<2x512x32xf32, #tpu.memory_space<vmem>> -> memref<1x512x32xf32, #tpu.memory_space<vmem>>
    %dma_start3A_1220 = tpu.memref_squeeze %dma_start3A_1219 : memref<1x512x32xf32, #tpu.memory_space<vmem>> -> memref<512x32xf32, #tpu.memory_space<vmem>>
    tpu.enqueue_dma source(%dma_start3A_1220 : memref<512x32xf32, #tpu.memory_space<vmem>>) target(%dma_start3A_1216 : memref<512x32xf32, #tpu.memory_space<hbm>>) target_semaphore(%dma_start3A_1213 : memref<!tpu.dma_semaphore, #tpu.memory_space<semaphore_mem>>)
    %dma_wait3A_1221 = arith.constant 18 : i32
    %dma_wait3A_1222 = arith.constant 0 : i32
    %dma_wait3A_1223 = arith.constant 0 : i32
    %dma_wait3A_1224 = arith.constant 0 : i32
    %dma_wait3A_1225 = arith.constant 0 : i32
    %dma_wait3A_1226 = tpu.memref_slice %arg6[%dma_wait3A_1222, %dma_wait3A_1224, %dma_wait3A_1225] : memref<2x512x32xf32, #tpu.memory_space<vmem>> -> memref<1x512x32xf32, #tpu.memory_space<vmem>>
    %dma_wait3A_1227 = tpu.memref_squeeze %dma_wait3A_1226 : memref<1x512x32xf32, #tpu.memory_space<vmem>> -> memref<512x32xf32, #tpu.memory_space<vmem>>
    %dma_wait3A_1228 = arith.constant 0 : i32
    %dma_wait3A_1229 = tpu.memref_slice %arg5[%dma_wait3A_1221, %dma_wait3A_1228] : memref<26x512xi32, #tpu.memory_space<vmem>> -> memref<1x512xi32, #tpu.memory_space<vmem>>
    %dma_wait3A_1230 = tpu.memref_squeeze %dma_wait3A_1229 : memref<1x512xi32, #tpu.memory_space<vmem>> -> memref<512xi32, #tpu.memory_space<vmem>>
    %dma_wait3A_1231 = arith.constant 0 : i32
    %dma_wait3A_1232 = arith.constant 0 : i32
    %dma_wait3A_1233 = tpu.memref_slice %arg3[%dma_wait3A_1231, %dma_wait3A_1232] : memref<1000000x32xf32, #tpu.memory_space<hbm>> -> memref<1000000x32xf32, #tpu.memory_space<hbm>>
    %dma_wait3A_1234 = tpu.memref_slice %arg7[%dma_wait3A_1223] : memref<2x!tpu.dma_semaphore, #tpu.memory_space<semaphore_mem>> -> memref<1x!tpu.dma_semaphore, #tpu.memory_space<semaphore_mem>>
    %dma_wait3A_1235 = tpu.memref_squeeze %dma_wait3A_1234 : memref<1x!tpu.dma_semaphore, #tpu.memory_space<semaphore_mem>> -> memref<!tpu.dma_semaphore, #tpu.memory_space<semaphore_mem>>
    tpu.wait_indirect_dma semaphore(%dma_wait3A_1235 : memref<!tpu.dma_semaphore, #tpu.memory_space<semaphore_mem>>) src(%dma_wait3A_1233 : memref<1000000x32xf32, #tpu.memory_space<hbm>>) dst(%dma_wait3A_1227 : memref<512x32xf32, #tpu.memory_space<vmem>>)
    %dma_wait3A_1236 = arith.constant 1 : i32
    %dma_wait3A_1237 = arith.constant 17 : i32
    %dma_wait3A_1238 = arith.constant 1 : i32
    %dma_wait3A_1239 = arith.constant 0 : i32
    %dma_wait3A_1240 = arith.constant 0 : i32
    %dma_wait3A_1241 = tpu.memref_slice %arg6[%dma_wait3A_1236, %dma_wait3A_1239, %dma_wait3A_1240] : memref<2x512x32xf32, #tpu.memory_space<vmem>> -> memref<1x512x32xf32, #tpu.memory_space<vmem>>
    %dma_wait3A_1242 = tpu.memref_squeeze %dma_wait3A_1241 : memref<1x512x32xf32, #tpu.memory_space<vmem>> -> memref<512x32xf32, #tpu.memory_space<vmem>>
    %dma_wait3A_1243 = arith.constant 0 : i32
    %dma_wait3A_1244 = tpu.memref_slice %arg4[%mul3A_2, %dma_wait3A_1237, %dma_wait3A_1243] : memref<16384x26x32xf32, #tpu.memory_space<hbm>> -> memref<512x1x32xf32, #tpu.memory_space<hbm>>
    %dma_wait3A_1245 = tpu.memref_squeeze %dma_wait3A_1244 : memref<512x1x32xf32, #tpu.memory_space<hbm>> -> memref<512x32xf32, #tpu.memory_space<hbm>>
    %dma_wait3A_1246 = tpu.memref_slice %arg8[%dma_wait3A_1238] : memref<2x!tpu.dma_semaphore, #tpu.memory_space<semaphore_mem>> -> memref<1x!tpu.dma_semaphore, #tpu.memory_space<semaphore_mem>>
    %dma_wait3A_1247 = tpu.memref_squeeze %dma_wait3A_1246 : memref<1x!tpu.dma_semaphore, #tpu.memory_space<semaphore_mem>> -> memref<!tpu.dma_semaphore, #tpu.memory_space<semaphore_mem>>
    %dma_wait3A_1248 = arith.constant 0 : i32
    %dma_wait3A_1249 = tpu.memref_slice %arg4[%mul3A_2, %dma_wait3A_1237, %dma_wait3A_1248] : memref<16384x26x32xf32, #tpu.memory_space<hbm>> -> memref<512x1x32xf32, #tpu.memory_space<hbm>>
    %dma_wait3A_1250 = tpu.memref_squeeze %dma_wait3A_1249 : memref<512x1x32xf32, #tpu.memory_space<hbm>> -> memref<512x32xf32, #tpu.memory_space<hbm>>
    %dma_wait3A_1251 = arith.constant 0 : i32
    %dma_wait3A_1252 = arith.constant 0 : i32
    %dma_wait3A_1253 = tpu.memref_slice %arg6[%dma_wait3A_1236, %dma_wait3A_1251, %dma_wait3A_1252] : memref<2x512x32xf32, #tpu.memory_space<vmem>> -> memref<1x512x32xf32, #tpu.memory_space<vmem>>
    %dma_wait3A_1254 = tpu.memref_squeeze %dma_wait3A_1253 : memref<1x512x32xf32, #tpu.memory_space<vmem>> -> memref<512x32xf32, #tpu.memory_space<vmem>>
    tpu.wait_dma2 semaphore(%dma_wait3A_1247 : memref<!tpu.dma_semaphore, #tpu.memory_space<semaphore_mem>>) src(%dma_wait3A_1254 : memref<512x32xf32, #tpu.memory_space<vmem>>) dst(%dma_wait3A_1250 : memref<512x32xf32, #tpu.memory_space<hbm>>)
    %dma_start3A_1255 = arith.constant 19 : i32
    %dma_start3A_1256 = arith.constant 1 : i32
    %dma_start3A_1257 = arith.constant 1 : i32
    %dma_start3A_1258 = arith.constant 0 : i32
    %dma_start3A_1259 = arith.constant 0 : i32
    %dma_start3A_1260 = tpu.memref_slice %arg6[%dma_start3A_1256, %dma_start3A_1258, %dma_start3A_1259] : memref<2x512x32xf32, #tpu.memory_space<vmem>> -> memref<1x512x32xf32, #tpu.memory_space<vmem>>
    %dma_start3A_1261 = tpu.memref_squeeze %dma_start3A_1260 : memref<1x512x32xf32, #tpu.memory_space<vmem>> -> memref<512x32xf32, #tpu.memory_space<vmem>>
    %dma_start3A_1262 = arith.constant 0 : i32
    %dma_start3A_1263 = tpu.memref_slice %arg5[%dma_start3A_1255, %dma_start3A_1262] : memref<26x512xi32, #tpu.memory_space<vmem>> -> memref<1x512xi32, #tpu.memory_space<vmem>>
    %dma_start3A_1264 = tpu.memref_squeeze %dma_start3A_1263 : memref<1x512xi32, #tpu.memory_space<vmem>> -> memref<512xi32, #tpu.memory_space<vmem>>
    %dma_start3A_1265 = arith.constant 0 : i32
    %dma_start3A_1266 = arith.constant 0 : i32
    %dma_start3A_1267 = tpu.memref_slice %arg3[%dma_start3A_1265, %dma_start3A_1266] : memref<1000000x32xf32, #tpu.memory_space<hbm>> -> memref<1000000x32xf32, #tpu.memory_space<hbm>>
    %dma_start3A_1268 = tpu.memref_slice %arg7[%dma_start3A_1257] : memref<2x!tpu.dma_semaphore, #tpu.memory_space<semaphore_mem>> -> memref<1x!tpu.dma_semaphore, #tpu.memory_space<semaphore_mem>>
    %dma_start3A_1269 = tpu.memref_squeeze %dma_start3A_1268 : memref<1x!tpu.dma_semaphore, #tpu.memory_space<semaphore_mem>> -> memref<!tpu.dma_semaphore, #tpu.memory_space<semaphore_mem>>
    tpu.enqueue_indirect_dma source(%dma_start3A_1267 : memref<1000000x32xf32, #tpu.memory_space<hbm>>) target(%dma_start3A_1261 : memref<512x32xf32, #tpu.memory_space<vmem>>) offsets(%dma_start3A_1264 : memref<512xi32, #tpu.memory_space<vmem>>) semaphore(%dma_start3A_1269 : memref<!tpu.dma_semaphore, #tpu.memory_space<semaphore_mem>>)
    %dma_start3A_1270 = arith.constant 0 : i32
    %dma_start3A_1271 = arith.constant 18 : i32
    %dma_start3A_1272 = arith.constant 0 : i32
    %dma_start3A_1273 = arith.constant 0 : i32
    %dma_start3A_1274 = arith.constant 0 : i32
    %dma_start3A_1275 = tpu.memref_slice %arg6[%dma_start3A_1270, %dma_start3A_1273, %dma_start3A_1274] : memref<2x512x32xf32, #tpu.memory_space<vmem>> -> memref<1x512x32xf32, #tpu.memory_space<vmem>>
    %dma_start3A_1276 = tpu.memref_squeeze %dma_start3A_1275 : memref<1x512x32xf32, #tpu.memory_space<vmem>> -> memref<512x32xf32, #tpu.memory_space<vmem>>
    %dma_start3A_1277 = arith.constant 0 : i32
    %dma_start3A_1278 = tpu.memref_slice %arg4[%mul3A_2, %dma_start3A_1271, %dma_start3A_1277] : memref<16384x26x32xf32, #tpu.memory_space<hbm>> -> memref<512x1x32xf32, #tpu.memory_space<hbm>>
    %dma_start3A_1279 = tpu.memref_squeeze %dma_start3A_1278 : memref<512x1x32xf32, #tpu.memory_space<hbm>> -> memref<512x32xf32, #tpu.memory_space<hbm>>
    %dma_start3A_1280 = tpu.memref_slice %arg8[%dma_start3A_1272] : memref<2x!tpu.dma_semaphore, #tpu.memory_space<semaphore_mem>> -> memref<1x!tpu.dma_semaphore, #tpu.memory_space<semaphore_mem>>
    %dma_start3A_1281 = tpu.memref_squeeze %dma_start3A_1280 : memref<1x!tpu.dma_semaphore, #tpu.memory_space<semaphore_mem>> -> memref<!tpu.dma_semaphore, #tpu.memory_space<semaphore_mem>>
    %dma_start3A_1282 = arith.constant 0 : i32
    %dma_start3A_1283 = tpu.memref_slice %arg4[%mul3A_2, %dma_start3A_1271, %dma_start3A_1282] : memref<16384x26x32xf32, #tpu.memory_space<hbm>> -> memref<512x1x32xf32, #tpu.memory_space<hbm>>
    %dma_start3A_1284 = tpu.memref_squeeze %dma_start3A_1283 : memref<512x1x32xf32, #tpu.memory_space<hbm>> -> memref<512x32xf32, #tpu.memory_space<hbm>>
    %dma_start3A_1285 = arith.constant 0 : i32
    %dma_start3A_1286 = arith.constant 0 : i32
    %dma_start3A_1287 = tpu.memref_slice %arg6[%dma_start3A_1270, %dma_start3A_1285, %dma_start3A_1286] : memref<2x512x32xf32, #tpu.memory_space<vmem>> -> memref<1x512x32xf32, #tpu.memory_space<vmem>>
    %dma_start3A_1288 = tpu.memref_squeeze %dma_start3A_1287 : memref<1x512x32xf32, #tpu.memory_space<vmem>> -> memref<512x32xf32, #tpu.memory_space<vmem>>
    tpu.enqueue_dma source(%dma_start3A_1288 : memref<512x32xf32, #tpu.memory_space<vmem>>) target(%dma_start3A_1284 : memref<512x32xf32, #tpu.memory_space<hbm>>) target_semaphore(%dma_start3A_1281 : memref<!tpu.dma_semaphore, #tpu.memory_space<semaphore_mem>>)
    %dma_wait3A_1289 = arith.constant 19 : i32
    %dma_wait3A_1290 = arith.constant 1 : i32
    %dma_wait3A_1291 = arith.constant 1 : i32
    %dma_wait3A_1292 = arith.constant 0 : i32
    %dma_wait3A_1293 = arith.constant 0 : i32
    %dma_wait3A_1294 = tpu.memref_slice %arg6[%dma_wait3A_1290, %dma_wait3A_1292, %dma_wait3A_1293] : memref<2x512x32xf32, #tpu.memory_space<vmem>> -> memref<1x512x32xf32, #tpu.memory_space<vmem>>
    %dma_wait3A_1295 = tpu.memref_squeeze %dma_wait3A_1294 : memref<1x512x32xf32, #tpu.memory_space<vmem>> -> memref<512x32xf32, #tpu.memory_space<vmem>>
    %dma_wait3A_1296 = arith.constant 0 : i32
    %dma_wait3A_1297 = tpu.memref_slice %arg5[%dma_wait3A_1289, %dma_wait3A_1296] : memref<26x512xi32, #tpu.memory_space<vmem>> -> memref<1x512xi32, #tpu.memory_space<vmem>>
    %dma_wait3A_1298 = tpu.memref_squeeze %dma_wait3A_1297 : memref<1x512xi32, #tpu.memory_space<vmem>> -> memref<512xi32, #tpu.memory_space<vmem>>
    %dma_wait3A_1299 = arith.constant 0 : i32
    %dma_wait3A_1300 = arith.constant 0 : i32
    %dma_wait3A_1301 = tpu.memref_slice %arg3[%dma_wait3A_1299, %dma_wait3A_1300] : memref<1000000x32xf32, #tpu.memory_space<hbm>> -> memref<1000000x32xf32, #tpu.memory_space<hbm>>
    %dma_wait3A_1302 = tpu.memref_slice %arg7[%dma_wait3A_1291] : memref<2x!tpu.dma_semaphore, #tpu.memory_space<semaphore_mem>> -> memref<1x!tpu.dma_semaphore, #tpu.memory_space<semaphore_mem>>
    %dma_wait3A_1303 = tpu.memref_squeeze %dma_wait3A_1302 : memref<1x!tpu.dma_semaphore, #tpu.memory_space<semaphore_mem>> -> memref<!tpu.dma_semaphore, #tpu.memory_space<semaphore_mem>>
    tpu.wait_indirect_dma semaphore(%dma_wait3A_1303 : memref<!tpu.dma_semaphore, #tpu.memory_space<semaphore_mem>>) src(%dma_wait3A_1301 : memref<1000000x32xf32, #tpu.memory_space<hbm>>) dst(%dma_wait3A_1295 : memref<512x32xf32, #tpu.memory_space<vmem>>)
    %dma_wait3A_1304 = arith.constant 0 : i32
    %dma_wait3A_1305 = arith.constant 18 : i32
    %dma_wait3A_1306 = arith.constant 0 : i32
    %dma_wait3A_1307 = arith.constant 0 : i32
    %dma_wait3A_1308 = arith.constant 0 : i32
    %dma_wait3A_1309 = tpu.memref_slice %arg6[%dma_wait3A_1304, %dma_wait3A_1307, %dma_wait3A_1308] : memref<2x512x32xf32, #tpu.memory_space<vmem>> -> memref<1x512x32xf32, #tpu.memory_space<vmem>>
    %dma_wait3A_1310 = tpu.memref_squeeze %dma_wait3A_1309 : memref<1x512x32xf32, #tpu.memory_space<vmem>> -> memref<512x32xf32, #tpu.memory_space<vmem>>
    %dma_wait3A_1311 = arith.constant 0 : i32
    %dma_wait3A_1312 = tpu.memref_slice %arg4[%mul3A_2, %dma_wait3A_1305, %dma_wait3A_1311] : memref<16384x26x32xf32, #tpu.memory_space<hbm>> -> memref<512x1x32xf32, #tpu.memory_space<hbm>>
    %dma_wait3A_1313 = tpu.memref_squeeze %dma_wait3A_1312 : memref<512x1x32xf32, #tpu.memory_space<hbm>> -> memref<512x32xf32, #tpu.memory_space<hbm>>
    %dma_wait3A_1314 = tpu.memref_slice %arg8[%dma_wait3A_1306] : memref<2x!tpu.dma_semaphore, #tpu.memory_space<semaphore_mem>> -> memref<1x!tpu.dma_semaphore, #tpu.memory_space<semaphore_mem>>
    %dma_wait3A_1315 = tpu.memref_squeeze %dma_wait3A_1314 : memref<1x!tpu.dma_semaphore, #tpu.memory_space<semaphore_mem>> -> memref<!tpu.dma_semaphore, #tpu.memory_space<semaphore_mem>>
    %dma_wait3A_1316 = arith.constant 0 : i32
    %dma_wait3A_1317 = tpu.memref_slice %arg4[%mul3A_2, %dma_wait3A_1305, %dma_wait3A_1316] : memref<16384x26x32xf32, #tpu.memory_space<hbm>> -> memref<512x1x32xf32, #tpu.memory_space<hbm>>
    %dma_wait3A_1318 = tpu.memref_squeeze %dma_wait3A_1317 : memref<512x1x32xf32, #tpu.memory_space<hbm>> -> memref<512x32xf32, #tpu.memory_space<hbm>>
    %dma_wait3A_1319 = arith.constant 0 : i32
    %dma_wait3A_1320 = arith.constant 0 : i32
    %dma_wait3A_1321 = tpu.memref_slice %arg6[%dma_wait3A_1304, %dma_wait3A_1319, %dma_wait3A_1320] : memref<2x512x32xf32, #tpu.memory_space<vmem>> -> memref<1x512x32xf32, #tpu.memory_space<vmem>>
    %dma_wait3A_1322 = tpu.memref_squeeze %dma_wait3A_1321 : memref<1x512x32xf32, #tpu.memory_space<vmem>> -> memref<512x32xf32, #tpu.memory_space<vmem>>
    tpu.wait_dma2 semaphore(%dma_wait3A_1315 : memref<!tpu.dma_semaphore, #tpu.memory_space<semaphore_mem>>) src(%dma_wait3A_1322 : memref<512x32xf32, #tpu.memory_space<vmem>>) dst(%dma_wait3A_1318 : memref<512x32xf32, #tpu.memory_space<hbm>>)
    %dma_start3A_1323 = arith.constant 20 : i32
    %dma_start3A_1324 = arith.constant 0 : i32
    %dma_start3A_1325 = arith.constant 0 : i32
    %dma_start3A_1326 = arith.constant 0 : i32
    %dma_start3A_1327 = arith.constant 0 : i32
    %dma_start3A_1328 = tpu.memref_slice %arg6[%dma_start3A_1324, %dma_start3A_1326, %dma_start3A_1327] : memref<2x512x32xf32, #tpu.memory_space<vmem>> -> memref<1x512x32xf32, #tpu.memory_space<vmem>>
    %dma_start3A_1329 = tpu.memref_squeeze %dma_start3A_1328 : memref<1x512x32xf32, #tpu.memory_space<vmem>> -> memref<512x32xf32, #tpu.memory_space<vmem>>
    %dma_start3A_1330 = arith.constant 0 : i32
    %dma_start3A_1331 = tpu.memref_slice %arg5[%dma_start3A_1323, %dma_start3A_1330] : memref<26x512xi32, #tpu.memory_space<vmem>> -> memref<1x512xi32, #tpu.memory_space<vmem>>
    %dma_start3A_1332 = tpu.memref_squeeze %dma_start3A_1331 : memref<1x512xi32, #tpu.memory_space<vmem>> -> memref<512xi32, #tpu.memory_space<vmem>>
    %dma_start3A_1333 = arith.constant 0 : i32
    %dma_start3A_1334 = arith.constant 0 : i32
    %dma_start3A_1335 = tpu.memref_slice %arg3[%dma_start3A_1333, %dma_start3A_1334] : memref<1000000x32xf32, #tpu.memory_space<hbm>> -> memref<1000000x32xf32, #tpu.memory_space<hbm>>
    %dma_start3A_1336 = tpu.memref_slice %arg7[%dma_start3A_1325] : memref<2x!tpu.dma_semaphore, #tpu.memory_space<semaphore_mem>> -> memref<1x!tpu.dma_semaphore, #tpu.memory_space<semaphore_mem>>
    %dma_start3A_1337 = tpu.memref_squeeze %dma_start3A_1336 : memref<1x!tpu.dma_semaphore, #tpu.memory_space<semaphore_mem>> -> memref<!tpu.dma_semaphore, #tpu.memory_space<semaphore_mem>>
    tpu.enqueue_indirect_dma source(%dma_start3A_1335 : memref<1000000x32xf32, #tpu.memory_space<hbm>>) target(%dma_start3A_1329 : memref<512x32xf32, #tpu.memory_space<vmem>>) offsets(%dma_start3A_1332 : memref<512xi32, #tpu.memory_space<vmem>>) semaphore(%dma_start3A_1337 : memref<!tpu.dma_semaphore, #tpu.memory_space<semaphore_mem>>)
    %dma_start3A_1338 = arith.constant 1 : i32
    %dma_start3A_1339 = arith.constant 19 : i32
    %dma_start3A_1340 = arith.constant 1 : i32
    %dma_start3A_1341 = arith.constant 0 : i32
    %dma_start3A_1342 = arith.constant 0 : i32
    %dma_start3A_1343 = tpu.memref_slice %arg6[%dma_start3A_1338, %dma_start3A_1341, %dma_start3A_1342] : memref<2x512x32xf32, #tpu.memory_space<vmem>> -> memref<1x512x32xf32, #tpu.memory_space<vmem>>
    %dma_start3A_1344 = tpu.memref_squeeze %dma_start3A_1343 : memref<1x512x32xf32, #tpu.memory_space<vmem>> -> memref<512x32xf32, #tpu.memory_space<vmem>>
    %dma_start3A_1345 = arith.constant 0 : i32
    %dma_start3A_1346 = tpu.memref_slice %arg4[%mul3A_2, %dma_start3A_1339, %dma_start3A_1345] : memref<16384x26x32xf32, #tpu.memory_space<hbm>> -> memref<512x1x32xf32, #tpu.memory_space<hbm>>
    %dma_start3A_1347 = tpu.memref_squeeze %dma_start3A_1346 : memref<512x1x32xf32, #tpu.memory_space<hbm>> -> memref<512x32xf32, #tpu.memory_space<hbm>>
    %dma_start3A_1348 = tpu.memref_slice %arg8[%dma_start3A_1340] : memref<2x!tpu.dma_semaphore, #tpu.memory_space<semaphore_mem>> -> memref<1x!tpu.dma_semaphore, #tpu.memory_space<semaphore_mem>>
    %dma_start3A_1349 = tpu.memref_squeeze %dma_start3A_1348 : memref<1x!tpu.dma_semaphore, #tpu.memory_space<semaphore_mem>> -> memref<!tpu.dma_semaphore, #tpu.memory_space<semaphore_mem>>
    %dma_start3A_1350 = arith.constant 0 : i32
    %dma_start3A_1351 = tpu.memref_slice %arg4[%mul3A_2, %dma_start3A_1339, %dma_start3A_1350] : memref<16384x26x32xf32, #tpu.memory_space<hbm>> -> memref<512x1x32xf32, #tpu.memory_space<hbm>>
    %dma_start3A_1352 = tpu.memref_squeeze %dma_start3A_1351 : memref<512x1x32xf32, #tpu.memory_space<hbm>> -> memref<512x32xf32, #tpu.memory_space<hbm>>
    %dma_start3A_1353 = arith.constant 0 : i32
    %dma_start3A_1354 = arith.constant 0 : i32
    %dma_start3A_1355 = tpu.memref_slice %arg6[%dma_start3A_1338, %dma_start3A_1353, %dma_start3A_1354] : memref<2x512x32xf32, #tpu.memory_space<vmem>> -> memref<1x512x32xf32, #tpu.memory_space<vmem>>
    %dma_start3A_1356 = tpu.memref_squeeze %dma_start3A_1355 : memref<1x512x32xf32, #tpu.memory_space<vmem>> -> memref<512x32xf32, #tpu.memory_space<vmem>>
    tpu.enqueue_dma source(%dma_start3A_1356 : memref<512x32xf32, #tpu.memory_space<vmem>>) target(%dma_start3A_1352 : memref<512x32xf32, #tpu.memory_space<hbm>>) target_semaphore(%dma_start3A_1349 : memref<!tpu.dma_semaphore, #tpu.memory_space<semaphore_mem>>)
    %dma_wait3A_1357 = arith.constant 20 : i32
    %dma_wait3A_1358 = arith.constant 0 : i32
    %dma_wait3A_1359 = arith.constant 0 : i32
    %dma_wait3A_1360 = arith.constant 0 : i32
    %dma_wait3A_1361 = arith.constant 0 : i32
    %dma_wait3A_1362 = tpu.memref_slice %arg6[%dma_wait3A_1358, %dma_wait3A_1360, %dma_wait3A_1361] : memref<2x512x32xf32, #tpu.memory_space<vmem>> -> memref<1x512x32xf32, #tpu.memory_space<vmem>>
    %dma_wait3A_1363 = tpu.memref_squeeze %dma_wait3A_1362 : memref<1x512x32xf32, #tpu.memory_space<vmem>> -> memref<512x32xf32, #tpu.memory_space<vmem>>
    %dma_wait3A_1364 = arith.constant 0 : i32
    %dma_wait3A_1365 = tpu.memref_slice %arg5[%dma_wait3A_1357, %dma_wait3A_1364] : memref<26x512xi32, #tpu.memory_space<vmem>> -> memref<1x512xi32, #tpu.memory_space<vmem>>
    %dma_wait3A_1366 = tpu.memref_squeeze %dma_wait3A_1365 : memref<1x512xi32, #tpu.memory_space<vmem>> -> memref<512xi32, #tpu.memory_space<vmem>>
    %dma_wait3A_1367 = arith.constant 0 : i32
    %dma_wait3A_1368 = arith.constant 0 : i32
    %dma_wait3A_1369 = tpu.memref_slice %arg3[%dma_wait3A_1367, %dma_wait3A_1368] : memref<1000000x32xf32, #tpu.memory_space<hbm>> -> memref<1000000x32xf32, #tpu.memory_space<hbm>>
    %dma_wait3A_1370 = tpu.memref_slice %arg7[%dma_wait3A_1359] : memref<2x!tpu.dma_semaphore, #tpu.memory_space<semaphore_mem>> -> memref<1x!tpu.dma_semaphore, #tpu.memory_space<semaphore_mem>>
    %dma_wait3A_1371 = tpu.memref_squeeze %dma_wait3A_1370 : memref<1x!tpu.dma_semaphore, #tpu.memory_space<semaphore_mem>> -> memref<!tpu.dma_semaphore, #tpu.memory_space<semaphore_mem>>
    tpu.wait_indirect_dma semaphore(%dma_wait3A_1371 : memref<!tpu.dma_semaphore, #tpu.memory_space<semaphore_mem>>) src(%dma_wait3A_1369 : memref<1000000x32xf32, #tpu.memory_space<hbm>>) dst(%dma_wait3A_1363 : memref<512x32xf32, #tpu.memory_space<vmem>>)
    %dma_wait3A_1372 = arith.constant 1 : i32
    %dma_wait3A_1373 = arith.constant 19 : i32
    %dma_wait3A_1374 = arith.constant 1 : i32
    %dma_wait3A_1375 = arith.constant 0 : i32
    %dma_wait3A_1376 = arith.constant 0 : i32
    %dma_wait3A_1377 = tpu.memref_slice %arg6[%dma_wait3A_1372, %dma_wait3A_1375, %dma_wait3A_1376] : memref<2x512x32xf32, #tpu.memory_space<vmem>> -> memref<1x512x32xf32, #tpu.memory_space<vmem>>
    %dma_wait3A_1378 = tpu.memref_squeeze %dma_wait3A_1377 : memref<1x512x32xf32, #tpu.memory_space<vmem>> -> memref<512x32xf32, #tpu.memory_space<vmem>>
    %dma_wait3A_1379 = arith.constant 0 : i32
    %dma_wait3A_1380 = tpu.memref_slice %arg4[%mul3A_2, %dma_wait3A_1373, %dma_wait3A_1379] : memref<16384x26x32xf32, #tpu.memory_space<hbm>> -> memref<512x1x32xf32, #tpu.memory_space<hbm>>
    %dma_wait3A_1381 = tpu.memref_squeeze %dma_wait3A_1380 : memref<512x1x32xf32, #tpu.memory_space<hbm>> -> memref<512x32xf32, #tpu.memory_space<hbm>>
    %dma_wait3A_1382 = tpu.memref_slice %arg8[%dma_wait3A_1374] : memref<2x!tpu.dma_semaphore, #tpu.memory_space<semaphore_mem>> -> memref<1x!tpu.dma_semaphore, #tpu.memory_space<semaphore_mem>>
    %dma_wait3A_1383 = tpu.memref_squeeze %dma_wait3A_1382 : memref<1x!tpu.dma_semaphore, #tpu.memory_space<semaphore_mem>> -> memref<!tpu.dma_semaphore, #tpu.memory_space<semaphore_mem>>
    %dma_wait3A_1384 = arith.constant 0 : i32
    %dma_wait3A_1385 = tpu.memref_slice %arg4[%mul3A_2, %dma_wait3A_1373, %dma_wait3A_1384] : memref<16384x26x32xf32, #tpu.memory_space<hbm>> -> memref<512x1x32xf32, #tpu.memory_space<hbm>>
    %dma_wait3A_1386 = tpu.memref_squeeze %dma_wait3A_1385 : memref<512x1x32xf32, #tpu.memory_space<hbm>> -> memref<512x32xf32, #tpu.memory_space<hbm>>
    %dma_wait3A_1387 = arith.constant 0 : i32
    %dma_wait3A_1388 = arith.constant 0 : i32
    %dma_wait3A_1389 = tpu.memref_slice %arg6[%dma_wait3A_1372, %dma_wait3A_1387, %dma_wait3A_1388] : memref<2x512x32xf32, #tpu.memory_space<vmem>> -> memref<1x512x32xf32, #tpu.memory_space<vmem>>
    %dma_wait3A_1390 = tpu.memref_squeeze %dma_wait3A_1389 : memref<1x512x32xf32, #tpu.memory_space<vmem>> -> memref<512x32xf32, #tpu.memory_space<vmem>>
    tpu.wait_dma2 semaphore(%dma_wait3A_1383 : memref<!tpu.dma_semaphore, #tpu.memory_space<semaphore_mem>>) src(%dma_wait3A_1390 : memref<512x32xf32, #tpu.memory_space<vmem>>) dst(%dma_wait3A_1386 : memref<512x32xf32, #tpu.memory_space<hbm>>)
    %dma_start3A_1391 = arith.constant 21 : i32
    %dma_start3A_1392 = arith.constant 1 : i32
    %dma_start3A_1393 = arith.constant 1 : i32
    %dma_start3A_1394 = arith.constant 0 : i32
    %dma_start3A_1395 = arith.constant 0 : i32
    %dma_start3A_1396 = tpu.memref_slice %arg6[%dma_start3A_1392, %dma_start3A_1394, %dma_start3A_1395] : memref<2x512x32xf32, #tpu.memory_space<vmem>> -> memref<1x512x32xf32, #tpu.memory_space<vmem>>
    %dma_start3A_1397 = tpu.memref_squeeze %dma_start3A_1396 : memref<1x512x32xf32, #tpu.memory_space<vmem>> -> memref<512x32xf32, #tpu.memory_space<vmem>>
    %dma_start3A_1398 = arith.constant 0 : i32
    %dma_start3A_1399 = tpu.memref_slice %arg5[%dma_start3A_1391, %dma_start3A_1398] : memref<26x512xi32, #tpu.memory_space<vmem>> -> memref<1x512xi32, #tpu.memory_space<vmem>>
    %dma_start3A_1400 = tpu.memref_squeeze %dma_start3A_1399 : memref<1x512xi32, #tpu.memory_space<vmem>> -> memref<512xi32, #tpu.memory_space<vmem>>
    %dma_start3A_1401 = arith.constant 0 : i32
    %dma_start3A_1402 = arith.constant 0 : i32
    %dma_start3A_1403 = tpu.memref_slice %arg3[%dma_start3A_1401, %dma_start3A_1402] : memref<1000000x32xf32, #tpu.memory_space<hbm>> -> memref<1000000x32xf32, #tpu.memory_space<hbm>>
    %dma_start3A_1404 = tpu.memref_slice %arg7[%dma_start3A_1393] : memref<2x!tpu.dma_semaphore, #tpu.memory_space<semaphore_mem>> -> memref<1x!tpu.dma_semaphore, #tpu.memory_space<semaphore_mem>>
    %dma_start3A_1405 = tpu.memref_squeeze %dma_start3A_1404 : memref<1x!tpu.dma_semaphore, #tpu.memory_space<semaphore_mem>> -> memref<!tpu.dma_semaphore, #tpu.memory_space<semaphore_mem>>
    tpu.enqueue_indirect_dma source(%dma_start3A_1403 : memref<1000000x32xf32, #tpu.memory_space<hbm>>) target(%dma_start3A_1397 : memref<512x32xf32, #tpu.memory_space<vmem>>) offsets(%dma_start3A_1400 : memref<512xi32, #tpu.memory_space<vmem>>) semaphore(%dma_start3A_1405 : memref<!tpu.dma_semaphore, #tpu.memory_space<semaphore_mem>>)
    %dma_start3A_1406 = arith.constant 0 : i32
    %dma_start3A_1407 = arith.constant 20 : i32
    %dma_start3A_1408 = arith.constant 0 : i32
    %dma_start3A_1409 = arith.constant 0 : i32
    %dma_start3A_1410 = arith.constant 0 : i32
    %dma_start3A_1411 = tpu.memref_slice %arg6[%dma_start3A_1406, %dma_start3A_1409, %dma_start3A_1410] : memref<2x512x32xf32, #tpu.memory_space<vmem>> -> memref<1x512x32xf32, #tpu.memory_space<vmem>>
    %dma_start3A_1412 = tpu.memref_squeeze %dma_start3A_1411 : memref<1x512x32xf32, #tpu.memory_space<vmem>> -> memref<512x32xf32, #tpu.memory_space<vmem>>
    %dma_start3A_1413 = arith.constant 0 : i32
    %dma_start3A_1414 = tpu.memref_slice %arg4[%mul3A_2, %dma_start3A_1407, %dma_start3A_1413] : memref<16384x26x32xf32, #tpu.memory_space<hbm>> -> memref<512x1x32xf32, #tpu.memory_space<hbm>>
    %dma_start3A_1415 = tpu.memref_squeeze %dma_start3A_1414 : memref<512x1x32xf32, #tpu.memory_space<hbm>> -> memref<512x32xf32, #tpu.memory_space<hbm>>
    %dma_start3A_1416 = tpu.memref_slice %arg8[%dma_start3A_1408] : memref<2x!tpu.dma_semaphore, #tpu.memory_space<semaphore_mem>> -> memref<1x!tpu.dma_semaphore, #tpu.memory_space<semaphore_mem>>
    %dma_start3A_1417 = tpu.memref_squeeze %dma_start3A_1416 : memref<1x!tpu.dma_semaphore, #tpu.memory_space<semaphore_mem>> -> memref<!tpu.dma_semaphore, #tpu.memory_space<semaphore_mem>>
    %dma_start3A_1418 = arith.constant 0 : i32
    %dma_start3A_1419 = tpu.memref_slice %arg4[%mul3A_2, %dma_start3A_1407, %dma_start3A_1418] : memref<16384x26x32xf32, #tpu.memory_space<hbm>> -> memref<512x1x32xf32, #tpu.memory_space<hbm>>
    %dma_start3A_1420 = tpu.memref_squeeze %dma_start3A_1419 : memref<512x1x32xf32, #tpu.memory_space<hbm>> -> memref<512x32xf32, #tpu.memory_space<hbm>>
    %dma_start3A_1421 = arith.constant 0 : i32
    %dma_start3A_1422 = arith.constant 0 : i32
    %dma_start3A_1423 = tpu.memref_slice %arg6[%dma_start3A_1406, %dma_start3A_1421, %dma_start3A_1422] : memref<2x512x32xf32, #tpu.memory_space<vmem>> -> memref<1x512x32xf32, #tpu.memory_space<vmem>>
    %dma_start3A_1424 = tpu.memref_squeeze %dma_start3A_1423 : memref<1x512x32xf32, #tpu.memory_space<vmem>> -> memref<512x32xf32, #tpu.memory_space<vmem>>
    tpu.enqueue_dma source(%dma_start3A_1424 : memref<512x32xf32, #tpu.memory_space<vmem>>) target(%dma_start3A_1420 : memref<512x32xf32, #tpu.memory_space<hbm>>) target_semaphore(%dma_start3A_1417 : memref<!tpu.dma_semaphore, #tpu.memory_space<semaphore_mem>>)
    %dma_wait3A_1425 = arith.constant 21 : i32
    %dma_wait3A_1426 = arith.constant 1 : i32
    %dma_wait3A_1427 = arith.constant 1 : i32
    %dma_wait3A_1428 = arith.constant 0 : i32
    %dma_wait3A_1429 = arith.constant 0 : i32
    %dma_wait3A_1430 = tpu.memref_slice %arg6[%dma_wait3A_1426, %dma_wait3A_1428, %dma_wait3A_1429] : memref<2x512x32xf32, #tpu.memory_space<vmem>> -> memref<1x512x32xf32, #tpu.memory_space<vmem>>
    %dma_wait3A_1431 = tpu.memref_squeeze %dma_wait3A_1430 : memref<1x512x32xf32, #tpu.memory_space<vmem>> -> memref<512x32xf32, #tpu.memory_space<vmem>>
    %dma_wait3A_1432 = arith.constant 0 : i32
    %dma_wait3A_1433 = tpu.memref_slice %arg5[%dma_wait3A_1425, %dma_wait3A_1432] : memref<26x512xi32, #tpu.memory_space<vmem>> -> memref<1x512xi32, #tpu.memory_space<vmem>>
    %dma_wait3A_1434 = tpu.memref_squeeze %dma_wait3A_1433 : memref<1x512xi32, #tpu.memory_space<vmem>> -> memref<512xi32, #tpu.memory_space<vmem>>
    %dma_wait3A_1435 = arith.constant 0 : i32
    %dma_wait3A_1436 = arith.constant 0 : i32
    %dma_wait3A_1437 = tpu.memref_slice %arg3[%dma_wait3A_1435, %dma_wait3A_1436] : memref<1000000x32xf32, #tpu.memory_space<hbm>> -> memref<1000000x32xf32, #tpu.memory_space<hbm>>
    %dma_wait3A_1438 = tpu.memref_slice %arg7[%dma_wait3A_1427] : memref<2x!tpu.dma_semaphore, #tpu.memory_space<semaphore_mem>> -> memref<1x!tpu.dma_semaphore, #tpu.memory_space<semaphore_mem>>
    %dma_wait3A_1439 = tpu.memref_squeeze %dma_wait3A_1438 : memref<1x!tpu.dma_semaphore, #tpu.memory_space<semaphore_mem>> -> memref<!tpu.dma_semaphore, #tpu.memory_space<semaphore_mem>>
    tpu.wait_indirect_dma semaphore(%dma_wait3A_1439 : memref<!tpu.dma_semaphore, #tpu.memory_space<semaphore_mem>>) src(%dma_wait3A_1437 : memref<1000000x32xf32, #tpu.memory_space<hbm>>) dst(%dma_wait3A_1431 : memref<512x32xf32, #tpu.memory_space<vmem>>)
    %dma_wait3A_1440 = arith.constant 0 : i32
    %dma_wait3A_1441 = arith.constant 20 : i32
    %dma_wait3A_1442 = arith.constant 0 : i32
    %dma_wait3A_1443 = arith.constant 0 : i32
    %dma_wait3A_1444 = arith.constant 0 : i32
    %dma_wait3A_1445 = tpu.memref_slice %arg6[%dma_wait3A_1440, %dma_wait3A_1443, %dma_wait3A_1444] : memref<2x512x32xf32, #tpu.memory_space<vmem>> -> memref<1x512x32xf32, #tpu.memory_space<vmem>>
    %dma_wait3A_1446 = tpu.memref_squeeze %dma_wait3A_1445 : memref<1x512x32xf32, #tpu.memory_space<vmem>> -> memref<512x32xf32, #tpu.memory_space<vmem>>
    %dma_wait3A_1447 = arith.constant 0 : i32
    %dma_wait3A_1448 = tpu.memref_slice %arg4[%mul3A_2, %dma_wait3A_1441, %dma_wait3A_1447] : memref<16384x26x32xf32, #tpu.memory_space<hbm>> -> memref<512x1x32xf32, #tpu.memory_space<hbm>>
    %dma_wait3A_1449 = tpu.memref_squeeze %dma_wait3A_1448 : memref<512x1x32xf32, #tpu.memory_space<hbm>> -> memref<512x32xf32, #tpu.memory_space<hbm>>
    %dma_wait3A_1450 = tpu.memref_slice %arg8[%dma_wait3A_1442] : memref<2x!tpu.dma_semaphore, #tpu.memory_space<semaphore_mem>> -> memref<1x!tpu.dma_semaphore, #tpu.memory_space<semaphore_mem>>
    %dma_wait3A_1451 = tpu.memref_squeeze %dma_wait3A_1450 : memref<1x!tpu.dma_semaphore, #tpu.memory_space<semaphore_mem>> -> memref<!tpu.dma_semaphore, #tpu.memory_space<semaphore_mem>>
    %dma_wait3A_1452 = arith.constant 0 : i32
    %dma_wait3A_1453 = tpu.memref_slice %arg4[%mul3A_2, %dma_wait3A_1441, %dma_wait3A_1452] : memref<16384x26x32xf32, #tpu.memory_space<hbm>> -> memref<512x1x32xf32, #tpu.memory_space<hbm>>
    %dma_wait3A_1454 = tpu.memref_squeeze %dma_wait3A_1453 : memref<512x1x32xf32, #tpu.memory_space<hbm>> -> memref<512x32xf32, #tpu.memory_space<hbm>>
    %dma_wait3A_1455 = arith.constant 0 : i32
    %dma_wait3A_1456 = arith.constant 0 : i32
    %dma_wait3A_1457 = tpu.memref_slice %arg6[%dma_wait3A_1440, %dma_wait3A_1455, %dma_wait3A_1456] : memref<2x512x32xf32, #tpu.memory_space<vmem>> -> memref<1x512x32xf32, #tpu.memory_space<vmem>>
    %dma_wait3A_1458 = tpu.memref_squeeze %dma_wait3A_1457 : memref<1x512x32xf32, #tpu.memory_space<vmem>> -> memref<512x32xf32, #tpu.memory_space<vmem>>
    tpu.wait_dma2 semaphore(%dma_wait3A_1451 : memref<!tpu.dma_semaphore, #tpu.memory_space<semaphore_mem>>) src(%dma_wait3A_1458 : memref<512x32xf32, #tpu.memory_space<vmem>>) dst(%dma_wait3A_1454 : memref<512x32xf32, #tpu.memory_space<hbm>>)
    %dma_start3A_1459 = arith.constant 22 : i32
    %dma_start3A_1460 = arith.constant 0 : i32
    %dma_start3A_1461 = arith.constant 0 : i32
    %dma_start3A_1462 = arith.constant 0 : i32
    %dma_start3A_1463 = arith.constant 0 : i32
    %dma_start3A_1464 = tpu.memref_slice %arg6[%dma_start3A_1460, %dma_start3A_1462, %dma_start3A_1463] : memref<2x512x32xf32, #tpu.memory_space<vmem>> -> memref<1x512x32xf32, #tpu.memory_space<vmem>>
    %dma_start3A_1465 = tpu.memref_squeeze %dma_start3A_1464 : memref<1x512x32xf32, #tpu.memory_space<vmem>> -> memref<512x32xf32, #tpu.memory_space<vmem>>
    %dma_start3A_1466 = arith.constant 0 : i32
    %dma_start3A_1467 = tpu.memref_slice %arg5[%dma_start3A_1459, %dma_start3A_1466] : memref<26x512xi32, #tpu.memory_space<vmem>> -> memref<1x512xi32, #tpu.memory_space<vmem>>
    %dma_start3A_1468 = tpu.memref_squeeze %dma_start3A_1467 : memref<1x512xi32, #tpu.memory_space<vmem>> -> memref<512xi32, #tpu.memory_space<vmem>>
    %dma_start3A_1469 = arith.constant 0 : i32
    %dma_start3A_1470 = arith.constant 0 : i32
    %dma_start3A_1471 = tpu.memref_slice %arg3[%dma_start3A_1469, %dma_start3A_1470] : memref<1000000x32xf32, #tpu.memory_space<hbm>> -> memref<1000000x32xf32, #tpu.memory_space<hbm>>
    %dma_start3A_1472 = tpu.memref_slice %arg7[%dma_start3A_1461] : memref<2x!tpu.dma_semaphore, #tpu.memory_space<semaphore_mem>> -> memref<1x!tpu.dma_semaphore, #tpu.memory_space<semaphore_mem>>
    %dma_start3A_1473 = tpu.memref_squeeze %dma_start3A_1472 : memref<1x!tpu.dma_semaphore, #tpu.memory_space<semaphore_mem>> -> memref<!tpu.dma_semaphore, #tpu.memory_space<semaphore_mem>>
    tpu.enqueue_indirect_dma source(%dma_start3A_1471 : memref<1000000x32xf32, #tpu.memory_space<hbm>>) target(%dma_start3A_1465 : memref<512x32xf32, #tpu.memory_space<vmem>>) offsets(%dma_start3A_1468 : memref<512xi32, #tpu.memory_space<vmem>>) semaphore(%dma_start3A_1473 : memref<!tpu.dma_semaphore, #tpu.memory_space<semaphore_mem>>)
    %dma_start3A_1474 = arith.constant 1 : i32
    %dma_start3A_1475 = arith.constant 21 : i32
    %dma_start3A_1476 = arith.constant 1 : i32
    %dma_start3A_1477 = arith.constant 0 : i32
    %dma_start3A_1478 = arith.constant 0 : i32
    %dma_start3A_1479 = tpu.memref_slice %arg6[%dma_start3A_1474, %dma_start3A_1477, %dma_start3A_1478] : memref<2x512x32xf32, #tpu.memory_space<vmem>> -> memref<1x512x32xf32, #tpu.memory_space<vmem>>
    %dma_start3A_1480 = tpu.memref_squeeze %dma_start3A_1479 : memref<1x512x32xf32, #tpu.memory_space<vmem>> -> memref<512x32xf32, #tpu.memory_space<vmem>>
    %dma_start3A_1481 = arith.constant 0 : i32
    %dma_start3A_1482 = tpu.memref_slice %arg4[%mul3A_2, %dma_start3A_1475, %dma_start3A_1481] : memref<16384x26x32xf32, #tpu.memory_space<hbm>> -> memref<512x1x32xf32, #tpu.memory_space<hbm>>
    %dma_start3A_1483 = tpu.memref_squeeze %dma_start3A_1482 : memref<512x1x32xf32, #tpu.memory_space<hbm>> -> memref<512x32xf32, #tpu.memory_space<hbm>>
    %dma_start3A_1484 = tpu.memref_slice %arg8[%dma_start3A_1476] : memref<2x!tpu.dma_semaphore, #tpu.memory_space<semaphore_mem>> -> memref<1x!tpu.dma_semaphore, #tpu.memory_space<semaphore_mem>>
    %dma_start3A_1485 = tpu.memref_squeeze %dma_start3A_1484 : memref<1x!tpu.dma_semaphore, #tpu.memory_space<semaphore_mem>> -> memref<!tpu.dma_semaphore, #tpu.memory_space<semaphore_mem>>
    %dma_start3A_1486 = arith.constant 0 : i32
    %dma_start3A_1487 = tpu.memref_slice %arg4[%mul3A_2, %dma_start3A_1475, %dma_start3A_1486] : memref<16384x26x32xf32, #tpu.memory_space<hbm>> -> memref<512x1x32xf32, #tpu.memory_space<hbm>>
    %dma_start3A_1488 = tpu.memref_squeeze %dma_start3A_1487 : memref<512x1x32xf32, #tpu.memory_space<hbm>> -> memref<512x32xf32, #tpu.memory_space<hbm>>
    %dma_start3A_1489 = arith.constant 0 : i32
    %dma_start3A_1490 = arith.constant 0 : i32
    %dma_start3A_1491 = tpu.memref_slice %arg6[%dma_start3A_1474, %dma_start3A_1489, %dma_start3A_1490] : memref<2x512x32xf32, #tpu.memory_space<vmem>> -> memref<1x512x32xf32, #tpu.memory_space<vmem>>
    %dma_start3A_1492 = tpu.memref_squeeze %dma_start3A_1491 : memref<1x512x32xf32, #tpu.memory_space<vmem>> -> memref<512x32xf32, #tpu.memory_space<vmem>>
    tpu.enqueue_dma source(%dma_start3A_1492 : memref<512x32xf32, #tpu.memory_space<vmem>>) target(%dma_start3A_1488 : memref<512x32xf32, #tpu.memory_space<hbm>>) target_semaphore(%dma_start3A_1485 : memref<!tpu.dma_semaphore, #tpu.memory_space<semaphore_mem>>)
    %dma_wait3A_1493 = arith.constant 22 : i32
    %dma_wait3A_1494 = arith.constant 0 : i32
    %dma_wait3A_1495 = arith.constant 0 : i32
    %dma_wait3A_1496 = arith.constant 0 : i32
    %dma_wait3A_1497 = arith.constant 0 : i32
    %dma_wait3A_1498 = tpu.memref_slice %arg6[%dma_wait3A_1494, %dma_wait3A_1496, %dma_wait3A_1497] : memref<2x512x32xf32, #tpu.memory_space<vmem>> -> memref<1x512x32xf32, #tpu.memory_space<vmem>>
    %dma_wait3A_1499 = tpu.memref_squeeze %dma_wait3A_1498 : memref<1x512x32xf32, #tpu.memory_space<vmem>> -> memref<512x32xf32, #tpu.memory_space<vmem>>
    %dma_wait3A_1500 = arith.constant 0 : i32
    %dma_wait3A_1501 = tpu.memref_slice %arg5[%dma_wait3A_1493, %dma_wait3A_1500] : memref<26x512xi32, #tpu.memory_space<vmem>> -> memref<1x512xi32, #tpu.memory_space<vmem>>
    %dma_wait3A_1502 = tpu.memref_squeeze %dma_wait3A_1501 : memref<1x512xi32, #tpu.memory_space<vmem>> -> memref<512xi32, #tpu.memory_space<vmem>>
    %dma_wait3A_1503 = arith.constant 0 : i32
    %dma_wait3A_1504 = arith.constant 0 : i32
    %dma_wait3A_1505 = tpu.memref_slice %arg3[%dma_wait3A_1503, %dma_wait3A_1504] : memref<1000000x32xf32, #tpu.memory_space<hbm>> -> memref<1000000x32xf32, #tpu.memory_space<hbm>>
    %dma_wait3A_1506 = tpu.memref_slice %arg7[%dma_wait3A_1495] : memref<2x!tpu.dma_semaphore, #tpu.memory_space<semaphore_mem>> -> memref<1x!tpu.dma_semaphore, #tpu.memory_space<semaphore_mem>>
    %dma_wait3A_1507 = tpu.memref_squeeze %dma_wait3A_1506 : memref<1x!tpu.dma_semaphore, #tpu.memory_space<semaphore_mem>> -> memref<!tpu.dma_semaphore, #tpu.memory_space<semaphore_mem>>
    tpu.wait_indirect_dma semaphore(%dma_wait3A_1507 : memref<!tpu.dma_semaphore, #tpu.memory_space<semaphore_mem>>) src(%dma_wait3A_1505 : memref<1000000x32xf32, #tpu.memory_space<hbm>>) dst(%dma_wait3A_1499 : memref<512x32xf32, #tpu.memory_space<vmem>>)
    %dma_wait3A_1508 = arith.constant 1 : i32
    %dma_wait3A_1509 = arith.constant 21 : i32
    %dma_wait3A_1510 = arith.constant 1 : i32
    %dma_wait3A_1511 = arith.constant 0 : i32
    %dma_wait3A_1512 = arith.constant 0 : i32
    %dma_wait3A_1513 = tpu.memref_slice %arg6[%dma_wait3A_1508, %dma_wait3A_1511, %dma_wait3A_1512] : memref<2x512x32xf32, #tpu.memory_space<vmem>> -> memref<1x512x32xf32, #tpu.memory_space<vmem>>
    %dma_wait3A_1514 = tpu.memref_squeeze %dma_wait3A_1513 : memref<1x512x32xf32, #tpu.memory_space<vmem>> -> memref<512x32xf32, #tpu.memory_space<vmem>>
    %dma_wait3A_1515 = arith.constant 0 : i32
    %dma_wait3A_1516 = tpu.memref_slice %arg4[%mul3A_2, %dma_wait3A_1509, %dma_wait3A_1515] : memref<16384x26x32xf32, #tpu.memory_space<hbm>> -> memref<512x1x32xf32, #tpu.memory_space<hbm>>
    %dma_wait3A_1517 = tpu.memref_squeeze %dma_wait3A_1516 : memref<512x1x32xf32, #tpu.memory_space<hbm>> -> memref<512x32xf32, #tpu.memory_space<hbm>>
    %dma_wait3A_1518 = tpu.memref_slice %arg8[%dma_wait3A_1510] : memref<2x!tpu.dma_semaphore, #tpu.memory_space<semaphore_mem>> -> memref<1x!tpu.dma_semaphore, #tpu.memory_space<semaphore_mem>>
    %dma_wait3A_1519 = tpu.memref_squeeze %dma_wait3A_1518 : memref<1x!tpu.dma_semaphore, #tpu.memory_space<semaphore_mem>> -> memref<!tpu.dma_semaphore, #tpu.memory_space<semaphore_mem>>
    %dma_wait3A_1520 = arith.constant 0 : i32
    %dma_wait3A_1521 = tpu.memref_slice %arg4[%mul3A_2, %dma_wait3A_1509, %dma_wait3A_1520] : memref<16384x26x32xf32, #tpu.memory_space<hbm>> -> memref<512x1x32xf32, #tpu.memory_space<hbm>>
    %dma_wait3A_1522 = tpu.memref_squeeze %dma_wait3A_1521 : memref<512x1x32xf32, #tpu.memory_space<hbm>> -> memref<512x32xf32, #tpu.memory_space<hbm>>
    %dma_wait3A_1523 = arith.constant 0 : i32
    %dma_wait3A_1524 = arith.constant 0 : i32
    %dma_wait3A_1525 = tpu.memref_slice %arg6[%dma_wait3A_1508, %dma_wait3A_1523, %dma_wait3A_1524] : memref<2x512x32xf32, #tpu.memory_space<vmem>> -> memref<1x512x32xf32, #tpu.memory_space<vmem>>
    %dma_wait3A_1526 = tpu.memref_squeeze %dma_wait3A_1525 : memref<1x512x32xf32, #tpu.memory_space<vmem>> -> memref<512x32xf32, #tpu.memory_space<vmem>>
    tpu.wait_dma2 semaphore(%dma_wait3A_1519 : memref<!tpu.dma_semaphore, #tpu.memory_space<semaphore_mem>>) src(%dma_wait3A_1526 : memref<512x32xf32, #tpu.memory_space<vmem>>) dst(%dma_wait3A_1522 : memref<512x32xf32, #tpu.memory_space<hbm>>)
    %dma_start3A_1527 = arith.constant 23 : i32
    %dma_start3A_1528 = arith.constant 1 : i32
    %dma_start3A_1529 = arith.constant 1 : i32
    %dma_start3A_1530 = arith.constant 0 : i32
    %dma_start3A_1531 = arith.constant 0 : i32
    %dma_start3A_1532 = tpu.memref_slice %arg6[%dma_start3A_1528, %dma_start3A_1530, %dma_start3A_1531] : memref<2x512x32xf32, #tpu.memory_space<vmem>> -> memref<1x512x32xf32, #tpu.memory_space<vmem>>
    %dma_start3A_1533 = tpu.memref_squeeze %dma_start3A_1532 : memref<1x512x32xf32, #tpu.memory_space<vmem>> -> memref<512x32xf32, #tpu.memory_space<vmem>>
    %dma_start3A_1534 = arith.constant 0 : i32
    %dma_start3A_1535 = tpu.memref_slice %arg5[%dma_start3A_1527, %dma_start3A_1534] : memref<26x512xi32, #tpu.memory_space<vmem>> -> memref<1x512xi32, #tpu.memory_space<vmem>>
    %dma_start3A_1536 = tpu.memref_squeeze %dma_start3A_1535 : memref<1x512xi32, #tpu.memory_space<vmem>> -> memref<512xi32, #tpu.memory_space<vmem>>
    %dma_start3A_1537 = arith.constant 0 : i32
    %dma_start3A_1538 = arith.constant 0 : i32
    %dma_start3A_1539 = tpu.memref_slice %arg3[%dma_start3A_1537, %dma_start3A_1538] : memref<1000000x32xf32, #tpu.memory_space<hbm>> -> memref<1000000x32xf32, #tpu.memory_space<hbm>>
    %dma_start3A_1540 = tpu.memref_slice %arg7[%dma_start3A_1529] : memref<2x!tpu.dma_semaphore, #tpu.memory_space<semaphore_mem>> -> memref<1x!tpu.dma_semaphore, #tpu.memory_space<semaphore_mem>>
    %dma_start3A_1541 = tpu.memref_squeeze %dma_start3A_1540 : memref<1x!tpu.dma_semaphore, #tpu.memory_space<semaphore_mem>> -> memref<!tpu.dma_semaphore, #tpu.memory_space<semaphore_mem>>
    tpu.enqueue_indirect_dma source(%dma_start3A_1539 : memref<1000000x32xf32, #tpu.memory_space<hbm>>) target(%dma_start3A_1533 : memref<512x32xf32, #tpu.memory_space<vmem>>) offsets(%dma_start3A_1536 : memref<512xi32, #tpu.memory_space<vmem>>) semaphore(%dma_start3A_1541 : memref<!tpu.dma_semaphore, #tpu.memory_space<semaphore_mem>>)
    %dma_start3A_1542 = arith.constant 0 : i32
    %dma_start3A_1543 = arith.constant 22 : i32
    %dma_start3A_1544 = arith.constant 0 : i32
    %dma_start3A_1545 = arith.constant 0 : i32
    %dma_start3A_1546 = arith.constant 0 : i32
    %dma_start3A_1547 = tpu.memref_slice %arg6[%dma_start3A_1542, %dma_start3A_1545, %dma_start3A_1546] : memref<2x512x32xf32, #tpu.memory_space<vmem>> -> memref<1x512x32xf32, #tpu.memory_space<vmem>>
    %dma_start3A_1548 = tpu.memref_squeeze %dma_start3A_1547 : memref<1x512x32xf32, #tpu.memory_space<vmem>> -> memref<512x32xf32, #tpu.memory_space<vmem>>
    %dma_start3A_1549 = arith.constant 0 : i32
    %dma_start3A_1550 = tpu.memref_slice %arg4[%mul3A_2, %dma_start3A_1543, %dma_start3A_1549] : memref<16384x26x32xf32, #tpu.memory_space<hbm>> -> memref<512x1x32xf32, #tpu.memory_space<hbm>>
    %dma_start3A_1551 = tpu.memref_squeeze %dma_start3A_1550 : memref<512x1x32xf32, #tpu.memory_space<hbm>> -> memref<512x32xf32, #tpu.memory_space<hbm>>
    %dma_start3A_1552 = tpu.memref_slice %arg8[%dma_start3A_1544] : memref<2x!tpu.dma_semaphore, #tpu.memory_space<semaphore_mem>> -> memref<1x!tpu.dma_semaphore, #tpu.memory_space<semaphore_mem>>
    %dma_start3A_1553 = tpu.memref_squeeze %dma_start3A_1552 : memref<1x!tpu.dma_semaphore, #tpu.memory_space<semaphore_mem>> -> memref<!tpu.dma_semaphore, #tpu.memory_space<semaphore_mem>>
    %dma_start3A_1554 = arith.constant 0 : i32
    %dma_start3A_1555 = tpu.memref_slice %arg4[%mul3A_2, %dma_start3A_1543, %dma_start3A_1554] : memref<16384x26x32xf32, #tpu.memory_space<hbm>> -> memref<512x1x32xf32, #tpu.memory_space<hbm>>
    %dma_start3A_1556 = tpu.memref_squeeze %dma_start3A_1555 : memref<512x1x32xf32, #tpu.memory_space<hbm>> -> memref<512x32xf32, #tpu.memory_space<hbm>>
    %dma_start3A_1557 = arith.constant 0 : i32
    %dma_start3A_1558 = arith.constant 0 : i32
    %dma_start3A_1559 = tpu.memref_slice %arg6[%dma_start3A_1542, %dma_start3A_1557, %dma_start3A_1558] : memref<2x512x32xf32, #tpu.memory_space<vmem>> -> memref<1x512x32xf32, #tpu.memory_space<vmem>>
    %dma_start3A_1560 = tpu.memref_squeeze %dma_start3A_1559 : memref<1x512x32xf32, #tpu.memory_space<vmem>> -> memref<512x32xf32, #tpu.memory_space<vmem>>
    tpu.enqueue_dma source(%dma_start3A_1560 : memref<512x32xf32, #tpu.memory_space<vmem>>) target(%dma_start3A_1556 : memref<512x32xf32, #tpu.memory_space<hbm>>) target_semaphore(%dma_start3A_1553 : memref<!tpu.dma_semaphore, #tpu.memory_space<semaphore_mem>>)
    %dma_wait3A_1561 = arith.constant 23 : i32
    %dma_wait3A_1562 = arith.constant 1 : i32
    %dma_wait3A_1563 = arith.constant 1 : i32
    %dma_wait3A_1564 = arith.constant 0 : i32
    %dma_wait3A_1565 = arith.constant 0 : i32
    %dma_wait3A_1566 = tpu.memref_slice %arg6[%dma_wait3A_1562, %dma_wait3A_1564, %dma_wait3A_1565] : memref<2x512x32xf32, #tpu.memory_space<vmem>> -> memref<1x512x32xf32, #tpu.memory_space<vmem>>
    %dma_wait3A_1567 = tpu.memref_squeeze %dma_wait3A_1566 : memref<1x512x32xf32, #tpu.memory_space<vmem>> -> memref<512x32xf32, #tpu.memory_space<vmem>>
    %dma_wait3A_1568 = arith.constant 0 : i32
    %dma_wait3A_1569 = tpu.memref_slice %arg5[%dma_wait3A_1561, %dma_wait3A_1568] : memref<26x512xi32, #tpu.memory_space<vmem>> -> memref<1x512xi32, #tpu.memory_space<vmem>>
    %dma_wait3A_1570 = tpu.memref_squeeze %dma_wait3A_1569 : memref<1x512xi32, #tpu.memory_space<vmem>> -> memref<512xi32, #tpu.memory_space<vmem>>
    %dma_wait3A_1571 = arith.constant 0 : i32
    %dma_wait3A_1572 = arith.constant 0 : i32
    %dma_wait3A_1573 = tpu.memref_slice %arg3[%dma_wait3A_1571, %dma_wait3A_1572] : memref<1000000x32xf32, #tpu.memory_space<hbm>> -> memref<1000000x32xf32, #tpu.memory_space<hbm>>
    %dma_wait3A_1574 = tpu.memref_slice %arg7[%dma_wait3A_1563] : memref<2x!tpu.dma_semaphore, #tpu.memory_space<semaphore_mem>> -> memref<1x!tpu.dma_semaphore, #tpu.memory_space<semaphore_mem>>
    %dma_wait3A_1575 = tpu.memref_squeeze %dma_wait3A_1574 : memref<1x!tpu.dma_semaphore, #tpu.memory_space<semaphore_mem>> -> memref<!tpu.dma_semaphore, #tpu.memory_space<semaphore_mem>>
    tpu.wait_indirect_dma semaphore(%dma_wait3A_1575 : memref<!tpu.dma_semaphore, #tpu.memory_space<semaphore_mem>>) src(%dma_wait3A_1573 : memref<1000000x32xf32, #tpu.memory_space<hbm>>) dst(%dma_wait3A_1567 : memref<512x32xf32, #tpu.memory_space<vmem>>)
    %dma_wait3A_1576 = arith.constant 0 : i32
    %dma_wait3A_1577 = arith.constant 22 : i32
    %dma_wait3A_1578 = arith.constant 0 : i32
    %dma_wait3A_1579 = arith.constant 0 : i32
    %dma_wait3A_1580 = arith.constant 0 : i32
    %dma_wait3A_1581 = tpu.memref_slice %arg6[%dma_wait3A_1576, %dma_wait3A_1579, %dma_wait3A_1580] : memref<2x512x32xf32, #tpu.memory_space<vmem>> -> memref<1x512x32xf32, #tpu.memory_space<vmem>>
    %dma_wait3A_1582 = tpu.memref_squeeze %dma_wait3A_1581 : memref<1x512x32xf32, #tpu.memory_space<vmem>> -> memref<512x32xf32, #tpu.memory_space<vmem>>
    %dma_wait3A_1583 = arith.constant 0 : i32
    %dma_wait3A_1584 = tpu.memref_slice %arg4[%mul3A_2, %dma_wait3A_1577, %dma_wait3A_1583] : memref<16384x26x32xf32, #tpu.memory_space<hbm>> -> memref<512x1x32xf32, #tpu.memory_space<hbm>>
    %dma_wait3A_1585 = tpu.memref_squeeze %dma_wait3A_1584 : memref<512x1x32xf32, #tpu.memory_space<hbm>> -> memref<512x32xf32, #tpu.memory_space<hbm>>
    %dma_wait3A_1586 = tpu.memref_slice %arg8[%dma_wait3A_1578] : memref<2x!tpu.dma_semaphore, #tpu.memory_space<semaphore_mem>> -> memref<1x!tpu.dma_semaphore, #tpu.memory_space<semaphore_mem>>
    %dma_wait3A_1587 = tpu.memref_squeeze %dma_wait3A_1586 : memref<1x!tpu.dma_semaphore, #tpu.memory_space<semaphore_mem>> -> memref<!tpu.dma_semaphore, #tpu.memory_space<semaphore_mem>>
    %dma_wait3A_1588 = arith.constant 0 : i32
    %dma_wait3A_1589 = tpu.memref_slice %arg4[%mul3A_2, %dma_wait3A_1577, %dma_wait3A_1588] : memref<16384x26x32xf32, #tpu.memory_space<hbm>> -> memref<512x1x32xf32, #tpu.memory_space<hbm>>
    %dma_wait3A_1590 = tpu.memref_squeeze %dma_wait3A_1589 : memref<512x1x32xf32, #tpu.memory_space<hbm>> -> memref<512x32xf32, #tpu.memory_space<hbm>>
    %dma_wait3A_1591 = arith.constant 0 : i32
    %dma_wait3A_1592 = arith.constant 0 : i32
    %dma_wait3A_1593 = tpu.memref_slice %arg6[%dma_wait3A_1576, %dma_wait3A_1591, %dma_wait3A_1592] : memref<2x512x32xf32, #tpu.memory_space<vmem>> -> memref<1x512x32xf32, #tpu.memory_space<vmem>>
    %dma_wait3A_1594 = tpu.memref_squeeze %dma_wait3A_1593 : memref<1x512x32xf32, #tpu.memory_space<vmem>> -> memref<512x32xf32, #tpu.memory_space<vmem>>
    tpu.wait_dma2 semaphore(%dma_wait3A_1587 : memref<!tpu.dma_semaphore, #tpu.memory_space<semaphore_mem>>) src(%dma_wait3A_1594 : memref<512x32xf32, #tpu.memory_space<vmem>>) dst(%dma_wait3A_1590 : memref<512x32xf32, #tpu.memory_space<hbm>>)
    %dma_start3A_1595 = arith.constant 24 : i32
    %dma_start3A_1596 = arith.constant 0 : i32
    %dma_start3A_1597 = arith.constant 0 : i32
    %dma_start3A_1598 = arith.constant 0 : i32
    %dma_start3A_1599 = arith.constant 0 : i32
    %dma_start3A_1600 = tpu.memref_slice %arg6[%dma_start3A_1596, %dma_start3A_1598, %dma_start3A_1599] : memref<2x512x32xf32, #tpu.memory_space<vmem>> -> memref<1x512x32xf32, #tpu.memory_space<vmem>>
    %dma_start3A_1601 = tpu.memref_squeeze %dma_start3A_1600 : memref<1x512x32xf32, #tpu.memory_space<vmem>> -> memref<512x32xf32, #tpu.memory_space<vmem>>
    %dma_start3A_1602 = arith.constant 0 : i32
    %dma_start3A_1603 = tpu.memref_slice %arg5[%dma_start3A_1595, %dma_start3A_1602] : memref<26x512xi32, #tpu.memory_space<vmem>> -> memref<1x512xi32, #tpu.memory_space<vmem>>
    %dma_start3A_1604 = tpu.memref_squeeze %dma_start3A_1603 : memref<1x512xi32, #tpu.memory_space<vmem>> -> memref<512xi32, #tpu.memory_space<vmem>>
    %dma_start3A_1605 = arith.constant 0 : i32
    %dma_start3A_1606 = arith.constant 0 : i32
    %dma_start3A_1607 = tpu.memref_slice %arg3[%dma_start3A_1605, %dma_start3A_1606] : memref<1000000x32xf32, #tpu.memory_space<hbm>> -> memref<1000000x32xf32, #tpu.memory_space<hbm>>
    %dma_start3A_1608 = tpu.memref_slice %arg7[%dma_start3A_1597] : memref<2x!tpu.dma_semaphore, #tpu.memory_space<semaphore_mem>> -> memref<1x!tpu.dma_semaphore, #tpu.memory_space<semaphore_mem>>
    %dma_start3A_1609 = tpu.memref_squeeze %dma_start3A_1608 : memref<1x!tpu.dma_semaphore, #tpu.memory_space<semaphore_mem>> -> memref<!tpu.dma_semaphore, #tpu.memory_space<semaphore_mem>>
    tpu.enqueue_indirect_dma source(%dma_start3A_1607 : memref<1000000x32xf32, #tpu.memory_space<hbm>>) target(%dma_start3A_1601 : memref<512x32xf32, #tpu.memory_space<vmem>>) offsets(%dma_start3A_1604 : memref<512xi32, #tpu.memory_space<vmem>>) semaphore(%dma_start3A_1609 : memref<!tpu.dma_semaphore, #tpu.memory_space<semaphore_mem>>)
    %dma_start3A_1610 = arith.constant 1 : i32
    %dma_start3A_1611 = arith.constant 23 : i32
    %dma_start3A_1612 = arith.constant 1 : i32
    %dma_start3A_1613 = arith.constant 0 : i32
    %dma_start3A_1614 = arith.constant 0 : i32
    %dma_start3A_1615 = tpu.memref_slice %arg6[%dma_start3A_1610, %dma_start3A_1613, %dma_start3A_1614] : memref<2x512x32xf32, #tpu.memory_space<vmem>> -> memref<1x512x32xf32, #tpu.memory_space<vmem>>
    %dma_start3A_1616 = tpu.memref_squeeze %dma_start3A_1615 : memref<1x512x32xf32, #tpu.memory_space<vmem>> -> memref<512x32xf32, #tpu.memory_space<vmem>>
    %dma_start3A_1617 = arith.constant 0 : i32
    %dma_start3A_1618 = tpu.memref_slice %arg4[%mul3A_2, %dma_start3A_1611, %dma_start3A_1617] : memref<16384x26x32xf32, #tpu.memory_space<hbm>> -> memref<512x1x32xf32, #tpu.memory_space<hbm>>
    %dma_start3A_1619 = tpu.memref_squeeze %dma_start3A_1618 : memref<512x1x32xf32, #tpu.memory_space<hbm>> -> memref<512x32xf32, #tpu.memory_space<hbm>>
    %dma_start3A_1620 = tpu.memref_slice %arg8[%dma_start3A_1612] : memref<2x!tpu.dma_semaphore, #tpu.memory_space<semaphore_mem>> -> memref<1x!tpu.dma_semaphore, #tpu.memory_space<semaphore_mem>>
    %dma_start3A_1621 = tpu.memref_squeeze %dma_start3A_1620 : memref<1x!tpu.dma_semaphore, #tpu.memory_space<semaphore_mem>> -> memref<!tpu.dma_semaphore, #tpu.memory_space<semaphore_mem>>
    %dma_start3A_1622 = arith.constant 0 : i32
    %dma_start3A_1623 = tpu.memref_slice %arg4[%mul3A_2, %dma_start3A_1611, %dma_start3A_1622] : memref<16384x26x32xf32, #tpu.memory_space<hbm>> -> memref<512x1x32xf32, #tpu.memory_space<hbm>>
    %dma_start3A_1624 = tpu.memref_squeeze %dma_start3A_1623 : memref<512x1x32xf32, #tpu.memory_space<hbm>> -> memref<512x32xf32, #tpu.memory_space<hbm>>
    %dma_start3A_1625 = arith.constant 0 : i32
    %dma_start3A_1626 = arith.constant 0 : i32
    %dma_start3A_1627 = tpu.memref_slice %arg6[%dma_start3A_1610, %dma_start3A_1625, %dma_start3A_1626] : memref<2x512x32xf32, #tpu.memory_space<vmem>> -> memref<1x512x32xf32, #tpu.memory_space<vmem>>
    %dma_start3A_1628 = tpu.memref_squeeze %dma_start3A_1627 : memref<1x512x32xf32, #tpu.memory_space<vmem>> -> memref<512x32xf32, #tpu.memory_space<vmem>>
    tpu.enqueue_dma source(%dma_start3A_1628 : memref<512x32xf32, #tpu.memory_space<vmem>>) target(%dma_start3A_1624 : memref<512x32xf32, #tpu.memory_space<hbm>>) target_semaphore(%dma_start3A_1621 : memref<!tpu.dma_semaphore, #tpu.memory_space<semaphore_mem>>)
    %dma_wait3A_1629 = arith.constant 24 : i32
    %dma_wait3A_1630 = arith.constant 0 : i32
    %dma_wait3A_1631 = arith.constant 0 : i32
    %dma_wait3A_1632 = arith.constant 0 : i32
    %dma_wait3A_1633 = arith.constant 0 : i32
    %dma_wait3A_1634 = tpu.memref_slice %arg6[%dma_wait3A_1630, %dma_wait3A_1632, %dma_wait3A_1633] : memref<2x512x32xf32, #tpu.memory_space<vmem>> -> memref<1x512x32xf32, #tpu.memory_space<vmem>>
    %dma_wait3A_1635 = tpu.memref_squeeze %dma_wait3A_1634 : memref<1x512x32xf32, #tpu.memory_space<vmem>> -> memref<512x32xf32, #tpu.memory_space<vmem>>
    %dma_wait3A_1636 = arith.constant 0 : i32
    %dma_wait3A_1637 = tpu.memref_slice %arg5[%dma_wait3A_1629, %dma_wait3A_1636] : memref<26x512xi32, #tpu.memory_space<vmem>> -> memref<1x512xi32, #tpu.memory_space<vmem>>
    %dma_wait3A_1638 = tpu.memref_squeeze %dma_wait3A_1637 : memref<1x512xi32, #tpu.memory_space<vmem>> -> memref<512xi32, #tpu.memory_space<vmem>>
    %dma_wait3A_1639 = arith.constant 0 : i32
    %dma_wait3A_1640 = arith.constant 0 : i32
    %dma_wait3A_1641 = tpu.memref_slice %arg3[%dma_wait3A_1639, %dma_wait3A_1640] : memref<1000000x32xf32, #tpu.memory_space<hbm>> -> memref<1000000x32xf32, #tpu.memory_space<hbm>>
    %dma_wait3A_1642 = tpu.memref_slice %arg7[%dma_wait3A_1631] : memref<2x!tpu.dma_semaphore, #tpu.memory_space<semaphore_mem>> -> memref<1x!tpu.dma_semaphore, #tpu.memory_space<semaphore_mem>>
    %dma_wait3A_1643 = tpu.memref_squeeze %dma_wait3A_1642 : memref<1x!tpu.dma_semaphore, #tpu.memory_space<semaphore_mem>> -> memref<!tpu.dma_semaphore, #tpu.memory_space<semaphore_mem>>
    tpu.wait_indirect_dma semaphore(%dma_wait3A_1643 : memref<!tpu.dma_semaphore, #tpu.memory_space<semaphore_mem>>) src(%dma_wait3A_1641 : memref<1000000x32xf32, #tpu.memory_space<hbm>>) dst(%dma_wait3A_1635 : memref<512x32xf32, #tpu.memory_space<vmem>>)
    %dma_wait3A_1644 = arith.constant 1 : i32
    %dma_wait3A_1645 = arith.constant 23 : i32
    %dma_wait3A_1646 = arith.constant 1 : i32
    %dma_wait3A_1647 = arith.constant 0 : i32
    %dma_wait3A_1648 = arith.constant 0 : i32
    %dma_wait3A_1649 = tpu.memref_slice %arg6[%dma_wait3A_1644, %dma_wait3A_1647, %dma_wait3A_1648] : memref<2x512x32xf32, #tpu.memory_space<vmem>> -> memref<1x512x32xf32, #tpu.memory_space<vmem>>
    %dma_wait3A_1650 = tpu.memref_squeeze %dma_wait3A_1649 : memref<1x512x32xf32, #tpu.memory_space<vmem>> -> memref<512x32xf32, #tpu.memory_space<vmem>>
    %dma_wait3A_1651 = arith.constant 0 : i32
    %dma_wait3A_1652 = tpu.memref_slice %arg4[%mul3A_2, %dma_wait3A_1645, %dma_wait3A_1651] : memref<16384x26x32xf32, #tpu.memory_space<hbm>> -> memref<512x1x32xf32, #tpu.memory_space<hbm>>
    %dma_wait3A_1653 = tpu.memref_squeeze %dma_wait3A_1652 : memref<512x1x32xf32, #tpu.memory_space<hbm>> -> memref<512x32xf32, #tpu.memory_space<hbm>>
    %dma_wait3A_1654 = tpu.memref_slice %arg8[%dma_wait3A_1646] : memref<2x!tpu.dma_semaphore, #tpu.memory_space<semaphore_mem>> -> memref<1x!tpu.dma_semaphore, #tpu.memory_space<semaphore_mem>>
    %dma_wait3A_1655 = tpu.memref_squeeze %dma_wait3A_1654 : memref<1x!tpu.dma_semaphore, #tpu.memory_space<semaphore_mem>> -> memref<!tpu.dma_semaphore, #tpu.memory_space<semaphore_mem>>
    %dma_wait3A_1656 = arith.constant 0 : i32
    %dma_wait3A_1657 = tpu.memref_slice %arg4[%mul3A_2, %dma_wait3A_1645, %dma_wait3A_1656] : memref<16384x26x32xf32, #tpu.memory_space<hbm>> -> memref<512x1x32xf32, #tpu.memory_space<hbm>>
    %dma_wait3A_1658 = tpu.memref_squeeze %dma_wait3A_1657 : memref<512x1x32xf32, #tpu.memory_space<hbm>> -> memref<512x32xf32, #tpu.memory_space<hbm>>
    %dma_wait3A_1659 = arith.constant 0 : i32
    %dma_wait3A_1660 = arith.constant 0 : i32
    %dma_wait3A_1661 = tpu.memref_slice %arg6[%dma_wait3A_1644, %dma_wait3A_1659, %dma_wait3A_1660] : memref<2x512x32xf32, #tpu.memory_space<vmem>> -> memref<1x512x32xf32, #tpu.memory_space<vmem>>
    %dma_wait3A_1662 = tpu.memref_squeeze %dma_wait3A_1661 : memref<1x512x32xf32, #tpu.memory_space<vmem>> -> memref<512x32xf32, #tpu.memory_space<vmem>>
    tpu.wait_dma2 semaphore(%dma_wait3A_1655 : memref<!tpu.dma_semaphore, #tpu.memory_space<semaphore_mem>>) src(%dma_wait3A_1662 : memref<512x32xf32, #tpu.memory_space<vmem>>) dst(%dma_wait3A_1658 : memref<512x32xf32, #tpu.memory_space<hbm>>)
    %dma_start3A_1663 = arith.constant 25 : i32
    %dma_start3A_1664 = arith.constant 1 : i32
    %dma_start3A_1665 = arith.constant 1 : i32
    %dma_start3A_1666 = arith.constant 0 : i32
    %dma_start3A_1667 = arith.constant 0 : i32
    %dma_start3A_1668 = tpu.memref_slice %arg6[%dma_start3A_1664, %dma_start3A_1666, %dma_start3A_1667] : memref<2x512x32xf32, #tpu.memory_space<vmem>> -> memref<1x512x32xf32, #tpu.memory_space<vmem>>
    %dma_start3A_1669 = tpu.memref_squeeze %dma_start3A_1668 : memref<1x512x32xf32, #tpu.memory_space<vmem>> -> memref<512x32xf32, #tpu.memory_space<vmem>>
    %dma_start3A_1670 = arith.constant 0 : i32
    %dma_start3A_1671 = tpu.memref_slice %arg5[%dma_start3A_1663, %dma_start3A_1670] : memref<26x512xi32, #tpu.memory_space<vmem>> -> memref<1x512xi32, #tpu.memory_space<vmem>>
    %dma_start3A_1672 = tpu.memref_squeeze %dma_start3A_1671 : memref<1x512xi32, #tpu.memory_space<vmem>> -> memref<512xi32, #tpu.memory_space<vmem>>
    %dma_start3A_1673 = arith.constant 0 : i32
    %dma_start3A_1674 = arith.constant 0 : i32
    %dma_start3A_1675 = tpu.memref_slice %arg3[%dma_start3A_1673, %dma_start3A_1674] : memref<1000000x32xf32, #tpu.memory_space<hbm>> -> memref<1000000x32xf32, #tpu.memory_space<hbm>>
    %dma_start3A_1676 = tpu.memref_slice %arg7[%dma_start3A_1665] : memref<2x!tpu.dma_semaphore, #tpu.memory_space<semaphore_mem>> -> memref<1x!tpu.dma_semaphore, #tpu.memory_space<semaphore_mem>>
    %dma_start3A_1677 = tpu.memref_squeeze %dma_start3A_1676 : memref<1x!tpu.dma_semaphore, #tpu.memory_space<semaphore_mem>> -> memref<!tpu.dma_semaphore, #tpu.memory_space<semaphore_mem>>
    tpu.enqueue_indirect_dma source(%dma_start3A_1675 : memref<1000000x32xf32, #tpu.memory_space<hbm>>) target(%dma_start3A_1669 : memref<512x32xf32, #tpu.memory_space<vmem>>) offsets(%dma_start3A_1672 : memref<512xi32, #tpu.memory_space<vmem>>) semaphore(%dma_start3A_1677 : memref<!tpu.dma_semaphore, #tpu.memory_space<semaphore_mem>>)
    %dma_start3A_1678 = arith.constant 0 : i32
    %dma_start3A_1679 = arith.constant 24 : i32
    %dma_start3A_1680 = arith.constant 0 : i32
    %dma_start3A_1681 = arith.constant 0 : i32
    %dma_start3A_1682 = arith.constant 0 : i32
    %dma_start3A_1683 = tpu.memref_slice %arg6[%dma_start3A_1678, %dma_start3A_1681, %dma_start3A_1682] : memref<2x512x32xf32, #tpu.memory_space<vmem>> -> memref<1x512x32xf32, #tpu.memory_space<vmem>>
    %dma_start3A_1684 = tpu.memref_squeeze %dma_start3A_1683 : memref<1x512x32xf32, #tpu.memory_space<vmem>> -> memref<512x32xf32, #tpu.memory_space<vmem>>
    %dma_start3A_1685 = arith.constant 0 : i32
    %dma_start3A_1686 = tpu.memref_slice %arg4[%mul3A_2, %dma_start3A_1679, %dma_start3A_1685] : memref<16384x26x32xf32, #tpu.memory_space<hbm>> -> memref<512x1x32xf32, #tpu.memory_space<hbm>>
    %dma_start3A_1687 = tpu.memref_squeeze %dma_start3A_1686 : memref<512x1x32xf32, #tpu.memory_space<hbm>> -> memref<512x32xf32, #tpu.memory_space<hbm>>
    %dma_start3A_1688 = tpu.memref_slice %arg8[%dma_start3A_1680] : memref<2x!tpu.dma_semaphore, #tpu.memory_space<semaphore_mem>> -> memref<1x!tpu.dma_semaphore, #tpu.memory_space<semaphore_mem>>
    %dma_start3A_1689 = tpu.memref_squeeze %dma_start3A_1688 : memref<1x!tpu.dma_semaphore, #tpu.memory_space<semaphore_mem>> -> memref<!tpu.dma_semaphore, #tpu.memory_space<semaphore_mem>>
    %dma_start3A_1690 = arith.constant 0 : i32
    %dma_start3A_1691 = tpu.memref_slice %arg4[%mul3A_2, %dma_start3A_1679, %dma_start3A_1690] : memref<16384x26x32xf32, #tpu.memory_space<hbm>> -> memref<512x1x32xf32, #tpu.memory_space<hbm>>
    %dma_start3A_1692 = tpu.memref_squeeze %dma_start3A_1691 : memref<512x1x32xf32, #tpu.memory_space<hbm>> -> memref<512x32xf32, #tpu.memory_space<hbm>>
    %dma_start3A_1693 = arith.constant 0 : i32
    %dma_start3A_1694 = arith.constant 0 : i32
    %dma_start3A_1695 = tpu.memref_slice %arg6[%dma_start3A_1678, %dma_start3A_1693, %dma_start3A_1694] : memref<2x512x32xf32, #tpu.memory_space<vmem>> -> memref<1x512x32xf32, #tpu.memory_space<vmem>>
    %dma_start3A_1696 = tpu.memref_squeeze %dma_start3A_1695 : memref<1x512x32xf32, #tpu.memory_space<vmem>> -> memref<512x32xf32, #tpu.memory_space<vmem>>
    tpu.enqueue_dma source(%dma_start3A_1696 : memref<512x32xf32, #tpu.memory_space<vmem>>) target(%dma_start3A_1692 : memref<512x32xf32, #tpu.memory_space<hbm>>) target_semaphore(%dma_start3A_1689 : memref<!tpu.dma_semaphore, #tpu.memory_space<semaphore_mem>>)
    %dma_wait3A_1697 = arith.constant 25 : i32
    %dma_wait3A_1698 = arith.constant 1 : i32
    %dma_wait3A_1699 = arith.constant 1 : i32
    %dma_wait3A_1700 = arith.constant 0 : i32
    %dma_wait3A_1701 = arith.constant 0 : i32
    %dma_wait3A_1702 = tpu.memref_slice %arg6[%dma_wait3A_1698, %dma_wait3A_1700, %dma_wait3A_1701] : memref<2x512x32xf32, #tpu.memory_space<vmem>> -> memref<1x512x32xf32, #tpu.memory_space<vmem>>
    %dma_wait3A_1703 = tpu.memref_squeeze %dma_wait3A_1702 : memref<1x512x32xf32, #tpu.memory_space<vmem>> -> memref<512x32xf32, #tpu.memory_space<vmem>>
    %dma_wait3A_1704 = arith.constant 0 : i32
    %dma_wait3A_1705 = tpu.memref_slice %arg5[%dma_wait3A_1697, %dma_wait3A_1704] : memref<26x512xi32, #tpu.memory_space<vmem>> -> memref<1x512xi32, #tpu.memory_space<vmem>>
    %dma_wait3A_1706 = tpu.memref_squeeze %dma_wait3A_1705 : memref<1x512xi32, #tpu.memory_space<vmem>> -> memref<512xi32, #tpu.memory_space<vmem>>
    %dma_wait3A_1707 = arith.constant 0 : i32
    %dma_wait3A_1708 = arith.constant 0 : i32
    %dma_wait3A_1709 = tpu.memref_slice %arg3[%dma_wait3A_1707, %dma_wait3A_1708] : memref<1000000x32xf32, #tpu.memory_space<hbm>> -> memref<1000000x32xf32, #tpu.memory_space<hbm>>
    %dma_wait3A_1710 = tpu.memref_slice %arg7[%dma_wait3A_1699] : memref<2x!tpu.dma_semaphore, #tpu.memory_space<semaphore_mem>> -> memref<1x!tpu.dma_semaphore, #tpu.memory_space<semaphore_mem>>
    %dma_wait3A_1711 = tpu.memref_squeeze %dma_wait3A_1710 : memref<1x!tpu.dma_semaphore, #tpu.memory_space<semaphore_mem>> -> memref<!tpu.dma_semaphore, #tpu.memory_space<semaphore_mem>>
    tpu.wait_indirect_dma semaphore(%dma_wait3A_1711 : memref<!tpu.dma_semaphore, #tpu.memory_space<semaphore_mem>>) src(%dma_wait3A_1709 : memref<1000000x32xf32, #tpu.memory_space<hbm>>) dst(%dma_wait3A_1703 : memref<512x32xf32, #tpu.memory_space<vmem>>)
    %dma_start3A_1712 = arith.constant 1 : i32
    %dma_start3A_1713 = arith.constant 25 : i32
    %dma_start3A_1714 = arith.constant 1 : i32
    %dma_start3A_1715 = arith.constant 0 : i32
    %dma_start3A_1716 = arith.constant 0 : i32
    %dma_start3A_1717 = tpu.memref_slice %arg6[%dma_start3A_1712, %dma_start3A_1715, %dma_start3A_1716] : memref<2x512x32xf32, #tpu.memory_space<vmem>> -> memref<1x512x32xf32, #tpu.memory_space<vmem>>
    %dma_start3A_1718 = tpu.memref_squeeze %dma_start3A_1717 : memref<1x512x32xf32, #tpu.memory_space<vmem>> -> memref<512x32xf32, #tpu.memory_space<vmem>>
    %dma_start3A_1719 = arith.constant 0 : i32
    %dma_start3A_1720 = tpu.memref_slice %arg4[%mul3A_2, %dma_start3A_1713, %dma_start3A_1719] : memref<16384x26x32xf32, #tpu.memory_space<hbm>> -> memref<512x1x32xf32, #tpu.memory_space<hbm>>
    %dma_start3A_1721 = tpu.memref_squeeze %dma_start3A_1720 : memref<512x1x32xf32, #tpu.memory_space<hbm>> -> memref<512x32xf32, #tpu.memory_space<hbm>>
    %dma_start3A_1722 = tpu.memref_slice %arg8[%dma_start3A_1714] : memref<2x!tpu.dma_semaphore, #tpu.memory_space<semaphore_mem>> -> memref<1x!tpu.dma_semaphore, #tpu.memory_space<semaphore_mem>>
    %dma_start3A_1723 = tpu.memref_squeeze %dma_start3A_1722 : memref<1x!tpu.dma_semaphore, #tpu.memory_space<semaphore_mem>> -> memref<!tpu.dma_semaphore, #tpu.memory_space<semaphore_mem>>
    %dma_start3A_1724 = arith.constant 0 : i32
    %dma_start3A_1725 = tpu.memref_slice %arg4[%mul3A_2, %dma_start3A_1713, %dma_start3A_1724] : memref<16384x26x32xf32, #tpu.memory_space<hbm>> -> memref<512x1x32xf32, #tpu.memory_space<hbm>>
    %dma_start3A_1726 = tpu.memref_squeeze %dma_start3A_1725 : memref<512x1x32xf32, #tpu.memory_space<hbm>> -> memref<512x32xf32, #tpu.memory_space<hbm>>
    %dma_start3A_1727 = arith.constant 0 : i32
    %dma_start3A_1728 = arith.constant 0 : i32
    %dma_start3A_1729 = tpu.memref_slice %arg6[%dma_start3A_1712, %dma_start3A_1727, %dma_start3A_1728] : memref<2x512x32xf32, #tpu.memory_space<vmem>> -> memref<1x512x32xf32, #tpu.memory_space<vmem>>
    %dma_start3A_1730 = tpu.memref_squeeze %dma_start3A_1729 : memref<1x512x32xf32, #tpu.memory_space<vmem>> -> memref<512x32xf32, #tpu.memory_space<vmem>>
    tpu.enqueue_dma source(%dma_start3A_1730 : memref<512x32xf32, #tpu.memory_space<vmem>>) target(%dma_start3A_1726 : memref<512x32xf32, #tpu.memory_space<hbm>>) target_semaphore(%dma_start3A_1723 : memref<!tpu.dma_semaphore, #tpu.memory_space<semaphore_mem>>)
    %dma_wait3A_1731 = arith.constant 0 : i32
    %dma_wait3A_1732 = arith.constant 24 : i32
    %dma_wait3A_1733 = arith.constant 0 : i32
    %dma_wait3A_1734 = arith.constant 0 : i32
    %dma_wait3A_1735 = arith.constant 0 : i32
    %dma_wait3A_1736 = tpu.memref_slice %arg6[%dma_wait3A_1731, %dma_wait3A_1734, %dma_wait3A_1735] : memref<2x512x32xf32, #tpu.memory_space<vmem>> -> memref<1x512x32xf32, #tpu.memory_space<vmem>>
    %dma_wait3A_1737 = tpu.memref_squeeze %dma_wait3A_1736 : memref<1x512x32xf32, #tpu.memory_space<vmem>> -> memref<512x32xf32, #tpu.memory_space<vmem>>
    %dma_wait3A_1738 = arith.constant 0 : i32
    %dma_wait3A_1739 = tpu.memref_slice %arg4[%mul3A_2, %dma_wait3A_1732, %dma_wait3A_1738] : memref<16384x26x32xf32, #tpu.memory_space<hbm>> -> memref<512x1x32xf32, #tpu.memory_space<hbm>>
    %dma_wait3A_1740 = tpu.memref_squeeze %dma_wait3A_1739 : memref<512x1x32xf32, #tpu.memory_space<hbm>> -> memref<512x32xf32, #tpu.memory_space<hbm>>
    %dma_wait3A_1741 = tpu.memref_slice %arg8[%dma_wait3A_1733] : memref<2x!tpu.dma_semaphore, #tpu.memory_space<semaphore_mem>> -> memref<1x!tpu.dma_semaphore, #tpu.memory_space<semaphore_mem>>
    %dma_wait3A_1742 = tpu.memref_squeeze %dma_wait3A_1741 : memref<1x!tpu.dma_semaphore, #tpu.memory_space<semaphore_mem>> -> memref<!tpu.dma_semaphore, #tpu.memory_space<semaphore_mem>>
    %dma_wait3A_1743 = arith.constant 0 : i32
    %dma_wait3A_1744 = tpu.memref_slice %arg4[%mul3A_2, %dma_wait3A_1732, %dma_wait3A_1743] : memref<16384x26x32xf32, #tpu.memory_space<hbm>> -> memref<512x1x32xf32, #tpu.memory_space<hbm>>
    %dma_wait3A_1745 = tpu.memref_squeeze %dma_wait3A_1744 : memref<512x1x32xf32, #tpu.memory_space<hbm>> -> memref<512x32xf32, #tpu.memory_space<hbm>>
    %dma_wait3A_1746 = arith.constant 0 : i32
    %dma_wait3A_1747 = arith.constant 0 : i32
    %dma_wait3A_1748 = tpu.memref_slice %arg6[%dma_wait3A_1731, %dma_wait3A_1746, %dma_wait3A_1747] : memref<2x512x32xf32, #tpu.memory_space<vmem>> -> memref<1x512x32xf32, #tpu.memory_space<vmem>>
    %dma_wait3A_1749 = tpu.memref_squeeze %dma_wait3A_1748 : memref<1x512x32xf32, #tpu.memory_space<vmem>> -> memref<512x32xf32, #tpu.memory_space<vmem>>
    tpu.wait_dma2 semaphore(%dma_wait3A_1742 : memref<!tpu.dma_semaphore, #tpu.memory_space<semaphore_mem>>) src(%dma_wait3A_1749 : memref<512x32xf32, #tpu.memory_space<vmem>>) dst(%dma_wait3A_1745 : memref<512x32xf32, #tpu.memory_space<hbm>>)
    %dma_wait3A_1750 = arith.constant 1 : i32
    %dma_wait3A_1751 = arith.constant 25 : i32
    %dma_wait3A_1752 = arith.constant 1 : i32
    %dma_wait3A_1753 = arith.constant 0 : i32
    %dma_wait3A_1754 = arith.constant 0 : i32
    %dma_wait3A_1755 = tpu.memref_slice %arg6[%dma_wait3A_1750, %dma_wait3A_1753, %dma_wait3A_1754] : memref<2x512x32xf32, #tpu.memory_space<vmem>> -> memref<1x512x32xf32, #tpu.memory_space<vmem>>
    %dma_wait3A_1756 = tpu.memref_squeeze %dma_wait3A_1755 : memref<1x512x32xf32, #tpu.memory_space<vmem>> -> memref<512x32xf32, #tpu.memory_space<vmem>>
    %dma_wait3A_1757 = arith.constant 0 : i32
    %dma_wait3A_1758 = tpu.memref_slice %arg4[%mul3A_2, %dma_wait3A_1751, %dma_wait3A_1757] : memref<16384x26x32xf32, #tpu.memory_space<hbm>> -> memref<512x1x32xf32, #tpu.memory_space<hbm>>
    %dma_wait3A_1759 = tpu.memref_squeeze %dma_wait3A_1758 : memref<512x1x32xf32, #tpu.memory_space<hbm>> -> memref<512x32xf32, #tpu.memory_space<hbm>>
    %dma_wait3A_1760 = tpu.memref_slice %arg8[%dma_wait3A_1752] : memref<2x!tpu.dma_semaphore, #tpu.memory_space<semaphore_mem>> -> memref<1x!tpu.dma_semaphore, #tpu.memory_space<semaphore_mem>>
    %dma_wait3A_1761 = tpu.memref_squeeze %dma_wait3A_1760 : memref<1x!tpu.dma_semaphore, #tpu.memory_space<semaphore_mem>> -> memref<!tpu.dma_semaphore, #tpu.memory_space<semaphore_mem>>
    %dma_wait3A_1762 = arith.constant 0 : i32
    %dma_wait3A_1763 = tpu.memref_slice %arg4[%mul3A_2, %dma_wait3A_1751, %dma_wait3A_1762] : memref<16384x26x32xf32, #tpu.memory_space<hbm>> -> memref<512x1x32xf32, #tpu.memory_space<hbm>>
    %dma_wait3A_1764 = tpu.memref_squeeze %dma_wait3A_1763 : memref<512x1x32xf32, #tpu.memory_space<hbm>> -> memref<512x32xf32, #tpu.memory_space<hbm>>
    %dma_wait3A_1765 = arith.constant 0 : i32
    %dma_wait3A_1766 = arith.constant 0 : i32
    %dma_wait3A_1767 = tpu.memref_slice %arg6[%dma_wait3A_1750, %dma_wait3A_1765, %dma_wait3A_1766] : memref<2x512x32xf32, #tpu.memory_space<vmem>> -> memref<1x512x32xf32, #tpu.memory_space<vmem>>
    %dma_wait3A_1768 = tpu.memref_squeeze %dma_wait3A_1767 : memref<1x512x32xf32, #tpu.memory_space<vmem>> -> memref<512x32xf32, #tpu.memory_space<vmem>>
    tpu.wait_dma2 semaphore(%dma_wait3A_1761 : memref<!tpu.dma_semaphore, #tpu.memory_space<semaphore_mem>>) src(%dma_wait3A_1768 : memref<512x32xf32, #tpu.memory_space<vmem>>) dst(%dma_wait3A_1764 : memref<512x32xf32, #tpu.memory_space<hbm>>)
    return
  }
}

</mosaic_0001>

<sc_bundles>
// kernel: kernel.3.cloned.1.call-start
scs
__scs_entry_jumppad:
0x0: {  	(pc) =	sbr.rel $0x88, $3  }
0x1: {  	(tag) =	ssettag $0x0;
	lr =	simm.s32 $0x1  }
0x2: {  	[smem:$0x3F9F] =	sst lr;
	_ =	strace $0xD0000000  }
0x3: {  	_ = 	snop  }
0x4: {  	_ = 	snop  }
0x5: {  	_ = 	snop  }
0x6: {  	_ = 	snop  }
0x7: {  	_ = 	snop  }
__scs_overlays_trampoline_lowered:
0x8: {  	[smem:$0x3FAE] =	sst s0  }
0x9: {  	[smem:$0x3FAF] =	sst s1  }
0xa: {  	[smem:$0x3FB0] =	sst s2  }
0xb: {  	[smem:$0x3FB1] =	sst s3  }
0xc: {  	[smem:$0x3FB2] =	sst s4  }
0xd: {  	[smem:$0x3FB3] =	sst s5  }
0xe: {  	[smem:$0x3FB4] =	sst s6  }
0xf: {  	[smem:$0x3FB5] =	sst s7  }
0x10: {  	[smem:$0x3FB6] =	sst s8  }
0x11: {  	[smem:$0x3FB7] =	sst s9;
	s0 =	simm.s32 @!p0 $0x0  }
0x12: {  	s1 =	sld [smem:$0x3F9D];
	s0 =	simm.s32 @p0 $0x1  }
0x13: {  	[smem:$0x3FB8] =	sst s0;
	s0 =	simm.s32 @!p1 $0x0  }
0x14: {  	s2 =	sld [smem:$0x3F9C];
	s0 =	simm.s32 @p1 $0x1  }
0x15: {  	[smem:$0x3FB9] =	sst s0;
	s0 =	simm.s32 @!p2 $0x0  }
0x16: {  	s3 =	sld [smem:$0x3FDB];
	s0 =	simm.s32 @p2 $0x1  }
0x17: {  	s4 =	simm.s32 $0x1BF5;
	[smem:$0x3FBB] =	sst s0  }
0x18: {  	s0 =	sld [smem:$0x3F9E];
	_ =	swait.ge [sflag:s4], $0x0  }
0x19: {  	s7 =	sld [smem:$0x3F9F]  }
0x1a: {  	s8 =	sadd.s32 $0xFFFFE003, lr  }
0x1b: {  	s9 =	sadd.s32 $0xFFFFFEF7, lr;
	s5 =	simm.s32 $0xFFFFFFFF;
	p2 =	slt.u32 s8, $0xFFFFF086  }
0x1c: {  	p1 =	slt.u32 s9, $0xF7A;
	s5 =	simm.s32 @!p2 $0x0  }
0x1d: {  	s5 =	simm.s32 @p1 $0x1;
	p0 =	seq.s32 s7, s2  }
0x1e: {  	s7 =	smul.u32 @!p0 $0xF7A, s2;
	p2 =	seq.s32 @!p0 s5, $0x0  }
0x1f: {  	s9 =	smul.u32 $0xF7A, s1;
	s8 =	simm.s32 @!p0 $0x1BF5;
	p2 =	por !p2, p0  }
0x20: {  	[sflag:s8] =	ssyncset.s32 @!p0 $0xFFFFF086;
	s6 =	sadd.s32 @!p0 s3, s7;
	s7 =	simm.s32 @!p0 $0x108  }
0x21: {  	s3 =	sadd.s32 s3, s9;
	s6 =	sadd.s32 @!p0 $0x88, s6;
	s7 =	simm.s32 @p2 $0x1082  }
0x22: {  	[simem:s7], [sflag:s8] =	dma.local @!p0 [hbm:s6], $0xF7A  }
0x23: {  	s9 =	sor.u32 $0xD0000000, s2;
	s6 =	simm.s32 $0x108;
	_ =	swait.ge @!p0 [sflag:s8], $0x0  }
0x24: {  	s3 =	sadd.s32 $0x88, s3;
	s6 =	simm.s32 @!p1 $0x1082;
	[sflag:s4] =	ssyncset.s32 $0xFFFFF086  }
0x25: {  	[simem:s6], [sflag:s4] =	dma.local [hbm:s3], $0xF7A  }
0x26: {  	[smem:$0x3F9F] =	sst s1;
	(tag) =	ssettag s2;
	_ =	strace s9  }
0x27: {  	s1 =	sld [smem:$0x3FAF]  }
0x28: {  	s2 =	sld [smem:$0x3FB0]  }
0x29: {  	s4 =	sld [smem:$0x3FB2]  }
0x2a: {  	p0 =	seq.s32 s5, $0x0;
	s5 =	sld [smem:$0x3FB3]  }
0x2b: {  	s6 =	sld [smem:$0x3FB4]  }
0x2c: {  	s7 =	sld [smem:$0x3FB5]  }
0x2d: {  	s3 =	simm.s32 $0x108;
	s8 =	sld [smem:$0x3FB6]  }
0x2e: {  	s3 =	simm.s32 @!p0 $0x1082;
	s9 =	sld [smem:$0x3FB7]  }
0x2f: {  	lr =	sadd.s32 s0, s3;
	s0 =	sld [smem:$0x3FAE]  }
0x30: {  	s3 =	sld [smem:$0x3FB1]  }
0x31: {  	[smem:$0x3FBA] =	sst s10  }
0x32: {  	s10 =	sld [smem:$0x3FB8];
	_ =	sdelay $0x3  }
0x33: {  	p0 =	seq.s32 s10, $0x1;
	s10 =	sld [smem:$0x3FBA];
	_ =	sdelay $0x3  }
0x34: {  	[smem:$0x3FBA] =	sst s10  }
0x35: {  	s10 =	sld [smem:$0x3FB9];
	_ =	sdelay $0x3  }
0x36: {  	p1 =	seq.s32 s10, $0x1;
	s10 =	sld [smem:$0x3FBA];
	_ =	sdelay $0x3  }
0x37: {  	[smem:$0x3FBA] =	sst s10  }
0x38: {  	s10 =	sld [smem:$0x3FBB]  }
0x39: {  	_ = 	snop;
	(pc) =	sbr.ind lr, $3  }
0x3a: {  	_ = 	snop  }
0x3b: {  	_ = 	snop  }
0x3c: {  	p2 =	seq.s32 s10, $0x1;
	s10 =	sld [smem:$0x3FBA]  }
0x3d: {  	_ =	shalt  }
0x3e: {  	_ =	shalt  }
0x3f: {  	_ =	shalt  }
0x40: {  	_ =	shalt  }
0x41: {  	_ =	shalt  }
0x42: {  	_ =	shalt  }
0x43: {  	_ =	shalt  }
0x44: {  	_ =	shalt  }
0x45: {  	_ =	shalt  }
0x46: {  	_ =	shalt  }
0x47: {  	_ =	shalt  }
0x48: {  	_ =	shalt  }
0x49: {  	_ =	shalt  }
0x4a: {  	_ =	shalt  }
0x4b: {  	_ =	shalt  }
0x4c: {  	_ =	shalt  }
0x4d: {  	_ =	shalt  }
0x4e: {  	_ =	shalt  }
0x4f: {  	_ =	shalt  }
0x50: {  	_ =	shalt  }
0x51: {  	_ =	shalt  }
0x52: {  	_ =	shalt  }
0x53: {  	_ =	shalt  }
0x54: {  	_ =	shalt  }
0x55: {  	_ =	shalt  }
0x56: {  	_ =	shalt  }
0x57: {  	_ =	shalt  }
0x58: {  	_ =	shalt  }
0x59: {  	_ =	shalt  }
0x5a: {  	_ =	shalt  }
0x5b: {  	_ =	shalt  }
0x5c: {  	_ =	shalt  }
0x5d: {  	_ =	shalt  }
0x5e: {  	_ =	shalt  }
0x5f: {  	_ =	shalt  }
0x60: {  	_ =	shalt  }
0x61: {  	_ =	shalt  }
0x62: {  	_ =	shalt  }
0x63: {  	_ =	shalt  }
0x64: {  	_ =	shalt  }
0x65: {  	_ =	shalt  }
0x66: {  	_ =	shalt  }
0x67: {  	_ =	shalt  }
0x68: {  	_ =	shalt  }
0x69: {  	_ =	shalt  }
0x6a: {  	_ =	shalt  }
0x6b: {  	_ =	shalt  }
0x6c: {  	_ =	shalt  }
0x6d: {  	_ =	shalt  }
0x6e: {  	_ =	shalt  }
0x6f: {  	_ =	shalt  }
0x70: {  	_ =	shalt  }
0x71: {  	_ =	shalt  }
0x72: {  	_ =	shalt  }
0x73: {  	_ =	shalt  }
0x74: {  	_ =	shalt  }
0x75: {  	_ =	shalt  }
0x76: {  	_ =	shalt  }
0x77: {  	_ =	shalt  }
0x78: {  	_ =	shalt  }
0x79: {  	_ =	shalt  }
0x7a: {  	_ =	shalt  }
0x7b: {  	_ =	shalt  }
0x7c: {  	_ =	shalt  }
0x7d: {  	_ =	shalt  }
0x7e: {  	_ =	shalt  }
0x7f: {  	_ =	shalt  }
0x80: {  	_ =	shalt  }
0x81: {  	_ =	shalt  }
0x82: {  	_ =	shalt  }
0x83: {  	_ =	shalt  }
0x84: {  	_ =	shalt  }
0x85: {  	_ =	shalt  }
0x86: {  	_ =	shalt  }
0x87: {  	_ =	shalt  }
.Lfunc_end0:
.L_simem_size_0:
called_computation.1_lowered:
.L_overlay_start_0:
0x88: {  	s2 =	sld [smem:$0x3FD9]  }
0x89: {  	s3 =	sld [smem:$0x3FFE];
	_ =	sdelay $0x1  }
0x8a: {  	s1 =	srdreg.scid  }
0x8b: {  	s0 =	sand.u32 $0x1, s1  }
0x8c: {  	s17 =	sshll.u32 s0, $0xA;
	s2 =	sadd.s32 s3, s2  }
0x8d: {  	s2 =	sadd.s32 s2, s17  }
0x8e: {  	[smem:$0x3FC6] =	sst s2  }
0x8f: {  	_ = 	snop  }
0x90: {  	s2 =	sld [smem:$0x3FD0];
	(tm) =	ssettm $0x1  }
0x91: {  	s18 =	sld [smem:$0x3FFB];
	_ =	sdelay $0x3  }
0x92: {  	_ =	strace s18  }
0x93: {  	s3 =	sld [smem:$0x3FFC];
	_ =	sdelay $0x3  }
0x94: {  	_ =	strace s3  }
0x95: {  	s3 =	sld [smem:$0x3FFD];
	_ =	sdelay $0x3  }
0x96: {  	_ =	strace s3  }
0x97: {  	_ =	strace $0x8FFFFFFF  }
0x98: {  	s19 =	sld [smem:$0x3FDB];
	_ =	sdelay $0x1  }
0x99: {  	s4 =	simm.s32 $_scs_section_size  }
0x9a: {  	s5 =	simm.s32 $_size__tile_overlayer_lowered;
	s6 =	simm.s32 $_tile_overlayer_lowered  }
0x9b: {  	s22 =	simm.s32 $0x1BFF;
	s21 =	sshll.u32 s6, $0x1;
	s3 =	sadd.s32 s4, s19  }
0x9c: {  	s7 =	simm.s32 $0x0;
	s20 =	sshll.u32 s5, $0x1;
	s5 =	sadd.s32 s21, s3  }
0x9d: {  	[timem:s7], [sflag:s22] =	dma.local [hbm:s5], s20  }
0x9e: {  	_ =	swait.ge [sflag:s22], s20  }
0x9f: {  	s4 =	ssub.s32 $0x0, s20;
	[sflag:s22] =	ssyncset.done $0x0  }
0xa0: {  	[sflag:s22] =	ssyncadd.s32 s4;
	_ =	sdelay $0x1  }
0xa1: {  	s23 =	simm.s32 $0x1B8B  }
0xa2: {  	_ =	swait.ge [sflag:s23], $0x1  }
0xa3: {  	[sflag:s23] =	ssyncset.done $0x0  }
0xa4: {  	s25 =	simm.s32 $0x1B8E;
	s24 =	sld [smem:$0x3FFE];
	[sflag:s23] =	ssyncadd.s32 $0xFFFFFFFF  }
0xa5: {  	s26 =	simm.s32 $execute0_lowered;
	[smem:$0x3FD2] =	sst s25  }
0xa6: {  	s5 =	sshll.u32 s26, $0x1;
	_ =	strace $0x80000046;
	[dreg:$0x1] =	wrdreg $0xFFFFFFFF  }
0xa7: {  	s28 =	simm.s32 $_size_execute0_lowered;
	s3 =	sadd.s32 s3, s5;
	[dreg:$0x0] =	wrdreg $0x0  }
0xa8: {  	s5 =	sshll.u32 s28, $0x1;
	[dreg:$0x2] =	wrdreg s3  }
0xa9: {  	[dreg:$0x3] =	wrdreg s5  }
0xaa: {  	[dreg:$0x4] =	wrdreg $0xC0  }
0xab: {  	_ =	task [dreg:s7], $0x5FFFF  }
0xac: {  	[dreg:$0x1] =	wrdreg $0xFFFFFFFF  }
0xad: {  	[dreg:$0x0] =	wrdreg $0x60  }
0xae: {  	[dreg:$0x2] =	wrdreg s24  }
0xaf: {  	[dreg:$0x3] =	wrdreg s2  }
0xb0: {  	[dreg:$0x4] =	wrdreg $0x9  }
0xb1: {  	_ =	task.clear_ibuf [dreg:s7], $0x5FFFF;
	_ =	strace $0x90000046  }
0xb2: {  	s29 =	simm.s32 $0x9;
	_ =	strace $0x80000048  }
0xb3: {  	_ =	swait.ge [sflag:s29], $0x1  }
0xb4: {  	[sflag:s29] =	ssyncadd.s32 $0xFFFFFFFF  }
0xb5: {  	_ =	strace $0x90000048  }
0xb6: {  	_ =	sfence  }
0xb7: {  	s30 =	sld [smem:$0x0];
	_ =	sdelay $0x2  }
0xb8: {  	s31 =	sshll.u32 s1, $0xD;
	s1 =	sshrl.u32 s1, $0x2  }
0xb9: {  	s3 =	sand.u32 $0x4000, s31;
	s1 =	sadd.s32 s1, s30  }
0xba: {  	s0 =	sor.u32 s3, s0;
	s1 =	sshll.u32 s1, $0x11  }
0xbb: {  	s0 =	sor.u32 s1, s0  }
0xbc: {  	s0 =	sadd.s32 $0x8F2B, s0  }
0xbd: {  	[sflag:s0] =	ssyncadd.remote.s32 $0x1  }
0xbe: {  	_ =	sfence.sel $0xFFFF  }
0xbf: {  	[dreg:$0x0] =	wrdreg $0xFFFFFFFF;
	(pc) =	sbr.abs _section_cstart, $3  }
0xc0: {  	[dreg:$0x1] =	wrdreg $0xFFFFFFFF  }
0xc1: {  	_ =	task.clear_ibuf [dreg:s7], $0x2FFFF;
	_ =	strace $0x9FFFFFFF  }
0xc2: {  	(tm) =	ssettm $0x7FFFFFFF  }
0xc3: {  	_ =	shalt  }
tec
execute0_lowered:
.L_overlay_start_1:
0x0: {  	(tag) =	ssettag $0x1  }
0x1: {  	s0 =	srdreg.scid  }
0x2: {  	s12 =	stileid.u32;
	s0 =	sand.u32 $0x1, s0  }
0x3: {  	s3 =	sshll.u32 s12, $0xA;
	s4 =	sshll.u32 s0, $0x9  }
0x4: {  	s3 =	sor.u32 s4, s3  }
0x5: {  	s1 =	rddreg [dreg:$0x0];
	s4 =	sshrl.u32 s3, $0x3;
	s3 =	smul.u32 $0x68, s3  }
0x6: {  	s2 =	rddreg [dreg:$0x1];
	s29 =	simm.s32 $0x0;
	s4 =	sadd.s32 s4, s1  }
0x7: {  	[smem:$0x7FF] =	sst s29;
	s4 =	sadd.s32 $0xA00, s4;
	s30 =	sadd.s32 s2, s3  }
0x8: {  	_ =	strace $0x80000047;
	[dreg:$0x3] =	wrdreg s4;
	s2 =	sadd.s32 $0x4, s30  }
0x9: {  	s17 =	sadd.s32 $0x8, s30;
	[dreg:$0x4] =	wrdreg s2  }
0xa: {  	s18 =	sadd.s32 $0xC, s30;
	[dreg:$0x5] =	wrdreg s17  }
0xb: {  	s19 =	sadd.s32 $0x10, s30;
	[dreg:$0x6] =	wrdreg s18  }
0xc: {  	s20 =	sadd.s32 $0x14, s30;
	[dreg:$0x7] =	wrdreg s19  }
0xd: {  	s21 =	sadd.s32 $0x18, s30;
	[dreg:$0x8] =	wrdreg s20  }
0xe: {  	s22 =	sadd.s32 $0x1C, s30;
	[dreg:$0x9] =	wrdreg s21  }
0xf: {  	s23 =	sadd.s32 $0x20, s30;
	[dreg:$0xa] =	wrdreg s22  }
0x10: {  	s24 =	sadd.s32 $0x24, s30;
	[dreg:$0xb] =	wrdreg s23  }
0x11: {  	s25 =	sadd.s32 $0x28, s30;
	[dreg:$0xc] =	wrdreg s24  }
0x12: {  	s26 =	sadd.s32 $0x2C, s30;
	[dreg:$0xd] =	wrdreg s25  }
0x13: {  	s3 =	sadd.s32 $0x30, s30;
	[dreg:$0xe] =	wrdreg s26  }
0x14: {  	s4 =	sadd.s32 $0x34, s30;
	[dreg:$0xf] =	wrdreg s3  }
0x15: {  	s31 =	simm.s32 $0x5;
	s5 =	sadd.s32 $0x38, s30;
	[dreg:$0x10] =	wrdreg s4  }
0x16: {  	s28 =	simm.s32 $0x1600;
	s6 =	sadd.s32 $0x3C, s30;
	[dreg:$0x11] =	wrdreg s5  }
0x17: {  	p0 =	por $0x0, $0x0;
	s7 =	sadd.s32 $0x40, s30;
	[dreg:$0x12] =	wrdreg s6  }
0x18: {  	s0 =	ssub.s32 $0x2, s0;
	s8 =	sadd.s32 $0x44, s30;
	[dreg:$0x13] =	wrdreg s7  }
0x19: {  	s16 =	sshrl.u32 s0, $0x1;
	s9 =	sadd.s32 $0x48, s30;
	[dreg:$0x14] =	wrdreg s8  }
0x1a: {  	s0 =	ssub.s32 s0, s16;
	s10 =	sadd.s32 $0x4C, s30;
	[dreg:$0x15] =	wrdreg s9  }
0x1b: {  	s16 =	simm.s32 $0x2C00;
	s11 =	sadd.s32 $0x50, s30;
	[dreg:$0x16] =	wrdreg s10  }
0x1c: {  	s0 =	smax.u32 s0, $0x1;
	s13 =	sadd.s32 $0x54, s30;
	[dreg:$0x17] =	wrdreg s11  }
0x1d: {  	p1 =	sne.s32 s0, $0x1;
	s14 =	sadd.s32 $0x5C, s30;
	[dreg:$0x18] =	wrdreg s13  }
0x1e: {  	s15 =	sadd.s32 $0x60, s30;
	s3 =	sadd.s32 $0x58, s30;
	[dreg:$0x1a] =	wrdreg s14  }
0x1f: {  	s2 =	sadd.s32 $0xF42E00, s1;
	[dreg:$0x1b] =	wrdreg s15;
	s17 =	sadd.s32 $0x64, s30  }
0x20: {  	s18 =	simm.s32 $0x4000;
	s1 =	sadd.s32 $0xFFFFFFFF, s0;
	s0 =	rddreg [dreg:$0x3]  }
0x21: {  	s4 =	simm.s32 $0x3400;
	s19 =	simm.s32 $0x400;
	[dreg:$0x19] =	wrdreg s3  }
0x22: {  	s8 =	simm.s32 $0x1;
	s20 =	simm.s32 $0x600;
	[dreg:$0x1c] =	wrdreg s17  }
0x23: {  	s5 =	simm.s32 $0x7400;
	s21 =	simm.s32 $0x800;
	[dreg:$0x1d] =	wrdreg s18  }
0x24: {  	s6 =	simm.s32 $0x20;
	s22 =	simm.s32 $0xA00;
	[dreg:$0x1e] =	wrdreg s19  }
0x25: {  	s7 =	simm.s32 $0x340;
	s23 =	simm.s32 $0xC00;
	[dreg:$0x1f] =	wrdreg s20  }
0x26: {  	s11 =	simm.s32 $0x2;
	s24 =	simm.s32 $0xE00;
	[smem:$0x7F8] =	sst s21  }
0x27: {  	s9 =	simm.s32 $0x3;
	s25 =	simm.s32 $0x1000;
	[smem:$0x7F9] =	sst s22  }
0x28: {  	s10 =	simm.s32 $0x4;
	s26 =	simm.s32 $0x1200;
	[smem:$0x7FA] =	sst s23  }
0x29: {  	s15 =	simm.s32 $0x2E00;
	s14 =	simm.s32 $0x3000;
	[smem:$0x7FB] =	sst s24  }
.Ltmp0:
0x2a: {  	s13 =	simm.s32 $0x3200;
	[smem:$0x7FC] =	sst s25;
	(pc) =	sbr.rel @!p1 .LBB2_1-.Ltmp0, $4  }
0x2b: {  	s3 =	simm.s32 $0x200;
	[smem:$0x7FD] =	sst s26;
	s26 =	simm.s32 $0x1800  }
0x2c: {  	s25 =	simm.s32 $0x1A00;
	s24 =	simm.s32 $0x1C00;
	s23 =	simm.s32 $0x1E00  }
0x2d: {  	s22 =	simm.s32 $0x2000;
	s21 =	simm.s32 $0x2200;
	s20 =	simm.s32 $0x2400  }
0x2e: {  	s19 =	simm.s32 $0x2600;
	s18 =	simm.s32 $0x2800;
	s17 =	simm.s32 $0x2A00  }
0x2f: {  	s12 =	smov.u32 s1;
	s1 =	rddreg [dreg:$0x1d]  }
0x30: {  	[tilespmem:s29], [sflag:$0x5] =	stream.strided.gather [hbm4b:s0+s3], $0x3400, s1, s3, $0x38;
	[tilespmem:$0xB400] =	vst v63  }
0x31: {  	_ =	swait.ge [sflag:s31], $0x3400  }
0x32: {  	[sflag:s31] =	ssyncset.done $0x0  }
0x33: {  	[sflag:s31] =	ssyncadd.s32 $0xFFFFCC00  }
0x34: {  	[tilespmem:s4], [sflag:$0x1] =	stream.indirect.gather [hbm4b:s2+s3], $0x20, s29, s3, $0xb8;
	[tilespmem:$0xB400] =	vst v63  }
0x35: {  	_ =	swait.ge [sflag:s8], $0x4000  }
0x36: {  	[sflag:s8] =	ssyncset.done $0x0  }
0x37: {  	[sflag:s8] =	ssyncadd.s32 $0xFFFFC000  }
0x38: {  	[tilespmem:s5], [sflag:$0x2] =	stream.indirect.gather [hbm4b:s2+s3], $0x20, s3, s3, $0xb8;
	[tilespmem:$0xB400] =	vst v63  }
0x39: {  	_ = 	snop  }
0x3a: {  	[hbm4b:s30+s6] =	stream.strided.scatter [tilespmem:s4], [sflag:$0x3], $0x4000, s7, s6, $0x38;
	[tilespmem:$0xB400] =	vst v63  }
0x3b: {  	_ =	swait.ge [sflag:s11], $0x4000  }
0x3c: {  	[sflag:s11] =	ssyncset.done $0x0  }
0x3d: {  	[sflag:s11] =	ssyncadd.s32 $0xFFFFC000  }
0x3e: {  	_ =	swait.ge [sflag:s9], $0x4000  }
0x3f: {  	[sflag:s9] =	ssyncset.done $0x0  }
0x40: {  	s0 =	rddreg [dreg:$0x1e];
	[sflag:s9] =	ssyncadd.s32 $0xFFFFC000  }
0x41: {  	[tilespmem:s4], [sflag:$0x1] =	stream.indirect.gather [hbm4b:s2+s3], $0x20, s0, s3, $0xb8;
	[tilespmem:$0xB400] =	vst v63  }
0x42: {  	s1 =	rddreg [dreg:$0x4]  }
0x43: {  	[hbm4b:s1+s6] =	stream.strided.scatter [tilespmem:s5], [sflag:$0x4], $0x4000, s7, s6, $0x38;
	[tilespmem:$0xB400] =	vst v63  }
0x44: {  	_ =	swait.ge [sflag:s8], $0x4000  }
0x45: {  	[sflag:s8] =	ssyncset.done $0x0  }
0x46: {  	[sflag:s8] =	ssyncadd.s32 $0xFFFFC000  }
0x47: {  	_ =	swait.ge [sflag:s10], $0x4000  }
0x48: {  	[sflag:s10] =	ssyncset.done $0x0  }
0x49: {  	s0 =	rddreg [dreg:$0x1f];
	[sflag:s10] =	ssyncadd.s32 $0xFFFFC000  }
0x4a: {  	[tilespmem:s5], [sflag:$0x2] =	stream.indirect.gather [hbm4b:s2+s3], $0x20, s0, s3, $0xb8;
	[tilespmem:$0xB400] =	vst v63  }
0x4b: {  	s1 =	rddreg [dreg:$0x5]  }
0x4c: {  	[hbm4b:s1+s6] =	stream.strided.scatter [tilespmem:s4], [sflag:$0x3], $0x4000, s7, s6, $0x38;
	[tilespmem:$0xB400] =	vst v63  }
0x4d: {  	_ =	swait.ge [sflag:s11], $0x4000  }
0x4e: {  	[sflag:s11] =	ssyncset.done $0x0  }
0x4f: {  	[sflag:s11] =	ssyncadd.s32 $0xFFFFC000  }
0x50: {  	_ =	swait.ge [sflag:s9], $0x4000  }
0x51: {  	s0 =	sld [smem:$0x7F8]  }
0x52: {  	[sflag:s9] =	ssyncset.done $0x0  }
0x53: {  	[sflag:s9] =	ssyncadd.s32 $0xFFFFC000  }
0x54: {  	[tilespmem:s4], [sflag:$0x1] =	stream.indirect.gather [hbm4b:s2+s3], $0x20, s0, s3, $0xb8;
	[tilespmem:$0xB400] =	vst v63  }
0x55: {  	s1 =	rddreg [dreg:$0x6]  }
0x56: {  	[hbm4b:s1+s6] =	stream.strided.scatter [tilespmem:s5], [sflag:$0x4], $0x4000, s7, s6, $0x38;
	[tilespmem:$0xB400] =	vst v63  }
0x57: {  	_ =	swait.ge [sflag:s8], $0x4000  }
0x58: {  	[sflag:s8] =	ssyncset.done $0x0  }
0x59: {  	[sflag:s8] =	ssyncadd.s32 $0xFFFFC000  }
0x5a: {  	_ =	swait.ge [sflag:s10], $0x4000  }
0x5b: {  	s0 =	sld [smem:$0x7F9]  }
0x5c: {  	[sflag:s10] =	ssyncset.done $0x0  }
0x5d: {  	[sflag:s10] =	ssyncadd.s32 $0xFFFFC000  }
0x5e: {  	[tilespmem:s5], [sflag:$0x2] =	stream.indirect.gather [hbm4b:s2+s3], $0x20, s0, s3, $0xb8;
	[tilespmem:$0xB400] =	vst v63  }
0x5f: {  	s1 =	rddreg [dreg:$0x7]  }
0x60: {  	[hbm4b:s1+s6] =	stream.strided.scatter [tilespmem:s4], [sflag:$0x3], $0x4000, s7, s6, $0x38;
	[tilespmem:$0xB400] =	vst v63  }
0x61: {  	_ =	swait.ge [sflag:s11], $0x4000  }
0x62: {  	[sflag:s11] =	ssyncset.done $0x0  }
0x63: {  	[sflag:s11] =	ssyncadd.s32 $0xFFFFC000  }
0x64: {  	_ =	swait.ge [sflag:s9], $0x4000  }
0x65: {  	s0 =	sld [smem:$0x7FA]  }
0x66: {  	[sflag:s9] =	ssyncset.done $0x0  }
0x67: {  	[sflag:s9] =	ssyncadd.s32 $0xFFFFC000  }
0x68: {  	[tilespmem:s4], [sflag:$0x1] =	stream.indirect.gather [hbm4b:s2+s3], $0x20, s0, s3, $0xb8;
	[tilespmem:$0xB400] =	vst v63  }
0x69: {  	s1 =	rddreg [dreg:$0x8]  }
0x6a: {  	[hbm4b:s1+s6] =	stream.strided.scatter [tilespmem:s5], [sflag:$0x4], $0x4000, s7, s6, $0x38;
	[tilespmem:$0xB400] =	vst v63  }
0x6b: {  	_ =	swait.ge [sflag:s8], $0x4000  }
0x6c: {  	[sflag:s8] =	ssyncset.done $0x0  }
0x6d: {  	[sflag:s8] =	ssyncadd.s32 $0xFFFFC000  }
0x6e: {  	_ =	swait.ge [sflag:s10], $0x4000  }
0x6f: {  	s0 =	sld [smem:$0x7FB]  }
0x70: {  	[sflag:s10] =	ssyncset.done $0x0  }
0x71: {  	[sflag:s10] =	ssyncadd.s32 $0xFFFFC000  }
0x72: {  	[tilespmem:s5], [sflag:$0x2] =	stream.indirect.gather [hbm4b:s2+s3], $0x20, s0, s3, $0xb8;
	[tilespmem:$0xB400] =	vst v63  }
0x73: {  	s1 =	rddreg [dreg:$0x9]  }
0x74: {  	[hbm4b:s1+s6] =	stream.strided.scatter [tilespmem:s4], [sflag:$0x3], $0x4000, s7, s6, $0x38;
	[tilespmem:$0xB400] =	vst v63  }
0x75: {  	_ =	swait.ge [sflag:s11], $0x4000  }
0x76: {  	[sflag:s11] =	ssyncset.done $0x0  }
0x77: {  	[sflag:s11] =	ssyncadd.s32 $0xFFFFC000  }
0x78: {  	_ =	swait.ge [sflag:s9], $0x4000  }
0x79: {  	s0 =	sld [smem:$0x7FC]  }
0x7a: {  	[sflag:s9] =	ssyncset.done $0x0  }
0x7b: {  	[sflag:s9] =	ssyncadd.s32 $0xFFFFC000  }
0x7c: {  	[tilespmem:s4], [sflag:$0x1] =	stream.indirect.gather [hbm4b:s2+s3], $0x20, s0, s3, $0xb8;
	[tilespmem:$0xB400] =	vst v63  }
0x7d: {  	s1 =	rddreg [dreg:$0xa]  }
0x7e: {  	[hbm4b:s1+s6] =	stream.strided.scatter [tilespmem:s5], [sflag:$0x4], $0x4000, s7, s6, $0x38;
	[tilespmem:$0xB400] =	vst v63  }
0x7f: {  	_ =	swait.ge [sflag:s8], $0x4000  }
0x80: {  	[sflag:s8] =	ssyncset.done $0x0  }
0x81: {  	[sflag:s8] =	ssyncadd.s32 $0xFFFFC000  }
0x82: {  	_ =	swait.ge [sflag:s10], $0x4000  }
0x83: {  	s0 =	sld [smem:$0x7FD]  }
0x84: {  	[sflag:s10] =	ssyncset.done $0x0  }
0x85: {  	[sflag:s10] =	ssyncadd.s32 $0xFFFFC000  }
0x86: {  	[tilespmem:s5], [sflag:$0x2] =	stream.indirect.gather [hbm4b:s2+s3], $0x20, s0, s3, $0xb8;
	[tilespmem:$0xB400] =	vst v63  }
0x87: {  	s1 =	rddreg [dreg:$0xb]  }
0x88: {  	[hbm4b:s1+s6] =	stream.strided.scatter [tilespmem:s4], [sflag:$0x3], $0x4000, s7, s6, $0x38;
	[tilespmem:$0xB400] =	vst v63  }
0x89: {  	_ =	swait.ge [sflag:s11], $0x4000  }
0x8a: {  	[sflag:s11] =	ssyncset.done $0x0  }
0x8b: {  	[sflag:s11] =	ssyncadd.s32 $0xFFFFC000  }
0x8c: {  	_ =	swait.ge [sflag:s9], $0x4000  }
0x8d: {  	[sflag:s9] =	ssyncset.done $0x0  }
0x8e: {  	s1 =	simm.s32 $0x1400;
	[sflag:s9] =	ssyncadd.s32 $0xFFFFC000  }
0x8f: {  	[tilespmem:s4], [sflag:$0x1] =	stream.indirect.gather [hbm4b:s2+s3], $0x20, s1, s3, $0xb8;
	[tilespmem:$0xB400] =	vst v63  }
0x90: {  	s0 =	rddreg [dreg:$0xc]  }
0x91: {  	[hbm4b:s0+s6] =	stream.strided.scatter [tilespmem:s5], [sflag:$0x4], $0x4000, s7, s6, $0x38;
	[tilespmem:$0xB400] =	vst v63  }
0x92: {  	_ =	swait.ge [sflag:s8], $0x4000  }
0x93: {  	[sflag:s8] =	ssyncset.done $0x0  }
0x94: {  	[sflag:s8] =	ssyncadd.s32 $0xFFFFC000  }
0x95: {  	_ =	swait.ge [sflag:s10], $0x4000  }
0x96: {  	[sflag:s10] =	ssyncset.done $0x0  }
0x97: {  	[sflag:s10] =	ssyncadd.s32 $0xFFFFC000  }
0x98: {  	[tilespmem:s5], [sflag:$0x2] =	stream.indirect.gather [hbm4b:s2+s3], $0x20, s28, s3, $0xb8;
	[tilespmem:$0xB400] =	vst v63  }
0x99: {  	s1 =	rddreg [dreg:$0xd]  }
0x9a: {  	[hbm4b:s1+s6] =	stream.strided.scatter [tilespmem:s4], [sflag:$0x3], $0x4000, s7, s6, $0x38;
	[tilespmem:$0xB400] =	vst v63  }
0x9b: {  	_ =	swait.ge [sflag:s11], $0x4000  }
0x9c: {  	[sflag:s11] =	ssyncset.done $0x0  }
0x9d: {  	[sflag:s11] =	ssyncadd.s32 $0xFFFFC000  }
0x9e: {  	_ =	swait.ge [sflag:s9], $0x4000  }
0x9f: {  	[sflag:s9] =	ssyncset.done $0x0  }
0xa0: {  	[sflag:s9] =	ssyncadd.s32 $0xFFFFC000  }
0xa1: {  	[tilespmem:s4], [sflag:$0x1] =	stream.indirect.gather [hbm4b:s2+s3], $0x20, s26, s3, $0xb8;
	[tilespmem:$0xB400] =	vst v63  }
0xa2: {  	s1 =	rddreg [dreg:$0xe]  }
0xa3: {  	[hbm4b:s1+s6] =	stream.strided.scatter [tilespmem:s5], [sflag:$0x4], $0x4000, s7, s6, $0x38;
	[tilespmem:$0xB400] =	vst v63  }
0xa4: {  	_ =	swait.ge [sflag:s8], $0x4000  }
0xa5: {  	[sflag:s8] =	ssyncset.done $0x0  }
0xa6: {  	[sflag:s8] =	ssyncadd.s32 $0xFFFFC000  }
0xa7: {  	_ =	swait.ge [sflag:s10], $0x4000  }
0xa8: {  	[sflag:s10] =	ssyncset.done $0x0  }
0xa9: {  	[sflag:s10] =	ssyncadd.s32 $0xFFFFC000  }
0xaa: {  	[tilespmem:s5], [sflag:$0x2] =	stream.indirect.gather [hbm4b:s2+s3], $0x20, s25, s3, $0xb8;
	[tilespmem:$0xB400] =	vst v63  }
0xab: {  	s1 =	rddreg [dreg:$0xf]  }
0xac: {  	[hbm4b:s1+s6] =	stream.strided.scatter [tilespmem:s4], [sflag:$0x3], $0x4000, s7, s6, $0x38;
	[tilespmem:$0xB400] =	vst v63  }
0xad: {  	_ =	swait.ge [sflag:s11], $0x4000  }
0xae: {  	[sflag:s11] =	ssyncset.done $0x0  }
0xaf: {  	[sflag:s11] =	ssyncadd.s32 $0xFFFFC000  }
0xb0: {  	_ =	swait.ge [sflag:s9], $0x4000  }
0xb1: {  	[sflag:s9] =	ssyncset.done $0x0  }
0xb2: {  	[sflag:s9] =	ssyncadd.s32 $0xFFFFC000  }
0xb3: {  	[tilespmem:s4], [sflag:$0x1] =	stream.indirect.gather [hbm4b:s2+s3], $0x20, s24, s3, $0xb8;
	[tilespmem:$0xB400] =	vst v63  }
0xb4: {  	s1 =	rddreg [dreg:$0x10]  }
0xb5: {  	[hbm4b:s1+s6] =	stream.strided.scatter [tilespmem:s5], [sflag:$0x4], $0x4000, s7, s6, $0x38;
	[tilespmem:$0xB400] =	vst v63  }
0xb6: {  	_ =	swait.ge [sflag:s8], $0x4000  }
0xb7: {  	[sflag:s8] =	ssyncset.done $0x0  }
0xb8: {  	[sflag:s8] =	ssyncadd.s32 $0xFFFFC000  }
0xb9: {  	_ =	swait.ge [sflag:s10], $0x4000  }
0xba: {  	[sflag:s10] =	ssyncset.done $0x0  }
0xbb: {  	[sflag:s10] =	ssyncadd.s32 $0xFFFFC000  }
0xbc: {  	[tilespmem:s5], [sflag:$0x2] =	stream.indirect.gather [hbm4b:s2+s3], $0x20, s23, s3, $0xb8;
	[tilespmem:$0xB400] =	vst v63  }
0xbd: {  	s1 =	rddreg [dreg:$0x11]  }
0xbe: {  	[hbm4b:s1+s6] =	stream.strided.scatter [tilespmem:s4], [sflag:$0x3], $0x4000, s7, s6, $0x38;
	[tilespmem:$0xB400] =	vst v63  }
0xbf: {  	_ =	swait.ge [sflag:s11], $0x4000  }
0xc0: {  	[sflag:s11] =	ssyncset.done $0x0  }
0xc1: {  	[sflag:s11] =	ssyncadd.s32 $0xFFFFC000  }
0xc2: {  	_ =	swait.ge [sflag:s9], $0x4000  }
0xc3: {  	[sflag:s9] =	ssyncset.done $0x0  }
0xc4: {  	[sflag:s9] =	ssyncadd.s32 $0xFFFFC000  }
0xc5: {  	[tilespmem:s4], [sflag:$0x1] =	stream.indirect.gather [hbm4b:s2+s3], $0x20, s22, s3, $0xb8;
	[tilespmem:$0xB400] =	vst v63  }
0xc6: {  	s1 =	rddreg [dreg:$0x12]  }
0xc7: {  	[hbm4b:s1+s6] =	stream.strided.scatter [tilespmem:s5], [sflag:$0x4], $0x4000, s7, s6, $0x38;
	[tilespmem:$0xB400] =	vst v63  }
0xc8: {  	_ =	swait.ge [sflag:s8], $0x4000  }
0xc9: {  	[sflag:s8] =	ssyncset.done $0x0  }
0xca: {  	[sflag:s8] =	ssyncadd.s32 $0xFFFFC000  }
0xcb: {  	_ =	swait.ge [sflag:s10], $0x4000  }
0xcc: {  	[sflag:s10] =	ssyncset.done $0x0  }
0xcd: {  	[sflag:s10] =	ssyncadd.s32 $0xFFFFC000  }
0xce: {  	[tilespmem:s5], [sflag:$0x2] =	stream.indirect.gather [hbm4b:s2+s3], $0x20, s21, s3, $0xb8;
	[tilespmem:$0xB400] =	vst v63  }
0xcf: {  	s1 =	rddreg [dreg:$0x13]  }
0xd0: {  	[hbm4b:s1+s6] =	stream.strided.scatter [tilespmem:s4], [sflag:$0x3], $0x4000, s7, s6, $0x38;
	[tilespmem:$0xB400] =	vst v63  }
0xd1: {  	_ =	swait.ge [sflag:s11], $0x4000  }
0xd2: {  	[sflag:s11] =	ssyncset.done $0x0  }
0xd3: {  	[sflag:s11] =	ssyncadd.s32 $0xFFFFC000  }
0xd4: {  	_ =	swait.ge [sflag:s9], $0x4000  }
0xd5: {  	[sflag:s9] =	ssyncset.done $0x0  }
0xd6: {  	[sflag:s9] =	ssyncadd.s32 $0xFFFFC000  }
0xd7: {  	[tilespmem:s4], [sflag:$0x1] =	stream.indirect.gather [hbm4b:s2+s3], $0x20, s20, s3, $0xb8;
	[tilespmem:$0xB400] =	vst v63  }
0xd8: {  	s1 =	rddreg [dreg:$0x14]  }
0xd9: {  	[hbm4b:s1+s6] =	stream.strided.scatter [tilespmem:s5], [sflag:$0x4], $0x4000, s7, s6, $0x38;
	[tilespmem:$0xB400] =	vst v63  }
0xda: {  	_ =	swait.ge [sflag:s8], $0x4000  }
0xdb: {  	[sflag:s8] =	ssyncset.done $0x0  }
0xdc: {  	[sflag:s8] =	ssyncadd.s32 $0xFFFFC000  }
0xdd: {  	_ =	swait.ge [sflag:s10], $0x4000  }
0xde: {  	[sflag:s10] =	ssyncset.done $0x0  }
0xdf: {  	[sflag:s10] =	ssyncadd.s32 $0xFFFFC000  }
0xe0: {  	[tilespmem:s5], [sflag:$0x2] =	stream.indirect.gather [hbm4b:s2+s3], $0x20, s19, s3, $0xb8;
	[tilespmem:$0xB400] =	vst v63  }
0xe1: {  	s1 =	rddreg [dreg:$0x15]  }
0xe2: {  	[hbm4b:s1+s6] =	stream.strided.scatter [tilespmem:s4], [sflag:$0x3], $0x4000, s7, s6, $0x38;
	[tilespmem:$0xB400] =	vst v63  }
0xe3: {  	_ =	swait.ge [sflag:s11], $0x4000  }
0xe4: {  	[sflag:s11] =	ssyncset.done $0x0  }
0xe5: {  	[sflag:s11] =	ssyncadd.s32 $0xFFFFC000  }
0xe6: {  	_ =	swait.ge [sflag:s9], $0x4000  }
0xe7: {  	[sflag:s9] =	ssyncset.done $0x0  }
0xe8: {  	[sflag:s9] =	ssyncadd.s32 $0xFFFFC000  }
0xe9: {  	[tilespmem:s4], [sflag:$0x1] =	stream.indirect.gather [hbm4b:s2+s3], $0x20, s18, s3, $0xb8;
	[tilespmem:$0xB400] =	vst v63  }
0xea: {  	s1 =	rddreg [dreg:$0x16]  }
0xeb: {  	[hbm4b:s1+s6] =	stream.strided.scatter [tilespmem:s5], [sflag:$0x4], $0x4000, s7, s6, $0x38;
	[tilespmem:$0xB400] =	vst v63  }
0xec: {  	_ =	swait.ge [sflag:s8], $0x4000  }
0xed: {  	[sflag:s8] =	ssyncset.done $0x0  }
0xee: {  	[sflag:s8] =	ssyncadd.s32 $0xFFFFC000  }
0xef: {  	_ =	swait.ge [sflag:s10], $0x4000  }
0xf0: {  	[sflag:s10] =	ssyncset.done $0x0  }
0xf1: {  	[sflag:s10] =	ssyncadd.s32 $0xFFFFC000  }
0xf2: {  	[tilespmem:s5], [sflag:$0x2] =	stream.indirect.gather [hbm4b:s2+s3], $0x20, s17, s3, $0xb8;
	[tilespmem:$0xB400] =	vst v63  }
0xf3: {  	s1 =	rddreg [dreg:$0x17]  }
0xf4: {  	[hbm4b:s1+s6] =	stream.strided.scatter [tilespmem:s4], [sflag:$0x3], $0x4000, s7, s6, $0x38;
	[tilespmem:$0xB400] =	vst v63  }
0xf5: {  	_ =	swait.ge [sflag:s11], $0x4000  }
0xf6: {  	[sflag:s11] =	ssyncset.done $0x0  }
0xf7: {  	[sflag:s11] =	ssyncadd.s32 $0xFFFFC000  }
0xf8: {  	_ =	swait.ge [sflag:s9], $0x4000  }
0xf9: {  	[sflag:s9] =	ssyncset.done $0x0  }
0xfa: {  	[sflag:s9] =	ssyncadd.s32 $0xFFFFC000  }
0xfb: {  	[tilespmem:s4], [sflag:$0x1] =	stream.indirect.gather [hbm4b:s2+s3], $0x20, s16, s3, $0xb8;
	[tilespmem:$0xB400] =	vst v63  }
0xfc: {  	s1 =	rddreg [dreg:$0x18]  }
0xfd: {  	[hbm4b:s1+s6] =	stream.strided.scatter [tilespmem:s5], [sflag:$0x4], $0x4000, s7, s6, $0x38;
	[tilespmem:$0xB400] =	vst v63  }
0xfe: {  	_ =	swait.ge [sflag:s8], $0x4000  }
0xff: {  	[sflag:s8] =	ssyncset.done $0x0  }
0x100: {  	[sflag:s8] =	ssyncadd.s32 $0xFFFFC000  }
0x101: {  	_ =	swait.ge [sflag:s10], $0x4000  }
0x102: {  	[sflag:s10] =	ssyncset.done $0x0  }
0x103: {  	[sflag:s10] =	ssyncadd.s32 $0xFFFFC000  }
0x104: {  	[tilespmem:s5], [sflag:$0x2] =	stream.indirect.gather [hbm4b:s2+s3], $0x20, s15, s3, $0xb8;
	[tilespmem:$0xB400] =	vst v63  }
0x105: {  	s1 =	rddreg [dreg:$0x19]  }
0x106: {  	[hbm4b:s1+s6] =	stream.strided.scatter [tilespmem:s4], [sflag:$0x3], $0x4000, s7, s6, $0x38;
	[tilespmem:$0xB400] =	vst v63  }
0x107: {  	_ =	swait.ge [sflag:s11], $0x4000  }
0x108: {  	[sflag:s11] =	ssyncset.done $0x0  }
0x109: {  	[sflag:s11] =	ssyncadd.s32 $0xFFFFC000  }
0x10a: {  	_ =	swait.ge [sflag:s9], $0x4000  }
0x10b: {  	[sflag:s9] =	ssyncset.done $0x0  }
0x10c: {  	[sflag:s9] =	ssyncadd.s32 $0xFFFFC000  }
0x10d: {  	[tilespmem:s4], [sflag:$0x1] =	stream.indirect.gather [hbm4b:s2+s3], $0x20, s14, s3, $0xb8;
	[tilespmem:$0xB400] =	vst v63  }
0x10e: {  	s1 =	rddreg [dreg:$0x1a]  }
0x10f: {  	[hbm4b:s1+s6] =	stream.strided.scatter [tilespmem:s5], [sflag:$0x4], $0x4000, s7, s6, $0x38;
	[tilespmem:$0xB400] =	vst v63  }
0x110: {  	_ =	swait.ge [sflag:s8], $0x4000  }
0x111: {  	[sflag:s8] =	ssyncset.done $0x0  }
0x112: {  	[sflag:s8] =	ssyncadd.s32 $0xFFFFC000  }
0x113: {  	_ =	swait.ge [sflag:s10], $0x4000  }
0x114: {  	[sflag:s10] =	ssyncset.done $0x0  }
0x115: {  	[sflag:s10] =	ssyncadd.s32 $0xFFFFC000  }
0x116: {  	[tilespmem:s5], [sflag:$0x2] =	stream.indirect.gather [hbm4b:s2+s3], $0x20, s13, s3, $0xb8;
	[tilespmem:$0xB400] =	vst v63  }
0x117: {  	s1 =	rddreg [dreg:$0x1b]  }
0x118: {  	[hbm4b:s1+s6] =	stream.strided.scatter [tilespmem:s4], [sflag:$0x3], $0x4000, s7, s6, $0x38;
	[tilespmem:$0xB400] =	vst v63  }
0x119: {  	_ =	swait.ge [sflag:s11], $0x4000  }
0x11a: {  	[sflag:s11] =	ssyncset.done $0x0  }
0x11b: {  	p1 =	sne.s32 s12, $0x1;
	s1 =	rddreg [dreg:$0x1c];
	[sflag:s11] =	ssyncadd.s32 $0xFFFFC000  }
0x11c: {  	[hbm4b:s1+s6] =	stream.strided.scatter [tilespmem:s5], [sflag:$0x4], $0x4000, s7, s6, $0x38;
	[tilespmem:$0xB400] =	vst v63  }
.Ltmp1:
0x11d: {  	_ =	swait.ge [sflag:s9], $0x4000;
	(pc) =	sbr.rel @!p1 .LBB2_3-.Ltmp1, $4  }
0x11e: {  	[sflag:s9] =	ssyncset.done $0x0  }
0x11f: {  	[sflag:s9] =	ssyncadd.s32 $0xFFFFC000  }
0x120: {  	p0 =	por $0x1, $0x1;
	_ =	swait.ge [sflag:s10], $0x4000  }
0x121: {  	s1 =	sadd.s32 $0xFFFFFFFF, s12;
	s0 =	rddreg [dreg:$0x3];
	[sflag:s10] =	ssyncset.done $0x0  }
.LBB2_4:
0x122: {  	s12 =	rddreg [dreg:$0x1d];
	[sflag:s10] =	ssyncadd.s32 $0xFFFFC000  }
0x123: {  	[tilespmem:s29], [sflag:$0x5] =	stream.strided.gather [hbm4b:s0+s3], $0x3400, s12, s3, $0x38;
	[tilespmem:$0xB400] =	vst v63  }
0x124: {  	_ =	swait.ge [sflag:s31], $0x3400  }
0x125: {  	[sflag:s31] =	ssyncset.done $0x0  }
0x126: {  	[sflag:s31] =	ssyncadd.s32 $0xFFFFCC00  }
0x127: {  	[tilespmem:s4], [sflag:$0x1] =	stream.indirect.gather [hbm4b:s2+s3], $0x20, s29, s3, $0xb8;
	[tilespmem:$0xB400] =	vst v63  }
0x128: {  	_ =	swait.ge [sflag:s8], $0x4000  }
0x129: {  	[sflag:s8] =	ssyncset.done $0x0  }
0x12a: {  	[sflag:s8] =	ssyncadd.s32 $0xFFFFC000  }
0x12b: {  	[tilespmem:s5], [sflag:$0x2] =	stream.indirect.gather [hbm4b:s2+s3], $0x20, s3, s3, $0xb8;
	[tilespmem:$0xB400] =	vst v63  }
0x12c: {  	_ = 	snop  }
0x12d: {  	[hbm4b:s30+s6] =	stream.strided.scatter [tilespmem:s4], [sflag:$0x3], $0x4000, s7, s6, $0x38;
	[tilespmem:$0xB400] =	vst v63  }
0x12e: {  	_ =	swait.ge [sflag:s11], $0x4000  }
0x12f: {  	[sflag:s11] =	ssyncset.done $0x0  }
0x130: {  	[sflag:s11] =	ssyncadd.s32 $0xFFFFC000  }
0x131: {  	_ =	swait.ge [sflag:s9], $0x4000  }
0x132: {  	[sflag:s9] =	ssyncset.done $0x0  }
0x133: {  	s0 =	rddreg [dreg:$0x1e];
	[sflag:s9] =	ssyncadd.s32 $0xFFFFC000  }
0x134: {  	[tilespmem:s4], [sflag:$0x1] =	stream.indirect.gather [hbm4b:s2+s3], $0x20, s0, s3, $0xb8;
	[tilespmem:$0xB400] =	vst v63  }
0x135: {  	s12 =	rddreg [dreg:$0x4]  }
0x136: {  	[hbm4b:s12+s6] =	stream.strided.scatter [tilespmem:s5], [sflag:$0x4], $0x4000, s7, s6, $0x38;
	[tilespmem:$0xB400] =	vst v63  }
0x137: {  	_ =	swait.ge [sflag:s8], $0x4000  }
0x138: {  	[sflag:s8] =	ssyncset.done $0x0  }
0x139: {  	[sflag:s8] =	ssyncadd.s32 $0xFFFFC000  }
0x13a: {  	_ =	swait.ge [sflag:s10], $0x4000  }
0x13b: {  	[sflag:s10] =	ssyncset.done $0x0  }
0x13c: {  	s0 =	rddreg [dreg:$0x1f];
	[sflag:s10] =	ssyncadd.s32 $0xFFFFC000  }
0x13d: {  	[tilespmem:s5], [sflag:$0x2] =	stream.indirect.gather [hbm4b:s2+s3], $0x20, s0, s3, $0xb8;
	[tilespmem:$0xB400] =	vst v63  }
0x13e: {  	s12 =	rddreg [dreg:$0x5]  }
0x13f: {  	[hbm4b:s12+s6] =	stream.strided.scatter [tilespmem:s4], [sflag:$0x3], $0x4000, s7, s6, $0x38;
	[tilespmem:$0xB400] =	vst v63  }
0x140: {  	_ =	swait.ge [sflag:s11], $0x4000  }
0x141: {  	[sflag:s11] =	ssyncset.done $0x0  }
0x142: {  	[sflag:s11] =	ssyncadd.s32 $0xFFFFC000  }
0x143: {  	_ =	swait.ge [sflag:s9], $0x4000  }
0x144: {  	s0 =	sld [smem:$0x7F8]  }
0x145: {  	[sflag:s9] =	ssyncset.done $0x0  }
0x146: {  	[sflag:s9] =	ssyncadd.s32 $0xFFFFC000  }
0x147: {  	[tilespmem:s4], [sflag:$0x1] =	stream.indirect.gather [hbm4b:s2+s3], $0x20, s0, s3, $0xb8;
	[tilespmem:$0xB400] =	vst v63  }
0x148: {  	s12 =	rddreg [dreg:$0x6]  }
0x149: {  	[hbm4b:s12+s6] =	stream.strided.scatter [tilespmem:s5], [sflag:$0x4], $0x4000, s7, s6, $0x38;
	[tilespmem:$0xB400] =	vst v63  }
0x14a: {  	_ =	swait.ge [sflag:s8], $0x4000  }
0x14b: {  	[sflag:s8] =	ssyncset.done $0x0  }
0x14c: {  	[sflag:s8] =	ssyncadd.s32 $0xFFFFC000  }
0x14d: {  	_ =	swait.ge [sflag:s10], $0x4000  }
0x14e: {  	s0 =	sld [smem:$0x7F9]  }
0x14f: {  	[sflag:s10] =	ssyncset.done $0x0  }
0x150: {  	[sflag:s10] =	ssyncadd.s32 $0xFFFFC000  }
0x151: {  	[tilespmem:s5], [sflag:$0x2] =	stream.indirect.gather [hbm4b:s2+s3], $0x20, s0, s3, $0xb8;
	[tilespmem:$0xB400] =	vst v63  }
0x152: {  	s12 =	rddreg [dreg:$0x7]  }
0x153: {  	[hbm4b:s12+s6] =	stream.strided.scatter [tilespmem:s4], [sflag:$0x3], $0x4000, s7, s6, $0x38;
	[tilespmem:$0xB400] =	vst v63  }
0x154: {  	_ =	swait.ge [sflag:s11], $0x4000  }
0x155: {  	[sflag:s11] =	ssyncset.done $0x0  }
0x156: {  	[sflag:s11] =	ssyncadd.s32 $0xFFFFC000  }
0x157: {  	_ =	swait.ge [sflag:s9], $0x4000  }
0x158: {  	s0 =	sld [smem:$0x7FA]  }
0x159: {  	[sflag:s9] =	ssyncset.done $0x0  }
0x15a: {  	[sflag:s9] =	ssyncadd.s32 $0xFFFFC000  }
0x15b: {  	[tilespmem:s4], [sflag:$0x1] =	stream.indirect.gather [hbm4b:s2+s3], $0x20, s0, s3, $0xb8;
	[tilespmem:$0xB400] =	vst v63  }
0x15c: {  	s12 =	rddreg [dreg:$0x8]  }
0x15d: {  	[hbm4b:s12+s6] =	stream.strided.scatter [tilespmem:s5], [sflag:$0x4], $0x4000, s7, s6, $0x38;
	[tilespmem:$0xB400] =	vst v63  }
0x15e: {  	_ =	swait.ge [sflag:s8], $0x4000  }
0x15f: {  	[sflag:s8] =	ssyncset.done $0x0  }
0x160: {  	[sflag:s8] =	ssyncadd.s32 $0xFFFFC000  }
0x161: {  	_ =	swait.ge [sflag:s10], $0x4000  }
0x162: {  	s0 =	sld [smem:$0x7FB]  }
0x163: {  	[sflag:s10] =	ssyncset.done $0x0  }
0x164: {  	[sflag:s10] =	ssyncadd.s32 $0xFFFFC000  }
0x165: {  	[tilespmem:s5], [sflag:$0x2] =	stream.indirect.gather [hbm4b:s2+s3], $0x20, s0, s3, $0xb8;
	[tilespmem:$0xB400] =	vst v63  }
0x166: {  	s12 =	rddreg [dreg:$0x9]  }
0x167: {  	[hbm4b:s12+s6] =	stream.strided.scatter [tilespmem:s4], [sflag:$0x3], $0x4000, s7, s6, $0x38;
	[tilespmem:$0xB400] =	vst v63  }
0x168: {  	_ =	swait.ge [sflag:s11], $0x4000  }
0x169: {  	[sflag:s11] =	ssyncset.done $0x0  }
0x16a: {  	[sflag:s11] =	ssyncadd.s32 $0xFFFFC000  }
0x16b: {  	_ =	swait.ge [sflag:s9], $0x4000  }
0x16c: {  	s0 =	sld [smem:$0x7FC]  }
0x16d: {  	[sflag:s9] =	ssyncset.done $0x0  }
0x16e: {  	[sflag:s9] =	ssyncadd.s32 $0xFFFFC000  }
0x16f: {  	[tilespmem:s4], [sflag:$0x1] =	stream.indirect.gather [hbm4b:s2+s3], $0x20, s0, s3, $0xb8;
	[tilespmem:$0xB400] =	vst v63  }
0x170: {  	s12 =	rddreg [dreg:$0xa]  }
0x171: {  	[hbm4b:s12+s6] =	stream.strided.scatter [tilespmem:s5], [sflag:$0x4], $0x4000, s7, s6, $0x38;
	[tilespmem:$0xB400] =	vst v63  }
0x172: {  	_ =	swait.ge [sflag:s8], $0x4000  }
0x173: {  	[sflag:s8] =	ssyncset.done $0x0  }
0x174: {  	[sflag:s8] =	ssyncadd.s32 $0xFFFFC000  }
0x175: {  	_ =	swait.ge [sflag:s10], $0x4000  }
0x176: {  	s0 =	sld [smem:$0x7FD]  }
0x177: {  	[sflag:s10] =	ssyncset.done $0x0  }
0x178: {  	[sflag:s10] =	ssyncadd.s32 $0xFFFFC000  }
0x179: {  	[tilespmem:s5], [sflag:$0x2] =	stream.indirect.gather [hbm4b:s2+s3], $0x20, s0, s3, $0xb8;
	[tilespmem:$0xB400] =	vst v63  }
0x17a: {  	s12 =	rddreg [dreg:$0xb]  }
0x17b: {  	[hbm4b:s12+s6] =	stream.strided.scatter [tilespmem:s4], [sflag:$0x3], $0x4000, s7, s6, $0x38;
	[tilespmem:$0xB400] =	vst v63  }
0x17c: {  	_ =	swait.ge [sflag:s11], $0x4000  }
0x17d: {  	[sflag:s11] =	ssyncset.done $0x0  }
0x17e: {  	[sflag:s11] =	ssyncadd.s32 $0xFFFFC000  }
0x17f: {  	_ =	swait.ge [sflag:s9], $0x4000  }
0x180: {  	[sflag:s9] =	ssyncset.done $0x0  }
0x181: {  	s12 =	simm.s32 $0x1400;
	[sflag:s9] =	ssyncadd.s32 $0xFFFFC000  }
0x182: {  	[tilespmem:s4], [sflag:$0x1] =	stream.indirect.gather [hbm4b:s2+s3], $0x20, s12, s3, $0xb8;
	[tilespmem:$0xB400] =	vst v63  }
0x183: {  	s0 =	rddreg [dreg:$0xc]  }
0x184: {  	[hbm4b:s0+s6] =	stream.strided.scatter [tilespmem:s5], [sflag:$0x4], $0x4000, s7, s6, $0x38;
	[tilespmem:$0xB400] =	vst v63  }
0x185: {  	_ =	swait.ge [sflag:s8], $0x4000  }
0x186: {  	[sflag:s8] =	ssyncset.done $0x0  }
0x187: {  	[sflag:s8] =	ssyncadd.s32 $0xFFFFC000  }
0x188: {  	_ =	swait.ge [sflag:s10], $0x4000  }
0x189: {  	[sflag:s10] =	ssyncset.done $0x0  }
0x18a: {  	[sflag:s10] =	ssyncadd.s32 $0xFFFFC000  }
0x18b: {  	[tilespmem:s5], [sflag:$0x2] =	stream.indirect.gather [hbm4b:s2+s3], $0x20, s28, s3, $0xb8;
	[tilespmem:$0xB400] =	vst v63  }
0x18c: {  	s12 =	rddreg [dreg:$0xd]  }
0x18d: {  	[hbm4b:s12+s6] =	stream.strided.scatter [tilespmem:s4], [sflag:$0x3], $0x4000, s7, s6, $0x38;
	[tilespmem:$0xB400] =	vst v63  }
0x18e: {  	_ =	swait.ge [sflag:s11], $0x4000  }
0x18f: {  	[sflag:s11] =	ssyncset.done $0x0  }
0x190: {  	[sflag:s11] =	ssyncadd.s32 $0xFFFFC000  }
0x191: {  	_ =	swait.ge [sflag:s9], $0x4000  }
0x192: {  	[sflag:s9] =	ssyncset.done $0x0  }
0x193: {  	[sflag:s9] =	ssyncadd.s32 $0xFFFFC000  }
0x194: {  	[tilespmem:s4], [sflag:$0x1] =	stream.indirect.gather [hbm4b:s2+s3], $0x20, s26, s3, $0xb8;
	[tilespmem:$0xB400] =	vst v63  }
0x195: {  	s12 =	rddreg [dreg:$0xe]  }
0x196: {  	[hbm4b:s12+s6] =	stream.strided.scatter [tilespmem:s5], [sflag:$0x4], $0x4000, s7, s6, $0x38;
	[tilespmem:$0xB400] =	vst v63  }
0x197: {  	_ =	swait.ge [sflag:s8], $0x4000  }
0x198: {  	[sflag:s8] =	ssyncset.done $0x0  }
0x199: {  	[sflag:s8] =	ssyncadd.s32 $0xFFFFC000  }
0x19a: {  	_ =	swait.ge [sflag:s10], $0x4000  }
0x19b: {  	[sflag:s10] =	ssyncset.done $0x0  }
0x19c: {  	[sflag:s10] =	ssyncadd.s32 $0xFFFFC000  }
0x19d: {  	[tilespmem:s5], [sflag:$0x2] =	stream.indirect.gather [hbm4b:s2+s3], $0x20, s25, s3, $0xb8;
	[tilespmem:$0xB400] =	vst v63  }
0x19e: {  	s12 =	rddreg [dreg:$0xf]  }
0x19f: {  	[hbm4b:s12+s6] =	stream.strided.scatter [tilespmem:s4], [sflag:$0x3], $0x4000, s7, s6, $0x38;
	[tilespmem:$0xB400] =	vst v63  }
0x1a0: {  	_ =	swait.ge [sflag:s11], $0x4000  }
0x1a1: {  	[sflag:s11] =	ssyncset.done $0x0  }
0x1a2: {  	[sflag:s11] =	ssyncadd.s32 $0xFFFFC000  }
0x1a3: {  	_ =	swait.ge [sflag:s9], $0x4000  }
0x1a4: {  	[sflag:s9] =	ssyncset.done $0x0  }
0x1a5: {  	[sflag:s9] =	ssyncadd.s32 $0xFFFFC000  }
0x1a6: {  	[tilespmem:s4], [sflag:$0x1] =	stream.indirect.gather [hbm4b:s2+s3], $0x20, s24, s3, $0xb8;
	[tilespmem:$0xB400] =	vst v63  }
0x1a7: {  	s12 =	rddreg [dreg:$0x10]  }
0x1a8: {  	[hbm4b:s12+s6] =	stream.strided.scatter [tilespmem:s5], [sflag:$0x4], $0x4000, s7, s6, $0x38;
	[tilespmem:$0xB400] =	vst v63  }
0x1a9: {  	_ =	swait.ge [sflag:s8], $0x4000  }
0x1aa: {  	[sflag:s8] =	ssyncset.done $0x0  }
0x1ab: {  	[sflag:s8] =	ssyncadd.s32 $0xFFFFC000  }
0x1ac: {  	_ =	swait.ge [sflag:s10], $0x4000  }
0x1ad: {  	[sflag:s10] =	ssyncset.done $0x0  }
0x1ae: {  	[sflag:s10] =	ssyncadd.s32 $0xFFFFC000  }
0x1af: {  	[tilespmem:s5], [sflag:$0x2] =	stream.indirect.gather [hbm4b:s2+s3], $0x20, s23, s3, $0xb8;
	[tilespmem:$0xB400] =	vst v63  }
0x1b0: {  	s12 =	rddreg [dreg:$0x11]  }
0x1b1: {  	[hbm4b:s12+s6] =	stream.strided.scatter [tilespmem:s4], [sflag:$0x3], $0x4000, s7, s6, $0x38;
	[tilespmem:$0xB400] =	vst v63  }
0x1b2: {  	_ =	swait.ge [sflag:s11], $0x4000  }
0x1b3: {  	[sflag:s11] =	ssyncset.done $0x0  }
0x1b4: {  	[sflag:s11] =	ssyncadd.s32 $0xFFFFC000  }
0x1b5: {  	_ =	swait.ge [sflag:s9], $0x4000  }
0x1b6: {  	[sflag:s9] =	ssyncset.done $0x0  }
0x1b7: {  	[sflag:s9] =	ssyncadd.s32 $0xFFFFC000  }
0x1b8: {  	[tilespmem:s4], [sflag:$0x1] =	stream.indirect.gather [hbm4b:s2+s3], $0x20, s22, s3, $0xb8;
	[tilespmem:$0xB400] =	vst v63  }
0x1b9: {  	s12 =	rddreg [dreg:$0x12]  }
0x1ba: {  	[hbm4b:s12+s6] =	stream.strided.scatter [tilespmem:s5], [sflag:$0x4], $0x4000, s7, s6, $0x38;
	[tilespmem:$0xB400] =	vst v63  }
0x1bb: {  	_ =	swait.ge [sflag:s8], $0x4000  }
0x1bc: {  	[sflag:s8] =	ssyncset.done $0x0  }
0x1bd: {  	[sflag:s8] =	ssyncadd.s32 $0xFFFFC000  }
0x1be: {  	_ =	swait.ge [sflag:s10], $0x4000  }
0x1bf: {  	[sflag:s10] =	ssyncset.done $0x0  }
0x1c0: {  	[sflag:s10] =	ssyncadd.s32 $0xFFFFC000  }
0x1c1: {  	[tilespmem:s5], [sflag:$0x2] =	stream.indirect.gather [hbm4b:s2+s3], $0x20, s21, s3, $0xb8;
	[tilespmem:$0xB400] =	vst v63  }
0x1c2: {  	s12 =	rddreg [dreg:$0x13]  }
0x1c3: {  	[hbm4b:s12+s6] =	stream.strided.scatter [tilespmem:s4], [sflag:$0x3], $0x4000, s7, s6, $0x38;
	[tilespmem:$0xB400] =	vst v63  }
0x1c4: {  	_ =	swait.ge [sflag:s11], $0x4000  }
0x1c5: {  	[sflag:s11] =	ssyncset.done $0x0  }
0x1c6: {  	[sflag:s11] =	ssyncadd.s32 $0xFFFFC000  }
0x1c7: {  	_ =	swait.ge [sflag:s9], $0x4000  }
0x1c8: {  	[sflag:s9] =	ssyncset.done $0x0  }
0x1c9: {  	[sflag:s9] =	ssyncadd.s32 $0xFFFFC000  }
0x1ca: {  	[tilespmem:s4], [sflag:$0x1] =	stream.indirect.gather [hbm4b:s2+s3], $0x20, s20, s3, $0xb8;
	[tilespmem:$0xB400] =	vst v63  }
0x1cb: {  	s12 =	rddreg [dreg:$0x14]  }
0x1cc: {  	[hbm4b:s12+s6] =	stream.strided.scatter [tilespmem:s5], [sflag:$0x4], $0x4000, s7, s6, $0x38;
	[tilespmem:$0xB400] =	vst v63  }
0x1cd: {  	_ =	swait.ge [sflag:s8], $0x4000  }
0x1ce: {  	[sflag:s8] =	ssyncset.done $0x0  }
0x1cf: {  	[sflag:s8] =	ssyncadd.s32 $0xFFFFC000  }
0x1d0: {  	_ =	swait.ge [sflag:s10], $0x4000  }
0x1d1: {  	[sflag:s10] =	ssyncset.done $0x0  }
0x1d2: {  	[sflag:s10] =	ssyncadd.s32 $0xFFFFC000  }
0x1d3: {  	[tilespmem:s5], [sflag:$0x2] =	stream.indirect.gather [hbm4b:s2+s3], $0x20, s19, s3, $0xb8;
	[tilespmem:$0xB400] =	vst v63  }
0x1d4: {  	s12 =	rddreg [dreg:$0x15]  }
0x1d5: {  	[hbm4b:s12+s6] =	stream.strided.scatter [tilespmem:s4], [sflag:$0x3], $0x4000, s7, s6, $0x38;
	[tilespmem:$0xB400] =	vst v63  }
0x1d6: {  	_ =	swait.ge [sflag:s11], $0x4000  }
0x1d7: {  	[sflag:s11] =	ssyncset.done $0x0  }
0x1d8: {  	[sflag:s11] =	ssyncadd.s32 $0xFFFFC000  }
0x1d9: {  	_ =	swait.ge [sflag:s9], $0x4000  }
0x1da: {  	[sflag:s9] =	ssyncset.done $0x0  }
0x1db: {  	[sflag:s9] =	ssyncadd.s32 $0xFFFFC000  }
0x1dc: {  	[tilespmem:s4], [sflag:$0x1] =	stream.indirect.gather [hbm4b:s2+s3], $0x20, s18, s3, $0xb8;
	[tilespmem:$0xB400] =	vst v63  }
0x1dd: {  	s12 =	rddreg [dreg:$0x16]  }
0x1de: {  	[hbm4b:s12+s6] =	stream.strided.scatter [tilespmem:s5], [sflag:$0x4], $0x4000, s7, s6, $0x38;
	[tilespmem:$0xB400] =	vst v63  }
0x1df: {  	_ =	swait.ge [sflag:s8], $0x4000  }
0x1e0: {  	[sflag:s8] =	ssyncset.done $0x0  }
0x1e1: {  	[sflag:s8] =	ssyncadd.s32 $0xFFFFC000  }
0x1e2: {  	_ =	swait.ge [sflag:s10], $0x4000  }
0x1e3: {  	[sflag:s10] =	ssyncset.done $0x0  }
0x1e4: {  	[sflag:s10] =	ssyncadd.s32 $0xFFFFC000  }
0x1e5: {  	[tilespmem:s5], [sflag:$0x2] =	stream.indirect.gather [hbm4b:s2+s3], $0x20, s17, s3, $0xb8;
	[tilespmem:$0xB400] =	vst v63  }
0x1e6: {  	s12 =	rddreg [dreg:$0x17]  }
0x1e7: {  	[hbm4b:s12+s6] =	stream.strided.scatter [tilespmem:s4], [sflag:$0x3], $0x4000, s7, s6, $0x38;
	[tilespmem:$0xB400] =	vst v63  }
0x1e8: {  	_ =	swait.ge [sflag:s11], $0x4000  }
0x1e9: {  	[sflag:s11] =	ssyncset.done $0x0  }
0x1ea: {  	[sflag:s11] =	ssyncadd.s32 $0xFFFFC000  }
0x1eb: {  	_ =	swait.ge [sflag:s9], $0x4000  }
0x1ec: {  	[sflag:s9] =	ssyncset.done $0x0  }
0x1ed: {  	[sflag:s9] =	ssyncadd.s32 $0xFFFFC000  }
0x1ee: {  	[tilespmem:s4], [sflag:$0x1] =	stream.indirect.gather [hbm4b:s2+s3], $0x20, s16, s3, $0xb8;
	[tilespmem:$0xB400] =	vst v63  }
0x1ef: {  	s12 =	rddreg [dreg:$0x18]  }
0x1f0: {  	[hbm4b:s12+s6] =	stream.strided.scatter [tilespmem:s5], [sflag:$0x4], $0x4000, s7, s6, $0x38;
	[tilespmem:$0xB400] =	vst v63  }
0x1f1: {  	_ =	swait.ge [sflag:s8], $0x4000  }
0x1f2: {  	[sflag:s8] =	ssyncset.done $0x0  }
0x1f3: {  	[sflag:s8] =	ssyncadd.s32 $0xFFFFC000  }
0x1f4: {  	_ =	swait.ge [sflag:s10], $0x4000  }
0x1f5: {  	[sflag:s10] =	ssyncset.done $0x0  }
0x1f6: {  	[sflag:s10] =	ssyncadd.s32 $0xFFFFC000  }
0x1f7: {  	[tilespmem:s5], [sflag:$0x2] =	stream.indirect.gather [hbm4b:s2+s3], $0x20, s15, s3, $0xb8;
	[tilespmem:$0xB400] =	vst v63  }
0x1f8: {  	s12 =	rddreg [dreg:$0x19]  }
0x1f9: {  	[hbm4b:s12+s6] =	stream.strided.scatter [tilespmem:s4], [sflag:$0x3], $0x4000, s7, s6, $0x38;
	[tilespmem:$0xB400] =	vst v63  }
0x1fa: {  	_ =	swait.ge [sflag:s11], $0x4000  }
0x1fb: {  	[sflag:s11] =	ssyncset.done $0x0  }
0x1fc: {  	[sflag:s11] =	ssyncadd.s32 $0xFFFFC000  }
0x1fd: {  	_ =	swait.ge [sflag:s9], $0x4000  }
0x1fe: {  	[sflag:s9] =	ssyncset.done $0x0  }
0x1ff: {  	[sflag:s9] =	ssyncadd.s32 $0xFFFFC000  }
0x200: {  	[tilespmem:s4], [sflag:$0x1] =	stream.indirect.gather [hbm4b:s2+s3], $0x20, s14, s3, $0xb8;
	[tilespmem:$0xB400] =	vst v63  }
0x201: {  	s12 =	rddreg [dreg:$0x1a]  }
0x202: {  	[hbm4b:s12+s6] =	stream.strided.scatter [tilespmem:s5], [sflag:$0x4], $0x4000, s7, s6, $0x38;
	[tilespmem:$0xB400] =	vst v63  }
0x203: {  	_ =	swait.ge [sflag:s8], $0x4000  }
0x204: {  	[sflag:s8] =	ssyncset.done $0x0  }
0x205: {  	[sflag:s8] =	ssyncadd.s32 $0xFFFFC000  }
0x206: {  	_ =	swait.ge [sflag:s10], $0x4000  }
0x207: {  	[sflag:s10] =	ssyncset.done $0x0  }
0x208: {  	[sflag:s10] =	ssyncadd.s32 $0xFFFFC000  }
0x209: {  	[tilespmem:s5], [sflag:$0x2] =	stream.indirect.gather [hbm4b:s2+s3], $0x20, s13, s3, $0xb8;
	[tilespmem:$0xB400] =	vst v63  }
0x20a: {  	s12 =	rddreg [dreg:$0x1b]  }
0x20b: {  	[hbm4b:s12+s6] =	stream.strided.scatter [tilespmem:s4], [sflag:$0x3], $0x4000, s7, s6, $0x38;
	[tilespmem:$0xB400] =	vst v63  }
0x20c: {  	_ =	swait.ge [sflag:s11], $0x4000  }
0x20d: {  	[sflag:s11] =	ssyncset.done $0x0  }
0x20e: {  	p1 =	sne.s32 s1, $0x1;
	s12 =	rddreg [dreg:$0x1c];
	[sflag:s11] =	ssyncadd.s32 $0xFFFFC000  }
0x20f: {  	[hbm4b:s12+s6] =	stream.strided.scatter [tilespmem:s5], [sflag:$0x4], $0x4000, s7, s6, $0x38;
	[tilespmem:$0xB400] =	vst v63  }
.Ltmp2:
0x210: {  	_ =	swait.ge [sflag:s9], $0x4000;
	(pc) =	sbr.rel @p1 .LBB2_4-.Ltmp2, $4  }
0x211: {  	[sflag:s9] =	ssyncset.done $0x0  }
0x212: {  	[sflag:s9] =	ssyncadd.s32 $0xFFFFC000  }
0x213: {  	_ =	swait.ge [sflag:s10], $0x4000  }
0x214: {  	s1 =	sadd.s32 $0xFFFFFFFF, s1;
	s0 =	rddreg [dreg:$0x3];
	[sflag:s10] =	ssyncset.done $0x0  }
0x215: {  	s13 =	simm.s32 $0x1400  }
0x216: {  	s28 =	simm.s32 $0x1600;
	s26 =	simm.s32 $0x1800;
	s25 =	simm.s32 $0x1A00  }
0x217: {  	s24 =	simm.s32 $0x1C00;
	s23 =	simm.s32 $0x1E00;
	s22 =	simm.s32 $0x2000  }
0x218: {  	s21 =	simm.s32 $0x2200;
	s20 =	simm.s32 $0x2400;
	s19 =	simm.s32 $0x2600  }
0x219: {  	s18 =	simm.s32 $0x2800;
	s17 =	simm.s32 $0x2A00;
	s16 =	simm.s32 $0x2C00  }
0x21a: {  	s15 =	simm.s32 $0x2E00;
	s14 =	simm.s32 $0x3000;
	s12 =	stileid.u32  }
.LBB2_6:
0x21b: {  	s1 =	rddreg [dreg:$0x1d];
	[sflag:s10] =	ssyncadd.s32 @p0 $0xFFFFC000  }
0x21c: {  	[tilespmem:s29], [sflag:$0x5] =	stream.strided.gather [hbm4b:s0+s3], $0x3400, s1, s3, $0x38;
	[tilespmem:$0xB400] =	vst v63  }
0x21d: {  	_ =	swait.ge [sflag:s31], $0x3400  }
0x21e: {  	[sflag:s31] =	ssyncset.done $0x0  }
0x21f: {  	[sflag:s31] =	ssyncadd.s32 $0xFFFFCC00  }
0x220: {  	[tilespmem:s4], [sflag:$0x1] =	stream.indirect.gather [hbm4b:s2+s3], $0x20, s29, s3, $0xb8;
	[tilespmem:$0xB400] =	vst v63  }
0x221: {  	_ =	swait.ge [sflag:s8], $0x4000  }
0x222: {  	[sflag:s8] =	ssyncset.done $0x0  }
0x223: {  	[sflag:s8] =	ssyncadd.s32 $0xFFFFC000  }
0x224: {  	[tilespmem:s5], [sflag:$0x2] =	stream.indirect.gather [hbm4b:s2+s3], $0x20, s3, s3, $0xb8;
	[tilespmem:$0xB400] =	vst v63  }
0x225: {  	_ = 	snop  }
0x226: {  	[hbm4b:s30+s6] =	stream.strided.scatter [tilespmem:s4], [sflag:$0x3], $0x4000, s7, s6, $0x38;
	[tilespmem:$0xB400] =	vst v63  }
0x227: {  	_ =	swait.ge [sflag:s11], $0x4000  }
0x228: {  	[sflag:s11] =	ssyncset.done $0x0  }
0x229: {  	[sflag:s11] =	ssyncadd.s32 $0xFFFFC000  }
0x22a: {  	_ =	swait.ge [sflag:s9], $0x4000  }
0x22b: {  	[sflag:s9] =	ssyncset.done $0x0  }
0x22c: {  	s1 =	rddreg [dreg:$0x1e];
	[sflag:s9] =	ssyncadd.s32 $0xFFFFC000  }
0x22d: {  	[tilespmem:s4], [sflag:$0x1] =	stream.indirect.gather [hbm4b:s2+s3], $0x20, s1, s3, $0xb8;
	[tilespmem:$0xB400] =	vst v63  }
0x22e: {  	s29 =	rddreg [dreg:$0x4]  }
0x22f: {  	[hbm4b:s29+s6] =	stream.strided.scatter [tilespmem:s5], [sflag:$0x4], $0x4000, s7, s6, $0x38;
	[tilespmem:$0xB400] =	vst v63  }
0x230: {  	_ =	swait.ge [sflag:s8], $0x4000  }
0x231: {  	[sflag:s8] =	ssyncset.done $0x0  }
0x232: {  	[sflag:s8] =	ssyncadd.s32 $0xFFFFC000  }
0x233: {  	_ =	swait.ge [sflag:s10], $0x4000  }
0x234: {  	[sflag:s10] =	ssyncset.done $0x0  }
0x235: {  	s30 =	rddreg [dreg:$0x1f];
	[sflag:s10] =	ssyncadd.s32 $0xFFFFC000  }
0x236: {  	[tilespmem:s5], [sflag:$0x2] =	stream.indirect.gather [hbm4b:s2+s3], $0x20, s30, s3, $0xb8;
	[tilespmem:$0xB400] =	vst v63  }
0x237: {  	s31 =	rddreg [dreg:$0x5]  }
0x238: {  	[hbm4b:s31+s6] =	stream.strided.scatter [tilespmem:s4], [sflag:$0x3], $0x4000, s7, s6, $0x38;
	[tilespmem:$0xB400] =	vst v63  }
0x239: {  	_ =	swait.ge [sflag:s11], $0x4000  }
0x23a: {  	[sflag:s11] =	ssyncset.done $0x0  }
0x23b: {  	[sflag:s11] =	ssyncadd.s32 $0xFFFFC000  }
0x23c: {  	_ =	swait.ge [sflag:s9], $0x4000  }
0x23d: {  	s1 =	sld [smem:$0x7F8]  }
0x23e: {  	[sflag:s9] =	ssyncset.done $0x0  }
0x23f: {  	[sflag:s9] =	ssyncadd.s32 $0xFFFFC000  }
0x240: {  	[tilespmem:s4], [sflag:$0x1] =	stream.indirect.gather [hbm4b:s2+s3], $0x20, s1, s3, $0xb8;
	[tilespmem:$0xB400] =	vst v63  }
0x241: {  	s29 =	rddreg [dreg:$0x6]  }
0x242: {  	[hbm4b:s29+s6] =	stream.strided.scatter [tilespmem:s5], [sflag:$0x4], $0x4000, s7, s6, $0x38;
	[tilespmem:$0xB400] =	vst v63  }
0x243: {  	_ =	swait.ge [sflag:s8], $0x4000  }
0x244: {  	[sflag:s8] =	ssyncset.done $0x0  }
0x245: {  	[sflag:s8] =	ssyncadd.s32 $0xFFFFC000  }
0x246: {  	_ =	swait.ge [sflag:s10], $0x4000  }
0x247: {  	s30 =	sld [smem:$0x7F9]  }
0x248: {  	[sflag:s10] =	ssyncset.done $0x0  }
0x249: {  	[sflag:s10] =	ssyncadd.s32 $0xFFFFC000  }
0x24a: {  	[tilespmem:s5], [sflag:$0x2] =	stream.indirect.gather [hbm4b:s2+s3], $0x20, s30, s3, $0xb8;
	[tilespmem:$0xB400] =	vst v63  }
0x24b: {  	s31 =	rddreg [dreg:$0x7]  }
0x24c: {  	[hbm4b:s31+s6] =	stream.strided.scatter [tilespmem:s4], [sflag:$0x3], $0x4000, s7, s6, $0x38;
	[tilespmem:$0xB400] =	vst v63  }
0x24d: {  	_ =	swait.ge [sflag:s11], $0x4000  }
0x24e: {  	[sflag:s11] =	ssyncset.done $0x0  }
0x24f: {  	[sflag:s11] =	ssyncadd.s32 $0xFFFFC000  }
0x250: {  	_ =	swait.ge [sflag:s9], $0x4000  }
0x251: {  	s1 =	sld [smem:$0x7FA]  }
0x252: {  	[sflag:s9] =	ssyncset.done $0x0  }
0x253: {  	[sflag:s9] =	ssyncadd.s32 $0xFFFFC000  }
0x254: {  	[tilespmem:s4], [sflag:$0x1] =	stream.indirect.gather [hbm4b:s2+s3], $0x20, s1, s3, $0xb8;
	[tilespmem:$0xB400] =	vst v63  }
0x255: {  	s29 =	rddreg [dreg:$0x8]  }
0x256: {  	[hbm4b:s29+s6] =	stream.strided.scatter [tilespmem:s5], [sflag:$0x4], $0x4000, s7, s6, $0x38;
	[tilespmem:$0xB400] =	vst v63  }
0x257: {  	_ =	swait.ge [sflag:s8], $0x4000  }
0x258: {  	[sflag:s8] =	ssyncset.done $0x0  }
0x259: {  	[sflag:s8] =	ssyncadd.s32 $0xFFFFC000  }
0x25a: {  	_ =	swait.ge [sflag:s10], $0x4000  }
0x25b: {  	s30 =	sld [smem:$0x7FB]  }
0x25c: {  	[sflag:s10] =	ssyncset.done $0x0  }
0x25d: {  	[sflag:s10] =	ssyncadd.s32 $0xFFFFC000  }
0x25e: {  	[tilespmem:s5], [sflag:$0x2] =	stream.indirect.gather [hbm4b:s2+s3], $0x20, s30, s3, $0xb8;
	[tilespmem:$0xB400] =	vst v63  }
0x25f: {  	s31 =	rddreg [dreg:$0x9]  }
0x260: {  	[hbm4b:s31+s6] =	stream.strided.scatter [tilespmem:s4], [sflag:$0x3], $0x4000, s7, s6, $0x38;
	[tilespmem:$0xB400] =	vst v63  }
0x261: {  	_ =	swait.ge [sflag:s11], $0x4000  }
0x262: {  	[sflag:s11] =	ssyncset.done $0x0  }
0x263: {  	[sflag:s11] =	ssyncadd.s32 $0xFFFFC000  }
0x264: {  	_ =	swait.ge [sflag:s9], $0x4000  }
0x265: {  	s1 =	sld [smem:$0x7FC]  }
0x266: {  	[sflag:s9] =	ssyncset.done $0x0  }
0x267: {  	[sflag:s9] =	ssyncadd.s32 $0xFFFFC000  }
0x268: {  	[tilespmem:s4], [sflag:$0x1] =	stream.indirect.gather [hbm4b:s2+s3], $0x20, s1, s3, $0xb8;
	[tilespmem:$0xB400] =	vst v63  }
0x269: {  	s29 =	rddreg [dreg:$0xa]  }
0x26a: {  	[hbm4b:s29+s6] =	stream.strided.scatter [tilespmem:s5], [sflag:$0x4], $0x4000, s7, s6, $0x38;
	[tilespmem:$0xB400] =	vst v63  }
0x26b: {  	_ =	swait.ge [sflag:s8], $0x4000  }
0x26c: {  	[sflag:s8] =	ssyncset.done $0x0  }
0x26d: {  	[sflag:s8] =	ssyncadd.s32 $0xFFFFC000  }
0x26e: {  	_ =	swait.ge [sflag:s10], $0x4000  }
0x26f: {  	s30 =	sld [smem:$0x7FD]  }
0x270: {  	[sflag:s10] =	ssyncset.done $0x0  }
0x271: {  	[sflag:s10] =	ssyncadd.s32 $0xFFFFC000  }
0x272: {  	[tilespmem:s5], [sflag:$0x2] =	stream.indirect.gather [hbm4b:s2+s3], $0x20, s30, s3, $0xb8;
	[tilespmem:$0xB400] =	vst v63  }
0x273: {  	s31 =	rddreg [dreg:$0xb]  }
0x274: {  	[hbm4b:s31+s6] =	stream.strided.scatter [tilespmem:s4], [sflag:$0x3], $0x4000, s7, s6, $0x38;
	[tilespmem:$0xB400] =	vst v63  }
0x275: {  	_ =	swait.ge [sflag:s11], $0x4000  }
0x276: {  	[sflag:s11] =	ssyncset.done $0x0  }
0x277: {  	[sflag:s11] =	ssyncadd.s32 $0xFFFFC000  }
0x278: {  	_ =	swait.ge [sflag:s9], $0x4000  }
0x279: {  	[sflag:s9] =	ssyncset.done $0x0  }
0x27a: {  	[sflag:s9] =	ssyncadd.s32 $0xFFFFC000  }
0x27b: {  	[tilespmem:s4], [sflag:$0x1] =	stream.indirect.gather [hbm4b:s2+s3], $0x20, s13, s3, $0xb8;
	[tilespmem:$0xB400] =	vst v63  }
0x27c: {  	s1 =	rddreg [dreg:$0xc]  }
0x27d: {  	[hbm4b:s1+s6] =	stream.strided.scatter [tilespmem:s5], [sflag:$0x4], $0x4000, s7, s6, $0x38;
	[tilespmem:$0xB400] =	vst v63  }
0x27e: {  	_ =	swait.ge [sflag:s8], $0x4000  }
0x27f: {  	[sflag:s8] =	ssyncset.done $0x0  }
0x280: {  	[sflag:s8] =	ssyncadd.s32 $0xFFFFC000  }
0x281: {  	_ =	swait.ge [sflag:s10], $0x4000  }
0x282: {  	[sflag:s10] =	ssyncset.done $0x0  }
0x283: {  	[sflag:s10] =	ssyncadd.s32 $0xFFFFC000  }
0x284: {  	[tilespmem:s5], [sflag:$0x2] =	stream.indirect.gather [hbm4b:s2+s3], $0x20, s28, s3, $0xb8;
	[tilespmem:$0xB400] =	vst v63  }
0x285: {  	s13 =	rddreg [dreg:$0xd]  }
0x286: {  	[hbm4b:s13+s6] =	stream.strided.scatter [tilespmem:s4], [sflag:$0x3], $0x4000, s7, s6, $0x38;
	[tilespmem:$0xB400] =	vst v63  }
0x287: {  	_ =	swait.ge [sflag:s11], $0x4000  }
0x288: {  	[sflag:s11] =	ssyncset.done $0x0  }
0x289: {  	[sflag:s11] =	ssyncadd.s32 $0xFFFFC000  }
0x28a: {  	_ =	swait.ge [sflag:s9], $0x4000  }
0x28b: {  	[sflag:s9] =	ssyncset.done $0x0  }
0x28c: {  	[sflag:s9] =	ssyncadd.s32 $0xFFFFC000  }
0x28d: {  	[tilespmem:s4], [sflag:$0x1] =	stream.indirect.gather [hbm4b:s2+s3], $0x20, s26, s3, $0xb8;
	[tilespmem:$0xB400] =	vst v63  }
0x28e: {  	s28 =	rddreg [dreg:$0xe]  }
0x28f: {  	[hbm4b:s28+s6] =	stream.strided.scatter [tilespmem:s5], [sflag:$0x4], $0x4000, s7, s6, $0x38;
	[tilespmem:$0xB400] =	vst v63  }
0x290: {  	_ =	swait.ge [sflag:s8], $0x4000  }
0x291: {  	[sflag:s8] =	ssyncset.done $0x0  }
0x292: {  	[sflag:s8] =	ssyncadd.s32 $0xFFFFC000  }
0x293: {  	_ =	swait.ge [sflag:s10], $0x4000  }
0x294: {  	[sflag:s10] =	ssyncset.done $0x0  }
0x295: {  	[sflag:s10] =	ssyncadd.s32 $0xFFFFC000  }
0x296: {  	[tilespmem:s5], [sflag:$0x2] =	stream.indirect.gather [hbm4b:s2+s3], $0x20, s25, s3, $0xb8;
	[tilespmem:$0xB400] =	vst v63  }
0x297: {  	s29 =	rddreg [dreg:$0xf]  }
0x298: {  	[hbm4b:s29+s6] =	stream.strided.scatter [tilespmem:s4], [sflag:$0x3], $0x4000, s7, s6, $0x38;
	[tilespmem:$0xB400] =	vst v63  }
0x299: {  	_ =	swait.ge [sflag:s11], $0x4000  }
0x29a: {  	[sflag:s11] =	ssyncset.done $0x0  }
0x29b: {  	[sflag:s11] =	ssyncadd.s32 $0xFFFFC000  }
0x29c: {  	_ =	swait.ge [sflag:s9], $0x4000  }
0x29d: {  	[sflag:s9] =	ssyncset.done $0x0  }
0x29e: {  	[sflag:s9] =	ssyncadd.s32 $0xFFFFC000  }
0x29f: {  	[tilespmem:s4], [sflag:$0x1] =	stream.indirect.gather [hbm4b:s2+s3], $0x20, s24, s3, $0xb8;
	[tilespmem:$0xB400] =	vst v63  }
0x2a0: {  	s30 =	rddreg [dreg:$0x10]  }
0x2a1: {  	[hbm4b:s30+s6] =	stream.strided.scatter [tilespmem:s5], [sflag:$0x4], $0x4000, s7, s6, $0x38;
	[tilespmem:$0xB400] =	vst v63  }
0x2a2: {  	_ =	swait.ge [sflag:s8], $0x4000  }
0x2a3: {  	[sflag:s8] =	ssyncset.done $0x0  }
0x2a4: {  	[sflag:s8] =	ssyncadd.s32 $0xFFFFC000  }
0x2a5: {  	_ =	swait.ge [sflag:s10], $0x4000  }
0x2a6: {  	[sflag:s10] =	ssyncset.done $0x0  }
0x2a7: {  	[sflag:s10] =	ssyncadd.s32 $0xFFFFC000  }
0x2a8: {  	[tilespmem:s5], [sflag:$0x2] =	stream.indirect.gather [hbm4b:s2+s3], $0x20, s23, s3, $0xb8;
	[tilespmem:$0xB400] =	vst v63  }
0x2a9: {  	s31 =	rddreg [dreg:$0x11]  }
0x2aa: {  	[hbm4b:s31+s6] =	stream.strided.scatter [tilespmem:s4], [sflag:$0x3], $0x4000, s7, s6, $0x38;
	[tilespmem:$0xB400] =	vst v63  }
0x2ab: {  	_ =	swait.ge [sflag:s11], $0x4000  }
0x2ac: {  	[sflag:s11] =	ssyncset.done $0x0  }
0x2ad: {  	[sflag:s11] =	ssyncadd.s32 $0xFFFFC000  }
0x2ae: {  	_ =	swait.ge [sflag:s9], $0x4000  }
0x2af: {  	[sflag:s9] =	ssyncset.done $0x0  }
0x2b0: {  	[sflag:s9] =	ssyncadd.s32 $0xFFFFC000  }
0x2b1: {  	[tilespmem:s4], [sflag:$0x1] =	stream.indirect.gather [hbm4b:s2+s3], $0x20, s22, s3, $0xb8;
	[tilespmem:$0xB400] =	vst v63  }
0x2b2: {  	s1 =	rddreg [dreg:$0x12]  }
0x2b3: {  	[hbm4b:s1+s6] =	stream.strided.scatter [tilespmem:s5], [sflag:$0x4], $0x4000, s7, s6, $0x38;
	[tilespmem:$0xB400] =	vst v63  }
0x2b4: {  	_ =	swait.ge [sflag:s8], $0x4000  }
0x2b5: {  	[sflag:s8] =	ssyncset.done $0x0  }
0x2b6: {  	[sflag:s8] =	ssyncadd.s32 $0xFFFFC000  }
0x2b7: {  	_ =	swait.ge [sflag:s10], $0x4000  }
0x2b8: {  	[sflag:s10] =	ssyncset.done $0x0  }
0x2b9: {  	[sflag:s10] =	ssyncadd.s32 $0xFFFFC000  }
0x2ba: {  	[tilespmem:s5], [sflag:$0x2] =	stream.indirect.gather [hbm4b:s2+s3], $0x20, s21, s3, $0xb8;
	[tilespmem:$0xB400] =	vst v63  }
0x2bb: {  	s13 =	rddreg [dreg:$0x13]  }
0x2bc: {  	[hbm4b:s13+s6] =	stream.strided.scatter [tilespmem:s4], [sflag:$0x3], $0x4000, s7, s6, $0x38;
	[tilespmem:$0xB400] =	vst v63  }
0x2bd: {  	_ =	swait.ge [sflag:s11], $0x4000  }
0x2be: {  	[sflag:s11] =	ssyncset.done $0x0  }
0x2bf: {  	[sflag:s11] =	ssyncadd.s32 $0xFFFFC000  }
0x2c0: {  	_ =	swait.ge [sflag:s9], $0x4000  }
0x2c1: {  	[sflag:s9] =	ssyncset.done $0x0  }
0x2c2: {  	[sflag:s9] =	ssyncadd.s32 $0xFFFFC000  }
0x2c3: {  	[tilespmem:s4], [sflag:$0x1] =	stream.indirect.gather [hbm4b:s2+s3], $0x20, s20, s3, $0xb8;
	[tilespmem:$0xB400] =	vst v63  }
0x2c4: {  	s21 =	rddreg [dreg:$0x14]  }
0x2c5: {  	[hbm4b:s21+s6] =	stream.strided.scatter [tilespmem:s5], [sflag:$0x4], $0x4000, s7, s6, $0x38;
	[tilespmem:$0xB400] =	vst v63  }
0x2c6: {  	_ =	swait.ge [sflag:s8], $0x4000  }
0x2c7: {  	[sflag:s8] =	ssyncset.done $0x0  }
0x2c8: {  	[sflag:s8] =	ssyncadd.s32 $0xFFFFC000  }
0x2c9: {  	_ =	swait.ge [sflag:s10], $0x4000  }
0x2ca: {  	[sflag:s10] =	ssyncset.done $0x0  }
0x2cb: {  	[sflag:s10] =	ssyncadd.s32 $0xFFFFC000  }
0x2cc: {  	[tilespmem:s5], [sflag:$0x2] =	stream.indirect.gather [hbm4b:s2+s3], $0x20, s19, s3, $0xb8;
	[tilespmem:$0xB400] =	vst v63  }
0x2cd: {  	s22 =	rddreg [dreg:$0x15]  }
0x2ce: {  	[hbm4b:s22+s6] =	stream.strided.scatter [tilespmem:s4], [sflag:$0x3], $0x4000, s7, s6, $0x38;
	[tilespmem:$0xB400] =	vst v63  }
0x2cf: {  	_ =	swait.ge [sflag:s11], $0x4000  }
0x2d0: {  	[sflag:s11] =	ssyncset.done $0x0  }
0x2d1: {  	[sflag:s11] =	ssyncadd.s32 $0xFFFFC000  }
0x2d2: {  	_ =	swait.ge [sflag:s9], $0x4000  }
0x2d3: {  	[sflag:s9] =	ssyncset.done $0x0  }
0x2d4: {  	[sflag:s9] =	ssyncadd.s32 $0xFFFFC000  }
0x2d5: {  	[tilespmem:s4], [sflag:$0x1] =	stream.indirect.gather [hbm4b:s2+s3], $0x20, s18, s3, $0xb8;
	[tilespmem:$0xB400] =	vst v63  }
0x2d6: {  	s23 =	rddreg [dreg:$0x16]  }
0x2d7: {  	[hbm4b:s23+s6] =	stream.strided.scatter [tilespmem:s5], [sflag:$0x4], $0x4000, s7, s6, $0x38;
	[tilespmem:$0xB400] =	vst v63  }
0x2d8: {  	_ =	swait.ge [sflag:s8], $0x4000  }
0x2d9: {  	[sflag:s8] =	ssyncset.done $0x0  }
0x2da: {  	[sflag:s8] =	ssyncadd.s32 $0xFFFFC000  }
0x2db: {  	_ =	swait.ge [sflag:s10], $0x4000  }
0x2dc: {  	[sflag:s10] =	ssyncset.done $0x0  }
0x2dd: {  	[sflag:s10] =	ssyncadd.s32 $0xFFFFC000  }
0x2de: {  	[tilespmem:s5], [sflag:$0x2] =	stream.indirect.gather [hbm4b:s2+s3], $0x20, s17, s3, $0xb8;
	[tilespmem:$0xB400] =	vst v63  }
0x2df: {  	s24 =	rddreg [dreg:$0x17]  }
0x2e0: {  	[hbm4b:s24+s6] =	stream.strided.scatter [tilespmem:s4], [sflag:$0x3], $0x4000, s7, s6, $0x38;
	[tilespmem:$0xB400] =	vst v63  }
0x2e1: {  	_ =	swait.ge [sflag:s11], $0x4000  }
0x2e2: {  	[sflag:s11] =	ssyncset.done $0x0  }
0x2e3: {  	[sflag:s11] =	ssyncadd.s32 $0xFFFFC000  }
0x2e4: {  	_ =	swait.ge [sflag:s9], $0x4000  }
0x2e5: {  	[sflag:s9] =	ssyncset.done $0x0  }
0x2e6: {  	[sflag:s9] =	ssyncadd.s32 $0xFFFFC000  }
0x2e7: {  	[tilespmem:s4], [sflag:$0x1] =	stream.indirect.gather [hbm4b:s2+s3], $0x20, s16, s3, $0xb8;
	[tilespmem:$0xB400] =	vst v63  }
0x2e8: {  	s25 =	rddreg [dreg:$0x18]  }
0x2e9: {  	[hbm4b:s25+s6] =	stream.strided.scatter [tilespmem:s5], [sflag:$0x4], $0x4000, s7, s6, $0x38;
	[tilespmem:$0xB400] =	vst v63  }
0x2ea: {  	_ =	swait.ge [sflag:s8], $0x4000  }
0x2eb: {  	[sflag:s8] =	ssyncset.done $0x0  }
0x2ec: {  	[sflag:s8] =	ssyncadd.s32 $0xFFFFC000  }
0x2ed: {  	_ =	swait.ge [sflag:s10], $0x4000  }
0x2ee: {  	[sflag:s10] =	ssyncset.done $0x0  }
0x2ef: {  	[sflag:s10] =	ssyncadd.s32 $0xFFFFC000  }
0x2f0: {  	[tilespmem:s5], [sflag:$0x2] =	stream.indirect.gather [hbm4b:s2+s3], $0x20, s15, s3, $0xb8;
	[tilespmem:$0xB400] =	vst v63  }
0x2f1: {  	s26 =	rddreg [dreg:$0x19]  }
0x2f2: {  	[hbm4b:s26+s6] =	stream.strided.scatter [tilespmem:s4], [sflag:$0x3], $0x4000, s7, s6, $0x38;
	[tilespmem:$0xB400] =	vst v63  }
0x2f3: {  	_ =	swait.ge [sflag:s11], $0x4000  }
0x2f4: {  	[sflag:s11] =	ssyncset.done $0x0  }
0x2f5: {  	[sflag:s11] =	ssyncadd.s32 $0xFFFFC000  }
0x2f6: {  	_ =	swait.ge [sflag:s9], $0x4000  }
0x2f7: {  	[sflag:s9] =	ssyncset.done $0x0  }
0x2f8: {  	[sflag:s9] =	ssyncadd.s32 $0xFFFFC000  }
0x2f9: {  	[tilespmem:s4], [sflag:$0x1] =	stream.indirect.gather [hbm4b:s2+s3], $0x20, s14, s3, $0xb8;
	[tilespmem:$0xB400] =	vst v63  }
0x2fa: {  	s28 =	rddreg [dreg:$0x1a]  }
0x2fb: {  	[hbm4b:s28+s6] =	stream.strided.scatter [tilespmem:s5], [sflag:$0x4], $0x4000, s7, s6, $0x38;
	[tilespmem:$0xB400] =	vst v63  }
0x2fc: {  	_ =	swait.ge [sflag:s8], $0x4000  }
0x2fd: {  	[sflag:s8] =	ssyncset.done $0x0  }
0x2fe: {  	[sflag:s8] =	ssyncadd.s32 $0xFFFFC000  }
0x2ff: {  	_ =	swait.ge [sflag:s10], $0x4000  }
0x300: {  	[sflag:s10] =	ssyncset.done $0x0  }
0x301: {  	s30 =	simm.s32 $0x3200;
	[sflag:s10] =	ssyncadd.s32 $0xFFFFC000  }
0x302: {  	[tilespmem:s5], [sflag:$0x2] =	stream.indirect.gather [hbm4b:s2+s3], $0x20, s30, s3, $0xb8;
	[tilespmem:$0xB400] =	vst v63  }
0x303: {  	s29 =	rddreg [dreg:$0x1b]  }
0x304: {  	[hbm4b:s29+s6] =	stream.strided.scatter [tilespmem:s4], [sflag:$0x3], $0x4000, s7, s6, $0x38;
	[tilespmem:$0xB400] =	vst v63  }
0x305: {  	_ =	swait.ge [sflag:s11], $0x4000  }
0x306: {  	[sflag:s11] =	ssyncset.done $0x0  }
0x307: {  	s31 =	rddreg [dreg:$0x1c];
	[sflag:s11] =	ssyncadd.s32 $0xFFFFC000  }
0x308: {  	[hbm4b:s31+s6] =	stream.strided.scatter [tilespmem:s5], [sflag:$0x4], $0x4000, s7, s6, $0x38;
	[tilespmem:$0xB400] =	vst v63  }
0x309: {  	_ =	swait.ge [sflag:s9], $0x4000  }
0x30a: {  	[sflag:s9] =	ssyncset.done $0x0  }
0x30b: {  	[sflag:s9] =	ssyncadd.s32 $0xFFFFC000  }
0x30c: {  	_ =	swait.ge [sflag:s10], $0x4000  }
0x30d: {  	[sflag:s10] =	ssyncset.done $0x0  }
0x30e: {  	[sflag:s10] =	ssyncadd.s32 $0xFFFFC000  }
0x30f: {  	_ =	sfence.sel $0x180000  }
0x310: {  	[bflag:$0x0] =	sbarrier.arrive $0xFFFF  }
0x311: {  	_ =	strace $0x90000047  }
0x312: {  	[bflag:$0x2] =	sbarrier.arrive $0xFFFF  }
0x313: {  	p0 =	sne.s32 s12, $0x0;
	s0 =	rddreg [dreg:$0x2]  }
0x314: {  	s0 =	sadd.s32 @!p0 $0x100000, s0  }
0x315: {  	[sflag:s0] =	ssyncadd.tile.s32 @!p0 $0x1;
	_ =	shalt  }
.LBB2_1:
0x316: {  	s13 =	simm.s32 $0x1400  }
.Ltmp3:
0x317: {  	s28 =	simm.s32 $0x1600;
	s26 =	simm.s32 $0x1800;
	(pc) =	sbr.rel .LBB2_6-.Ltmp3, $4  }
0x318: {  	s25 =	simm.s32 $0x1A00;
	s24 =	simm.s32 $0x1C00;
	s23 =	simm.s32 $0x1E00  }
0x319: {  	s22 =	simm.s32 $0x2000;
	s21 =	simm.s32 $0x2200;
	s20 =	simm.s32 $0x2400  }
0x31a: {  	s19 =	simm.s32 $0x2600;
	s18 =	simm.s32 $0x2800;
	s17 =	simm.s32 $0x2A00  }
0x31b: {  	s16 =	simm.s32 $0x2C00;
	s15 =	simm.s32 $0x2E00;
	s14 =	simm.s32 $0x3000  }
.LBB2_3:
0x31c: {  	s13 =	simm.s32 $0x1400;
	s28 =	simm.s32 $0x1600  }
.Ltmp4:
0x31d: {  	s26 =	simm.s32 $0x1800;
	s25 =	simm.s32 $0x1A00;
	(pc) =	sbr.rel .LBB2_6-.Ltmp4, $4  }
0x31e: {  	s24 =	simm.s32 $0x1C00;
	s23 =	simm.s32 $0x1E00;
	s22 =	simm.s32 $0x2000  }
0x31f: {  	s21 =	simm.s32 $0x2200;
	s20 =	simm.s32 $0x2400;
	s19 =	simm.s32 $0x2600  }
0x320: {  	s18 =	simm.s32 $0x2800;
	s17 =	simm.s32 $0x2A00;
	s16 =	simm.s32 $0x2C00  }
0x321: {  	s15 =	simm.s32 $0x2E00;
	s14 =	simm.s32 $0x3000;
	s12 =	stileid.u32  }
.Lfunc_end2:
_tile_overlayer_lowered:
.L_overlay_start_2:
0x322: {  	(tag) =	ssettag $0x2  }
0x323: {  	s0 =	rddreg [dreg:$0x0];
	s2 =	stileid.u32  }
0x324: {  	s1 =	rddreg [dreg:$0x1];
	p0 =	sne.s32 s2, $0x0  }
0x325: {  	s3 =	rddreg [dreg:$0x2];
	[bflag:$0x3] =	sbarrier.arrive $0xFFFF;
	s2 =	simm.s32 @!p0 $0x1C05  }
0x326: {  	[timem:s3], [sflag:s2] =	dma.local @!p0 [hbm:s0], s1  }
0x327: {  	s0 =	simm.s32 @!p0 $0x5  }
0x328: {  	_ =	swait.ge @!p0 [sflag:s0], s1  }
0x329: {  	s1 =	ssub.s32 @!p0 $0x0, s1;
	[sflag:s0] =	ssyncset.done @!p0 $0x0  }
0x32a: {  	[sflag:s0] =	ssyncadd.s32 @!p0 s1  }
0x32b: {  	[bflag:$0x3] =	sbarrier.arrive $0xFFFF  }
0x32c: {  	_ =	shalt  }

// kernel: sparse-core-data-format-call.cloned.1.call-start
scs
called_computation_lowered:
.L_overlay_start_0:
0x0: {  	s2 =	sld [smem:$0x3FD9]  }
0x1: {  	s3 =	sld [smem:$0x3FFE];
	_ =	sdelay $0x1  }
0x2: {  	s1 =	srdreg.scid  }
0x3: {  	s0 =	sand.u32 $0x1, s1  }
0x4: {  	s18 =	sshll.u32 s0, $0xA;
	s2 =	sadd.s32 s3, s2  }
0x5: {  	s2 =	sadd.s32 s2, s18  }
0x6: {  	[smem:$0x3FC6] =	sst s2  }
0x7: {  	_ = 	snop  }
0x8: {  	s2 =	sld [smem:$0x3FD0];
	(tm) =	ssettm $0x1  }
0x9: {  	s19 =	sld [smem:$0x3FFB];
	_ =	sdelay $0x3  }
0xa: {  	_ =	strace s19  }
0xb: {  	s3 =	sld [smem:$0x3FFC];
	_ =	sdelay $0x3  }
0xc: {  	_ =	strace s3  }
0xd: {  	s3 =	sld [smem:$0x3FFD];
	_ =	sdelay $0x3  }
0xe: {  	_ =	strace s3  }
0xf: {  	_ =	strace $0x8FFFFFFF  }
0x10: {  	s20 =	sld [smem:$0x3FDB];
	_ =	sdelay $0x1  }
0x11: {  	s4 =	simm.s32 $_scs_section_size  }
0x12: {  	s5 =	simm.s32 $_size__tile_overlayer_lowered;
	s6 =	simm.s32 $_tile_overlayer_lowered  }
0x13: {  	s23 =	simm.s32 $0x1BFF;
	s22 =	sshll.u32 s6, $0x1;
	s3 =	sadd.s32 s4, s20  }
0x14: {  	s7 =	simm.s32 $0x0;
	s21 =	sshll.u32 s5, $0x1;
	s5 =	sadd.s32 s22, s3  }
0x15: {  	[timem:s7], [sflag:s23] =	dma.local [hbm:s5], s21  }
0x16: {  	_ =	swait.ge [sflag:s23], s21  }
0x17: {  	s4 =	ssub.s32 $0x0, s21;
	[sflag:s23] =	ssyncset.done $0x0  }
0x18: {  	[sflag:s23] =	ssyncadd.s32 s4;
	_ =	sdelay $0x1  }
0x19: {  	s24 =	simm.s32 $0x1B8B  }
0x1a: {  	_ =	swait.ge [sflag:s24], $0x1  }
0x1b: {  	[sflag:s24] =	ssyncset.done $0x0  }
0x1c: {  	s26 =	simm.s32 $0x1B8E;
	s25 =	sld [smem:$0x3FFE];
	[sflag:s24] =	ssyncadd.s32 $0xFFFFFFFF  }
0x1d: {  	s27 =	simm.s32 $execute0_lowered;
	[smem:$0x3FD2] =	sst s26  }
0x1e: {  	s5 =	sshll.u32 s27, $0x1;
	_ =	strace $0x80000049;
	[dreg:$0x1] =	wrdreg $0xFFFFFFFF  }
0x1f: {  	s28 =	simm.s32 $_size_execute0_lowered;
	s3 =	sadd.s32 s3, s5;
	[dreg:$0x0] =	wrdreg $0x0  }
0x20: {  	s5 =	sshll.u32 s28, $0x1;
	[dreg:$0x2] =	wrdreg s3  }
0x21: {  	[dreg:$0x3] =	wrdreg s5  }
0x22: {  	[dreg:$0x4] =	wrdreg $0xC0  }
0x23: {  	_ =	task [dreg:s7], $0x5FFFF  }
0x24: {  	[dreg:$0x1] =	wrdreg $0xFFFFFFFF  }
0x25: {  	[dreg:$0x0] =	wrdreg $0x60  }
0x26: {  	[dreg:$0x2] =	wrdreg s25  }
0x27: {  	[dreg:$0x3] =	wrdreg s2  }
0x28: {  	[dreg:$0x4] =	wrdreg $0x9  }
0x29: {  	_ =	task.clear_ibuf [dreg:s7], $0x5FFFF;
	_ =	strace $0x90000049  }
0x2a: {  	s29 =	simm.s32 $0x9;
	_ =	strace $0x8000004B  }
0x2b: {  	_ =	swait.ge [sflag:s29], $0x1  }
0x2c: {  	[sflag:s29] =	ssyncadd.s32 $0xFFFFFFFF  }
0x2d: {  	_ =	strace $0x9000004B  }
0x2e: {  	_ =	sfence  }
0x2f: {  	s30 =	sld [smem:$0x0];
	_ =	sdelay $0x2  }
0x30: {  	s31 =	sshll.u32 s1, $0xD;
	s1 =	sshrl.u32 s1, $0x2  }
0x31: {  	s3 =	sand.u32 $0x4000, s31;
	s1 =	sadd.s32 s1, s30  }
0x32: {  	s0 =	sor.u32 s3, s0;
	s1 =	sshll.u32 s1, $0x11  }
0x33: {  	s0 =	sor.u32 s1, s0  }
0x34: {  	s0 =	sadd.s32 $0x8F2B, s0  }
0x35: {  	[sflag:s0] =	ssyncadd.remote.s32 $0x1  }
0x36: {  	_ =	sfence.sel $0xFFFF  }
0x37: {  	[dreg:$0x0] =	wrdreg $0xFFFFFFFF;
	(pc) =	sbr.abs _section_cstart, $3  }
0x38: {  	[dreg:$0x1] =	wrdreg $0xFFFFFFFF  }
0x39: {  	_ =	task.clear_ibuf [dreg:s7], $0x2FFFF;
	_ =	strace $0x9FFFFFFF  }
0x3a: {  	(tm) =	ssettm $0x7FFFFFFF  }
0x3b: {  	_ =	shalt  }
tec
execute0_lowered:
.L_overlay_start_1:
0x0: {  	(tag) =	ssettag $0x1  }
0x1: {  	s0 =	srdreg.scid  }
0x2: {  	s1 =	sshll.u32 s0, $0x4  }
0x3: {  	s0 =	stileid.u32;
	s1 =	sand.u32 $0x10, s1  }
0x4: {  	s1 =	sor.u32 s0, s1  }
0x5: {  	s6 =	rddreg [dreg:$0x0];
	s4 =	simm.s32 $0x1;
	s2 =	sshll.u32 s1, $0x7  }
0x6: {  	s7 =	simm.s32 $0x2;
	s12 =	simm.s32 $0x0;
	s1 =	ssub.s32 $0x4000, s2  }
0x7: {  	s8 =	simm.s32 $0x20000;
	s13 =	simm.s32 $0x0;
	s3 =	sand.u32 $0xF80, s1  }
0x8: {  	s9 =	simm.s32 $0x0;
	s5 =	sshrl.u32 s1, $0xC;
	p0 =	sne.s32 s3, $0x0  }
.Ltmp0:
0x9: {  	s1 =	rddreg [dreg:$0x2];
	s4 =	simm.s32 @!p0 $0x0;
	(pc) =	sbr.rel .LBB1_1-.Ltmp0, $4  }
0xa: {  	s11 =	simm.s32 $0x0;
	s3 =	rddreg [dreg:$0x1];
	s5 =	sadd.s32 s4, s5  }
0xb: {  	_ =	strace $0x8000004A;
	s4 =	simm.s32 $0x1;
	s5 =	smul.u32 $0x1A, s5  }
0xc: {  	s6 =	sadd.s32 $0xA00, s6;
	s10 =	smov.u32 s2;
	[sflag:s4] =	ssyncpa.u1 $0x0  }
0xd: {  	p0 =	por $0x0, $0x0;
	[sflag:s7] =	ssyncpa.u1 $0x0;
	s7 =	sor.u32 $0x1, s5  }
.LBB1_4:
0xe: {  	s16 =	sshll.u32 s13, $0x3;
	s17 =	sand.u32 $0x78, s13  }
0xf: {  	s30 =	sand.u32 $0xF800, s13;
	s12 =	sshll.u32 s12, $0x10;
	s16 =	sand.u32 $0x3C00, s16  }
0x10: {  	s31 =	sand.u32 $0x7, s13;
	s16 =	sor.u32 s17, s16;
	s17 =	sadd.s32 s3, s30  }
0x11: {  	s13 =	sshll.u32 s31, $0x12;
	s16 =	sshrl.u32 s16, $0x3;
	s12 =	sadd.s32 s12, s17  }
0x12: {  	[tilespmem:s15+$0x0 ss:$0x81] =	vst.msk $0xffff, v0;
	s13 =	sor.u32 $0x400, s13;
	s12 =	sadd.s32 s16, s12  }
0x13: {  	[hbm4b:s12+s13] =	stream.strided.scatter [tilespmem:s14], [sflag:$0x2], $0x1000, s8, s13, $0x20;
	[tilespmem:$0x4040] =	vst v63  }
.LBB1_5:
0x14: {  	s14 =	sadd.s32 $0x1, s9  }
0x15: {  	s12 =	sadd.s32 $0x1000, s10;
	s16 =	smov.u32 s10;
	p2 =	sgt.s32 s14, $0x19  }
0x16: {  	s16 =	smov.u32 @p2 s12  }
0x17: {  	s14 =	simm.s32 @p2 $0x0;
	p2 =	sgt.s32 s16, $0x3FFF  }
0x18: {  	s16 =	smov.u32 @p2 s2;
	p2 =	sne.s32 s11, s7  }
.Ltmp1:
0x19: {  	p1 =	slt.u32 s11, $0x2;
	(pc) =	sbr.rel @!p2 .LBB1_6-.Ltmp1, $4  }
0x1a: {  	s15 =	simm.s32 @!p1 $0x2  }
0x1b: {  	s13 =	smov.u32 s10;
	p0 =	por !p0, !p0;
	_ =	swait.ge @!p1 [sflag:s15], $0x1000  }
0x1c: {  	s12 =	smov.u32 s9;
	[sflag:s15] =	ssyncset.done @!p1 $0x0;
	s9 =	smov.u32 s14  }
0x1d: {  	s11 =	sadd.s32 $0x1, s11;
	[sflag:s15] =	ssyncadd.s32 @!p1 $0xFFFFF000;
	s10 =	smov.u32 s16  }
.LBB1_1:
0x1e: {  	p1 =	sge.u32 s11, s5  }
0x1f: {  	s31 =	sadd.s32 $0xFFFFFFFF, s11;
	s14 =	sxor.u32 @!p1 $0xFFFFFFFF, s11  }
0x20: {  	s15 =	sshll.u32 @!p1 s10, $0x9;
	s16 =	sshll.u32 @!p1 s9, $0x4;
	s17 =	simm.s32 @!p1 $0x1000  }
0x21: {  	s14 =	sshll.u32 @!p1 s14, $0xC;
	s16 =	sand.u32 @!p1 $0x1F0, s16;
	s15 =	sadd.s32 @!p1 s6, s15  }
0x22: {  	s14 =	sand.u32 @!p1 $0x1000, s14;
	s15 =	sadd.s32 @!p1 s16, s15;
	s16 =	simm.s32 @!p1 $0x20  }
0x23: {  	[tilespmem:s14], [sflag:$0x1] =	stream.strided.gather @!p1 [hbm4b:s15+s16], $0x1000, s17, s16, $0x38;
	[tilespmem:$0x4040] =	vst v63  }
0x24: {  	p1 =	sge.u32 s31, s5  }
.Ltmp2:
0x25: {  	_ = 	snop;
	(pc) =	sbr.rel @p1 .LBB1_5-.Ltmp2, $1  }
0x26: {  	_ =	sdelay $0x3  }
0x27: {  	s14 =	simm.s32 $0x1  }
0x28: {  	_ =	swait.ge [sflag:s4], $0x1000;
	s14 =	simm.s32 @!p0 $0x0  }
0x29: {  	[sflag:s4] =	ssyncset.done $0x0;
	s15 =	sshll.u32 s14, $0xC  }
0x2a: {  	[sflag:s4] =	ssyncadd.s32 $0xFFFFF000;
	s18 =	sor.u32 $0x10, s15  }
0x2b: {  	s14 =	smul.u32 $0x4080, s14;
	v1 =	vld [tilespmem:s18+$0x0]  }
0x2c: {  	s30 =	sand.u32 $0x1, s11;
	v0 =	vld [tilespmem:s18+$0xFFFFFFF0]  }
0x2d: {  	s15 =	smul.u32 $0x4080, s30;
	s14 =	sshrl.u32 s14, $0x2  }
0x2e: {  	s16 =	sor.u32 $0x2000, s14  }
0x2f: {  	s31 =	sshrl.u32 s15, $0x2;
	s15 =	sadd.s32 $0x0, s16  }
0x30: {  	s17 =	simm.s32 $0x4;
	s18 =	sadd.s32 $0x20, s18;
	s14 =	sor.u32 $0x2000, s31;
	[tilespmem:s15+$0x810 ss:$0x81] =	vst.msk $0xffff, v1  }
.LBB1_3:
0x31: {  	v1 =	vld [tilespmem:s18+$0x0];
	p1 =	sne.s32 s17, $0x1FC;
	[tilespmem:s15+$0x0 ss:$0x81] =	vst.msk $0xffff, v0;
	s15 =	smov.u32 s17;
	s17 =	sadd.s32 $0x4, s17  }
.Ltmp3:
0x32: {  	v0 =	vld [tilespmem:s18+$0xFFFFFFF0];
	(pc) =	sbr.rel @p1 .LBB1_3-.Ltmp3, $4  }
0x33: {  	_ = 	snop  }
0x34: {  	s15 =	sshra.s32 s15, $0x2  }
0x35: {  	s15 =	sadd.s32 s15, s16  }
0x36: {  	s18 =	sadd.s32 $0x20, s18;
	[tilespmem:s15+$0x810 ss:$0x81] =	vst.msk $0xffff, v1  }
.Ltmp4:
0x37: {  	_ = 	snop;
	(pc) =	sbr.rel .LBB1_4-.Ltmp4, $1  }
0x38: {  	_ =	sdelay $0x3  }
.LBB1_6:
0x39: {  	_ =	sfence.sel $0x180000  }
0x3a: {  	s2 =	simm.s32 $0x1;
	[bflag:$0x0] =	sbarrier.arrive $0xFFFF  }
0x3b: {  	s31 =	simm.s32 $0x2;
	[sflag:s2] =	ssyncpa.u1 $0x1  }
0x3c: {  	[sflag:s31] =	ssyncpa.u1 $0x1  }
0x3d: {  	p0 =	sne.s32 s0, $0x0;
	_ =	strace $0x9000004A  }
0x3e: {  	s0 =	sadd.s32 @!p0 $0x100000, s1;
	[bflag:$0x2] =	sbarrier.arrive $0xFFFF  }
0x3f: {  	[sflag:s0] =	ssyncadd.tile.s32 @!p0 $0x1;
	_ =	shalt  }
.Lfunc_end1:
_tile_overlayer_lowered:
.L_overlay_start_2:
0x40: {  	(tag) =	ssettag $0x2  }
0x41: {  	s0 =	rddreg [dreg:$0x0];
	s2 =	stileid.u32  }
0x42: {  	s1 =	rddreg [dreg:$0x1];
	p0 =	sne.s32 s2, $0x0  }
0x43: {  	s3 =	rddreg [dreg:$0x2];
	[bflag:$0x3] =	sbarrier.arrive $0xFFFF;
	s2 =	simm.s32 @!p0 $0x1C01  }
0x44: {  	[timem:s3], [sflag:s2] =	dma.local @!p0 [hbm:s0], s1  }
0x45: {  	s0 =	simm.s32 @!p0 $0x1  }
0x46: {  	_ =	swait.ge @!p0 [sflag:s0], s1  }
0x47: {  	s1 =	ssub.s32 @!p0 $0x0, s1;
	[sflag:s0] =	ssyncset.done @!p0 $0x0  }
0x48: {  	[sflag:s0] =	ssyncadd.s32 @!p0 s1  }
0x49: {  	[bflag:$0x3] =	sbarrier.arrive $0xFFFF  }
0x4a: {  	_ =	shalt  }

</sc_bundles>
